<compile_context>
chip_gen: v7x
topology: tpu7x:2x2x1
jax: 0.10.2.dev20260603
libtpu: 0.0.44.dev20260713+nightly
codegen_flags: <defaults>
</compile_context>

<pallas_src>
import functools

import jax
import jax.numpy as jnp
from jax import lax
from jax.experimental import pallas as pl
from jax.experimental.pallas import tpu as pltpu
from jax.experimental.pallas import tpu_sc as plsc

NSUB = 16
NCORE = 2
EBLK = 128
FW = 128
ROWT = 256

_HI = jax.lax.Precision.DEFAULT


def _make_aprop(nblk: int, npad: int):
    slab = npad
    rows_per_sub = npad // NSUB
    nchunk = rows_per_sub // 128
    mesh = plsc.VectorSubcoreMesh(core_axis_name="c", subcore_axis_name="s")

    @functools.partial(
        pl.kernel,
        out_type=jax.ShapeDtypeStruct((NCORE, npad, FW), jnp.bfloat16),
        mesh=mesh,
        scratch_types=[
            pltpu.VMEM((nblk, EBLK), jnp.int32),
            pltpu.VMEM((nblk, EBLK), jnp.int32),
            pltpu.VMEM((EBLK, FW), jnp.bfloat16),
            pltpu.VMEM_SHARED((slab, FW), jnp.bfloat16),
            pltpu.SemaphoreType.DMA,
        ],
        compiler_params=pltpu.CompilerParams(use_tc_tiling_on_sc=False),
    )
    def aprop(in_hbm, src_hbm, dst_hbm, zero_hbm, out_hbm,
              src_v, dst_v, gbuf, acc, sem):
        c = lax.axis_index("c")
        s = lax.axis_index("s")
        pltpu.sync_copy(src_hbm.at[s], src_v)
        pltpu.sync_copy(dst_hbm.at[s], dst_v)
        base = s * rows_per_sub

        pltpu.sync_copy(zero_hbm, gbuf)
        for k in range(nchunk):
            pltpu.sync_copy(gbuf, acc.at[pl.ds(base + k * 128, 128)])

        plsc.subcore_barrier()

        def run(in_h, out_h):
            def body(j, carry):
                pltpu.async_copy(in_h.at[src_v.at[j]], gbuf, sem).wait()
                pltpu.sync_copy(gbuf, acc.at[dst_v.at[j]], add=True)
                return carry

            lax.fori_loop(0, nblk, body, 0)
            plsc.subcore_barrier()
            for k in range(nchunk):
                r = base + k * 128
                pltpu.sync_copy(acc.at[pl.ds(r, 128)], out_h.at[pl.ds(r, 128)])

        @pl.when(c == 0)
        def _():
            run(in_hbm.at[0], out_hbm.at[0])

        @pl.when(c == 1)
        def _():
            run(in_hbm.at[1], out_hbm.at[1])

    return aprop


def _make_deghist(e32: int):
    niter = e32 // 16
    mesh = plsc.VectorSubcoreMesh(core_axis_name="c", subcore_axis_name="s")

    @functools.partial(
        pl.kernel,
        out_type=jax.ShapeDtypeStruct((NCORE, 128, 128), jnp.float32),
        mesh=mesh,
        scratch_types=[
            pltpu.VMEM((e32,), jnp.int32),
            pltpu.VMEM((128, 128), jnp.float32),
            pltpu.VMEM((1, 128), jnp.int32),
            pltpu.VMEM_SHARED((128, 128), jnp.float32),
        ],
        compiler_params=pltpu.CompilerParams(use_tc_tiling_on_sc=False,
                                             needs_layout_passes=False),
    )
    def deghist(rows_hbm, id_hbm, zero_hbm, out_hbm, idxv, hist, idv, spdeg):
        c = lax.axis_index("c")
        s = lax.axis_index("s")
        w = c * NSUB + s
        pltpu.sync_copy(rows_hbm.at[w], idxv)
        pltpu.sync_copy(id_hbm, idv)
        pltpu.sync_copy(zero_hbm, hist)
        pltpu.sync_copy(zero_hbm.at[pl.ds(0, 8)], spdeg.at[pl.ds(s * 8, 8)])
        ones = jnp.ones((16,), jnp.float32)

        def body(i, carry):
            ix = idxv[pl.ds(i * 16, 16)]
            plsc.addupdate_scatter(
                hist,
                [lax.shift_right_logical(ix, 7), lax.bitwise_and(ix, 127)],
                ones)
            return carry

        lax.fori_loop(0, niter, body, 0)
        plsc.subcore_barrier()
        pltpu.sync_copy(hist, spdeg.at[idv.at[0]], add=True)
        plsc.subcore_barrier()

        @pl.when(c == 0)
        def _():
            pltpu.sync_copy(spdeg.at[pl.ds(s * 8, 8)],
                            out_hbm.at[0].at[pl.ds(s * 8, 8)])

        @pl.when(c == 1)
        def _():
            pltpu.sync_copy(spdeg.at[pl.ds(s * 8, 8)],
                            out_hbm.at[1].at[pl.ds(s * 8, 8)])

    return deghist


def _rowscale_dup(a, svec, npad):

    def body(a_ref, s_ref, o_ref):
        av = (a_ref[...] * s_ref[...]).astype(jnp.bfloat16)
        o_ref[0] = av
        o_ref[1] = av

    return pl.pallas_call(
        body,
        grid=(npad // ROWT,),
        in_specs=[
            pl.BlockSpec((ROWT, FW), lambda i: (i, 0)),
            pl.BlockSpec((ROWT, 1), lambda i: (i, 0)),
        ],
        out_specs=pl.BlockSpec((2, ROWT, FW), lambda i: (0, i, 0)),
        out_shape=jax.ShapeDtypeStruct((2, npad, FW), jnp.bfloat16),
    )(a, svec)


def _rowscale_dup0(v, svec, npad):

    def body(v_ref, s_ref, o_ref):
        av = (v_ref[0].astype(jnp.float32) * s_ref[...]).astype(jnp.bfloat16)
        o_ref[0] = av
        o_ref[1] = av

    return pl.pallas_call(
        body,
        grid=(npad // ROWT,),
        in_specs=[
            pl.BlockSpec((1, ROWT, FW), lambda i: (0, i, 0)),
            pl.BlockSpec((ROWT, 1), lambda i: (i, 0)),
        ],
        out_specs=pl.BlockSpec((2, ROWT, FW), lambda i: (0, i, 0)),
        out_shape=jax.ShapeDtypeStruct((2, npad, FW), jnp.bfloat16),
    )(v, svec)


def _rowscale_stacked(v, svec, npad):

    def body(v_ref, s_ref, o_ref):
        o_ref[...] = (v_ref[...].astype(jnp.float32)
                      * s_ref[...][None]).astype(jnp.bfloat16)

    return pl.pallas_call(
        body,
        grid=(npad // ROWT,),
        in_specs=[
            pl.BlockSpec((2, ROWT, FW), lambda i: (0, i, 0)),
            pl.BlockSpec((ROWT, 1), lambda i: (i, 0)),
        ],
        out_specs=pl.BlockSpec((2, ROWT, FW), lambda i: (0, i, 0)),
        out_shape=jax.ShapeDtypeStruct((2, npad, FW), jnp.bfloat16),
    )(v, svec)


def _cheb_mix(t, v1, v2, svec, W, b, npad, split_v, emit_next):
    Fin = t.shape[1]
    H = W.shape[2]
    H2 = H // 2
    b2d = b.reshape(1, H)

    def body(t_ref, v1_ref, v2_ref, s_ref, w_ref, b_ref, *out_refs):
        sv = s_ref[...]
        tt = t_ref[...]
        if split_v:
            v1c = jnp.concatenate([v1_ref[0], v1_ref[1]], axis=1)
            v2c = jnp.concatenate([v2_ref[0], v2_ref[1]], axis=1)
        else:
            v1c = v1_ref[0]
            v2c = v2_ref[0]
        v1c = v1c.astype(jnp.float32)
        v2c = v2c.astype(jnp.float32)
        w = w_ref[...].astype(jnp.bfloat16)
        tb = tt.astype(jnp.bfloat16)
        acc = jnp.dot(tb, w[0], precision=_HI, preferred_element_type=jnp.float32)
        acc = acc - jnp.dot((sv * v1c).astype(jnp.bfloat16), w[1], precision=_HI,
                            preferred_element_type=jnp.float32)
        acc = acc + jnp.dot((2.0 * (sv * v2c) - tt).astype(jnp.bfloat16), w[2],
                            precision=_HI, preferred_element_type=jnp.float32)
        h = jnp.maximum(acc + b_ref[...], 0.0)
        out_refs[0][...] = h
        if emit_next:
            u = (sv * h).astype(jnp.bfloat16)
            out_refs[1][0] = u[:, :H2]
            out_refs[1][1] = u[:, H2:]

    nv = 2 if split_v else 1
    in_specs = [
        pl.BlockSpec((ROWT, Fin), lambda i: (i, 0)),
        pl.BlockSpec((nv, ROWT, FW), lambda i: (0, i, 0)),
        pl.BlockSpec((nv, ROWT, FW), lambda i: (0, i, 0)),
        pl.BlockSpec((ROWT, 1), lambda i: (i, 0)),
        pl.BlockSpec(W.shape, lambda i: (0, 0, 0)),
        pl.BlockSpec((1, H), lambda i: (0, 0)),
    ]
    out_shape = [jax.ShapeDtypeStruct((npad, H), jnp.float32)]
    out_specs = [pl.BlockSpec((ROWT, H), lambda i: (i, 0))]
    if emit_next:
        out_shape.append(jax.ShapeDtypeStruct((2, npad, H2), jnp.bfloat16))
        out_specs.append(pl.BlockSpec((2, ROWT, H2), lambda i: (0, i, 0)))

    res = pl.pallas_call(
        body,
        grid=(npad // ROWT,),
        in_specs=in_specs,
        out_specs=out_specs,
        out_shape=out_shape,
    )(t, v1, v2, svec, W, b2d)
    return res if emit_next else res[0]


def kernel(x, edge_index, W1, b1, W2, b2):
    N, IN = x.shape
    H = W1.shape[2]
    E = edge_index.shape[1]

    npad = ((N + 2048) // 2048) * 2048
    nblk = -(-E // (NSUB * EBLK))
    ep = NSUB * nblk * EBLK

    row = edge_index[0]
    col = edge_index[1]
    pad = ep - E
    zi = jnp.zeros((pad,), jnp.int32)
    ti = jnp.full((pad,), npad - 1, jnp.int32)
    src_p = jnp.concatenate([row, zi]).reshape(NSUB, nblk, EBLK)
    dst_p = jnp.concatenate([col, ti]).reshape(NSUB, nblk, EBLK)

    xp = jnp.zeros((npad, IN), jnp.float32).at[:N].set(x)

    zbuf = jnp.zeros((EBLK, FW), jnp.bfloat16)
    aprop = _make_aprop(nblk, npad)

    ep32 = 512 * (-(-E // 512))
    rows32 = jnp.concatenate(
        [row, jnp.full((ep32 - E,), 128 * 128 - 1, jnp.int32)]).reshape(32, -1)
    ididx = jnp.arange(128, dtype=jnp.int32).reshape(1, 128)
    zf = jnp.zeros((128, 128), jnp.float32)
    degq = _make_deghist(ep32 // 32)(rows32, ididx, zf)
    deg = (degq[0] + degq[1]).reshape(-1)[:npad]

    s = jnp.where(deg > 0, jax.lax.rsqrt(jnp.where(deg > 0, deg, 1.0)), 0.0)
    sc = s.reshape(npad, 1)
    s2c = (s * s).reshape(npad, 1)

    u0 = _rowscale_dup(xp, sc, npad)
    v1 = aprop(u0, src_p, dst_p, zbuf)
    u1 = _rowscale_dup0(v1, s2c, npad)
    v2 = aprop(u1, src_p, dst_p, zbuf)
    h, u0b = _cheb_mix(xp, v1, v2, sc, W1, b1, npad, False, True)

    v1b = aprop(u0b, src_p, dst_p, zbuf)
    u1b = _rowscale_stacked(v1b, s2c, npad)
    v2b = aprop(u1b, src_p, dst_p, zbuf)
    out = _cheb_mix(h, v1b, v2b, sc, W2, b2, npad, True, False)

    return out[:N]

# --- scband reference (transcript-rebuilt; emitter-appended) ---
"""Pipeline reference for scband-cagerfgnnbranch-72765335928996 (READ-ONLY COPY).

The authoritative reference and input builder live on the scoring server;
editing this copy changes nothing except your own understanding.
"""

import jax, jax.numpy as jnp
import numpy as np

N = 10000
E = 320000
IN = 128
H = 256
K = 3


def setup_inputs(seed: int = 0) -> dict:
    key = jax.random.key(seed)
    k1, k2, k3, k4 = jax.random.split(key, 4)
    x = jax.random.normal(k1, (N, IN), dtype=jnp.float32)
    edge_index = jax.random.randint(k2, (2, E), 0, N, dtype=jnp.int32)
    # ChebConv layer 1: K weight matrices [IN, H] + bias
    W1 = jax.random.normal(k3, (K, IN, H), dtype=jnp.float32) * 0.05
    b1 = jnp.zeros((H,), dtype=jnp.float32)
    # ChebConv layer 2: K weight matrices [H, H] + bias
    W2 = jax.random.normal(k4, (K, H, H), dtype=jnp.float32) * 0.05
    b2 = jnp.zeros((H,), dtype=jnp.float32)
    return {"x": x, "edge_index": edge_index, "W1": W1, "b1": b1, "W2": W2, "b2": b2}


def _cheb_conv(x, edge_index, W, b):
    # PyG ChebConv with normalization='sym', lambda_max=2.0:
    # L_hat = (2/lambda_max) * (I - D^-1/2 A D^-1/2) - I = -D^-1/2 A D^-1/2
    row = edge_index[0]
    col = edge_index[1]
    n = x.shape[0]
    ones = jnp.ones((row.shape[0],), dtype=x.dtype)
    deg = jax.ops.segment_sum(ones, row, num_segments=n)
    deg_inv_sqrt = jnp.where(deg > 0, 1.0 / jnp.sqrt(jnp.where(deg > 0, deg, 1.0)), 0.0)
    w = -deg_inv_sqrt[row] * deg_inv_sqrt[col]

    def prop(t):
        msgs = w[:, None] * t[row]
        return jax.ops.segment_sum(msgs, col, num_segments=n)

    Tx0 = x
    out = Tx0 @ W[0]
    Tx1 = prop(Tx0)
    out = out + Tx1 @ W[1]
    for k in range(2, W.shape[0]):
        Tx2 = 2.0 * prop(Tx1) - Tx0
        out = out + Tx2 @ W[k]
        Tx0, Tx1 = Tx1, Tx2
    return out + b


def reference(x, edge_index, W1, b1, W2, b2):
    # use_skip_connection=False; dropout inactive (inference)
    h = _cheb_conv(x, edge_index, W1, b1)
    h = jax.nn.relu(h)
    h = _cheb_conv(h, edge_index, W2, b2)
    h = jax.nn.relu(h)
    return h

if __name__ == "__main__":
    import jax
    _d = setup_inputs()
    print(jax.jit(kernel)(*tuple(_d.values())))

</pallas_src>

<mosaic_0001>
#map = affine_map<(d0, d1) -> (0, 0, 0)>
#map1 = affine_map<(d0, d1) -> (0, 0)>
module attributes {stable_mosaic.version = 14 : i64} {
  func.func @aprop(%arg0: i32, %arg1: i32, %arg2: memref<2x10240x128xbf16, #tpu.memory_space<hbm>>, %arg3: memref<16x157x128xi32, #tpu.memory_space<hbm>>, %arg4: memref<16x157x128xi32, #tpu.memory_space<hbm>>, %arg5: memref<128x128xbf16, #tpu.memory_space<hbm>>, %arg6: memref<2x10240x128xbf16, #tpu.memory_space<hbm>>, %arg7: memref<157x128xi32, #tpu.memory_space<vmem>>, %arg8: memref<157x128xi32, #tpu.memory_space<vmem>>, %arg9: memref<128x128xbf16, #tpu.memory_space<vmem>>, %arg10: memref<10240x128xbf16, #tpu.memory_space<vmem_shared>>, %arg11: memref<!tpu.dma_semaphore, #tpu.memory_space<semaphore_mem>>) attributes {dimension_semantics = [#tpu.dimension_semantics<core_parallel>, #tpu.dimension_semantics<subcore_parallel>], iteration_bounds = array<i64: 2, 16>, scalar_prefetch = 0 : i64, scratch_operands = 5 : i64, tpu.core_type = #tpu.core_type<sc_vector_subcore>, window_params = [{transform_indices = #map}, {transform_indices = #map}, {transform_indices = #map}, {transform_indices = #map1}, {transform_indices = #map}]} {
    "tpu.region"() ({
      %run_scoped3A = tpu.sem_alloc : memref<!tpu.dma_semaphore, #tpu.memory_space<semaphore_mem>>
      %dma_start3A = arith.constant 0 : i32
      %dma_start3A_17 = arith.constant 0 : i32
      %dma_start3A_18 = tpu.memref_slice %arg3[%arg1, %dma_start3A, %dma_start3A_17] : memref<16x157x128xi32, #tpu.memory_space<hbm>> -> memref<1x157x128xi32, #tpu.memory_space<hbm>>
      %dma_start3A_19 = tpu.memref_squeeze %dma_start3A_18 : memref<1x157x128xi32, #tpu.memory_space<hbm>> -> memref<157x128xi32, #tpu.memory_space<hbm>>
      %dma_start3A_20 = arith.constant 0 : i32
      %dma_start3A_21 = arith.constant 0 : i32
      %dma_start3A_22 = tpu.memref_slice %arg3[%arg1, %dma_start3A_20, %dma_start3A_21] : memref<16x157x128xi32, #tpu.memory_space<hbm>> -> memref<1x157x128xi32, #tpu.memory_space<hbm>>
      %dma_start3A_23 = tpu.memref_squeeze %dma_start3A_22 : memref<1x157x128xi32, #tpu.memory_space<hbm>> -> memref<157x128xi32, #tpu.memory_space<hbm>>
      tpu.enqueue_dma source(%dma_start3A_23 : memref<157x128xi32, #tpu.memory_space<hbm>>) target(%arg7 : memref<157x128xi32, #tpu.memory_space<vmem>>) target_semaphore(%run_scoped3A : memref<!tpu.dma_semaphore, #tpu.memory_space<semaphore_mem>>)
      %dma_wait3A = arith.constant 0 : i32
      %dma_wait3A_24 = arith.constant 0 : i32
      %dma_wait3A_25 = tpu.memref_slice %arg3[%arg1, %dma_wait3A, %dma_wait3A_24] : memref<16x157x128xi32, #tpu.memory_space<hbm>> -> memref<1x157x128xi32, #tpu.memory_space<hbm>>
      %dma_wait3A_26 = tpu.memref_squeeze %dma_wait3A_25 : memref<1x157x128xi32, #tpu.memory_space<hbm>> -> memref<157x128xi32, #tpu.memory_space<hbm>>
      %dma_wait3A_27 = arith.constant 0 : i32
      %dma_wait3A_28 = arith.constant 0 : i32
      %dma_wait3A_29 = tpu.memref_slice %arg3[%arg1, %dma_wait3A_27, %dma_wait3A_28] : memref<16x157x128xi32, #tpu.memory_space<hbm>> -> memref<1x157x128xi32, #tpu.memory_space<hbm>>
      %dma_wait3A_30 = tpu.memref_squeeze %dma_wait3A_29 : memref<1x157x128xi32, #tpu.memory_space<hbm>> -> memref<157x128xi32, #tpu.memory_space<hbm>>
      tpu.wait_dma2 semaphore(%run_scoped3A : memref<!tpu.dma_semaphore, #tpu.memory_space<semaphore_mem>>) src(%dma_wait3A_30 : memref<157x128xi32, #tpu.memory_space<hbm>>) dst(%arg7 : memref<157x128xi32, #tpu.memory_space<vmem>>)
      tpu.yield
    }) : () -> ()
    "tpu.region"() ({
      %run_scoped3A = tpu.sem_alloc : memref<!tpu.dma_semaphore, #tpu.memory_space<semaphore_mem>>
      %dma_start3A = arith.constant 0 : i32
      %dma_start3A_17 = arith.constant 0 : i32
      %dma_start3A_18 = tpu.memref_slice %arg4[%arg1, %dma_start3A, %dma_start3A_17] : memref<16x157x128xi32, #tpu.memory_space<hbm>> -> memref<1x157x128xi32, #tpu.memory_space<hbm>>
      %dma_start3A_19 = tpu.memref_squeeze %dma_start3A_18 : memref<1x157x128xi32, #tpu.memory_space<hbm>> -> memref<157x128xi32, #tpu.memory_space<hbm>>
      %dma_start3A_20 = arith.constant 0 : i32
      %dma_start3A_21 = arith.constant 0 : i32
      %dma_start3A_22 = tpu.memref_slice %arg4[%arg1, %dma_start3A_20, %dma_start3A_21] : memref<16x157x128xi32, #tpu.memory_space<hbm>> -> memref<1x157x128xi32, #tpu.memory_space<hbm>>
      %dma_start3A_23 = tpu.memref_squeeze %dma_start3A_22 : memref<1x157x128xi32, #tpu.memory_space<hbm>> -> memref<157x128xi32, #tpu.memory_space<hbm>>
      tpu.enqueue_dma source(%dma_start3A_23 : memref<157x128xi32, #tpu.memory_space<hbm>>) target(%arg8 : memref<157x128xi32, #tpu.memory_space<vmem>>) target_semaphore(%run_scoped3A : memref<!tpu.dma_semaphore, #tpu.memory_space<semaphore_mem>>)
      %dma_wait3A = arith.constant 0 : i32
      %dma_wait3A_24 = arith.constant 0 : i32
      %dma_wait3A_25 = tpu.memref_slice %arg4[%arg1, %dma_wait3A, %dma_wait3A_24] : memref<16x157x128xi32, #tpu.memory_space<hbm>> -> memref<1x157x128xi32, #tpu.memory_space<hbm>>
      %dma_wait3A_26 = tpu.memref_squeeze %dma_wait3A_25 : memref<1x157x128xi32, #tpu.memory_space<hbm>> -> memref<157x128xi32, #tpu.memory_space<hbm>>
      %dma_wait3A_27 = arith.constant 0 : i32
      %dma_wait3A_28 = arith.constant 0 : i32
      %dma_wait3A_29 = tpu.memref_slice %arg4[%arg1, %dma_wait3A_27, %dma_wait3A_28] : memref<16x157x128xi32, #tpu.memory_space<hbm>> -> memref<1x157x128xi32, #tpu.memory_space<hbm>>
      %dma_wait3A_30 = tpu.memref_squeeze %dma_wait3A_29 : memref<1x157x128xi32, #tpu.memory_space<hbm>> -> memref<157x128xi32, #tpu.memory_space<hbm>>
      tpu.wait_dma2 semaphore(%run_scoped3A : memref<!tpu.dma_semaphore, #tpu.memory_space<semaphore_mem>>) src(%dma_wait3A_30 : memref<157x128xi32, #tpu.memory_space<hbm>>) dst(%arg8 : memref<157x128xi32, #tpu.memory_space<vmem>>)
      tpu.yield
    }) : () -> ()
    %mul3A = arith.constant 640 : i32
    %mul3A_0 = arith.muli %arg1, %mul3A : i32
    "tpu.region"() ({
      %run_scoped3A = tpu.sem_alloc : memref<!tpu.dma_semaphore, #tpu.memory_space<semaphore_mem>>
      tpu.enqueue_dma source(%arg5 : memref<128x128xbf16, #tpu.memory_space<hbm>>) target(%arg9 : memref<128x128xbf16, #tpu.memory_space<vmem>>) target_semaphore(%run_scoped3A : memref<!tpu.dma_semaphore, #tpu.memory_space<semaphore_mem>>)
      tpu.wait_dma2 semaphore(%run_scoped3A : memref<!tpu.dma_semaphore, #tpu.memory_space<semaphore_mem>>) src(%arg5 : memref<128x128xbf16, #tpu.memory_space<hbm>>) dst(%arg9 : memref<128x128xbf16, #tpu.memory_space<vmem>>)
      tpu.yield
    }) : () -> ()
    %add3A = arith.constant 0 : i32
    %add3A_1 = arith.addi %mul3A_0, %add3A : i32
    "tpu.region"() ({
      %run_scoped3A = tpu.sem_alloc : memref<!tpu.dma_semaphore, #tpu.memory_space<semaphore_mem>>
      %dma_start3A = arith.constant 0 : i32
      %dma_start3A_17 = tpu.memref_slice %arg10[%add3A_1, %dma_start3A] : memref<10240x128xbf16, #tpu.memory_space<vmem_shared>> -> memref<128x128xbf16, #tpu.memory_space<vmem_shared>>
      %dma_start3A_18 = arith.constant 0 : i32
      %dma_start3A_19 = tpu.memref_slice %arg10[%add3A_1, %dma_start3A_18] : memref<10240x128xbf16, #tpu.memory_space<vmem_shared>> -> memref<128x128xbf16, #tpu.memory_space<vmem_shared>>
      tpu.enqueue_dma source(%arg9 : memref<128x128xbf16, #tpu.memory_space<vmem>>) target(%dma_start3A_19 : memref<128x128xbf16, #tpu.memory_space<vmem_shared>>) target_semaphore(%run_scoped3A : memref<!tpu.dma_semaphore, #tpu.memory_space<semaphore_mem>>)
      %dma_wait3A = arith.constant 0 : i32
      %dma_wait3A_20 = tpu.memref_slice %arg10[%add3A_1, %dma_wait3A] : memref<10240x128xbf16, #tpu.memory_space<vmem_shared>> -> memref<128x128xbf16, #tpu.memory_space<vmem_shared>>
      %dma_wait3A_21 = arith.constant 0 : i32
      %dma_wait3A_22 = tpu.memref_slice %arg10[%add3A_1, %dma_wait3A_21] : memref<10240x128xbf16, #tpu.memory_space<vmem_shared>> -> memref<128x128xbf16, #tpu.memory_space<vmem_shared>>
      tpu.wait_dma2 semaphore(%run_scoped3A : memref<!tpu.dma_semaphore, #tpu.memory_space<semaphore_mem>>) src(%arg9 : memref<128x128xbf16, #tpu.memory_space<vmem>>) dst(%dma_wait3A_22 : memref<128x128xbf16, #tpu.memory_space<vmem_shared>>)
      tpu.yield
    }) : () -> ()
    %add3A_2 = arith.constant 128 : i32
    %add3A_3 = arith.addi %mul3A_0, %add3A_2 : i32
    "tpu.region"() ({
      %run_scoped3A = tpu.sem_alloc : memref<!tpu.dma_semaphore, #tpu.memory_space<semaphore_mem>>
      %dma_start3A = arith.constant 0 : i32
      %dma_start3A_17 = tpu.memref_slice %arg10[%add3A_3, %dma_start3A] : memref<10240x128xbf16, #tpu.memory_space<vmem_shared>> -> memref<128x128xbf16, #tpu.memory_space<vmem_shared>>
      %dma_start3A_18 = arith.constant 0 : i32
      %dma_start3A_19 = tpu.memref_slice %arg10[%add3A_3, %dma_start3A_18] : memref<10240x128xbf16, #tpu.memory_space<vmem_shared>> -> memref<128x128xbf16, #tpu.memory_space<vmem_shared>>
      tpu.enqueue_dma source(%arg9 : memref<128x128xbf16, #tpu.memory_space<vmem>>) target(%dma_start3A_19 : memref<128x128xbf16, #tpu.memory_space<vmem_shared>>) target_semaphore(%run_scoped3A : memref<!tpu.dma_semaphore, #tpu.memory_space<semaphore_mem>>)
      %dma_wait3A = arith.constant 0 : i32
      %dma_wait3A_20 = tpu.memref_slice %arg10[%add3A_3, %dma_wait3A] : memref<10240x128xbf16, #tpu.memory_space<vmem_shared>> -> memref<128x128xbf16, #tpu.memory_space<vmem_shared>>
      %dma_wait3A_21 = arith.constant 0 : i32
      %dma_wait3A_22 = tpu.memref_slice %arg10[%add3A_3, %dma_wait3A_21] : memref<10240x128xbf16, #tpu.memory_space<vmem_shared>> -> memref<128x128xbf16, #tpu.memory_space<vmem_shared>>
      tpu.wait_dma2 semaphore(%run_scoped3A : memref<!tpu.dma_semaphore, #tpu.memory_space<semaphore_mem>>) src(%arg9 : memref<128x128xbf16, #tpu.memory_space<vmem>>) dst(%dma_wait3A_22 : memref<128x128xbf16, #tpu.memory_space<vmem_shared>>)
      tpu.yield
    }) : () -> ()
    %add3A_4 = arith.constant 256 : i32
    %add3A_5 = arith.addi %mul3A_0, %add3A_4 : i32
    "tpu.region"() ({
      %run_scoped3A = tpu.sem_alloc : memref<!tpu.dma_semaphore, #tpu.memory_space<semaphore_mem>>
      %dma_start3A = arith.constant 0 : i32
      %dma_start3A_17 = tpu.memref_slice %arg10[%add3A_5, %dma_start3A] : memref<10240x128xbf16, #tpu.memory_space<vmem_shared>> -> memref<128x128xbf16, #tpu.memory_space<vmem_shared>>
      %dma_start3A_18 = arith.constant 0 : i32
      %dma_start3A_19 = tpu.memref_slice %arg10[%add3A_5, %dma_start3A_18] : memref<10240x128xbf16, #tpu.memory_space<vmem_shared>> -> memref<128x128xbf16, #tpu.memory_space<vmem_shared>>
      tpu.enqueue_dma source(%arg9 : memref<128x128xbf16, #tpu.memory_space<vmem>>) target(%dma_start3A_19 : memref<128x128xbf16, #tpu.memory_space<vmem_shared>>) target_semaphore(%run_scoped3A : memref<!tpu.dma_semaphore, #tpu.memory_space<semaphore_mem>>)
      %dma_wait3A = arith.constant 0 : i32
      %dma_wait3A_20 = tpu.memref_slice %arg10[%add3A_5, %dma_wait3A] : memref<10240x128xbf16, #tpu.memory_space<vmem_shared>> -> memref<128x128xbf16, #tpu.memory_space<vmem_shared>>
      %dma_wait3A_21 = arith.constant 0 : i32
      %dma_wait3A_22 = tpu.memref_slice %arg10[%add3A_5, %dma_wait3A_21] : memref<10240x128xbf16, #tpu.memory_space<vmem_shared>> -> memref<128x128xbf16, #tpu.memory_space<vmem_shared>>
      tpu.wait_dma2 semaphore(%run_scoped3A : memref<!tpu.dma_semaphore, #tpu.memory_space<semaphore_mem>>) src(%arg9 : memref<128x128xbf16, #tpu.memory_space<vmem>>) dst(%dma_wait3A_22 : memref<128x128xbf16, #tpu.memory_space<vmem_shared>>)
      tpu.yield
    }) : () -> ()
    %add3A_6 = arith.constant 384 : i32
    %add3A_7 = arith.addi %mul3A_0, %add3A_6 : i32
    "tpu.region"() ({
      %run_scoped3A = tpu.sem_alloc : memref<!tpu.dma_semaphore, #tpu.memory_space<semaphore_mem>>
      %dma_start3A = arith.constant 0 : i32
      %dma_start3A_17 = tpu.memref_slice %arg10[%add3A_7, %dma_start3A] : memref<10240x128xbf16, #tpu.memory_space<vmem_shared>> -> memref<128x128xbf16, #tpu.memory_space<vmem_shared>>
      %dma_start3A_18 = arith.constant 0 : i32
      %dma_start3A_19 = tpu.memref_slice %arg10[%add3A_7, %dma_start3A_18] : memref<10240x128xbf16, #tpu.memory_space<vmem_shared>> -> memref<128x128xbf16, #tpu.memory_space<vmem_shared>>
      tpu.enqueue_dma source(%arg9 : memref<128x128xbf16, #tpu.memory_space<vmem>>) target(%dma_start3A_19 : memref<128x128xbf16, #tpu.memory_space<vmem_shared>>) target_semaphore(%run_scoped3A : memref<!tpu.dma_semaphore, #tpu.memory_space<semaphore_mem>>)
      %dma_wait3A = arith.constant 0 : i32
      %dma_wait3A_20 = tpu.memref_slice %arg10[%add3A_7, %dma_wait3A] : memref<10240x128xbf16, #tpu.memory_space<vmem_shared>> -> memref<128x128xbf16, #tpu.memory_space<vmem_shared>>
      %dma_wait3A_21 = arith.constant 0 : i32
      %dma_wait3A_22 = tpu.memref_slice %arg10[%add3A_7, %dma_wait3A_21] : memref<10240x128xbf16, #tpu.memory_space<vmem_shared>> -> memref<128x128xbf16, #tpu.memory_space<vmem_shared>>
      tpu.wait_dma2 semaphore(%run_scoped3A : memref<!tpu.dma_semaphore, #tpu.memory_space<semaphore_mem>>) src(%arg9 : memref<128x128xbf16, #tpu.memory_space<vmem>>) dst(%dma_wait3A_22 : memref<128x128xbf16, #tpu.memory_space<vmem_shared>>)
      tpu.yield
    }) : () -> ()
    %add3A_8 = arith.constant 512 : i32
    %add3A_9 = arith.addi %mul3A_0, %add3A_8 : i32
    "tpu.region"() ({
      %run_scoped3A = tpu.sem_alloc : memref<!tpu.dma_semaphore, #tpu.memory_space<semaphore_mem>>
      %dma_start3A = arith.constant 0 : i32
      %dma_start3A_17 = tpu.memref_slice %arg10[%add3A_9, %dma_start3A] : memref<10240x128xbf16, #tpu.memory_space<vmem_shared>> -> memref<128x128xbf16, #tpu.memory_space<vmem_shared>>
      %dma_start3A_18 = arith.constant 0 : i32
      %dma_start3A_19 = tpu.memref_slice %arg10[%add3A_9, %dma_start3A_18] : memref<10240x128xbf16, #tpu.memory_space<vmem_shared>> -> memref<128x128xbf16, #tpu.memory_space<vmem_shared>>
      tpu.enqueue_dma source(%arg9 : memref<128x128xbf16, #tpu.memory_space<vmem>>) target(%dma_start3A_19 : memref<128x128xbf16, #tpu.memory_space<vmem_shared>>) target_semaphore(%run_scoped3A : memref<!tpu.dma_semaphore, #tpu.memory_space<semaphore_mem>>)
      %dma_wait3A = arith.constant 0 : i32
      %dma_wait3A_20 = tpu.memref_slice %arg10[%add3A_9, %dma_wait3A] : memref<10240x128xbf16, #tpu.memory_space<vmem_shared>> -> memref<128x128xbf16, #tpu.memory_space<vmem_shared>>
      %dma_wait3A_21 = arith.constant 0 : i32
      %dma_wait3A_22 = tpu.memref_slice %arg10[%add3A_9, %dma_wait3A_21] : memref<10240x128xbf16, #tpu.memory_space<vmem_shared>> -> memref<128x128xbf16, #tpu.memory_space<vmem_shared>>
      tpu.wait_dma2 semaphore(%run_scoped3A : memref<!tpu.dma_semaphore, #tpu.memory_space<semaphore_mem>>) src(%arg9 : memref<128x128xbf16, #tpu.memory_space<vmem>>) dst(%dma_wait3A_22 : memref<128x128xbf16, #tpu.memory_space<vmem_shared>>)
      tpu.yield
    }) : () -> ()
    %barrier3A = arith.constant 0 : index
    tpu.barrier barrier_id(%barrier3A)
    %eq3A = arith.constant 0 : i32
    %eq3A_10 = arith.cmpi eq, %arg0, %eq3A : i32
    %convert_element_type3A = arith.extui %eq3A_10 : i1 to i32
    %cond3A = arith.constant 0 : i32
    %cond3A_11 = arith.cmpi ne, %convert_element_type3A, %cond3A : i32
    scf.if %cond3A_11 {
      %scan3A = arith.constant 0 : i32
      %scan3A_17 = arith.constant 0 : i32
      %scan3A_18 = arith.constant 0 : i32
      %scan3A_19 = arith.constant 157 : i32
      %scan3A_20 = arith.addi %scan3A_18, %scan3A_19 : i32
      %scan3A_21 = arith.constant 1 : i32
      scf.for %scan3A_38 = %scan3A_18 to %scan3A_20 step %scan3A_21  : i32 {
        %dma_start3A = arith.constant 0 : i32
        %dma_start3A_39 = tpu.memref_slice %arg7[%scan3A_38, %dma_start3A] : memref<157x128xi32, #tpu.memory_space<vmem>> -> memref<1x128xi32, #tpu.memory_space<vmem>>
        %dma_start3A_40 = tpu.memref_squeeze %dma_start3A_39 : memref<1x128xi32, #tpu.memory_space<vmem>> -> memref<128xi32, #tpu.memory_space<vmem>>
        %dma_start3A_41 = arith.constant 0 : i32
        %dma_start3A_42 = arith.constant 0 : i32
        %dma_start3A_43 = tpu.memref_slice %arg2[%scan3A_17, %dma_start3A_41, %dma_start3A_42] : memref<2x10240x128xbf16, #tpu.memory_space<hbm>> -> memref<1x10240x128xbf16, #tpu.memory_space<hbm>>
        %dma_start3A_44 = tpu.memref_squeeze %dma_start3A_43 : memref<1x10240x128xbf16, #tpu.memory_space<hbm>> -> memref<10240x128xbf16, #tpu.memory_space<hbm>>
        %dma_start3A_45 = arith.constant 0 : i32
        %dma_start3A_46 = arith.constant 0 : i32
        %dma_start3A_47 = tpu.memref_slice %dma_start3A_44[%dma_start3A_45, %dma_start3A_46] : memref<10240x128xbf16, #tpu.memory_space<hbm>> -> memref<10240x128xbf16, #tpu.memory_space<hbm>>
        tpu.enqueue_indirect_dma source(%dma_start3A_47 : memref<10240x128xbf16, #tpu.memory_space<hbm>>) target(%arg9 : memref<128x128xbf16, #tpu.memory_space<vmem>>) offsets(%dma_start3A_40 : memref<128xi32, #tpu.memory_space<vmem>>) semaphore(%arg11 : memref<!tpu.dma_semaphore, #tpu.memory_space<semaphore_mem>>)
        %dma_wait3A = arith.constant 0 : i32
        %dma_wait3A_48 = tpu.memref_slice %arg7[%scan3A_38, %dma_wait3A] : memref<157x128xi32, #tpu.memory_space<vmem>> -> memref<1x128xi32, #tpu.memory_space<vmem>>
        %dma_wait3A_49 = tpu.memref_squeeze %dma_wait3A_48 : memref<1x128xi32, #tpu.memory_space<vmem>> -> memref<128xi32, #tpu.memory_space<vmem>>
        %dma_wait3A_50 = arith.constant 0 : i32
        %dma_wait3A_51 = arith.constant 0 : i32
        %dma_wait3A_52 = tpu.memref_slice %arg2[%scan3A_17, %dma_wait3A_50, %dma_wait3A_51] : memref<2x10240x128xbf16, #tpu.memory_space<hbm>> -> memref<1x10240x128xbf16, #tpu.memory_space<hbm>>
        %dma_wait3A_53 = tpu.memref_squeeze %dma_wait3A_52 : memref<1x10240x128xbf16, #tpu.memory_space<hbm>> -> memref<10240x128xbf16, #tpu.memory_space<hbm>>
        %dma_wait3A_54 = arith.constant 0 : i32
        %dma_wait3A_55 = arith.constant 0 : i32
        %dma_wait3A_56 = tpu.memref_slice %dma_wait3A_53[%dma_wait3A_54, %dma_wait3A_55] : memref<10240x128xbf16, #tpu.memory_space<hbm>> -> memref<10240x128xbf16, #tpu.memory_space<hbm>>
        tpu.wait_indirect_dma semaphore(%arg11 : memref<!tpu.dma_semaphore, #tpu.memory_space<semaphore_mem>>) src(%dma_wait3A_56 : memref<10240x128xbf16, #tpu.memory_space<hbm>>) dst(%arg9 : memref<128x128xbf16, #tpu.memory_space<vmem>>)
        "tpu.region"() ({
          %run_scoped3A_57 = tpu.sem_alloc : memref<!tpu.dma_semaphore, #tpu.memory_space<semaphore_mem>>
          %dma_start3A_58 = arith.constant 0 : i32
          %dma_start3A_59 = tpu.memref_slice %arg8[%scan3A_38, %dma_start3A_58] : memref<157x128xi32, #tpu.memory_space<vmem>> -> memref<1x128xi32, #tpu.memory_space<vmem>>
          %dma_start3A_60 = tpu.memref_squeeze %dma_start3A_59 : memref<1x128xi32, #tpu.memory_space<vmem>> -> memref<128xi32, #tpu.memory_space<vmem>>
          %dma_start3A_61 = arith.constant 0 : i32
          %dma_start3A_62 = arith.constant 0 : i32
          %dma_start3A_63 = tpu.memref_slice %arg10[%dma_start3A_61, %dma_start3A_62] : memref<10240x128xbf16, #tpu.memory_space<vmem_shared>> -> memref<10240x128xbf16, #tpu.memory_space<vmem_shared>>
          tpu.enqueue_indirect_dma source(%arg9 : memref<128x128xbf16, #tpu.memory_space<vmem>>) target(%dma_start3A_63 : memref<10240x128xbf16, #tpu.memory_space<vmem_shared>>) offsets(%dma_start3A_60 : memref<128xi32, #tpu.memory_space<vmem>>) semaphore(%run_scoped3A_57 : memref<!tpu.dma_semaphore, #tpu.memory_space<semaphore_mem>>) {add = true}
          %dma_wait3A_64 = arith.constant 0 : i32
          %dma_wait3A_65 = tpu.memref_slice %arg8[%scan3A_38, %dma_wait3A_64] : memref<157x128xi32, #tpu.memory_space<vmem>> -> memref<1x128xi32, #tpu.memory_space<vmem>>
          %dma_wait3A_66 = tpu.memref_squeeze %dma_wait3A_65 : memref<1x128xi32, #tpu.memory_space<vmem>> -> memref<128xi32, #tpu.memory_space<vmem>>
          %dma_wait3A_67 = arith.constant 0 : i32
          %dma_wait3A_68 = arith.constant 0 : i32
          %dma_wait3A_69 = tpu.memref_slice %arg10[%dma_wait3A_67, %dma_wait3A_68] : memref<10240x128xbf16, #tpu.memory_space<vmem_shared>> -> memref<10240x128xbf16, #tpu.memory_space<vmem_shared>>
          tpu.wait_indirect_dma semaphore(%run_scoped3A_57 : memref<!tpu.dma_semaphore, #tpu.memory_space<semaphore_mem>>) src(%arg9 : memref<128x128xbf16, #tpu.memory_space<vmem>>) dst(%dma_wait3A_69 : memref<10240x128xbf16, #tpu.memory_space<vmem_shared>>)
          tpu.yield
        }) : () -> ()
      }
      %scan3A_22 = arith.constant 157 : i32
      %barrier3A_23 = arith.constant 0 : index
      tpu.barrier barrier_id(%barrier3A_23)
      %add3A_24 = arith.constant 0 : i32
      %add3A_25 = arith.addi %mul3A_0, %add3A_24 : i32
      %run_scoped3A = arith.constant 0 : i32
      "tpu.region"() ({
        %run_scoped3A_38 = tpu.sem_alloc : memref<!tpu.dma_semaphore, #tpu.memory_space<semaphore_mem>>
        %dma_start3A = arith.constant 0 : i32
        %dma_start3A_39 = arith.constant 0 : i32
        %dma_start3A_40 = tpu.memref_slice %arg6[%run_scoped3A, %dma_start3A, %dma_start3A_39] : memref<2x10240x128xbf16, #tpu.memory_space<hbm>> -> memref<1x10240x128xbf16, #tpu.memory_space<hbm>>
        %dma_start3A_41 = tpu.memref_squeeze %dma_start3A_40 : memref<1x10240x128xbf16, #tpu.memory_space<hbm>> -> memref<10240x128xbf16, #tpu.memory_space<hbm>>
        %dma_start3A_42 = arith.constant 0 : i32
        %dma_start3A_43 = tpu.memref_slice %dma_start3A_41[%add3A_25, %dma_start3A_42] : memref<10240x128xbf16, #tpu.memory_space<hbm>> -> memref<128x128xbf16, #tpu.memory_space<hbm>>
        %dma_start3A_44 = arith.constant 0 : i32
        %dma_start3A_45 = tpu.memref_slice %arg10[%add3A_25, %dma_start3A_44] : memref<10240x128xbf16, #tpu.memory_space<vmem_shared>> -> memref<128x128xbf16, #tpu.memory_space<vmem_shared>>
        tpu.enqueue_dma source(%dma_start3A_45 : memref<128x128xbf16, #tpu.memory_space<vmem_shared>>) target(%dma_start3A_43 : memref<128x128xbf16, #tpu.memory_space<hbm>>) target_semaphore(%run_scoped3A_38 : memref<!tpu.dma_semaphore, #tpu.memory_space<semaphore_mem>>)
        %dma_wait3A = arith.constant 0 : i32
        %dma_wait3A_46 = arith.constant 0 : i32
        %dma_wait3A_47 = tpu.memref_slice %arg6[%run_scoped3A, %dma_wait3A, %dma_wait3A_46] : memref<2x10240x128xbf16, #tpu.memory_space<hbm>> -> memref<1x10240x128xbf16, #tpu.memory_space<hbm>>
        %dma_wait3A_48 = tpu.memref_squeeze %dma_wait3A_47 : memref<1x10240x128xbf16, #tpu.memory_space<hbm>> -> memref<10240x128xbf16, #tpu.memory_space<hbm>>
        %dma_wait3A_49 = arith.constant 0 : i32
        %dma_wait3A_50 = tpu.memref_slice %dma_wait3A_48[%add3A_25, %dma_wait3A_49] : memref<10240x128xbf16, #tpu.memory_space<hbm>> -> memref<128x128xbf16, #tpu.memory_space<hbm>>
        %dma_wait3A_51 = arith.constant 0 : i32
        %dma_wait3A_52 = tpu.memref_slice %arg10[%add3A_25, %dma_wait3A_51] : memref<10240x128xbf16, #tpu.memory_space<vmem_shared>> -> memref<128x128xbf16, #tpu.memory_space<vmem_shared>>
        tpu.wait_dma2 semaphore(%run_scoped3A_38 : memref<!tpu.dma_semaphore, #tpu.memory_space<semaphore_mem>>) src(%dma_wait3A_52 : memref<128x128xbf16, #tpu.memory_space<vmem_shared>>) dst(%dma_wait3A_50 : memref<128x128xbf16, #tpu.memory_space<hbm>>)
        tpu.yield
      }) : () -> ()
      %add3A_26 = arith.constant 128 : i32
      %add3A_27 = arith.addi %mul3A_0, %add3A_26 : i32
      %run_scoped3A_28 = arith.constant 0 : i32
      "tpu.region"() ({
        %run_scoped3A_38 = tpu.sem_alloc : memref<!tpu.dma_semaphore, #tpu.memory_space<semaphore_mem>>
        %dma_start3A = arith.constant 0 : i32
        %dma_start3A_39 = arith.constant 0 : i32
        %dma_start3A_40 = tpu.memref_slice %arg6[%run_scoped3A_28, %dma_start3A, %dma_start3A_39] : memref<2x10240x128xbf16, #tpu.memory_space<hbm>> -> memref<1x10240x128xbf16, #tpu.memory_space<hbm>>
        %dma_start3A_41 = tpu.memref_squeeze %dma_start3A_40 : memref<1x10240x128xbf16, #tpu.memory_space<hbm>> -> memref<10240x128xbf16, #tpu.memory_space<hbm>>
        %dma_start3A_42 = arith.constant 0 : i32
        %dma_start3A_43 = tpu.memref_slice %dma_start3A_41[%add3A_27, %dma_start3A_42] : memref<10240x128xbf16, #tpu.memory_space<hbm>> -> memref<128x128xbf16, #tpu.memory_space<hbm>>
        %dma_start3A_44 = arith.constant 0 : i32
        %dma_start3A_45 = tpu.memref_slice %arg10[%add3A_27, %dma_start3A_44] : memref<10240x128xbf16, #tpu.memory_space<vmem_shared>> -> memref<128x128xbf16, #tpu.memory_space<vmem_shared>>
        tpu.enqueue_dma source(%dma_start3A_45 : memref<128x128xbf16, #tpu.memory_space<vmem_shared>>) target(%dma_start3A_43 : memref<128x128xbf16, #tpu.memory_space<hbm>>) target_semaphore(%run_scoped3A_38 : memref<!tpu.dma_semaphore, #tpu.memory_space<semaphore_mem>>)
        %dma_wait3A = arith.constant 0 : i32
        %dma_wait3A_46 = arith.constant 0 : i32
        %dma_wait3A_47 = tpu.memref_slice %arg6[%run_scoped3A_28, %dma_wait3A, %dma_wait3A_46] : memref<2x10240x128xbf16, #tpu.memory_space<hbm>> -> memref<1x10240x128xbf16, #tpu.memory_space<hbm>>
        %dma_wait3A_48 = tpu.memref_squeeze %dma_wait3A_47 : memref<1x10240x128xbf16, #tpu.memory_space<hbm>> -> memref<10240x128xbf16, #tpu.memory_space<hbm>>
        %dma_wait3A_49 = arith.constant 0 : i32
        %dma_wait3A_50 = tpu.memref_slice %dma_wait3A_48[%add3A_27, %dma_wait3A_49] : memref<10240x128xbf16, #tpu.memory_space<hbm>> -> memref<128x128xbf16, #tpu.memory_space<hbm>>
        %dma_wait3A_51 = arith.constant 0 : i32
        %dma_wait3A_52 = tpu.memref_slice %arg10[%add3A_27, %dma_wait3A_51] : memref<10240x128xbf16, #tpu.memory_space<vmem_shared>> -> memref<128x128xbf16, #tpu.memory_space<vmem_shared>>
        tpu.wait_dma2 semaphore(%run_scoped3A_38 : memref<!tpu.dma_semaphore, #tpu.memory_space<semaphore_mem>>) src(%dma_wait3A_52 : memref<128x128xbf16, #tpu.memory_space<vmem_shared>>) dst(%dma_wait3A_50 : memref<128x128xbf16, #tpu.memory_space<hbm>>)
        tpu.yield
      }) : () -> ()
      %add3A_29 = arith.constant 256 : i32
      %add3A_30 = arith.addi %mul3A_0, %add3A_29 : i32
      %run_scoped3A_31 = arith.constant 0 : i32
      "tpu.region"() ({
        %run_scoped3A_38 = tpu.sem_alloc : memref<!tpu.dma_semaphore, #tpu.memory_space<semaphore_mem>>
        %dma_start3A = arith.constant 0 : i32
        %dma_start3A_39 = arith.constant 0 : i32
        %dma_start3A_40 = tpu.memref_slice %arg6[%run_scoped3A_31, %dma_start3A, %dma_start3A_39] : memref<2x10240x128xbf16, #tpu.memory_space<hbm>> -> memref<1x10240x128xbf16, #tpu.memory_space<hbm>>
        %dma_start3A_41 = tpu.memref_squeeze %dma_start3A_40 : memref<1x10240x128xbf16, #tpu.memory_space<hbm>> -> memref<10240x128xbf16, #tpu.memory_space<hbm>>
        %dma_start3A_42 = arith.constant 0 : i32
        %dma_start3A_43 = tpu.memref_slice %dma_start3A_41[%add3A_30, %dma_start3A_42] : memref<10240x128xbf16, #tpu.memory_space<hbm>> -> memref<128x128xbf16, #tpu.memory_space<hbm>>
        %dma_start3A_44 = arith.constant 0 : i32
        %dma_start3A_45 = tpu.memref_slice %arg10[%add3A_30, %dma_start3A_44] : memref<10240x128xbf16, #tpu.memory_space<vmem_shared>> -> memref<128x128xbf16, #tpu.memory_space<vmem_shared>>
        tpu.enqueue_dma source(%dma_start3A_45 : memref<128x128xbf16, #tpu.memory_space<vmem_shared>>) target(%dma_start3A_43 : memref<128x128xbf16, #tpu.memory_space<hbm>>) target_semaphore(%run_scoped3A_38 : memref<!tpu.dma_semaphore, #tpu.memory_space<semaphore_mem>>)
        %dma_wait3A = arith.constant 0 : i32
        %dma_wait3A_46 = arith.constant 0 : i32
        %dma_wait3A_47 = tpu.memref_slice %arg6[%run_scoped3A_31, %dma_wait3A, %dma_wait3A_46] : memref<2x10240x128xbf16, #tpu.memory_space<hbm>> -> memref<1x10240x128xbf16, #tpu.memory_space<hbm>>
        %dma_wait3A_48 = tpu.memref_squeeze %dma_wait3A_47 : memref<1x10240x128xbf16, #tpu.memory_space<hbm>> -> memref<10240x128xbf16, #tpu.memory_space<hbm>>
        %dma_wait3A_49 = arith.constant 0 : i32
        %dma_wait3A_50 = tpu.memref_slice %dma_wait3A_48[%add3A_30, %dma_wait3A_49] : memref<10240x128xbf16, #tpu.memory_space<hbm>> -> memref<128x128xbf16, #tpu.memory_space<hbm>>
        %dma_wait3A_51 = arith.constant 0 : i32
        %dma_wait3A_52 = tpu.memref_slice %arg10[%add3A_30, %dma_wait3A_51] : memref<10240x128xbf16, #tpu.memory_space<vmem_shared>> -> memref<128x128xbf16, #tpu.memory_space<vmem_shared>>
        tpu.wait_dma2 semaphore(%run_scoped3A_38 : memref<!tpu.dma_semaphore, #tpu.memory_space<semaphore_mem>>) src(%dma_wait3A_52 : memref<128x128xbf16, #tpu.memory_space<vmem_shared>>) dst(%dma_wait3A_50 : memref<128x128xbf16, #tpu.memory_space<hbm>>)
        tpu.yield
      }) : () -> ()
      %add3A_32 = arith.constant 384 : i32
      %add3A_33 = arith.addi %mul3A_0, %add3A_32 : i32
      %run_scoped3A_34 = arith.constant 0 : i32
      "tpu.region"() ({
        %run_scoped3A_38 = tpu.sem_alloc : memref<!tpu.dma_semaphore, #tpu.memory_space<semaphore_mem>>
        %dma_start3A = arith.constant 0 : i32
        %dma_start3A_39 = arith.constant 0 : i32
        %dma_start3A_40 = tpu.memref_slice %arg6[%run_scoped3A_34, %dma_start3A, %dma_start3A_39] : memref<2x10240x128xbf16, #tpu.memory_space<hbm>> -> memref<1x10240x128xbf16, #tpu.memory_space<hbm>>
        %dma_start3A_41 = tpu.memref_squeeze %dma_start3A_40 : memref<1x10240x128xbf16, #tpu.memory_space<hbm>> -> memref<10240x128xbf16, #tpu.memory_space<hbm>>
        %dma_start3A_42 = arith.constant 0 : i32
        %dma_start3A_43 = tpu.memref_slice %dma_start3A_41[%add3A_33, %dma_start3A_42] : memref<10240x128xbf16, #tpu.memory_space<hbm>> -> memref<128x128xbf16, #tpu.memory_space<hbm>>
        %dma_start3A_44 = arith.constant 0 : i32
        %dma_start3A_45 = tpu.memref_slice %arg10[%add3A_33, %dma_start3A_44] : memref<10240x128xbf16, #tpu.memory_space<vmem_shared>> -> memref<128x128xbf16, #tpu.memory_space<vmem_shared>>
        tpu.enqueue_dma source(%dma_start3A_45 : memref<128x128xbf16, #tpu.memory_space<vmem_shared>>) target(%dma_start3A_43 : memref<128x128xbf16, #tpu.memory_space<hbm>>) target_semaphore(%run_scoped3A_38 : memref<!tpu.dma_semaphore, #tpu.memory_space<semaphore_mem>>)
        %dma_wait3A = arith.constant 0 : i32
        %dma_wait3A_46 = arith.constant 0 : i32
        %dma_wait3A_47 = tpu.memref_slice %arg6[%run_scoped3A_34, %dma_wait3A, %dma_wait3A_46] : memref<2x10240x128xbf16, #tpu.memory_space<hbm>> -> memref<1x10240x128xbf16, #tpu.memory_space<hbm>>
        %dma_wait3A_48 = tpu.memref_squeeze %dma_wait3A_47 : memref<1x10240x128xbf16, #tpu.memory_space<hbm>> -> memref<10240x128xbf16, #tpu.memory_space<hbm>>
        %dma_wait3A_49 = arith.constant 0 : i32
        %dma_wait3A_50 = tpu.memref_slice %dma_wait3A_48[%add3A_33, %dma_wait3A_49] : memref<10240x128xbf16, #tpu.memory_space<hbm>> -> memref<128x128xbf16, #tpu.memory_space<hbm>>
        %dma_wait3A_51 = arith.constant 0 : i32
        %dma_wait3A_52 = tpu.memref_slice %arg10[%add3A_33, %dma_wait3A_51] : memref<10240x128xbf16, #tpu.memory_space<vmem_shared>> -> memref<128x128xbf16, #tpu.memory_space<vmem_shared>>
        tpu.wait_dma2 semaphore(%run_scoped3A_38 : memref<!tpu.dma_semaphore, #tpu.memory_space<semaphore_mem>>) src(%dma_wait3A_52 : memref<128x128xbf16, #tpu.memory_space<vmem_shared>>) dst(%dma_wait3A_50 : memref<128x128xbf16, #tpu.memory_space<hbm>>)
        tpu.yield
      }) : () -> ()
      %add3A_35 = arith.constant 512 : i32
      %add3A_36 = arith.addi %mul3A_0, %add3A_35 : i32
      %run_scoped3A_37 = arith.constant 0 : i32
      "tpu.region"() ({
        %run_scoped3A_38 = tpu.sem_alloc : memref<!tpu.dma_semaphore, #tpu.memory_space<semaphore_mem>>
        %dma_start3A = arith.constant 0 : i32
        %dma_start3A_39 = arith.constant 0 : i32
        %dma_start3A_40 = tpu.memref_slice %arg6[%run_scoped3A_37, %dma_start3A, %dma_start3A_39] : memref<2x10240x128xbf16, #tpu.memory_space<hbm>> -> memref<1x10240x128xbf16, #tpu.memory_space<hbm>>
        %dma_start3A_41 = tpu.memref_squeeze %dma_start3A_40 : memref<1x10240x128xbf16, #tpu.memory_space<hbm>> -> memref<10240x128xbf16, #tpu.memory_space<hbm>>
        %dma_start3A_42 = arith.constant 0 : i32
        %dma_start3A_43 = tpu.memref_slice %dma_start3A_41[%add3A_36, %dma_start3A_42] : memref<10240x128xbf16, #tpu.memory_space<hbm>> -> memref<128x128xbf16, #tpu.memory_space<hbm>>
        %dma_start3A_44 = arith.constant 0 : i32
        %dma_start3A_45 = tpu.memref_slice %arg10[%add3A_36, %dma_start3A_44] : memref<10240x128xbf16, #tpu.memory_space<vmem_shared>> -> memref<128x128xbf16, #tpu.memory_space<vmem_shared>>
        tpu.enqueue_dma source(%dma_start3A_45 : memref<128x128xbf16, #tpu.memory_space<vmem_shared>>) target(%dma_start3A_43 : memref<128x128xbf16, #tpu.memory_space<hbm>>) target_semaphore(%run_scoped3A_38 : memref<!tpu.dma_semaphore, #tpu.memory_space<semaphore_mem>>)
        %dma_wait3A = arith.constant 0 : i32
        %dma_wait3A_46 = arith.constant 0 : i32
        %dma_wait3A_47 = tpu.memref_slice %arg6[%run_scoped3A_37, %dma_wait3A, %dma_wait3A_46] : memref<2x10240x128xbf16, #tpu.memory_space<hbm>> -> memref<1x10240x128xbf16, #tpu.memory_space<hbm>>
        %dma_wait3A_48 = tpu.memref_squeeze %dma_wait3A_47 : memref<1x10240x128xbf16, #tpu.memory_space<hbm>> -> memref<10240x128xbf16, #tpu.memory_space<hbm>>
        %dma_wait3A_49 = arith.constant 0 : i32
        %dma_wait3A_50 = tpu.memref_slice %dma_wait3A_48[%add3A_36, %dma_wait3A_49] : memref<10240x128xbf16, #tpu.memory_space<hbm>> -> memref<128x128xbf16, #tpu.memory_space<hbm>>
        %dma_wait3A_51 = arith.constant 0 : i32
        %dma_wait3A_52 = tpu.memref_slice %arg10[%add3A_36, %dma_wait3A_51] : memref<10240x128xbf16, #tpu.memory_space<vmem_shared>> -> memref<128x128xbf16, #tpu.memory_space<vmem_shared>>
        tpu.wait_dma2 semaphore(%run_scoped3A_38 : memref<!tpu.dma_semaphore, #tpu.memory_space<semaphore_mem>>) src(%dma_wait3A_52 : memref<128x128xbf16, #tpu.memory_space<vmem_shared>>) dst(%dma_wait3A_50 : memref<128x128xbf16, #tpu.memory_space<hbm>>)
        tpu.yield
      }) : () -> ()
    } else {
    }
    %eq3A_12 = arith.constant 1 : i32
    %eq3A_13 = arith.cmpi eq, %arg0, %eq3A_12 : i32
    %convert_element_type3A_14 = arith.extui %eq3A_13 : i1 to i32
    %cond3A_15 = arith.constant 0 : i32
    %cond3A_16 = arith.cmpi ne, %convert_element_type3A_14, %cond3A_15 : i32
    scf.if %cond3A_16 {
      %scan3A = arith.constant 0 : i32
      %scan3A_17 = arith.constant 1 : i32
      %scan3A_18 = arith.constant 0 : i32
      %scan3A_19 = arith.constant 157 : i32
      %scan3A_20 = arith.addi %scan3A_18, %scan3A_19 : i32
      %scan3A_21 = arith.constant 1 : i32
      scf.for %scan3A_38 = %scan3A_18 to %scan3A_20 step %scan3A_21  : i32 {
        %dma_start3A = arith.constant 0 : i32
        %dma_start3A_39 = tpu.memref_slice %arg7[%scan3A_38, %dma_start3A] : memref<157x128xi32, #tpu.memory_space<vmem>> -> memref<1x128xi32, #tpu.memory_space<vmem>>
        %dma_start3A_40 = tpu.memref_squeeze %dma_start3A_39 : memref<1x128xi32, #tpu.memory_space<vmem>> -> memref<128xi32, #tpu.memory_space<vmem>>
        %dma_start3A_41 = arith.constant 0 : i32
        %dma_start3A_42 = arith.constant 0 : i32
        %dma_start3A_43 = tpu.memref_slice %arg2[%scan3A_17, %dma_start3A_41, %dma_start3A_42] : memref<2x10240x128xbf16, #tpu.memory_space<hbm>> -> memref<1x10240x128xbf16, #tpu.memory_space<hbm>>
        %dma_start3A_44 = tpu.memref_squeeze %dma_start3A_43 : memref<1x10240x128xbf16, #tpu.memory_space<hbm>> -> memref<10240x128xbf16, #tpu.memory_space<hbm>>
        %dma_start3A_45 = arith.constant 0 : i32
        %dma_start3A_46 = arith.constant 0 : i32
        %dma_start3A_47 = tpu.memref_slice %dma_start3A_44[%dma_start3A_45, %dma_start3A_46] : memref<10240x128xbf16, #tpu.memory_space<hbm>> -> memref<10240x128xbf16, #tpu.memory_space<hbm>>
        tpu.enqueue_indirect_dma source(%dma_start3A_47 : memref<10240x128xbf16, #tpu.memory_space<hbm>>) target(%arg9 : memref<128x128xbf16, #tpu.memory_space<vmem>>) offsets(%dma_start3A_40 : memref<128xi32, #tpu.memory_space<vmem>>) semaphore(%arg11 : memref<!tpu.dma_semaphore, #tpu.memory_space<semaphore_mem>>)
        %dma_wait3A = arith.constant 0 : i32
        %dma_wait3A_48 = tpu.memref_slice %arg7[%scan3A_38, %dma_wait3A] : memref<157x128xi32, #tpu.memory_space<vmem>> -> memref<1x128xi32, #tpu.memory_space<vmem>>
        %dma_wait3A_49 = tpu.memref_squeeze %dma_wait3A_48 : memref<1x128xi32, #tpu.memory_space<vmem>> -> memref<128xi32, #tpu.memory_space<vmem>>
        %dma_wait3A_50 = arith.constant 0 : i32
        %dma_wait3A_51 = arith.constant 0 : i32
        %dma_wait3A_52 = tpu.memref_slice %arg2[%scan3A_17, %dma_wait3A_50, %dma_wait3A_51] : memref<2x10240x128xbf16, #tpu.memory_space<hbm>> -> memref<1x10240x128xbf16, #tpu.memory_space<hbm>>
        %dma_wait3A_53 = tpu.memref_squeeze %dma_wait3A_52 : memref<1x10240x128xbf16, #tpu.memory_space<hbm>> -> memref<10240x128xbf16, #tpu.memory_space<hbm>>
        %dma_wait3A_54 = arith.constant 0 : i32
        %dma_wait3A_55 = arith.constant 0 : i32
        %dma_wait3A_56 = tpu.memref_slice %dma_wait3A_53[%dma_wait3A_54, %dma_wait3A_55] : memref<10240x128xbf16, #tpu.memory_space<hbm>> -> memref<10240x128xbf16, #tpu.memory_space<hbm>>
        tpu.wait_indirect_dma semaphore(%arg11 : memref<!tpu.dma_semaphore, #tpu.memory_space<semaphore_mem>>) src(%dma_wait3A_56 : memref<10240x128xbf16, #tpu.memory_space<hbm>>) dst(%arg9 : memref<128x128xbf16, #tpu.memory_space<vmem>>)
        "tpu.region"() ({
          %run_scoped3A_57 = tpu.sem_alloc : memref<!tpu.dma_semaphore, #tpu.memory_space<semaphore_mem>>
          %dma_start3A_58 = arith.constant 0 : i32
          %dma_start3A_59 = tpu.memref_slice %arg8[%scan3A_38, %dma_start3A_58] : memref<157x128xi32, #tpu.memory_space<vmem>> -> memref<1x128xi32, #tpu.memory_space<vmem>>
          %dma_start3A_60 = tpu.memref_squeeze %dma_start3A_59 : memref<1x128xi32, #tpu.memory_space<vmem>> -> memref<128xi32, #tpu.memory_space<vmem>>
          %dma_start3A_61 = arith.constant 0 : i32
          %dma_start3A_62 = arith.constant 0 : i32
          %dma_start3A_63 = tpu.memref_slice %arg10[%dma_start3A_61, %dma_start3A_62] : memref<10240x128xbf16, #tpu.memory_space<vmem_shared>> -> memref<10240x128xbf16, #tpu.memory_space<vmem_shared>>
          tpu.enqueue_indirect_dma source(%arg9 : memref<128x128xbf16, #tpu.memory_space<vmem>>) target(%dma_start3A_63 : memref<10240x128xbf16, #tpu.memory_space<vmem_shared>>) offsets(%dma_start3A_60 : memref<128xi32, #tpu.memory_space<vmem>>) semaphore(%run_scoped3A_57 : memref<!tpu.dma_semaphore, #tpu.memory_space<semaphore_mem>>) {add = true}
          %dma_wait3A_64 = arith.constant 0 : i32
          %dma_wait3A_65 = tpu.memref_slice %arg8[%scan3A_38, %dma_wait3A_64] : memref<157x128xi32, #tpu.memory_space<vmem>> -> memref<1x128xi32, #tpu.memory_space<vmem>>
          %dma_wait3A_66 = tpu.memref_squeeze %dma_wait3A_65 : memref<1x128xi32, #tpu.memory_space<vmem>> -> memref<128xi32, #tpu.memory_space<vmem>>
          %dma_wait3A_67 = arith.constant 0 : i32
          %dma_wait3A_68 = arith.constant 0 : i32
          %dma_wait3A_69 = tpu.memref_slice %arg10[%dma_wait3A_67, %dma_wait3A_68] : memref<10240x128xbf16, #tpu.memory_space<vmem_shared>> -> memref<10240x128xbf16, #tpu.memory_space<vmem_shared>>
          tpu.wait_indirect_dma semaphore(%run_scoped3A_57 : memref<!tpu.dma_semaphore, #tpu.memory_space<semaphore_mem>>) src(%arg9 : memref<128x128xbf16, #tpu.memory_space<vmem>>) dst(%dma_wait3A_69 : memref<10240x128xbf16, #tpu.memory_space<vmem_shared>>)
          tpu.yield
        }) : () -> ()
      }
      %scan3A_22 = arith.constant 157 : i32
      %barrier3A_23 = arith.constant 0 : index
      tpu.barrier barrier_id(%barrier3A_23)
      %add3A_24 = arith.constant 0 : i32
      %add3A_25 = arith.addi %mul3A_0, %add3A_24 : i32
      %run_scoped3A = arith.constant 1 : i32
      "tpu.region"() ({
        %run_scoped3A_38 = tpu.sem_alloc : memref<!tpu.dma_semaphore, #tpu.memory_space<semaphore_mem>>
        %dma_start3A = arith.constant 0 : i32
        %dma_start3A_39 = arith.constant 0 : i32
        %dma_start3A_40 = tpu.memref_slice %arg6[%run_scoped3A, %dma_start3A, %dma_start3A_39] : memref<2x10240x128xbf16, #tpu.memory_space<hbm>> -> memref<1x10240x128xbf16, #tpu.memory_space<hbm>>
        %dma_start3A_41 = tpu.memref_squeeze %dma_start3A_40 : memref<1x10240x128xbf16, #tpu.memory_space<hbm>> -> memref<10240x128xbf16, #tpu.memory_space<hbm>>
        %dma_start3A_42 = arith.constant 0 : i32
        %dma_start3A_43 = tpu.memref_slice %dma_start3A_41[%add3A_25, %dma_start3A_42] : memref<10240x128xbf16, #tpu.memory_space<hbm>> -> memref<128x128xbf16, #tpu.memory_space<hbm>>
        %dma_start3A_44 = arith.constant 0 : i32
        %dma_start3A_45 = tpu.memref_slice %arg10[%add3A_25, %dma_start3A_44] : memref<10240x128xbf16, #tpu.memory_space<vmem_shared>> -> memref<128x128xbf16, #tpu.memory_space<vmem_shared>>
        tpu.enqueue_dma source(%dma_start3A_45 : memref<128x128xbf16, #tpu.memory_space<vmem_shared>>) target(%dma_start3A_43 : memref<128x128xbf16, #tpu.memory_space<hbm>>) target_semaphore(%run_scoped3A_38 : memref<!tpu.dma_semaphore, #tpu.memory_space<semaphore_mem>>)
        %dma_wait3A = arith.constant 0 : i32
        %dma_wait3A_46 = arith.constant 0 : i32
        %dma_wait3A_47 = tpu.memref_slice %arg6[%run_scoped3A, %dma_wait3A, %dma_wait3A_46] : memref<2x10240x128xbf16, #tpu.memory_space<hbm>> -> memref<1x10240x128xbf16, #tpu.memory_space<hbm>>
        %dma_wait3A_48 = tpu.memref_squeeze %dma_wait3A_47 : memref<1x10240x128xbf16, #tpu.memory_space<hbm>> -> memref<10240x128xbf16, #tpu.memory_space<hbm>>
        %dma_wait3A_49 = arith.constant 0 : i32
        %dma_wait3A_50 = tpu.memref_slice %dma_wait3A_48[%add3A_25, %dma_wait3A_49] : memref<10240x128xbf16, #tpu.memory_space<hbm>> -> memref<128x128xbf16, #tpu.memory_space<hbm>>
        %dma_wait3A_51 = arith.constant 0 : i32
        %dma_wait3A_52 = tpu.memref_slice %arg10[%add3A_25, %dma_wait3A_51] : memref<10240x128xbf16, #tpu.memory_space<vmem_shared>> -> memref<128x128xbf16, #tpu.memory_space<vmem_shared>>
        tpu.wait_dma2 semaphore(%run_scoped3A_38 : memref<!tpu.dma_semaphore, #tpu.memory_space<semaphore_mem>>) src(%dma_wait3A_52 : memref<128x128xbf16, #tpu.memory_space<vmem_shared>>) dst(%dma_wait3A_50 : memref<128x128xbf16, #tpu.memory_space<hbm>>)
        tpu.yield
      }) : () -> ()
      %add3A_26 = arith.constant 128 : i32
      %add3A_27 = arith.addi %mul3A_0, %add3A_26 : i32
      %run_scoped3A_28 = arith.constant 1 : i32
      "tpu.region"() ({
        %run_scoped3A_38 = tpu.sem_alloc : memref<!tpu.dma_semaphore, #tpu.memory_space<semaphore_mem>>
        %dma_start3A = arith.constant 0 : i32
        %dma_start3A_39 = arith.constant 0 : i32
        %dma_start3A_40 = tpu.memref_slice %arg6[%run_scoped3A_28, %dma_start3A, %dma_start3A_39] : memref<2x10240x128xbf16, #tpu.memory_space<hbm>> -> memref<1x10240x128xbf16, #tpu.memory_space<hbm>>
        %dma_start3A_41 = tpu.memref_squeeze %dma_start3A_40 : memref<1x10240x128xbf16, #tpu.memory_space<hbm>> -> memref<10240x128xbf16, #tpu.memory_space<hbm>>
        %dma_start3A_42 = arith.constant 0 : i32
        %dma_start3A_43 = tpu.memref_slice %dma_start3A_41[%add3A_27, %dma_start3A_42] : memref<10240x128xbf16, #tpu.memory_space<hbm>> -> memref<128x128xbf16, #tpu.memory_space<hbm>>
        %dma_start3A_44 = arith.constant 0 : i32
        %dma_start3A_45 = tpu.memref_slice %arg10[%add3A_27, %dma_start3A_44] : memref<10240x128xbf16, #tpu.memory_space<vmem_shared>> -> memref<128x128xbf16, #tpu.memory_space<vmem_shared>>
        tpu.enqueue_dma source(%dma_start3A_45 : memref<128x128xbf16, #tpu.memory_space<vmem_shared>>) target(%dma_start3A_43 : memref<128x128xbf16, #tpu.memory_space<hbm>>) target_semaphore(%run_scoped3A_38 : memref<!tpu.dma_semaphore, #tpu.memory_space<semaphore_mem>>)
        %dma_wait3A = arith.constant 0 : i32
        %dma_wait3A_46 = arith.constant 0 : i32
        %dma_wait3A_47 = tpu.memref_slice %arg6[%run_scoped3A_28, %dma_wait3A, %dma_wait3A_46] : memref<2x10240x128xbf16, #tpu.memory_space<hbm>> -> memref<1x10240x128xbf16, #tpu.memory_space<hbm>>
        %dma_wait3A_48 = tpu.memref_squeeze %dma_wait3A_47 : memref<1x10240x128xbf16, #tpu.memory_space<hbm>> -> memref<10240x128xbf16, #tpu.memory_space<hbm>>
        %dma_wait3A_49 = arith.constant 0 : i32
        %dma_wait3A_50 = tpu.memref_slice %dma_wait3A_48[%add3A_27, %dma_wait3A_49] : memref<10240x128xbf16, #tpu.memory_space<hbm>> -> memref<128x128xbf16, #tpu.memory_space<hbm>>
        %dma_wait3A_51 = arith.constant 0 : i32
        %dma_wait3A_52 = tpu.memref_slice %arg10[%add3A_27, %dma_wait3A_51] : memref<10240x128xbf16, #tpu.memory_space<vmem_shared>> -> memref<128x128xbf16, #tpu.memory_space<vmem_shared>>
        tpu.wait_dma2 semaphore(%run_scoped3A_38 : memref<!tpu.dma_semaphore, #tpu.memory_space<semaphore_mem>>) src(%dma_wait3A_52 : memref<128x128xbf16, #tpu.memory_space<vmem_shared>>) dst(%dma_wait3A_50 : memref<128x128xbf16, #tpu.memory_space<hbm>>)
        tpu.yield
      }) : () -> ()
      %add3A_29 = arith.constant 256 : i32
      %add3A_30 = arith.addi %mul3A_0, %add3A_29 : i32
      %run_scoped3A_31 = arith.constant 1 : i32
      "tpu.region"() ({
        %run_scoped3A_38 = tpu.sem_alloc : memref<!tpu.dma_semaphore, #tpu.memory_space<semaphore_mem>>
        %dma_start3A = arith.constant 0 : i32
        %dma_start3A_39 = arith.constant 0 : i32
        %dma_start3A_40 = tpu.memref_slice %arg6[%run_scoped3A_31, %dma_start3A, %dma_start3A_39] : memref<2x10240x128xbf16, #tpu.memory_space<hbm>> -> memref<1x10240x128xbf16, #tpu.memory_space<hbm>>
        %dma_start3A_41 = tpu.memref_squeeze %dma_start3A_40 : memref<1x10240x128xbf16, #tpu.memory_space<hbm>> -> memref<10240x128xbf16, #tpu.memory_space<hbm>>
        %dma_start3A_42 = arith.constant 0 : i32
        %dma_start3A_43 = tpu.memref_slice %dma_start3A_41[%add3A_30, %dma_start3A_42] : memref<10240x128xbf16, #tpu.memory_space<hbm>> -> memref<128x128xbf16, #tpu.memory_space<hbm>>
        %dma_start3A_44 = arith.constant 0 : i32
        %dma_start3A_45 = tpu.memref_slice %arg10[%add3A_30, %dma_start3A_44] : memref<10240x128xbf16, #tpu.memory_space<vmem_shared>> -> memref<128x128xbf16, #tpu.memory_space<vmem_shared>>
        tpu.enqueue_dma source(%dma_start3A_45 : memref<128x128xbf16, #tpu.memory_space<vmem_shared>>) target(%dma_start3A_43 : memref<128x128xbf16, #tpu.memory_space<hbm>>) target_semaphore(%run_scoped3A_38 : memref<!tpu.dma_semaphore, #tpu.memory_space<semaphore_mem>>)
        %dma_wait3A = arith.constant 0 : i32
        %dma_wait3A_46 = arith.constant 0 : i32
        %dma_wait3A_47 = tpu.memref_slice %arg6[%run_scoped3A_31, %dma_wait3A, %dma_wait3A_46] : memref<2x10240x128xbf16, #tpu.memory_space<hbm>> -> memref<1x10240x128xbf16, #tpu.memory_space<hbm>>
        %dma_wait3A_48 = tpu.memref_squeeze %dma_wait3A_47 : memref<1x10240x128xbf16, #tpu.memory_space<hbm>> -> memref<10240x128xbf16, #tpu.memory_space<hbm>>
        %dma_wait3A_49 = arith.constant 0 : i32
        %dma_wait3A_50 = tpu.memref_slice %dma_wait3A_48[%add3A_30, %dma_wait3A_49] : memref<10240x128xbf16, #tpu.memory_space<hbm>> -> memref<128x128xbf16, #tpu.memory_space<hbm>>
        %dma_wait3A_51 = arith.constant 0 : i32
        %dma_wait3A_52 = tpu.memref_slice %arg10[%add3A_30, %dma_wait3A_51] : memref<10240x128xbf16, #tpu.memory_space<vmem_shared>> -> memref<128x128xbf16, #tpu.memory_space<vmem_shared>>
        tpu.wait_dma2 semaphore(%run_scoped3A_38 : memref<!tpu.dma_semaphore, #tpu.memory_space<semaphore_mem>>) src(%dma_wait3A_52 : memref<128x128xbf16, #tpu.memory_space<vmem_shared>>) dst(%dma_wait3A_50 : memref<128x128xbf16, #tpu.memory_space<hbm>>)
        tpu.yield
      }) : () -> ()
      %add3A_32 = arith.constant 384 : i32
      %add3A_33 = arith.addi %mul3A_0, %add3A_32 : i32
      %run_scoped3A_34 = arith.constant 1 : i32
      "tpu.region"() ({
        %run_scoped3A_38 = tpu.sem_alloc : memref<!tpu.dma_semaphore, #tpu.memory_space<semaphore_mem>>
        %dma_start3A = arith.constant 0 : i32
        %dma_start3A_39 = arith.constant 0 : i32
        %dma_start3A_40 = tpu.memref_slice %arg6[%run_scoped3A_34, %dma_start3A, %dma_start3A_39] : memref<2x10240x128xbf16, #tpu.memory_space<hbm>> -> memref<1x10240x128xbf16, #tpu.memory_space<hbm>>
        %dma_start3A_41 = tpu.memref_squeeze %dma_start3A_40 : memref<1x10240x128xbf16, #tpu.memory_space<hbm>> -> memref<10240x128xbf16, #tpu.memory_space<hbm>>
        %dma_start3A_42 = arith.constant 0 : i32
        %dma_start3A_43 = tpu.memref_slice %dma_start3A_41[%add3A_33, %dma_start3A_42] : memref<10240x128xbf16, #tpu.memory_space<hbm>> -> memref<128x128xbf16, #tpu.memory_space<hbm>>
        %dma_start3A_44 = arith.constant 0 : i32
        %dma_start3A_45 = tpu.memref_slice %arg10[%add3A_33, %dma_start3A_44] : memref<10240x128xbf16, #tpu.memory_space<vmem_shared>> -> memref<128x128xbf16, #tpu.memory_space<vmem_shared>>
        tpu.enqueue_dma source(%dma_start3A_45 : memref<128x128xbf16, #tpu.memory_space<vmem_shared>>) target(%dma_start3A_43 : memref<128x128xbf16, #tpu.memory_space<hbm>>) target_semaphore(%run_scoped3A_38 : memref<!tpu.dma_semaphore, #tpu.memory_space<semaphore_mem>>)
        %dma_wait3A = arith.constant 0 : i32
        %dma_wait3A_46 = arith.constant 0 : i32
        %dma_wait3A_47 = tpu.memref_slice %arg6[%run_scoped3A_34, %dma_wait3A, %dma_wait3A_46] : memref<2x10240x128xbf16, #tpu.memory_space<hbm>> -> memref<1x10240x128xbf16, #tpu.memory_space<hbm>>
        %dma_wait3A_48 = tpu.memref_squeeze %dma_wait3A_47 : memref<1x10240x128xbf16, #tpu.memory_space<hbm>> -> memref<10240x128xbf16, #tpu.memory_space<hbm>>
        %dma_wait3A_49 = arith.constant 0 : i32
        %dma_wait3A_50 = tpu.memref_slice %dma_wait3A_48[%add3A_33, %dma_wait3A_49] : memref<10240x128xbf16, #tpu.memory_space<hbm>> -> memref<128x128xbf16, #tpu.memory_space<hbm>>
        %dma_wait3A_51 = arith.constant 0 : i32
        %dma_wait3A_52 = tpu.memref_slice %arg10[%add3A_33, %dma_wait3A_51] : memref<10240x128xbf16, #tpu.memory_space<vmem_shared>> -> memref<128x128xbf16, #tpu.memory_space<vmem_shared>>
        tpu.wait_dma2 semaphore(%run_scoped3A_38 : memref<!tpu.dma_semaphore, #tpu.memory_space<semaphore_mem>>) src(%dma_wait3A_52 : memref<128x128xbf16, #tpu.memory_space<vmem_shared>>) dst(%dma_wait3A_50 : memref<128x128xbf16, #tpu.memory_space<hbm>>)
        tpu.yield
      }) : () -> ()
      %add3A_35 = arith.constant 512 : i32
      %add3A_36 = arith.addi %mul3A_0, %add3A_35 : i32
      %run_scoped3A_37 = arith.constant 1 : i32
      "tpu.region"() ({
        %run_scoped3A_38 = tpu.sem_alloc : memref<!tpu.dma_semaphore, #tpu.memory_space<semaphore_mem>>
        %dma_start3A = arith.constant 0 : i32
        %dma_start3A_39 = arith.constant 0 : i32
        %dma_start3A_40 = tpu.memref_slice %arg6[%run_scoped3A_37, %dma_start3A, %dma_start3A_39] : memref<2x10240x128xbf16, #tpu.memory_space<hbm>> -> memref<1x10240x128xbf16, #tpu.memory_space<hbm>>
        %dma_start3A_41 = tpu.memref_squeeze %dma_start3A_40 : memref<1x10240x128xbf16, #tpu.memory_space<hbm>> -> memref<10240x128xbf16, #tpu.memory_space<hbm>>
        %dma_start3A_42 = arith.constant 0 : i32
        %dma_start3A_43 = tpu.memref_slice %dma_start3A_41[%add3A_36, %dma_start3A_42] : memref<10240x128xbf16, #tpu.memory_space<hbm>> -> memref<128x128xbf16, #tpu.memory_space<hbm>>
        %dma_start3A_44 = arith.constant 0 : i32
        %dma_start3A_45 = tpu.memref_slice %arg10[%add3A_36, %dma_start3A_44] : memref<10240x128xbf16, #tpu.memory_space<vmem_shared>> -> memref<128x128xbf16, #tpu.memory_space<vmem_shared>>
        tpu.enqueue_dma source(%dma_start3A_45 : memref<128x128xbf16, #tpu.memory_space<vmem_shared>>) target(%dma_start3A_43 : memref<128x128xbf16, #tpu.memory_space<hbm>>) target_semaphore(%run_scoped3A_38 : memref<!tpu.dma_semaphore, #tpu.memory_space<semaphore_mem>>)
        %dma_wait3A = arith.constant 0 : i32
        %dma_wait3A_46 = arith.constant 0 : i32
        %dma_wait3A_47 = tpu.memref_slice %arg6[%run_scoped3A_37, %dma_wait3A, %dma_wait3A_46] : memref<2x10240x128xbf16, #tpu.memory_space<hbm>> -> memref<1x10240x128xbf16, #tpu.memory_space<hbm>>
        %dma_wait3A_48 = tpu.memref_squeeze %dma_wait3A_47 : memref<1x10240x128xbf16, #tpu.memory_space<hbm>> -> memref<10240x128xbf16, #tpu.memory_space<hbm>>
        %dma_wait3A_49 = arith.constant 0 : i32
        %dma_wait3A_50 = tpu.memref_slice %dma_wait3A_48[%add3A_36, %dma_wait3A_49] : memref<10240x128xbf16, #tpu.memory_space<hbm>> -> memref<128x128xbf16, #tpu.memory_space<hbm>>
        %dma_wait3A_51 = arith.constant 0 : i32
        %dma_wait3A_52 = tpu.memref_slice %arg10[%add3A_36, %dma_wait3A_51] : memref<10240x128xbf16, #tpu.memory_space<vmem_shared>> -> memref<128x128xbf16, #tpu.memory_space<vmem_shared>>
        tpu.wait_dma2 semaphore(%run_scoped3A_38 : memref<!tpu.dma_semaphore, #tpu.memory_space<semaphore_mem>>) src(%dma_wait3A_52 : memref<128x128xbf16, #tpu.memory_space<vmem_shared>>) dst(%dma_wait3A_50 : memref<128x128xbf16, #tpu.memory_space<hbm>>)
        tpu.yield
      }) : () -> ()
    } else {
    }
    return
  }
}

#map = affine_map<(d0, d1) -> (0, 0, 0)>
#map1 = affine_map<(d0, d1) -> (0, 0)>
module attributes {stable_mosaic.version = 14 : i64} {
  func.func @aprop(%arg0: i32, %arg1: i32, %arg2: memref<2x10240x128xbf16, #tpu.memory_space<hbm>>, %arg3: memref<16x157x128xi32, #tpu.memory_space<hbm>>, %arg4: memref<16x157x128xi32, #tpu.memory_space<hbm>>, %arg5: memref<128x128xbf16, #tpu.memory_space<hbm>>, %arg6: memref<2x10240x128xbf16, #tpu.memory_space<hbm>>, %arg7: memref<157x128xi32, #tpu.memory_space<vmem>>, %arg8: memref<157x128xi32, #tpu.memory_space<vmem>>, %arg9: memref<128x128xbf16, #tpu.memory_space<vmem>>, %arg10: memref<10240x128xbf16, #tpu.memory_space<vmem_shared>>, %arg11: memref<!tpu.dma_semaphore, #tpu.memory_space<semaphore_mem>>) attributes {dimension_semantics = [#tpu.dimension_semantics<core_parallel>, #tpu.dimension_semantics<subcore_parallel>], iteration_bounds = array<i64: 2, 16>, scalar_prefetch = 0 : i64, scratch_operands = 5 : i64, tpu.core_type = #tpu.core_type<sc_vector_subcore>, window_params = [{transform_indices = #map}, {transform_indices = #map}, {transform_indices = #map}, {transform_indices = #map1}, {transform_indices = #map}]} {
    "tpu.region"() ({
      %run_scoped3A = tpu.sem_alloc : memref<!tpu.dma_semaphore, #tpu.memory_space<semaphore_mem>>
      %dma_start3A = arith.constant 0 : i32
      %dma_start3A_17 = arith.constant 0 : i32
      %dma_start3A_18 = tpu.memref_slice %arg3[%arg1, %dma_start3A, %dma_start3A_17] : memref<16x157x128xi32, #tpu.memory_space<hbm>> -> memref<1x157x128xi32, #tpu.memory_space<hbm>>
      %dma_start3A_19 = tpu.memref_squeeze %dma_start3A_18 : memref<1x157x128xi32, #tpu.memory_space<hbm>> -> memref<157x128xi32, #tpu.memory_space<hbm>>
      %dma_start3A_20 = arith.constant 0 : i32
      %dma_start3A_21 = arith.constant 0 : i32
      %dma_start3A_22 = tpu.memref_slice %arg3[%arg1, %dma_start3A_20, %dma_start3A_21] : memref<16x157x128xi32, #tpu.memory_space<hbm>> -> memref<1x157x128xi32, #tpu.memory_space<hbm>>
      %dma_start3A_23 = tpu.memref_squeeze %dma_start3A_22 : memref<1x157x128xi32, #tpu.memory_space<hbm>> -> memref<157x128xi32, #tpu.memory_space<hbm>>
      tpu.enqueue_dma source(%dma_start3A_23 : memref<157x128xi32, #tpu.memory_space<hbm>>) target(%arg7 : memref<157x128xi32, #tpu.memory_space<vmem>>) target_semaphore(%run_scoped3A : memref<!tpu.dma_semaphore, #tpu.memory_space<semaphore_mem>>)
      %dma_wait3A = arith.constant 0 : i32
      %dma_wait3A_24 = arith.constant 0 : i32
      %dma_wait3A_25 = tpu.memref_slice %arg3[%arg1, %dma_wait3A, %dma_wait3A_24] : memref<16x157x128xi32, #tpu.memory_space<hbm>> -> memref<1x157x128xi32, #tpu.memory_space<hbm>>
      %dma_wait3A_26 = tpu.memref_squeeze %dma_wait3A_25 : memref<1x157x128xi32, #tpu.memory_space<hbm>> -> memref<157x128xi32, #tpu.memory_space<hbm>>
      %dma_wait3A_27 = arith.constant 0 : i32
      %dma_wait3A_28 = arith.constant 0 : i32
      %dma_wait3A_29 = tpu.memref_slice %arg3[%arg1, %dma_wait3A_27, %dma_wait3A_28] : memref<16x157x128xi32, #tpu.memory_space<hbm>> -> memref<1x157x128xi32, #tpu.memory_space<hbm>>
      %dma_wait3A_30 = tpu.memref_squeeze %dma_wait3A_29 : memref<1x157x128xi32, #tpu.memory_space<hbm>> -> memref<157x128xi32, #tpu.memory_space<hbm>>
      tpu.wait_dma2 semaphore(%run_scoped3A : memref<!tpu.dma_semaphore, #tpu.memory_space<semaphore_mem>>) src(%dma_wait3A_30 : memref<157x128xi32, #tpu.memory_space<hbm>>) dst(%arg7 : memref<157x128xi32, #tpu.memory_space<vmem>>)
      tpu.yield
    }) : () -> ()
    "tpu.region"() ({
      %run_scoped3A = tpu.sem_alloc : memref<!tpu.dma_semaphore, #tpu.memory_space<semaphore_mem>>
      %dma_start3A = arith.constant 0 : i32
      %dma_start3A_17 = arith.constant 0 : i32
      %dma_start3A_18 = tpu.memref_slice %arg4[%arg1, %dma_start3A, %dma_start3A_17] : memref<16x157x128xi32, #tpu.memory_space<hbm>> -> memref<1x157x128xi32, #tpu.memory_space<hbm>>
      %dma_start3A_19 = tpu.memref_squeeze %dma_start3A_18 : memref<1x157x128xi32, #tpu.memory_space<hbm>> -> memref<157x128xi32, #tpu.memory_space<hbm>>
      %dma_start3A_20 = arith.constant 0 : i32
      %dma_start3A_21 = arith.constant 0 : i32
      %dma_start3A_22 = tpu.memref_slice %arg4[%arg1, %dma_start3A_20, %dma_start3A_21] : memref<16x157x128xi32, #tpu.memory_space<hbm>> -> memref<1x157x128xi32, #tpu.memory_space<hbm>>
      %dma_start3A_23 = tpu.memref_squeeze %dma_start3A_22 : memref<1x157x128xi32, #tpu.memory_space<hbm>> -> memref<157x128xi32, #tpu.memory_space<hbm>>
      tpu.enqueue_dma source(%dma_start3A_23 : memref<157x128xi32, #tpu.memory_space<hbm>>) target(%arg8 : memref<157x128xi32, #tpu.memory_space<vmem>>) target_semaphore(%run_scoped3A : memref<!tpu.dma_semaphore, #tpu.memory_space<semaphore_mem>>)
      %dma_wait3A = arith.constant 0 : i32
      %dma_wait3A_24 = arith.constant 0 : i32
      %dma_wait3A_25 = tpu.memref_slice %arg4[%arg1, %dma_wait3A, %dma_wait3A_24] : memref<16x157x128xi32, #tpu.memory_space<hbm>> -> memref<1x157x128xi32, #tpu.memory_space<hbm>>
      %dma_wait3A_26 = tpu.memref_squeeze %dma_wait3A_25 : memref<1x157x128xi32, #tpu.memory_space<hbm>> -> memref<157x128xi32, #tpu.memory_space<hbm>>
      %dma_wait3A_27 = arith.constant 0 : i32
      %dma_wait3A_28 = arith.constant 0 : i32
      %dma_wait3A_29 = tpu.memref_slice %arg4[%arg1, %dma_wait3A_27, %dma_wait3A_28] : memref<16x157x128xi32, #tpu.memory_space<hbm>> -> memref<1x157x128xi32, #tpu.memory_space<hbm>>
      %dma_wait3A_30 = tpu.memref_squeeze %dma_wait3A_29 : memref<1x157x128xi32, #tpu.memory_space<hbm>> -> memref<157x128xi32, #tpu.memory_space<hbm>>
      tpu.wait_dma2 semaphore(%run_scoped3A : memref<!tpu.dma_semaphore, #tpu.memory_space<semaphore_mem>>) src(%dma_wait3A_30 : memref<157x128xi32, #tpu.memory_space<hbm>>) dst(%arg8 : memref<157x128xi32, #tpu.memory_space<vmem>>)
      tpu.yield
    }) : () -> ()
    %mul3A = arith.constant 640 : i32
    %mul3A_0 = arith.muli %arg1, %mul3A : i32
    "tpu.region"() ({
      %run_scoped3A = tpu.sem_alloc : memref<!tpu.dma_semaphore, #tpu.memory_space<semaphore_mem>>
      tpu.enqueue_dma source(%arg5 : memref<128x128xbf16, #tpu.memory_space<hbm>>) target(%arg9 : memref<128x128xbf16, #tpu.memory_space<vmem>>) target_semaphore(%run_scoped3A : memref<!tpu.dma_semaphore, #tpu.memory_space<semaphore_mem>>)
      tpu.wait_dma2 semaphore(%run_scoped3A : memref<!tpu.dma_semaphore, #tpu.memory_space<semaphore_mem>>) src(%arg5 : memref<128x128xbf16, #tpu.memory_space<hbm>>) dst(%arg9 : memref<128x128xbf16, #tpu.memory_space<vmem>>)
      tpu.yield
    }) : () -> ()
    %add3A = arith.constant 0 : i32
    %add3A_1 = arith.addi %mul3A_0, %add3A : i32
    "tpu.region"() ({
      %run_scoped3A = tpu.sem_alloc : memref<!tpu.dma_semaphore, #tpu.memory_space<semaphore_mem>>
      %dma_start3A = arith.constant 0 : i32
      %dma_start3A_17 = tpu.memref_slice %arg10[%add3A_1, %dma_start3A] : memref<10240x128xbf16, #tpu.memory_space<vmem_shared>> -> memref<128x128xbf16, #tpu.memory_space<vmem_shared>>
      %dma_start3A_18 = arith.constant 0 : i32
      %dma_start3A_19 = tpu.memref_slice %arg10[%add3A_1, %dma_start3A_18] : memref<10240x128xbf16, #tpu.memory_space<vmem_shared>> -> memref<128x128xbf16, #tpu.memory_space<vmem_shared>>
      tpu.enqueue_dma source(%arg9 : memref<128x128xbf16, #tpu.memory_space<vmem>>) target(%dma_start3A_19 : memref<128x128xbf16, #tpu.memory_space<vmem_shared>>) target_semaphore(%run_scoped3A : memref<!tpu.dma_semaphore, #tpu.memory_space<semaphore_mem>>)
      %dma_wait3A = arith.constant 0 : i32
      %dma_wait3A_20 = tpu.memref_slice %arg10[%add3A_1, %dma_wait3A] : memref<10240x128xbf16, #tpu.memory_space<vmem_shared>> -> memref<128x128xbf16, #tpu.memory_space<vmem_shared>>
      %dma_wait3A_21 = arith.constant 0 : i32
      %dma_wait3A_22 = tpu.memref_slice %arg10[%add3A_1, %dma_wait3A_21] : memref<10240x128xbf16, #tpu.memory_space<vmem_shared>> -> memref<128x128xbf16, #tpu.memory_space<vmem_shared>>
      tpu.wait_dma2 semaphore(%run_scoped3A : memref<!tpu.dma_semaphore, #tpu.memory_space<semaphore_mem>>) src(%arg9 : memref<128x128xbf16, #tpu.memory_space<vmem>>) dst(%dma_wait3A_22 : memref<128x128xbf16, #tpu.memory_space<vmem_shared>>)
      tpu.yield
    }) : () -> ()
    %add3A_2 = arith.constant 128 : i32
    %add3A_3 = arith.addi %mul3A_0, %add3A_2 : i32
    "tpu.region"() ({
      %run_scoped3A = tpu.sem_alloc : memref<!tpu.dma_semaphore, #tpu.memory_space<semaphore_mem>>
      %dma_start3A = arith.constant 0 : i32
      %dma_start3A_17 = tpu.memref_slice %arg10[%add3A_3, %dma_start3A] : memref<10240x128xbf16, #tpu.memory_space<vmem_shared>> -> memref<128x128xbf16, #tpu.memory_space<vmem_shared>>
      %dma_start3A_18 = arith.constant 0 : i32
      %dma_start3A_19 = tpu.memref_slice %arg10[%add3A_3, %dma_start3A_18] : memref<10240x128xbf16, #tpu.memory_space<vmem_shared>> -> memref<128x128xbf16, #tpu.memory_space<vmem_shared>>
      tpu.enqueue_dma source(%arg9 : memref<128x128xbf16, #tpu.memory_space<vmem>>) target(%dma_start3A_19 : memref<128x128xbf16, #tpu.memory_space<vmem_shared>>) target_semaphore(%run_scoped3A : memref<!tpu.dma_semaphore, #tpu.memory_space<semaphore_mem>>)
      %dma_wait3A = arith.constant 0 : i32
      %dma_wait3A_20 = tpu.memref_slice %arg10[%add3A_3, %dma_wait3A] : memref<10240x128xbf16, #tpu.memory_space<vmem_shared>> -> memref<128x128xbf16, #tpu.memory_space<vmem_shared>>
      %dma_wait3A_21 = arith.constant 0 : i32
      %dma_wait3A_22 = tpu.memref_slice %arg10[%add3A_3, %dma_wait3A_21] : memref<10240x128xbf16, #tpu.memory_space<vmem_shared>> -> memref<128x128xbf16, #tpu.memory_space<vmem_shared>>
      tpu.wait_dma2 semaphore(%run_scoped3A : memref<!tpu.dma_semaphore, #tpu.memory_space<semaphore_mem>>) src(%arg9 : memref<128x128xbf16, #tpu.memory_space<vmem>>) dst(%dma_wait3A_22 : memref<128x128xbf16, #tpu.memory_space<vmem_shared>>)
      tpu.yield
    }) : () -> ()
    %add3A_4 = arith.constant 256 : i32
    %add3A_5 = arith.addi %mul3A_0, %add3A_4 : i32
    "tpu.region"() ({
      %run_scoped3A = tpu.sem_alloc : memref<!tpu.dma_semaphore, #tpu.memory_space<semaphore_mem>>
      %dma_start3A = arith.constant 0 : i32
      %dma_start3A_17 = tpu.memref_slice %arg10[%add3A_5, %dma_start3A] : memref<10240x128xbf16, #tpu.memory_space<vmem_shared>> -> memref<128x128xbf16, #tpu.memory_space<vmem_shared>>
      %dma_start3A_18 = arith.constant 0 : i32
      %dma_start3A_19 = tpu.memref_slice %arg10[%add3A_5, %dma_start3A_18] : memref<10240x128xbf16, #tpu.memory_space<vmem_shared>> -> memref<128x128xbf16, #tpu.memory_space<vmem_shared>>
      tpu.enqueue_dma source(%arg9 : memref<128x128xbf16, #tpu.memory_space<vmem>>) target(%dma_start3A_19 : memref<128x128xbf16, #tpu.memory_space<vmem_shared>>) target_semaphore(%run_scoped3A : memref<!tpu.dma_semaphore, #tpu.memory_space<semaphore_mem>>)
      %dma_wait3A = arith.constant 0 : i32
      %dma_wait3A_20 = tpu.memref_slice %arg10[%add3A_5, %dma_wait3A] : memref<10240x128xbf16, #tpu.memory_space<vmem_shared>> -> memref<128x128xbf16, #tpu.memory_space<vmem_shared>>
      %dma_wait3A_21 = arith.constant 0 : i32
      %dma_wait3A_22 = tpu.memref_slice %arg10[%add3A_5, %dma_wait3A_21] : memref<10240x128xbf16, #tpu.memory_space<vmem_shared>> -> memref<128x128xbf16, #tpu.memory_space<vmem_shared>>
      tpu.wait_dma2 semaphore(%run_scoped3A : memref<!tpu.dma_semaphore, #tpu.memory_space<semaphore_mem>>) src(%arg9 : memref<128x128xbf16, #tpu.memory_space<vmem>>) dst(%dma_wait3A_22 : memref<128x128xbf16, #tpu.memory_space<vmem_shared>>)
      tpu.yield
    }) : () -> ()
    %add3A_6 = arith.constant 384 : i32
    %add3A_7 = arith.addi %mul3A_0, %add3A_6 : i32
    "tpu.region"() ({
      %run_scoped3A = tpu.sem_alloc : memref<!tpu.dma_semaphore, #tpu.memory_space<semaphore_mem>>
      %dma_start3A = arith.constant 0 : i32
      %dma_start3A_17 = tpu.memref_slice %arg10[%add3A_7, %dma_start3A] : memref<10240x128xbf16, #tpu.memory_space<vmem_shared>> -> memref<128x128xbf16, #tpu.memory_space<vmem_shared>>
      %dma_start3A_18 = arith.constant 0 : i32
      %dma_start3A_19 = tpu.memref_slice %arg10[%add3A_7, %dma_start3A_18] : memref<10240x128xbf16, #tpu.memory_space<vmem_shared>> -> memref<128x128xbf16, #tpu.memory_space<vmem_shared>>
      tpu.enqueue_dma source(%arg9 : memref<128x128xbf16, #tpu.memory_space<vmem>>) target(%dma_start3A_19 : memref<128x128xbf16, #tpu.memory_space<vmem_shared>>) target_semaphore(%run_scoped3A : memref<!tpu.dma_semaphore, #tpu.memory_space<semaphore_mem>>)
      %dma_wait3A = arith.constant 0 : i32
      %dma_wait3A_20 = tpu.memref_slice %arg10[%add3A_7, %dma_wait3A] : memref<10240x128xbf16, #tpu.memory_space<vmem_shared>> -> memref<128x128xbf16, #tpu.memory_space<vmem_shared>>
      %dma_wait3A_21 = arith.constant 0 : i32
      %dma_wait3A_22 = tpu.memref_slice %arg10[%add3A_7, %dma_wait3A_21] : memref<10240x128xbf16, #tpu.memory_space<vmem_shared>> -> memref<128x128xbf16, #tpu.memory_space<vmem_shared>>
      tpu.wait_dma2 semaphore(%run_scoped3A : memref<!tpu.dma_semaphore, #tpu.memory_space<semaphore_mem>>) src(%arg9 : memref<128x128xbf16, #tpu.memory_space<vmem>>) dst(%dma_wait3A_22 : memref<128x128xbf16, #tpu.memory_space<vmem_shared>>)
      tpu.yield
    }) : () -> ()
    %add3A_8 = arith.constant 512 : i32
    %add3A_9 = arith.addi %mul3A_0, %add3A_8 : i32
    "tpu.region"() ({
      %run_scoped3A = tpu.sem_alloc : memref<!tpu.dma_semaphore, #tpu.memory_space<semaphore_mem>>
      %dma_start3A = arith.constant 0 : i32
      %dma_start3A_17 = tpu.memref_slice %arg10[%add3A_9, %dma_start3A] : memref<10240x128xbf16, #tpu.memory_space<vmem_shared>> -> memref<128x128xbf16, #tpu.memory_space<vmem_shared>>
      %dma_start3A_18 = arith.constant 0 : i32
      %dma_start3A_19 = tpu.memref_slice %arg10[%add3A_9, %dma_start3A_18] : memref<10240x128xbf16, #tpu.memory_space<vmem_shared>> -> memref<128x128xbf16, #tpu.memory_space<vmem_shared>>
      tpu.enqueue_dma source(%arg9 : memref<128x128xbf16, #tpu.memory_space<vmem>>) target(%dma_start3A_19 : memref<128x128xbf16, #tpu.memory_space<vmem_shared>>) target_semaphore(%run_scoped3A : memref<!tpu.dma_semaphore, #tpu.memory_space<semaphore_mem>>)
      %dma_wait3A = arith.constant 0 : i32
      %dma_wait3A_20 = tpu.memref_slice %arg10[%add3A_9, %dma_wait3A] : memref<10240x128xbf16, #tpu.memory_space<vmem_shared>> -> memref<128x128xbf16, #tpu.memory_space<vmem_shared>>
      %dma_wait3A_21 = arith.constant 0 : i32
      %dma_wait3A_22 = tpu.memref_slice %arg10[%add3A_9, %dma_wait3A_21] : memref<10240x128xbf16, #tpu.memory_space<vmem_shared>> -> memref<128x128xbf16, #tpu.memory_space<vmem_shared>>
      tpu.wait_dma2 semaphore(%run_scoped3A : memref<!tpu.dma_semaphore, #tpu.memory_space<semaphore_mem>>) src(%arg9 : memref<128x128xbf16, #tpu.memory_space<vmem>>) dst(%dma_wait3A_22 : memref<128x128xbf16, #tpu.memory_space<vmem_shared>>)
      tpu.yield
    }) : () -> ()
    %barrier3A = arith.constant 0 : index
    tpu.barrier barrier_id(%barrier3A)
    %eq3A = arith.constant 0 : i32
    %eq3A_10 = arith.cmpi eq, %arg0, %eq3A : i32
    %convert_element_type3A = arith.extui %eq3A_10 : i1 to i32
    %cond3A = arith.constant 0 : i32
    %cond3A_11 = arith.cmpi ne, %convert_element_type3A, %cond3A : i32
    scf.if %cond3A_11 {
      %scan3A = arith.constant 0 : i32
      %scan3A_17 = arith.constant 0 : i32
      %scan3A_18 = arith.constant 0 : i32
      %scan3A_19 = arith.constant 157 : i32
      %scan3A_20 = arith.addi %scan3A_18, %scan3A_19 : i32
      %scan3A_21 = arith.constant 1 : i32
      scf.for %scan3A_38 = %scan3A_18 to %scan3A_20 step %scan3A_21  : i32 {
        %dma_start3A = arith.constant 0 : i32
        %dma_start3A_39 = tpu.memref_slice %arg7[%scan3A_38, %dma_start3A] : memref<157x128xi32, #tpu.memory_space<vmem>> -> memref<1x128xi32, #tpu.memory_space<vmem>>
        %dma_start3A_40 = tpu.memref_squeeze %dma_start3A_39 : memref<1x128xi32, #tpu.memory_space<vmem>> -> memref<128xi32, #tpu.memory_space<vmem>>
        %dma_start3A_41 = arith.constant 0 : i32
        %dma_start3A_42 = arith.constant 0 : i32
        %dma_start3A_43 = tpu.memref_slice %arg2[%scan3A_17, %dma_start3A_41, %dma_start3A_42] : memref<2x10240x128xbf16, #tpu.memory_space<hbm>> -> memref<1x10240x128xbf16, #tpu.memory_space<hbm>>
        %dma_start3A_44 = tpu.memref_squeeze %dma_start3A_43 : memref<1x10240x128xbf16, #tpu.memory_space<hbm>> -> memref<10240x128xbf16, #tpu.memory_space<hbm>>
        %dma_start3A_45 = arith.constant 0 : i32
        %dma_start3A_46 = arith.constant 0 : i32
        %dma_start3A_47 = tpu.memref_slice %dma_start3A_44[%dma_start3A_45, %dma_start3A_46] : memref<10240x128xbf16, #tpu.memory_space<hbm>> -> memref<10240x128xbf16, #tpu.memory_space<hbm>>
        tpu.enqueue_indirect_dma source(%dma_start3A_47 : memref<10240x128xbf16, #tpu.memory_space<hbm>>) target(%arg9 : memref<128x128xbf16, #tpu.memory_space<vmem>>) offsets(%dma_start3A_40 : memref<128xi32, #tpu.memory_space<vmem>>) semaphore(%arg11 : memref<!tpu.dma_semaphore, #tpu.memory_space<semaphore_mem>>)
        %dma_wait3A = arith.constant 0 : i32
        %dma_wait3A_48 = tpu.memref_slice %arg7[%scan3A_38, %dma_wait3A] : memref<157x128xi32, #tpu.memory_space<vmem>> -> memref<1x128xi32, #tpu.memory_space<vmem>>
        %dma_wait3A_49 = tpu.memref_squeeze %dma_wait3A_48 : memref<1x128xi32, #tpu.memory_space<vmem>> -> memref<128xi32, #tpu.memory_space<vmem>>
        %dma_wait3A_50 = arith.constant 0 : i32
        %dma_wait3A_51 = arith.constant 0 : i32
        %dma_wait3A_52 = tpu.memref_slice %arg2[%scan3A_17, %dma_wait3A_50, %dma_wait3A_51] : memref<2x10240x128xbf16, #tpu.memory_space<hbm>> -> memref<1x10240x128xbf16, #tpu.memory_space<hbm>>
        %dma_wait3A_53 = tpu.memref_squeeze %dma_wait3A_52 : memref<1x10240x128xbf16, #tpu.memory_space<hbm>> -> memref<10240x128xbf16, #tpu.memory_space<hbm>>
        %dma_wait3A_54 = arith.constant 0 : i32
        %dma_wait3A_55 = arith.constant 0 : i32
        %dma_wait3A_56 = tpu.memref_slice %dma_wait3A_53[%dma_wait3A_54, %dma_wait3A_55] : memref<10240x128xbf16, #tpu.memory_space<hbm>> -> memref<10240x128xbf16, #tpu.memory_space<hbm>>
        tpu.wait_indirect_dma semaphore(%arg11 : memref<!tpu.dma_semaphore, #tpu.memory_space<semaphore_mem>>) src(%dma_wait3A_56 : memref<10240x128xbf16, #tpu.memory_space<hbm>>) dst(%arg9 : memref<128x128xbf16, #tpu.memory_space<vmem>>)
        "tpu.region"() ({
          %run_scoped3A_57 = tpu.sem_alloc : memref<!tpu.dma_semaphore, #tpu.memory_space<semaphore_mem>>
          %dma_start3A_58 = arith.constant 0 : i32
          %dma_start3A_59 = tpu.memref_slice %arg8[%scan3A_38, %dma_start3A_58] : memref<157x128xi32, #tpu.memory_space<vmem>> -> memref<1x128xi32, #tpu.memory_space<vmem>>
          %dma_start3A_60 = tpu.memref_squeeze %dma_start3A_59 : memref<1x128xi32, #tpu.memory_space<vmem>> -> memref<128xi32, #tpu.memory_space<vmem>>
          %dma_start3A_61 = arith.constant 0 : i32
          %dma_start3A_62 = arith.constant 0 : i32
          %dma_start3A_63 = tpu.memref_slice %arg10[%dma_start3A_61, %dma_start3A_62] : memref<10240x128xbf16, #tpu.memory_space<vmem_shared>> -> memref<10240x128xbf16, #tpu.memory_space<vmem_shared>>
          tpu.enqueue_indirect_dma source(%arg9 : memref<128x128xbf16, #tpu.memory_space<vmem>>) target(%dma_start3A_63 : memref<10240x128xbf16, #tpu.memory_space<vmem_shared>>) offsets(%dma_start3A_60 : memref<128xi32, #tpu.memory_space<vmem>>) semaphore(%run_scoped3A_57 : memref<!tpu.dma_semaphore, #tpu.memory_space<semaphore_mem>>) {add = true}
          %dma_wait3A_64 = arith.constant 0 : i32
          %dma_wait3A_65 = tpu.memref_slice %arg8[%scan3A_38, %dma_wait3A_64] : memref<157x128xi32, #tpu.memory_space<vmem>> -> memref<1x128xi32, #tpu.memory_space<vmem>>
          %dma_wait3A_66 = tpu.memref_squeeze %dma_wait3A_65 : memref<1x128xi32, #tpu.memory_space<vmem>> -> memref<128xi32, #tpu.memory_space<vmem>>
          %dma_wait3A_67 = arith.constant 0 : i32
          %dma_wait3A_68 = arith.constant 0 : i32
          %dma_wait3A_69 = tpu.memref_slice %arg10[%dma_wait3A_67, %dma_wait3A_68] : memref<10240x128xbf16, #tpu.memory_space<vmem_shared>> -> memref<10240x128xbf16, #tpu.memory_space<vmem_shared>>
          tpu.wait_indirect_dma semaphore(%run_scoped3A_57 : memref<!tpu.dma_semaphore, #tpu.memory_space<semaphore_mem>>) src(%arg9 : memref<128x128xbf16, #tpu.memory_space<vmem>>) dst(%dma_wait3A_69 : memref<10240x128xbf16, #tpu.memory_space<vmem_shared>>)
          tpu.yield
        }) : () -> ()
      }
      %scan3A_22 = arith.constant 157 : i32
      %barrier3A_23 = arith.constant 0 : index
      tpu.barrier barrier_id(%barrier3A_23)
      %add3A_24 = arith.constant 0 : i32
      %add3A_25 = arith.addi %mul3A_0, %add3A_24 : i32
      %run_scoped3A = arith.constant 0 : i32
      "tpu.region"() ({
        %run_scoped3A_38 = tpu.sem_alloc : memref<!tpu.dma_semaphore, #tpu.memory_space<semaphore_mem>>
        %dma_start3A = arith.constant 0 : i32
        %dma_start3A_39 = arith.constant 0 : i32
        %dma_start3A_40 = tpu.memref_slice %arg6[%run_scoped3A, %dma_start3A, %dma_start3A_39] : memref<2x10240x128xbf16, #tpu.memory_space<hbm>> -> memref<1x10240x128xbf16, #tpu.memory_space<hbm>>
        %dma_start3A_41 = tpu.memref_squeeze %dma_start3A_40 : memref<1x10240x128xbf16, #tpu.memory_space<hbm>> -> memref<10240x128xbf16, #tpu.memory_space<hbm>>
        %dma_start3A_42 = arith.constant 0 : i32
        %dma_start3A_43 = tpu.memref_slice %dma_start3A_41[%add3A_25, %dma_start3A_42] : memref<10240x128xbf16, #tpu.memory_space<hbm>> -> memref<128x128xbf16, #tpu.memory_space<hbm>>
        %dma_start3A_44 = arith.constant 0 : i32
        %dma_start3A_45 = tpu.memref_slice %arg10[%add3A_25, %dma_start3A_44] : memref<10240x128xbf16, #tpu.memory_space<vmem_shared>> -> memref<128x128xbf16, #tpu.memory_space<vmem_shared>>
        tpu.enqueue_dma source(%dma_start3A_45 : memref<128x128xbf16, #tpu.memory_space<vmem_shared>>) target(%dma_start3A_43 : memref<128x128xbf16, #tpu.memory_space<hbm>>) target_semaphore(%run_scoped3A_38 : memref<!tpu.dma_semaphore, #tpu.memory_space<semaphore_mem>>)
        %dma_wait3A = arith.constant 0 : i32
        %dma_wait3A_46 = arith.constant 0 : i32
        %dma_wait3A_47 = tpu.memref_slice %arg6[%run_scoped3A, %dma_wait3A, %dma_wait3A_46] : memref<2x10240x128xbf16, #tpu.memory_space<hbm>> -> memref<1x10240x128xbf16, #tpu.memory_space<hbm>>
        %dma_wait3A_48 = tpu.memref_squeeze %dma_wait3A_47 : memref<1x10240x128xbf16, #tpu.memory_space<hbm>> -> memref<10240x128xbf16, #tpu.memory_space<hbm>>
        %dma_wait3A_49 = arith.constant 0 : i32
        %dma_wait3A_50 = tpu.memref_slice %dma_wait3A_48[%add3A_25, %dma_wait3A_49] : memref<10240x128xbf16, #tpu.memory_space<hbm>> -> memref<128x128xbf16, #tpu.memory_space<hbm>>
        %dma_wait3A_51 = arith.constant 0 : i32
        %dma_wait3A_52 = tpu.memref_slice %arg10[%add3A_25, %dma_wait3A_51] : memref<10240x128xbf16, #tpu.memory_space<vmem_shared>> -> memref<128x128xbf16, #tpu.memory_space<vmem_shared>>
        tpu.wait_dma2 semaphore(%run_scoped3A_38 : memref<!tpu.dma_semaphore, #tpu.memory_space<semaphore_mem>>) src(%dma_wait3A_52 : memref<128x128xbf16, #tpu.memory_space<vmem_shared>>) dst(%dma_wait3A_50 : memref<128x128xbf16, #tpu.memory_space<hbm>>)
        tpu.yield
      }) : () -> ()
      %add3A_26 = arith.constant 128 : i32
      %add3A_27 = arith.addi %mul3A_0, %add3A_26 : i32
      %run_scoped3A_28 = arith.constant 0 : i32
      "tpu.region"() ({
        %run_scoped3A_38 = tpu.sem_alloc : memref<!tpu.dma_semaphore, #tpu.memory_space<semaphore_mem>>
        %dma_start3A = arith.constant 0 : i32
        %dma_start3A_39 = arith.constant 0 : i32
        %dma_start3A_40 = tpu.memref_slice %arg6[%run_scoped3A_28, %dma_start3A, %dma_start3A_39] : memref<2x10240x128xbf16, #tpu.memory_space<hbm>> -> memref<1x10240x128xbf16, #tpu.memory_space<hbm>>
        %dma_start3A_41 = tpu.memref_squeeze %dma_start3A_40 : memref<1x10240x128xbf16, #tpu.memory_space<hbm>> -> memref<10240x128xbf16, #tpu.memory_space<hbm>>
        %dma_start3A_42 = arith.constant 0 : i32
        %dma_start3A_43 = tpu.memref_slice %dma_start3A_41[%add3A_27, %dma_start3A_42] : memref<10240x128xbf16, #tpu.memory_space<hbm>> -> memref<128x128xbf16, #tpu.memory_space<hbm>>
        %dma_start3A_44 = arith.constant 0 : i32
        %dma_start3A_45 = tpu.memref_slice %arg10[%add3A_27, %dma_start3A_44] : memref<10240x128xbf16, #tpu.memory_space<vmem_shared>> -> memref<128x128xbf16, #tpu.memory_space<vmem_shared>>
        tpu.enqueue_dma source(%dma_start3A_45 : memref<128x128xbf16, #tpu.memory_space<vmem_shared>>) target(%dma_start3A_43 : memref<128x128xbf16, #tpu.memory_space<hbm>>) target_semaphore(%run_scoped3A_38 : memref<!tpu.dma_semaphore, #tpu.memory_space<semaphore_mem>>)
        %dma_wait3A = arith.constant 0 : i32
        %dma_wait3A_46 = arith.constant 0 : i32
        %dma_wait3A_47 = tpu.memref_slice %arg6[%run_scoped3A_28, %dma_wait3A, %dma_wait3A_46] : memref<2x10240x128xbf16, #tpu.memory_space<hbm>> -> memref<1x10240x128xbf16, #tpu.memory_space<hbm>>
        %dma_wait3A_48 = tpu.memref_squeeze %dma_wait3A_47 : memref<1x10240x128xbf16, #tpu.memory_space<hbm>> -> memref<10240x128xbf16, #tpu.memory_space<hbm>>
        %dma_wait3A_49 = arith.constant 0 : i32
        %dma_wait3A_50 = tpu.memref_slice %dma_wait3A_48[%add3A_27, %dma_wait3A_49] : memref<10240x128xbf16, #tpu.memory_space<hbm>> -> memref<128x128xbf16, #tpu.memory_space<hbm>>
        %dma_wait3A_51 = arith.constant 0 : i32
        %dma_wait3A_52 = tpu.memref_slice %arg10[%add3A_27, %dma_wait3A_51] : memref<10240x128xbf16, #tpu.memory_space<vmem_shared>> -> memref<128x128xbf16, #tpu.memory_space<vmem_shared>>
        tpu.wait_dma2 semaphore(%run_scoped3A_38 : memref<!tpu.dma_semaphore, #tpu.memory_space<semaphore_mem>>) src(%dma_wait3A_52 : memref<128x128xbf16, #tpu.memory_space<vmem_shared>>) dst(%dma_wait3A_50 : memref<128x128xbf16, #tpu.memory_space<hbm>>)
        tpu.yield
      }) : () -> ()
      %add3A_29 = arith.constant 256 : i32
      %add3A_30 = arith.addi %mul3A_0, %add3A_29 : i32
      %run_scoped3A_31 = arith.constant 0 : i32
      "tpu.region"() ({
        %run_scoped3A_38 = tpu.sem_alloc : memref<!tpu.dma_semaphore, #tpu.memory_space<semaphore_mem>>
        %dma_start3A = arith.constant 0 : i32
        %dma_start3A_39 = arith.constant 0 : i32
        %dma_start3A_40 = tpu.memref_slice %arg6[%run_scoped3A_31, %dma_start3A, %dma_start3A_39] : memref<2x10240x128xbf16, #tpu.memory_space<hbm>> -> memref<1x10240x128xbf16, #tpu.memory_space<hbm>>
        %dma_start3A_41 = tpu.memref_squeeze %dma_start3A_40 : memref<1x10240x128xbf16, #tpu.memory_space<hbm>> -> memref<10240x128xbf16, #tpu.memory_space<hbm>>
        %dma_start3A_42 = arith.constant 0 : i32
        %dma_start3A_43 = tpu.memref_slice %dma_start3A_41[%add3A_30, %dma_start3A_42] : memref<10240x128xbf16, #tpu.memory_space<hbm>> -> memref<128x128xbf16, #tpu.memory_space<hbm>>
        %dma_start3A_44 = arith.constant 0 : i32
        %dma_start3A_45 = tpu.memref_slice %arg10[%add3A_30, %dma_start3A_44] : memref<10240x128xbf16, #tpu.memory_space<vmem_shared>> -> memref<128x128xbf16, #tpu.memory_space<vmem_shared>>
        tpu.enqueue_dma source(%dma_start3A_45 : memref<128x128xbf16, #tpu.memory_space<vmem_shared>>) target(%dma_start3A_43 : memref<128x128xbf16, #tpu.memory_space<hbm>>) target_semaphore(%run_scoped3A_38 : memref<!tpu.dma_semaphore, #tpu.memory_space<semaphore_mem>>)
        %dma_wait3A = arith.constant 0 : i32
        %dma_wait3A_46 = arith.constant 0 : i32
        %dma_wait3A_47 = tpu.memref_slice %arg6[%run_scoped3A_31, %dma_wait3A, %dma_wait3A_46] : memref<2x10240x128xbf16, #tpu.memory_space<hbm>> -> memref<1x10240x128xbf16, #tpu.memory_space<hbm>>
        %dma_wait3A_48 = tpu.memref_squeeze %dma_wait3A_47 : memref<1x10240x128xbf16, #tpu.memory_space<hbm>> -> memref<10240x128xbf16, #tpu.memory_space<hbm>>
        %dma_wait3A_49 = arith.constant 0 : i32
        %dma_wait3A_50 = tpu.memref_slice %dma_wait3A_48[%add3A_30, %dma_wait3A_49] : memref<10240x128xbf16, #tpu.memory_space<hbm>> -> memref<128x128xbf16, #tpu.memory_space<hbm>>
        %dma_wait3A_51 = arith.constant 0 : i32
        %dma_wait3A_52 = tpu.memref_slice %arg10[%add3A_30, %dma_wait3A_51] : memref<10240x128xbf16, #tpu.memory_space<vmem_shared>> -> memref<128x128xbf16, #tpu.memory_space<vmem_shared>>
        tpu.wait_dma2 semaphore(%run_scoped3A_38 : memref<!tpu.dma_semaphore, #tpu.memory_space<semaphore_mem>>) src(%dma_wait3A_52 : memref<128x128xbf16, #tpu.memory_space<vmem_shared>>) dst(%dma_wait3A_50 : memref<128x128xbf16, #tpu.memory_space<hbm>>)
        tpu.yield
      }) : () -> ()
      %add3A_32 = arith.constant 384 : i32
      %add3A_33 = arith.addi %mul3A_0, %add3A_32 : i32
      %run_scoped3A_34 = arith.constant 0 : i32
      "tpu.region"() ({
        %run_scoped3A_38 = tpu.sem_alloc : memref<!tpu.dma_semaphore, #tpu.memory_space<semaphore_mem>>
        %dma_start3A = arith.constant 0 : i32
        %dma_start3A_39 = arith.constant 0 : i32
        %dma_start3A_40 = tpu.memref_slice %arg6[%run_scoped3A_34, %dma_start3A, %dma_start3A_39] : memref<2x10240x128xbf16, #tpu.memory_space<hbm>> -> memref<1x10240x128xbf16, #tpu.memory_space<hbm>>
        %dma_start3A_41 = tpu.memref_squeeze %dma_start3A_40 : memref<1x10240x128xbf16, #tpu.memory_space<hbm>> -> memref<10240x128xbf16, #tpu.memory_space<hbm>>
        %dma_start3A_42 = arith.constant 0 : i32
        %dma_start3A_43 = tpu.memref_slice %dma_start3A_41[%add3A_33, %dma_start3A_42] : memref<10240x128xbf16, #tpu.memory_space<hbm>> -> memref<128x128xbf16, #tpu.memory_space<hbm>>
        %dma_start3A_44 = arith.constant 0 : i32
        %dma_start3A_45 = tpu.memref_slice %arg10[%add3A_33, %dma_start3A_44] : memref<10240x128xbf16, #tpu.memory_space<vmem_shared>> -> memref<128x128xbf16, #tpu.memory_space<vmem_shared>>
        tpu.enqueue_dma source(%dma_start3A_45 : memref<128x128xbf16, #tpu.memory_space<vmem_shared>>) target(%dma_start3A_43 : memref<128x128xbf16, #tpu.memory_space<hbm>>) target_semaphore(%run_scoped3A_38 : memref<!tpu.dma_semaphore, #tpu.memory_space<semaphore_mem>>)
        %dma_wait3A = arith.constant 0 : i32
        %dma_wait3A_46 = arith.constant 0 : i32
        %dma_wait3A_47 = tpu.memref_slice %arg6[%run_scoped3A_34, %dma_wait3A, %dma_wait3A_46] : memref<2x10240x128xbf16, #tpu.memory_space<hbm>> -> memref<1x10240x128xbf16, #tpu.memory_space<hbm>>
        %dma_wait3A_48 = tpu.memref_squeeze %dma_wait3A_47 : memref<1x10240x128xbf16, #tpu.memory_space<hbm>> -> memref<10240x128xbf16, #tpu.memory_space<hbm>>
        %dma_wait3A_49 = arith.constant 0 : i32
        %dma_wait3A_50 = tpu.memref_slice %dma_wait3A_48[%add3A_33, %dma_wait3A_49] : memref<10240x128xbf16, #tpu.memory_space<hbm>> -> memref<128x128xbf16, #tpu.memory_space<hbm>>
        %dma_wait3A_51 = arith.constant 0 : i32
        %dma_wait3A_52 = tpu.memref_slice %arg10[%add3A_33, %dma_wait3A_51] : memref<10240x128xbf16, #tpu.memory_space<vmem_shared>> -> memref<128x128xbf16, #tpu.memory_space<vmem_shared>>
        tpu.wait_dma2 semaphore(%run_scoped3A_38 : memref<!tpu.dma_semaphore, #tpu.memory_space<semaphore_mem>>) src(%dma_wait3A_52 : memref<128x128xbf16, #tpu.memory_space<vmem_shared>>) dst(%dma_wait3A_50 : memref<128x128xbf16, #tpu.memory_space<hbm>>)
        tpu.yield
      }) : () -> ()
      %add3A_35 = arith.constant 512 : i32
      %add3A_36 = arith.addi %mul3A_0, %add3A_35 : i32
      %run_scoped3A_37 = arith.constant 0 : i32
      "tpu.region"() ({
        %run_scoped3A_38 = tpu.sem_alloc : memref<!tpu.dma_semaphore, #tpu.memory_space<semaphore_mem>>
        %dma_start3A = arith.constant 0 : i32
        %dma_start3A_39 = arith.constant 0 : i32
        %dma_start3A_40 = tpu.memref_slice %arg6[%run_scoped3A_37, %dma_start3A, %dma_start3A_39] : memref<2x10240x128xbf16, #tpu.memory_space<hbm>> -> memref<1x10240x128xbf16, #tpu.memory_space<hbm>>
        %dma_start3A_41 = tpu.memref_squeeze %dma_start3A_40 : memref<1x10240x128xbf16, #tpu.memory_space<hbm>> -> memref<10240x128xbf16, #tpu.memory_space<hbm>>
        %dma_start3A_42 = arith.constant 0 : i32
        %dma_start3A_43 = tpu.memref_slice %dma_start3A_41[%add3A_36, %dma_start3A_42] : memref<10240x128xbf16, #tpu.memory_space<hbm>> -> memref<128x128xbf16, #tpu.memory_space<hbm>>
        %dma_start3A_44 = arith.constant 0 : i32
        %dma_start3A_45 = tpu.memref_slice %arg10[%add3A_36, %dma_start3A_44] : memref<10240x128xbf16, #tpu.memory_space<vmem_shared>> -> memref<128x128xbf16, #tpu.memory_space<vmem_shared>>
        tpu.enqueue_dma source(%dma_start3A_45 : memref<128x128xbf16, #tpu.memory_space<vmem_shared>>) target(%dma_start3A_43 : memref<128x128xbf16, #tpu.memory_space<hbm>>) target_semaphore(%run_scoped3A_38 : memref<!tpu.dma_semaphore, #tpu.memory_space<semaphore_mem>>)
        %dma_wait3A = arith.constant 0 : i32
        %dma_wait3A_46 = arith.constant 0 : i32
        %dma_wait3A_47 = tpu.memref_slice %arg6[%run_scoped3A_37, %dma_wait3A, %dma_wait3A_46] : memref<2x10240x128xbf16, #tpu.memory_space<hbm>> -> memref<1x10240x128xbf16, #tpu.memory_space<hbm>>
        %dma_wait3A_48 = tpu.memref_squeeze %dma_wait3A_47 : memref<1x10240x128xbf16, #tpu.memory_space<hbm>> -> memref<10240x128xbf16, #tpu.memory_space<hbm>>
        %dma_wait3A_49 = arith.constant 0 : i32
        %dma_wait3A_50 = tpu.memref_slice %dma_wait3A_48[%add3A_36, %dma_wait3A_49] : memref<10240x128xbf16, #tpu.memory_space<hbm>> -> memref<128x128xbf16, #tpu.memory_space<hbm>>
        %dma_wait3A_51 = arith.constant 0 : i32
        %dma_wait3A_52 = tpu.memref_slice %arg10[%add3A_36, %dma_wait3A_51] : memref<10240x128xbf16, #tpu.memory_space<vmem_shared>> -> memref<128x128xbf16, #tpu.memory_space<vmem_shared>>
        tpu.wait_dma2 semaphore(%run_scoped3A_38 : memref<!tpu.dma_semaphore, #tpu.memory_space<semaphore_mem>>) src(%dma_wait3A_52 : memref<128x128xbf16, #tpu.memory_space<vmem_shared>>) dst(%dma_wait3A_50 : memref<128x128xbf16, #tpu.memory_space<hbm>>)
        tpu.yield
      }) : () -> ()
    } else {
    }
    %eq3A_12 = arith.constant 1 : i32
    %eq3A_13 = arith.cmpi eq, %arg0, %eq3A_12 : i32
    %convert_element_type3A_14 = arith.extui %eq3A_13 : i1 to i32
    %cond3A_15 = arith.constant 0 : i32
    %cond3A_16 = arith.cmpi ne, %convert_element_type3A_14, %cond3A_15 : i32
    scf.if %cond3A_16 {
      %scan3A = arith.constant 0 : i32
      %scan3A_17 = arith.constant 1 : i32
      %scan3A_18 = arith.constant 0 : i32
      %scan3A_19 = arith.constant 157 : i32
      %scan3A_20 = arith.addi %scan3A_18, %scan3A_19 : i32
      %scan3A_21 = arith.constant 1 : i32
      scf.for %scan3A_38 = %scan3A_18 to %scan3A_20 step %scan3A_21  : i32 {
        %dma_start3A = arith.constant 0 : i32
        %dma_start3A_39 = tpu.memref_slice %arg7[%scan3A_38, %dma_start3A] : memref<157x128xi32, #tpu.memory_space<vmem>> -> memref<1x128xi32, #tpu.memory_space<vmem>>
        %dma_start3A_40 = tpu.memref_squeeze %dma_start3A_39 : memref<1x128xi32, #tpu.memory_space<vmem>> -> memref<128xi32, #tpu.memory_space<vmem>>
        %dma_start3A_41 = arith.constant 0 : i32
        %dma_start3A_42 = arith.constant 0 : i32
        %dma_start3A_43 = tpu.memref_slice %arg2[%scan3A_17, %dma_start3A_41, %dma_start3A_42] : memref<2x10240x128xbf16, #tpu.memory_space<hbm>> -> memref<1x10240x128xbf16, #tpu.memory_space<hbm>>
        %dma_start3A_44 = tpu.memref_squeeze %dma_start3A_43 : memref<1x10240x128xbf16, #tpu.memory_space<hbm>> -> memref<10240x128xbf16, #tpu.memory_space<hbm>>
        %dma_start3A_45 = arith.constant 0 : i32
        %dma_start3A_46 = arith.constant 0 : i32
        %dma_start3A_47 = tpu.memref_slice %dma_start3A_44[%dma_start3A_45, %dma_start3A_46] : memref<10240x128xbf16, #tpu.memory_space<hbm>> -> memref<10240x128xbf16, #tpu.memory_space<hbm>>
        tpu.enqueue_indirect_dma source(%dma_start3A_47 : memref<10240x128xbf16, #tpu.memory_space<hbm>>) target(%arg9 : memref<128x128xbf16, #tpu.memory_space<vmem>>) offsets(%dma_start3A_40 : memref<128xi32, #tpu.memory_space<vmem>>) semaphore(%arg11 : memref<!tpu.dma_semaphore, #tpu.memory_space<semaphore_mem>>)
        %dma_wait3A = arith.constant 0 : i32
        %dma_wait3A_48 = tpu.memref_slice %arg7[%scan3A_38, %dma_wait3A] : memref<157x128xi32, #tpu.memory_space<vmem>> -> memref<1x128xi32, #tpu.memory_space<vmem>>
        %dma_wait3A_49 = tpu.memref_squeeze %dma_wait3A_48 : memref<1x128xi32, #tpu.memory_space<vmem>> -> memref<128xi32, #tpu.memory_space<vmem>>
        %dma_wait3A_50 = arith.constant 0 : i32
        %dma_wait3A_51 = arith.constant 0 : i32
        %dma_wait3A_52 = tpu.memref_slice %arg2[%scan3A_17, %dma_wait3A_50, %dma_wait3A_51] : memref<2x10240x128xbf16, #tpu.memory_space<hbm>> -> memref<1x10240x128xbf16, #tpu.memory_space<hbm>>
        %dma_wait3A_53 = tpu.memref_squeeze %dma_wait3A_52 : memref<1x10240x128xbf16, #tpu.memory_space<hbm>> -> memref<10240x128xbf16, #tpu.memory_space<hbm>>
        %dma_wait3A_54 = arith.constant 0 : i32
        %dma_wait3A_55 = arith.constant 0 : i32
        %dma_wait3A_56 = tpu.memref_slice %dma_wait3A_53[%dma_wait3A_54, %dma_wait3A_55] : memref<10240x128xbf16, #tpu.memory_space<hbm>> -> memref<10240x128xbf16, #tpu.memory_space<hbm>>
        tpu.wait_indirect_dma semaphore(%arg11 : memref<!tpu.dma_semaphore, #tpu.memory_space<semaphore_mem>>) src(%dma_wait3A_56 : memref<10240x128xbf16, #tpu.memory_space<hbm>>) dst(%arg9 : memref<128x128xbf16, #tpu.memory_space<vmem>>)
        "tpu.region"() ({
          %run_scoped3A_57 = tpu.sem_alloc : memref<!tpu.dma_semaphore, #tpu.memory_space<semaphore_mem>>
          %dma_start3A_58 = arith.constant 0 : i32
          %dma_start3A_59 = tpu.memref_slice %arg8[%scan3A_38, %dma_start3A_58] : memref<157x128xi32, #tpu.memory_space<vmem>> -> memref<1x128xi32, #tpu.memory_space<vmem>>
          %dma_start3A_60 = tpu.memref_squeeze %dma_start3A_59 : memref<1x128xi32, #tpu.memory_space<vmem>> -> memref<128xi32, #tpu.memory_space<vmem>>
          %dma_start3A_61 = arith.constant 0 : i32
          %dma_start3A_62 = arith.constant 0 : i32
          %dma_start3A_63 = tpu.memref_slice %arg10[%dma_start3A_61, %dma_start3A_62] : memref<10240x128xbf16, #tpu.memory_space<vmem_shared>> -> memref<10240x128xbf16, #tpu.memory_space<vmem_shared>>
          tpu.enqueue_indirect_dma source(%arg9 : memref<128x128xbf16, #tpu.memory_space<vmem>>) target(%dma_start3A_63 : memref<10240x128xbf16, #tpu.memory_space<vmem_shared>>) offsets(%dma_start3A_60 : memref<128xi32, #tpu.memory_space<vmem>>) semaphore(%run_scoped3A_57 : memref<!tpu.dma_semaphore, #tpu.memory_space<semaphore_mem>>) {add = true}
          %dma_wait3A_64 = arith.constant 0 : i32
          %dma_wait3A_65 = tpu.memref_slice %arg8[%scan3A_38, %dma_wait3A_64] : memref<157x128xi32, #tpu.memory_space<vmem>> -> memref<1x128xi32, #tpu.memory_space<vmem>>
          %dma_wait3A_66 = tpu.memref_squeeze %dma_wait3A_65 : memref<1x128xi32, #tpu.memory_space<vmem>> -> memref<128xi32, #tpu.memory_space<vmem>>
          %dma_wait3A_67 = arith.constant 0 : i32
          %dma_wait3A_68 = arith.constant 0 : i32
          %dma_wait3A_69 = tpu.memref_slice %arg10[%dma_wait3A_67, %dma_wait3A_68] : memref<10240x128xbf16, #tpu.memory_space<vmem_shared>> -> memref<10240x128xbf16, #tpu.memory_space<vmem_shared>>
          tpu.wait_indirect_dma semaphore(%run_scoped3A_57 : memref<!tpu.dma_semaphore, #tpu.memory_space<semaphore_mem>>) src(%arg9 : memref<128x128xbf16, #tpu.memory_space<vmem>>) dst(%dma_wait3A_69 : memref<10240x128xbf16, #tpu.memory_space<vmem_shared>>)
          tpu.yield
        }) : () -> ()
      }
      %scan3A_22 = arith.constant 157 : i32
      %barrier3A_23 = arith.constant 0 : index
      tpu.barrier barrier_id(%barrier3A_23)
      %add3A_24 = arith.constant 0 : i32
      %add3A_25 = arith.addi %mul3A_0, %add3A_24 : i32
      %run_scoped3A = arith.constant 1 : i32
      "tpu.region"() ({
        %run_scoped3A_38 = tpu.sem_alloc : memref<!tpu.dma_semaphore, #tpu.memory_space<semaphore_mem>>
        %dma_start3A = arith.constant 0 : i32
        %dma_start3A_39 = arith.constant 0 : i32
        %dma_start3A_40 = tpu.memref_slice %arg6[%run_scoped3A, %dma_start3A, %dma_start3A_39] : memref<2x10240x128xbf16, #tpu.memory_space<hbm>> -> memref<1x10240x128xbf16, #tpu.memory_space<hbm>>
        %dma_start3A_41 = tpu.memref_squeeze %dma_start3A_40 : memref<1x10240x128xbf16, #tpu.memory_space<hbm>> -> memref<10240x128xbf16, #tpu.memory_space<hbm>>
        %dma_start3A_42 = arith.constant 0 : i32
        %dma_start3A_43 = tpu.memref_slice %dma_start3A_41[%add3A_25, %dma_start3A_42] : memref<10240x128xbf16, #tpu.memory_space<hbm>> -> memref<128x128xbf16, #tpu.memory_space<hbm>>
        %dma_start3A_44 = arith.constant 0 : i32
        %dma_start3A_45 = tpu.memref_slice %arg10[%add3A_25, %dma_start3A_44] : memref<10240x128xbf16, #tpu.memory_space<vmem_shared>> -> memref<128x128xbf16, #tpu.memory_space<vmem_shared>>
        tpu.enqueue_dma source(%dma_start3A_45 : memref<128x128xbf16, #tpu.memory_space<vmem_shared>>) target(%dma_start3A_43 : memref<128x128xbf16, #tpu.memory_space<hbm>>) target_semaphore(%run_scoped3A_38 : memref<!tpu.dma_semaphore, #tpu.memory_space<semaphore_mem>>)
        %dma_wait3A = arith.constant 0 : i32
        %dma_wait3A_46 = arith.constant 0 : i32
        %dma_wait3A_47 = tpu.memref_slice %arg6[%run_scoped3A, %dma_wait3A, %dma_wait3A_46] : memref<2x10240x128xbf16, #tpu.memory_space<hbm>> -> memref<1x10240x128xbf16, #tpu.memory_space<hbm>>
        %dma_wait3A_48 = tpu.memref_squeeze %dma_wait3A_47 : memref<1x10240x128xbf16, #tpu.memory_space<hbm>> -> memref<10240x128xbf16, #tpu.memory_space<hbm>>
        %dma_wait3A_49 = arith.constant 0 : i32
        %dma_wait3A_50 = tpu.memref_slice %dma_wait3A_48[%add3A_25, %dma_wait3A_49] : memref<10240x128xbf16, #tpu.memory_space<hbm>> -> memref<128x128xbf16, #tpu.memory_space<hbm>>
        %dma_wait3A_51 = arith.constant 0 : i32
        %dma_wait3A_52 = tpu.memref_slice %arg10[%add3A_25, %dma_wait3A_51] : memref<10240x128xbf16, #tpu.memory_space<vmem_shared>> -> memref<128x128xbf16, #tpu.memory_space<vmem_shared>>
        tpu.wait_dma2 semaphore(%run_scoped3A_38 : memref<!tpu.dma_semaphore, #tpu.memory_space<semaphore_mem>>) src(%dma_wait3A_52 : memref<128x128xbf16, #tpu.memory_space<vmem_shared>>) dst(%dma_wait3A_50 : memref<128x128xbf16, #tpu.memory_space<hbm>>)
        tpu.yield
      }) : () -> ()
      %add3A_26 = arith.constant 128 : i32
      %add3A_27 = arith.addi %mul3A_0, %add3A_26 : i32
      %run_scoped3A_28 = arith.constant 1 : i32
      "tpu.region"() ({
        %run_scoped3A_38 = tpu.sem_alloc : memref<!tpu.dma_semaphore, #tpu.memory_space<semaphore_mem>>
        %dma_start3A = arith.constant 0 : i32
        %dma_start3A_39 = arith.constant 0 : i32
        %dma_start3A_40 = tpu.memref_slice %arg6[%run_scoped3A_28, %dma_start3A, %dma_start3A_39] : memref<2x10240x128xbf16, #tpu.memory_space<hbm>> -> memref<1x10240x128xbf16, #tpu.memory_space<hbm>>
        %dma_start3A_41 = tpu.memref_squeeze %dma_start3A_40 : memref<1x10240x128xbf16, #tpu.memory_space<hbm>> -> memref<10240x128xbf16, #tpu.memory_space<hbm>>
        %dma_start3A_42 = arith.constant 0 : i32
        %dma_start3A_43 = tpu.memref_slice %dma_start3A_41[%add3A_27, %dma_start3A_42] : memref<10240x128xbf16, #tpu.memory_space<hbm>> -> memref<128x128xbf16, #tpu.memory_space<hbm>>
        %dma_start3A_44 = arith.constant 0 : i32
        %dma_start3A_45 = tpu.memref_slice %arg10[%add3A_27, %dma_start3A_44] : memref<10240x128xbf16, #tpu.memory_space<vmem_shared>> -> memref<128x128xbf16, #tpu.memory_space<vmem_shared>>
        tpu.enqueue_dma source(%dma_start3A_45 : memref<128x128xbf16, #tpu.memory_space<vmem_shared>>) target(%dma_start3A_43 : memref<128x128xbf16, #tpu.memory_space<hbm>>) target_semaphore(%run_scoped3A_38 : memref<!tpu.dma_semaphore, #tpu.memory_space<semaphore_mem>>)
        %dma_wait3A = arith.constant 0 : i32
        %dma_wait3A_46 = arith.constant 0 : i32
        %dma_wait3A_47 = tpu.memref_slice %arg6[%run_scoped3A_28, %dma_wait3A, %dma_wait3A_46] : memref<2x10240x128xbf16, #tpu.memory_space<hbm>> -> memref<1x10240x128xbf16, #tpu.memory_space<hbm>>
        %dma_wait3A_48 = tpu.memref_squeeze %dma_wait3A_47 : memref<1x10240x128xbf16, #tpu.memory_space<hbm>> -> memref<10240x128xbf16, #tpu.memory_space<hbm>>
        %dma_wait3A_49 = arith.constant 0 : i32
        %dma_wait3A_50 = tpu.memref_slice %dma_wait3A_48[%add3A_27, %dma_wait3A_49] : memref<10240x128xbf16, #tpu.memory_space<hbm>> -> memref<128x128xbf16, #tpu.memory_space<hbm>>
        %dma_wait3A_51 = arith.constant 0 : i32
        %dma_wait3A_52 = tpu.memref_slice %arg10[%add3A_27, %dma_wait3A_51] : memref<10240x128xbf16, #tpu.memory_space<vmem_shared>> -> memref<128x128xbf16, #tpu.memory_space<vmem_shared>>
        tpu.wait_dma2 semaphore(%run_scoped3A_38 : memref<!tpu.dma_semaphore, #tpu.memory_space<semaphore_mem>>) src(%dma_wait3A_52 : memref<128x128xbf16, #tpu.memory_space<vmem_shared>>) dst(%dma_wait3A_50 : memref<128x128xbf16, #tpu.memory_space<hbm>>)
        tpu.yield
      }) : () -> ()
      %add3A_29 = arith.constant 256 : i32
      %add3A_30 = arith.addi %mul3A_0, %add3A_29 : i32
      %run_scoped3A_31 = arith.constant 1 : i32
      "tpu.region"() ({
        %run_scoped3A_38 = tpu.sem_alloc : memref<!tpu.dma_semaphore, #tpu.memory_space<semaphore_mem>>
        %dma_start3A = arith.constant 0 : i32
        %dma_start3A_39 = arith.constant 0 : i32
        %dma_start3A_40 = tpu.memref_slice %arg6[%run_scoped3A_31, %dma_start3A, %dma_start3A_39] : memref<2x10240x128xbf16, #tpu.memory_space<hbm>> -> memref<1x10240x128xbf16, #tpu.memory_space<hbm>>
        %dma_start3A_41 = tpu.memref_squeeze %dma_start3A_40 : memref<1x10240x128xbf16, #tpu.memory_space<hbm>> -> memref<10240x128xbf16, #tpu.memory_space<hbm>>
        %dma_start3A_42 = arith.constant 0 : i32
        %dma_start3A_43 = tpu.memref_slice %dma_start3A_41[%add3A_30, %dma_start3A_42] : memref<10240x128xbf16, #tpu.memory_space<hbm>> -> memref<128x128xbf16, #tpu.memory_space<hbm>>
        %dma_start3A_44 = arith.constant 0 : i32
        %dma_start3A_45 = tpu.memref_slice %arg10[%add3A_30, %dma_start3A_44] : memref<10240x128xbf16, #tpu.memory_space<vmem_shared>> -> memref<128x128xbf16, #tpu.memory_space<vmem_shared>>
        tpu.enqueue_dma source(%dma_start3A_45 : memref<128x128xbf16, #tpu.memory_space<vmem_shared>>) target(%dma_start3A_43 : memref<128x128xbf16, #tpu.memory_space<hbm>>) target_semaphore(%run_scoped3A_38 : memref<!tpu.dma_semaphore, #tpu.memory_space<semaphore_mem>>)
        %dma_wait3A = arith.constant 0 : i32
        %dma_wait3A_46 = arith.constant 0 : i32
        %dma_wait3A_47 = tpu.memref_slice %arg6[%run_scoped3A_31, %dma_wait3A, %dma_wait3A_46] : memref<2x10240x128xbf16, #tpu.memory_space<hbm>> -> memref<1x10240x128xbf16, #tpu.memory_space<hbm>>
        %dma_wait3A_48 = tpu.memref_squeeze %dma_wait3A_47 : memref<1x10240x128xbf16, #tpu.memory_space<hbm>> -> memref<10240x128xbf16, #tpu.memory_space<hbm>>
        %dma_wait3A_49 = arith.constant 0 : i32
        %dma_wait3A_50 = tpu.memref_slice %dma_wait3A_48[%add3A_30, %dma_wait3A_49] : memref<10240x128xbf16, #tpu.memory_space<hbm>> -> memref<128x128xbf16, #tpu.memory_space<hbm>>
        %dma_wait3A_51 = arith.constant 0 : i32
        %dma_wait3A_52 = tpu.memref_slice %arg10[%add3A_30, %dma_wait3A_51] : memref<10240x128xbf16, #tpu.memory_space<vmem_shared>> -> memref<128x128xbf16, #tpu.memory_space<vmem_shared>>
        tpu.wait_dma2 semaphore(%run_scoped3A_38 : memref<!tpu.dma_semaphore, #tpu.memory_space<semaphore_mem>>) src(%dma_wait3A_52 : memref<128x128xbf16, #tpu.memory_space<vmem_shared>>) dst(%dma_wait3A_50 : memref<128x128xbf16, #tpu.memory_space<hbm>>)
        tpu.yield
      }) : () -> ()
      %add3A_32 = arith.constant 384 : i32
      %add3A_33 = arith.addi %mul3A_0, %add3A_32 : i32
      %run_scoped3A_34 = arith.constant 1 : i32
      "tpu.region"() ({
        %run_scoped3A_38 = tpu.sem_alloc : memref<!tpu.dma_semaphore, #tpu.memory_space<semaphore_mem>>
        %dma_start3A = arith.constant 0 : i32
        %dma_start3A_39 = arith.constant 0 : i32
        %dma_start3A_40 = tpu.memref_slice %arg6[%run_scoped3A_34, %dma_start3A, %dma_start3A_39] : memref<2x10240x128xbf16, #tpu.memory_space<hbm>> -> memref<1x10240x128xbf16, #tpu.memory_space<hbm>>
        %dma_start3A_41 = tpu.memref_squeeze %dma_start3A_40 : memref<1x10240x128xbf16, #tpu.memory_space<hbm>> -> memref<10240x128xbf16, #tpu.memory_space<hbm>>
        %dma_start3A_42 = arith.constant 0 : i32
        %dma_start3A_43 = tpu.memref_slice %dma_start3A_41[%add3A_33, %dma_start3A_42] : memref<10240x128xbf16, #tpu.memory_space<hbm>> -> memref<128x128xbf16, #tpu.memory_space<hbm>>
        %dma_start3A_44 = arith.constant 0 : i32
        %dma_start3A_45 = tpu.memref_slice %arg10[%add3A_33, %dma_start3A_44] : memref<10240x128xbf16, #tpu.memory_space<vmem_shared>> -> memref<128x128xbf16, #tpu.memory_space<vmem_shared>>
        tpu.enqueue_dma source(%dma_start3A_45 : memref<128x128xbf16, #tpu.memory_space<vmem_shared>>) target(%dma_start3A_43 : memref<128x128xbf16, #tpu.memory_space<hbm>>) target_semaphore(%run_scoped3A_38 : memref<!tpu.dma_semaphore, #tpu.memory_space<semaphore_mem>>)
        %dma_wait3A = arith.constant 0 : i32
        %dma_wait3A_46 = arith.constant 0 : i32
        %dma_wait3A_47 = tpu.memref_slice %arg6[%run_scoped3A_34, %dma_wait3A, %dma_wait3A_46] : memref<2x10240x128xbf16, #tpu.memory_space<hbm>> -> memref<1x10240x128xbf16, #tpu.memory_space<hbm>>
        %dma_wait3A_48 = tpu.memref_squeeze %dma_wait3A_47 : memref<1x10240x128xbf16, #tpu.memory_space<hbm>> -> memref<10240x128xbf16, #tpu.memory_space<hbm>>
        %dma_wait3A_49 = arith.constant 0 : i32
        %dma_wait3A_50 = tpu.memref_slice %dma_wait3A_48[%add3A_33, %dma_wait3A_49] : memref<10240x128xbf16, #tpu.memory_space<hbm>> -> memref<128x128xbf16, #tpu.memory_space<hbm>>
        %dma_wait3A_51 = arith.constant 0 : i32
        %dma_wait3A_52 = tpu.memref_slice %arg10[%add3A_33, %dma_wait3A_51] : memref<10240x128xbf16, #tpu.memory_space<vmem_shared>> -> memref<128x128xbf16, #tpu.memory_space<vmem_shared>>
        tpu.wait_dma2 semaphore(%run_scoped3A_38 : memref<!tpu.dma_semaphore, #tpu.memory_space<semaphore_mem>>) src(%dma_wait3A_52 : memref<128x128xbf16, #tpu.memory_space<vmem_shared>>) dst(%dma_wait3A_50 : memref<128x128xbf16, #tpu.memory_space<hbm>>)
        tpu.yield
      }) : () -> ()
      %add3A_35 = arith.constant 512 : i32
      %add3A_36 = arith.addi %mul3A_0, %add3A_35 : i32
      %run_scoped3A_37 = arith.constant 1 : i32
      "tpu.region"() ({
        %run_scoped3A_38 = tpu.sem_alloc : memref<!tpu.dma_semaphore, #tpu.memory_space<semaphore_mem>>
        %dma_start3A = arith.constant 0 : i32
        %dma_start3A_39 = arith.constant 0 : i32
        %dma_start3A_40 = tpu.memref_slice %arg6[%run_scoped3A_37, %dma_start3A, %dma_start3A_39] : memref<2x10240x128xbf16, #tpu.memory_space<hbm>> -> memref<1x10240x128xbf16, #tpu.memory_space<hbm>>
        %dma_start3A_41 = tpu.memref_squeeze %dma_start3A_40 : memref<1x10240x128xbf16, #tpu.memory_space<hbm>> -> memref<10240x128xbf16, #tpu.memory_space<hbm>>
        %dma_start3A_42 = arith.constant 0 : i32
        %dma_start3A_43 = tpu.memref_slice %dma_start3A_41[%add3A_36, %dma_start3A_42] : memref<10240x128xbf16, #tpu.memory_space<hbm>> -> memref<128x128xbf16, #tpu.memory_space<hbm>>
        %dma_start3A_44 = arith.constant 0 : i32
        %dma_start3A_45 = tpu.memref_slice %arg10[%add3A_36, %dma_start3A_44] : memref<10240x128xbf16, #tpu.memory_space<vmem_shared>> -> memref<128x128xbf16, #tpu.memory_space<vmem_shared>>
        tpu.enqueue_dma source(%dma_start3A_45 : memref<128x128xbf16, #tpu.memory_space<vmem_shared>>) target(%dma_start3A_43 : memref<128x128xbf16, #tpu.memory_space<hbm>>) target_semaphore(%run_scoped3A_38 : memref<!tpu.dma_semaphore, #tpu.memory_space<semaphore_mem>>)
        %dma_wait3A = arith.constant 0 : i32
        %dma_wait3A_46 = arith.constant 0 : i32
        %dma_wait3A_47 = tpu.memref_slice %arg6[%run_scoped3A_37, %dma_wait3A, %dma_wait3A_46] : memref<2x10240x128xbf16, #tpu.memory_space<hbm>> -> memref<1x10240x128xbf16, #tpu.memory_space<hbm>>
        %dma_wait3A_48 = tpu.memref_squeeze %dma_wait3A_47 : memref<1x10240x128xbf16, #tpu.memory_space<hbm>> -> memref<10240x128xbf16, #tpu.memory_space<hbm>>
        %dma_wait3A_49 = arith.constant 0 : i32
        %dma_wait3A_50 = tpu.memref_slice %dma_wait3A_48[%add3A_36, %dma_wait3A_49] : memref<10240x128xbf16, #tpu.memory_space<hbm>> -> memref<128x128xbf16, #tpu.memory_space<hbm>>
        %dma_wait3A_51 = arith.constant 0 : i32
        %dma_wait3A_52 = tpu.memref_slice %arg10[%add3A_36, %dma_wait3A_51] : memref<10240x128xbf16, #tpu.memory_space<vmem_shared>> -> memref<128x128xbf16, #tpu.memory_space<vmem_shared>>
        tpu.wait_dma2 semaphore(%run_scoped3A_38 : memref<!tpu.dma_semaphore, #tpu.memory_space<semaphore_mem>>) src(%dma_wait3A_52 : memref<128x128xbf16, #tpu.memory_space<vmem_shared>>) dst(%dma_wait3A_50 : memref<128x128xbf16, #tpu.memory_space<hbm>>)
        tpu.yield
      }) : () -> ()
    } else {
    }
    return
  }
}

#map = affine_map<(d0, d1) -> (0, 0)>
#map1 = affine_map<(d0, d1) -> (0, 0, 0)>
module attributes {stable_mosaic.version = 14 : i64} {
  func.func @deghist(%arg0: i32, %arg1: i32, %arg2: memref<32x10000xi32, #tpu.memory_space<hbm>>, %arg3: memref<1x128xi32, #tpu.memory_space<hbm>>, %arg4: memref<128x128xf32, #tpu.memory_space<hbm>>, %arg5: memref<2x128x128xf32, #tpu.memory_space<hbm>>, %arg6: memref<10000xi32, #tpu.memory_space<vmem>>, %arg7: memref<128x128xf32, #tpu.memory_space<vmem>>, %arg8: memref<1x128xi32, #tpu.memory_space<vmem>>, %arg9: memref<128x128xf32, #tpu.memory_space<vmem_shared>>) attributes {dimension_semantics = [#tpu.dimension_semantics<core_parallel>, #tpu.dimension_semantics<subcore_parallel>], iteration_bounds = array<i64: 2, 16>, scalar_prefetch = 0 : i64, scratch_operands = 4 : i64, tpu.core_type = #tpu.core_type<sc_vector_subcore>, window_params = [{transform_indices = #map}, {transform_indices = #map}, {transform_indices = #map}, {transform_indices = #map1}]} {
    %mul3A = arith.constant 16 : i32
    %mul3A_0 = arith.muli %arg0, %mul3A : i32
    %add3A = arith.addi %mul3A_0, %arg1 : i32
    "tpu.region"() ({
      %run_scoped3A_17 = tpu.sem_alloc : memref<!tpu.dma_semaphore, #tpu.memory_space<semaphore_mem>>
      %dma_start3A = arith.constant 0 : i32
      %dma_start3A_18 = tpu.memref_slice %arg2[%add3A, %dma_start3A] : memref<32x10000xi32, #tpu.memory_space<hbm>> -> memref<1x10000xi32, #tpu.memory_space<hbm>>
      %dma_start3A_19 = tpu.memref_squeeze %dma_start3A_18 : memref<1x10000xi32, #tpu.memory_space<hbm>> -> memref<10000xi32, #tpu.memory_space<hbm>>
      %dma_start3A_20 = arith.constant 0 : i32
      %dma_start3A_21 = tpu.memref_slice %arg2[%add3A, %dma_start3A_20] : memref<32x10000xi32, #tpu.memory_space<hbm>> -> memref<1x10000xi32, #tpu.memory_space<hbm>>
      %dma_start3A_22 = tpu.memref_squeeze %dma_start3A_21 : memref<1x10000xi32, #tpu.memory_space<hbm>> -> memref<10000xi32, #tpu.memory_space<hbm>>
      tpu.enqueue_dma source(%dma_start3A_22 : memref<10000xi32, #tpu.memory_space<hbm>>) target(%arg6 : memref<10000xi32, #tpu.memory_space<vmem>>) target_semaphore(%run_scoped3A_17 : memref<!tpu.dma_semaphore, #tpu.memory_space<semaphore_mem>>)
      %dma_wait3A = arith.constant 0 : i32
      %dma_wait3A_23 = tpu.memref_slice %arg2[%add3A, %dma_wait3A] : memref<32x10000xi32, #tpu.memory_space<hbm>> -> memref<1x10000xi32, #tpu.memory_space<hbm>>
      %dma_wait3A_24 = tpu.memref_squeeze %dma_wait3A_23 : memref<1x10000xi32, #tpu.memory_space<hbm>> -> memref<10000xi32, #tpu.memory_space<hbm>>
      %dma_wait3A_25 = arith.constant 0 : i32
      %dma_wait3A_26 = tpu.memref_slice %arg2[%add3A, %dma_wait3A_25] : memref<32x10000xi32, #tpu.memory_space<hbm>> -> memref<1x10000xi32, #tpu.memory_space<hbm>>
      %dma_wait3A_27 = tpu.memref_squeeze %dma_wait3A_26 : memref<1x10000xi32, #tpu.memory_space<hbm>> -> memref<10000xi32, #tpu.memory_space<hbm>>
      tpu.wait_dma2 semaphore(%run_scoped3A_17 : memref<!tpu.dma_semaphore, #tpu.memory_space<semaphore_mem>>) src(%dma_wait3A_27 : memref<10000xi32, #tpu.memory_space<hbm>>) dst(%arg6 : memref<10000xi32, #tpu.memory_space<vmem>>)
      tpu.yield
    }) : () -> ()
    "tpu.region"() ({
      %run_scoped3A_17 = tpu.sem_alloc : memref<!tpu.dma_semaphore, #tpu.memory_space<semaphore_mem>>
      tpu.enqueue_dma source(%arg3 : memref<1x128xi32, #tpu.memory_space<hbm>>) target(%arg8 : memref<1x128xi32, #tpu.memory_space<vmem>>) target_semaphore(%run_scoped3A_17 : memref<!tpu.dma_semaphore, #tpu.memory_space<semaphore_mem>>)
      tpu.wait_dma2 semaphore(%run_scoped3A_17 : memref<!tpu.dma_semaphore, #tpu.memory_space<semaphore_mem>>) src(%arg3 : memref<1x128xi32, #tpu.memory_space<hbm>>) dst(%arg8 : memref<1x128xi32, #tpu.memory_space<vmem>>)
      tpu.yield
    }) : () -> ()
    "tpu.region"() ({
      %run_scoped3A_17 = tpu.sem_alloc : memref<!tpu.dma_semaphore, #tpu.memory_space<semaphore_mem>>
      tpu.enqueue_dma source(%arg4 : memref<128x128xf32, #tpu.memory_space<hbm>>) target(%arg7 : memref<128x128xf32, #tpu.memory_space<vmem>>) target_semaphore(%run_scoped3A_17 : memref<!tpu.dma_semaphore, #tpu.memory_space<semaphore_mem>>)
      tpu.wait_dma2 semaphore(%run_scoped3A_17 : memref<!tpu.dma_semaphore, #tpu.memory_space<semaphore_mem>>) src(%arg4 : memref<128x128xf32, #tpu.memory_space<hbm>>) dst(%arg7 : memref<128x128xf32, #tpu.memory_space<vmem>>)
      tpu.yield
    }) : () -> ()
    %mul3A_1 = arith.constant 8 : i32
    %mul3A_2 = arith.muli %arg1, %mul3A_1 : i32
    "tpu.region"() ({
      %run_scoped3A_17 = tpu.sem_alloc : memref<!tpu.dma_semaphore, #tpu.memory_space<semaphore_mem>>
      %dma_start3A = arith.constant 0 : i32
      %dma_start3A_18 = tpu.memref_slice %arg9[%mul3A_2, %dma_start3A] : memref<128x128xf32, #tpu.memory_space<vmem_shared>> -> memref<8x128xf32, #tpu.memory_space<vmem_shared>>
      %dma_start3A_19 = arith.constant 0 : i32
      %dma_start3A_20 = arith.constant 0 : i32
      %dma_start3A_21 = tpu.memref_slice %arg4[%dma_start3A_19, %dma_start3A_20] : memref<128x128xf32, #tpu.memory_space<hbm>> -> memref<8x128xf32, #tpu.memory_space<hbm>>
      tpu.enqueue_dma source(%dma_start3A_21 : memref<8x128xf32, #tpu.memory_space<hbm>>) target(%dma_start3A_18 : memref<8x128xf32, #tpu.memory_space<vmem_shared>>) target_semaphore(%run_scoped3A_17 : memref<!tpu.dma_semaphore, #tpu.memory_space<semaphore_mem>>)
      %dma_wait3A = arith.constant 0 : i32
      %dma_wait3A_22 = tpu.memref_slice %arg9[%mul3A_2, %dma_wait3A] : memref<128x128xf32, #tpu.memory_space<vmem_shared>> -> memref<8x128xf32, #tpu.memory_space<vmem_shared>>
      %dma_wait3A_23 = arith.constant 0 : i32
      %dma_wait3A_24 = arith.constant 0 : i32
      %dma_wait3A_25 = tpu.memref_slice %arg4[%dma_wait3A_23, %dma_wait3A_24] : memref<128x128xf32, #tpu.memory_space<hbm>> -> memref<8x128xf32, #tpu.memory_space<hbm>>
      tpu.wait_dma2 semaphore(%run_scoped3A_17 : memref<!tpu.dma_semaphore, #tpu.memory_space<semaphore_mem>>) src(%dma_wait3A_25 : memref<8x128xf32, #tpu.memory_space<hbm>>) dst(%dma_wait3A_22 : memref<8x128xf32, #tpu.memory_space<vmem_shared>>)
      tpu.yield
    }) : () -> ()
    %broadcast_in_dim3A = arith.constant 1.000000e+00 : f32
    %broadcast_in_dim3A_3 = vector.broadcast %broadcast_in_dim3A : f32 to vector<16xf32>
    %scan3A = arith.constant 0 : i32
    %scan3A_4 = arith.constant 0 : i32
    %scan3A_5 = arith.constant 625 : i32
    %scan3A_6 = arith.addi %scan3A_4, %scan3A_5 : i32
    %scan3A_7 = arith.constant 1 : i32
    scf.for %scan3A_17 = %scan3A_4 to %scan3A_6 step %scan3A_7  : i32 {
      %mul3A_18 = arith.constant 16 : i32
      %mul3A_19 = arith.muli %scan3A_17, %mul3A_18 : i32
      %get3A = arith.index_cast %mul3A_19 : i32 to index
      %get3A_20 = tpu.vector_load %arg6[%get3A] {strides = array<i32>} : memref<10000xi32, #tpu.memory_space<vmem>>, vector<16xi32>,
      %shift_right_logical3A = arith.constant 7 : i32
      %shift_right_logical3A_21 = vector.broadcast %shift_right_logical3A : i32 to vector<16xi32>
      %shift_right_logical3A_22 = arith.shrui %get3A_20, %shift_right_logical3A_21 : vector<16xi32>
      %and3A = arith.constant 127 : i32
      %and3A_23 = vector.broadcast %and3A : i32 to vector<16xi32>
      %and3A_24 = arith.andi %get3A_20, %and3A_23 : vector<16xi32>
      tpu.vector_store_idx %arg7[%shift_right_logical3A_22, %and3A_24], %broadcast_in_dim3A_3 {add = true} : memref<128x128xf32, #tpu.memory_space<vmem>>[vector<16xi32>, vector<16xi32>], vector<16xf32>,
    }
    %scan3A_8 = arith.constant 625 : i32
    %barrier3A = arith.constant 0 : index
    tpu.barrier barrier_id(%barrier3A)
    %run_scoped3A = arith.constant 0 : i32
    "tpu.region"() ({
      %run_scoped3A_17 = tpu.sem_alloc : memref<!tpu.dma_semaphore, #tpu.memory_space<semaphore_mem>>
      %dma_start3A = arith.constant 0 : i32
      %dma_start3A_18 = tpu.memref_slice %arg8[%run_scoped3A, %dma_start3A] : memref<1x128xi32, #tpu.memory_space<vmem>> -> memref<1x128xi32, #tpu.memory_space<vmem>>
      %dma_start3A_19 = tpu.memref_squeeze %dma_start3A_18 : memref<1x128xi32, #tpu.memory_space<vmem>> -> memref<128xi32, #tpu.memory_space<vmem>>
      %dma_start3A_20 = arith.constant 0 : i32
      %dma_start3A_21 = arith.constant 0 : i32
      %dma_start3A_22 = tpu.memref_slice %arg9[%dma_start3A_20, %dma_start3A_21] : memref<128x128xf32, #tpu.memory_space<vmem_shared>> -> memref<128x128xf32, #tpu.memory_space<vmem_shared>>
      tpu.enqueue_indirect_dma source(%arg7 : memref<128x128xf32, #tpu.memory_space<vmem>>) target(%dma_start3A_22 : memref<128x128xf32, #tpu.memory_space<vmem_shared>>) offsets(%dma_start3A_19 : memref<128xi32, #tpu.memory_space<vmem>>) semaphore(%run_scoped3A_17 : memref<!tpu.dma_semaphore, #tpu.memory_space<semaphore_mem>>) {add = true}
      %dma_wait3A = arith.constant 0 : i32
      %dma_wait3A_23 = tpu.memref_slice %arg8[%run_scoped3A, %dma_wait3A] : memref<1x128xi32, #tpu.memory_space<vmem>> -> memref<1x128xi32, #tpu.memory_space<vmem>>
      %dma_wait3A_24 = tpu.memref_squeeze %dma_wait3A_23 : memref<1x128xi32, #tpu.memory_space<vmem>> -> memref<128xi32, #tpu.memory_space<vmem>>
      %dma_wait3A_25 = arith.constant 0 : i32
      %dma_wait3A_26 = arith.constant 0 : i32
      %dma_wait3A_27 = tpu.memref_slice %arg9[%dma_wait3A_25, %dma_wait3A_26] : memref<128x128xf32, #tpu.memory_space<vmem_shared>> -> memref<128x128xf32, #tpu.memory_space<vmem_shared>>
      tpu.wait_indirect_dma semaphore(%run_scoped3A_17 : memref<!tpu.dma_semaphore, #tpu.memory_space<semaphore_mem>>) src(%arg7 : memref<128x128xf32, #tpu.memory_space<vmem>>) dst(%dma_wait3A_27 : memref<128x128xf32, #tpu.memory_space<vmem_shared>>)
      tpu.yield
    }) : () -> ()
    %barrier3A_9 = arith.constant 0 : index
    tpu.barrier barrier_id(%barrier3A_9)
    %eq3A = arith.constant 0 : i32
    %eq3A_10 = arith.cmpi eq, %arg0, %eq3A : i32
    %convert_element_type3A = arith.extui %eq3A_10 : i1 to i32
    %cond3A = arith.constant 0 : i32
    %cond3A_11 = arith.cmpi ne, %convert_element_type3A, %cond3A : i32
    scf.if %cond3A_11 {
      %mul3A_17 = arith.constant 8 : i32
      %mul3A_18 = arith.muli %arg1, %mul3A_17 : i32
      %mul3A_19 = arith.constant 8 : i32
      %mul3A_20 = arith.muli %arg1, %mul3A_19 : i32
      %run_scoped3A_21 = arith.constant 0 : i32
      "tpu.region"() ({
        %run_scoped3A_22 = tpu.sem_alloc : memref<!tpu.dma_semaphore, #tpu.memory_space<semaphore_mem>>
        %dma_start3A = arith.constant 0 : i32
        %dma_start3A_23 = arith.constant 0 : i32
        %dma_start3A_24 = tpu.memref_slice %arg5[%run_scoped3A_21, %dma_start3A, %dma_start3A_23] : memref<2x128x128xf32, #tpu.memory_space<hbm>> -> memref<1x128x128xf32, #tpu.memory_space<hbm>>
        %dma_start3A_25 = tpu.memref_squeeze %dma_start3A_24 : memref<1x128x128xf32, #tpu.memory_space<hbm>> -> memref<128x128xf32, #tpu.memory_space<hbm>>
        %dma_start3A_26 = arith.constant 0 : i32
        %dma_start3A_27 = tpu.memref_slice %dma_start3A_25[%mul3A_20, %dma_start3A_26] : memref<128x128xf32, #tpu.memory_space<hbm>> -> memref<8x128xf32, #tpu.memory_space<hbm>>
        %dma_start3A_28 = arith.constant 0 : i32
        %dma_start3A_29 = tpu.memref_slice %arg9[%mul3A_18, %dma_start3A_28] : memref<128x128xf32, #tpu.memory_space<vmem_shared>> -> memref<8x128xf32, #tpu.memory_space<vmem_shared>>
        tpu.enqueue_dma source(%dma_start3A_29 : memref<8x128xf32, #tpu.memory_space<vmem_shared>>) target(%dma_start3A_27 : memref<8x128xf32, #tpu.memory_space<hbm>>) target_semaphore(%run_scoped3A_22 : memref<!tpu.dma_semaphore, #tpu.memory_space<semaphore_mem>>)
        %dma_wait3A = arith.constant 0 : i32
        %dma_wait3A_30 = arith.constant 0 : i32
        %dma_wait3A_31 = tpu.memref_slice %arg5[%run_scoped3A_21, %dma_wait3A, %dma_wait3A_30] : memref<2x128x128xf32, #tpu.memory_space<hbm>> -> memref<1x128x128xf32, #tpu.memory_space<hbm>>
        %dma_wait3A_32 = tpu.memref_squeeze %dma_wait3A_31 : memref<1x128x128xf32, #tpu.memory_space<hbm>> -> memref<128x128xf32, #tpu.memory_space<hbm>>
        %dma_wait3A_33 = arith.constant 0 : i32
        %dma_wait3A_34 = tpu.memref_slice %dma_wait3A_32[%mul3A_20, %dma_wait3A_33] : memref<128x128xf32, #tpu.memory_space<hbm>> -> memref<8x128xf32, #tpu.memory_space<hbm>>
        %dma_wait3A_35 = arith.constant 0 : i32
        %dma_wait3A_36 = tpu.memref_slice %arg9[%mul3A_18, %dma_wait3A_35] : memref<128x128xf32, #tpu.memory_space<vmem_shared>> -> memref<8x128xf32, #tpu.memory_space<vmem_shared>>
        tpu.wait_dma2 semaphore(%run_scoped3A_22 : memref<!tpu.dma_semaphore, #tpu.memory_space<semaphore_mem>>) src(%dma_wait3A_36 : memref<8x128xf32, #tpu.memory_space<vmem_shared>>) dst(%dma_wait3A_34 : memref<8x128xf32, #tpu.memory_space<hbm>>)
        tpu.yield
      }) : () -> ()
    } else {
    }
    %eq3A_12 = arith.constant 1 : i32
    %eq3A_13 = arith.cmpi eq, %arg0, %eq3A_12 : i32
    %convert_element_type3A_14 = arith.extui %eq3A_13 : i1 to i32
    %cond3A_15 = arith.constant 0 : i32
    %cond3A_16 = arith.cmpi ne, %convert_element_type3A_14, %cond3A_15 : i32
    scf.if %cond3A_16 {
      %mul3A_17 = arith.constant 8 : i32
      %mul3A_18 = arith.muli %arg1, %mul3A_17 : i32
      %mul3A_19 = arith.constant 8 : i32
      %mul3A_20 = arith.muli %arg1, %mul3A_19 : i32
      %run_scoped3A_21 = arith.constant 1 : i32
      "tpu.region"() ({
        %run_scoped3A_22 = tpu.sem_alloc : memref<!tpu.dma_semaphore, #tpu.memory_space<semaphore_mem>>
        %dma_start3A = arith.constant 0 : i32
        %dma_start3A_23 = arith.constant 0 : i32
        %dma_start3A_24 = tpu.memref_slice %arg5[%run_scoped3A_21, %dma_start3A, %dma_start3A_23] : memref<2x128x128xf32, #tpu.memory_space<hbm>> -> memref<1x128x128xf32, #tpu.memory_space<hbm>>
        %dma_start3A_25 = tpu.memref_squeeze %dma_start3A_24 : memref<1x128x128xf32, #tpu.memory_space<hbm>> -> memref<128x128xf32, #tpu.memory_space<hbm>>
        %dma_start3A_26 = arith.constant 0 : i32
        %dma_start3A_27 = tpu.memref_slice %dma_start3A_25[%mul3A_20, %dma_start3A_26] : memref<128x128xf32, #tpu.memory_space<hbm>> -> memref<8x128xf32, #tpu.memory_space<hbm>>
        %dma_start3A_28 = arith.constant 0 : i32
        %dma_start3A_29 = tpu.memref_slice %arg9[%mul3A_18, %dma_start3A_28] : memref<128x128xf32, #tpu.memory_space<vmem_shared>> -> memref<8x128xf32, #tpu.memory_space<vmem_shared>>
        tpu.enqueue_dma source(%dma_start3A_29 : memref<8x128xf32, #tpu.memory_space<vmem_shared>>) target(%dma_start3A_27 : memref<8x128xf32, #tpu.memory_space<hbm>>) target_semaphore(%run_scoped3A_22 : memref<!tpu.dma_semaphore, #tpu.memory_space<semaphore_mem>>)
        %dma_wait3A = arith.constant 0 : i32
        %dma_wait3A_30 = arith.constant 0 : i32
        %dma_wait3A_31 = tpu.memref_slice %arg5[%run_scoped3A_21, %dma_wait3A, %dma_wait3A_30] : memref<2x128x128xf32, #tpu.memory_space<hbm>> -> memref<1x128x128xf32, #tpu.memory_space<hbm>>
        %dma_wait3A_32 = tpu.memref_squeeze %dma_wait3A_31 : memref<1x128x128xf32, #tpu.memory_space<hbm>> -> memref<128x128xf32, #tpu.memory_space<hbm>>
        %dma_wait3A_33 = arith.constant 0 : i32
        %dma_wait3A_34 = tpu.memref_slice %dma_wait3A_32[%mul3A_20, %dma_wait3A_33] : memref<128x128xf32, #tpu.memory_space<hbm>> -> memref<8x128xf32, #tpu.memory_space<hbm>>
        %dma_wait3A_35 = arith.constant 0 : i32
        %dma_wait3A_36 = tpu.memref_slice %arg9[%mul3A_18, %dma_wait3A_35] : memref<128x128xf32, #tpu.memory_space<vmem_shared>> -> memref<8x128xf32, #tpu.memory_space<vmem_shared>>
        tpu.wait_dma2 semaphore(%run_scoped3A_22 : memref<!tpu.dma_semaphore, #tpu.memory_space<semaphore_mem>>) src(%dma_wait3A_36 : memref<8x128xf32, #tpu.memory_space<vmem_shared>>) dst(%dma_wait3A_34 : memref<8x128xf32, #tpu.memory_space<hbm>>)
        tpu.yield
      }) : () -> ()
    } else {
    }
    return
  }
}

#map = affine_map<(d0, d1) -> (0, 0, 0)>
#map1 = affine_map<(d0, d1) -> (0, 0)>
module attributes {stable_mosaic.version = 14 : i64} {
  func.func @aprop(%arg0: i32, %arg1: i32, %arg2: memref<2x10240x128xbf16, #tpu.memory_space<hbm>>, %arg3: memref<16x157x128xi32, #tpu.memory_space<hbm>>, %arg4: memref<16x157x128xi32, #tpu.memory_space<hbm>>, %arg5: memref<128x128xbf16, #tpu.memory_space<hbm>>, %arg6: memref<2x10240x128xbf16, #tpu.memory_space<hbm>>, %arg7: memref<157x128xi32, #tpu.memory_space<vmem>>, %arg8: memref<157x128xi32, #tpu.memory_space<vmem>>, %arg9: memref<128x128xbf16, #tpu.memory_space<vmem>>, %arg10: memref<10240x128xbf16, #tpu.memory_space<vmem_shared>>, %arg11: memref<!tpu.dma_semaphore, #tpu.memory_space<semaphore_mem>>) attributes {dimension_semantics = [#tpu.dimension_semantics<core_parallel>, #tpu.dimension_semantics<subcore_parallel>], iteration_bounds = array<i64: 2, 16>, scalar_prefetch = 0 : i64, scratch_operands = 5 : i64, tpu.core_type = #tpu.core_type<sc_vector_subcore>, window_params = [{transform_indices = #map}, {transform_indices = #map}, {transform_indices = #map}, {transform_indices = #map1}, {transform_indices = #map}]} {
    "tpu.region"() ({
      %run_scoped3A = tpu.sem_alloc : memref<!tpu.dma_semaphore, #tpu.memory_space<semaphore_mem>>
      %dma_start3A = arith.constant 0 : i32
      %dma_start3A_17 = arith.constant 0 : i32
      %dma_start3A_18 = tpu.memref_slice %arg3[%arg1, %dma_start3A, %dma_start3A_17] : memref<16x157x128xi32, #tpu.memory_space<hbm>> -> memref<1x157x128xi32, #tpu.memory_space<hbm>>
      %dma_start3A_19 = tpu.memref_squeeze %dma_start3A_18 : memref<1x157x128xi32, #tpu.memory_space<hbm>> -> memref<157x128xi32, #tpu.memory_space<hbm>>
      %dma_start3A_20 = arith.constant 0 : i32
      %dma_start3A_21 = arith.constant 0 : i32
      %dma_start3A_22 = tpu.memref_slice %arg3[%arg1, %dma_start3A_20, %dma_start3A_21] : memref<16x157x128xi32, #tpu.memory_space<hbm>> -> memref<1x157x128xi32, #tpu.memory_space<hbm>>
      %dma_start3A_23 = tpu.memref_squeeze %dma_start3A_22 : memref<1x157x128xi32, #tpu.memory_space<hbm>> -> memref<157x128xi32, #tpu.memory_space<hbm>>
      tpu.enqueue_dma source(%dma_start3A_23 : memref<157x128xi32, #tpu.memory_space<hbm>>) target(%arg7 : memref<157x128xi32, #tpu.memory_space<vmem>>) target_semaphore(%run_scoped3A : memref<!tpu.dma_semaphore, #tpu.memory_space<semaphore_mem>>)
      %dma_wait3A = arith.constant 0 : i32
      %dma_wait3A_24 = arith.constant 0 : i32
      %dma_wait3A_25 = tpu.memref_slice %arg3[%arg1, %dma_wait3A, %dma_wait3A_24] : memref<16x157x128xi32, #tpu.memory_space<hbm>> -> memref<1x157x128xi32, #tpu.memory_space<hbm>>
      %dma_wait3A_26 = tpu.memref_squeeze %dma_wait3A_25 : memref<1x157x128xi32, #tpu.memory_space<hbm>> -> memref<157x128xi32, #tpu.memory_space<hbm>>
      %dma_wait3A_27 = arith.constant 0 : i32
      %dma_wait3A_28 = arith.constant 0 : i32
      %dma_wait3A_29 = tpu.memref_slice %arg3[%arg1, %dma_wait3A_27, %dma_wait3A_28] : memref<16x157x128xi32, #tpu.memory_space<hbm>> -> memref<1x157x128xi32, #tpu.memory_space<hbm>>
      %dma_wait3A_30 = tpu.memref_squeeze %dma_wait3A_29 : memref<1x157x128xi32, #tpu.memory_space<hbm>> -> memref<157x128xi32, #tpu.memory_space<hbm>>
      tpu.wait_dma2 semaphore(%run_scoped3A : memref<!tpu.dma_semaphore, #tpu.memory_space<semaphore_mem>>) src(%dma_wait3A_30 : memref<157x128xi32, #tpu.memory_space<hbm>>) dst(%arg7 : memref<157x128xi32, #tpu.memory_space<vmem>>)
      tpu.yield
    }) : () -> ()
    "tpu.region"() ({
      %run_scoped3A = tpu.sem_alloc : memref<!tpu.dma_semaphore, #tpu.memory_space<semaphore_mem>>
      %dma_start3A = arith.constant 0 : i32
      %dma_start3A_17 = arith.constant 0 : i32
      %dma_start3A_18 = tpu.memref_slice %arg4[%arg1, %dma_start3A, %dma_start3A_17] : memref<16x157x128xi32, #tpu.memory_space<hbm>> -> memref<1x157x128xi32, #tpu.memory_space<hbm>>
      %dma_start3A_19 = tpu.memref_squeeze %dma_start3A_18 : memref<1x157x128xi32, #tpu.memory_space<hbm>> -> memref<157x128xi32, #tpu.memory_space<hbm>>
      %dma_start3A_20 = arith.constant 0 : i32
      %dma_start3A_21 = arith.constant 0 : i32
      %dma_start3A_22 = tpu.memref_slice %arg4[%arg1, %dma_start3A_20, %dma_start3A_21] : memref<16x157x128xi32, #tpu.memory_space<hbm>> -> memref<1x157x128xi32, #tpu.memory_space<hbm>>
      %dma_start3A_23 = tpu.memref_squeeze %dma_start3A_22 : memref<1x157x128xi32, #tpu.memory_space<hbm>> -> memref<157x128xi32, #tpu.memory_space<hbm>>
      tpu.enqueue_dma source(%dma_start3A_23 : memref<157x128xi32, #tpu.memory_space<hbm>>) target(%arg8 : memref<157x128xi32, #tpu.memory_space<vmem>>) target_semaphore(%run_scoped3A : memref<!tpu.dma_semaphore, #tpu.memory_space<semaphore_mem>>)
      %dma_wait3A = arith.constant 0 : i32
      %dma_wait3A_24 = arith.constant 0 : i32
      %dma_wait3A_25 = tpu.memref_slice %arg4[%arg1, %dma_wait3A, %dma_wait3A_24] : memref<16x157x128xi32, #tpu.memory_space<hbm>> -> memref<1x157x128xi32, #tpu.memory_space<hbm>>
      %dma_wait3A_26 = tpu.memref_squeeze %dma_wait3A_25 : memref<1x157x128xi32, #tpu.memory_space<hbm>> -> memref<157x128xi32, #tpu.memory_space<hbm>>
      %dma_wait3A_27 = arith.constant 0 : i32
      %dma_wait3A_28 = arith.constant 0 : i32
      %dma_wait3A_29 = tpu.memref_slice %arg4[%arg1, %dma_wait3A_27, %dma_wait3A_28] : memref<16x157x128xi32, #tpu.memory_space<hbm>> -> memref<1x157x128xi32, #tpu.memory_space<hbm>>
      %dma_wait3A_30 = tpu.memref_squeeze %dma_wait3A_29 : memref<1x157x128xi32, #tpu.memory_space<hbm>> -> memref<157x128xi32, #tpu.memory_space<hbm>>
      tpu.wait_dma2 semaphore(%run_scoped3A : memref<!tpu.dma_semaphore, #tpu.memory_space<semaphore_mem>>) src(%dma_wait3A_30 : memref<157x128xi32, #tpu.memory_space<hbm>>) dst(%arg8 : memref<157x128xi32, #tpu.memory_space<vmem>>)
      tpu.yield
    }) : () -> ()
    %mul3A = arith.constant 640 : i32
    %mul3A_0 = arith.muli %arg1, %mul3A : i32
    "tpu.region"() ({
      %run_scoped3A = tpu.sem_alloc : memref<!tpu.dma_semaphore, #tpu.memory_space<semaphore_mem>>
      tpu.enqueue_dma source(%arg5 : memref<128x128xbf16, #tpu.memory_space<hbm>>) target(%arg9 : memref<128x128xbf16, #tpu.memory_space<vmem>>) target_semaphore(%run_scoped3A : memref<!tpu.dma_semaphore, #tpu.memory_space<semaphore_mem>>)
      tpu.wait_dma2 semaphore(%run_scoped3A : memref<!tpu.dma_semaphore, #tpu.memory_space<semaphore_mem>>) src(%arg5 : memref<128x128xbf16, #tpu.memory_space<hbm>>) dst(%arg9 : memref<128x128xbf16, #tpu.memory_space<vmem>>)
      tpu.yield
    }) : () -> ()
    %add3A = arith.constant 0 : i32
    %add3A_1 = arith.addi %mul3A_0, %add3A : i32
    "tpu.region"() ({
      %run_scoped3A = tpu.sem_alloc : memref<!tpu.dma_semaphore, #tpu.memory_space<semaphore_mem>>
      %dma_start3A = arith.constant 0 : i32
      %dma_start3A_17 = tpu.memref_slice %arg10[%add3A_1, %dma_start3A] : memref<10240x128xbf16, #tpu.memory_space<vmem_shared>> -> memref<128x128xbf16, #tpu.memory_space<vmem_shared>>
      %dma_start3A_18 = arith.constant 0 : i32
      %dma_start3A_19 = tpu.memref_slice %arg10[%add3A_1, %dma_start3A_18] : memref<10240x128xbf16, #tpu.memory_space<vmem_shared>> -> memref<128x128xbf16, #tpu.memory_space<vmem_shared>>
      tpu.enqueue_dma source(%arg9 : memref<128x128xbf16, #tpu.memory_space<vmem>>) target(%dma_start3A_19 : memref<128x128xbf16, #tpu.memory_space<vmem_shared>>) target_semaphore(%run_scoped3A : memref<!tpu.dma_semaphore, #tpu.memory_space<semaphore_mem>>)
      %dma_wait3A = arith.constant 0 : i32
      %dma_wait3A_20 = tpu.memref_slice %arg10[%add3A_1, %dma_wait3A] : memref<10240x128xbf16, #tpu.memory_space<vmem_shared>> -> memref<128x128xbf16, #tpu.memory_space<vmem_shared>>
      %dma_wait3A_21 = arith.constant 0 : i32
      %dma_wait3A_22 = tpu.memref_slice %arg10[%add3A_1, %dma_wait3A_21] : memref<10240x128xbf16, #tpu.memory_space<vmem_shared>> -> memref<128x128xbf16, #tpu.memory_space<vmem_shared>>
      tpu.wait_dma2 semaphore(%run_scoped3A : memref<!tpu.dma_semaphore, #tpu.memory_space<semaphore_mem>>) src(%arg9 : memref<128x128xbf16, #tpu.memory_space<vmem>>) dst(%dma_wait3A_22 : memref<128x128xbf16, #tpu.memory_space<vmem_shared>>)
      tpu.yield
    }) : () -> ()
    %add3A_2 = arith.constant 128 : i32
    %add3A_3 = arith.addi %mul3A_0, %add3A_2 : i32
    "tpu.region"() ({
      %run_scoped3A = tpu.sem_alloc : memref<!tpu.dma_semaphore, #tpu.memory_space<semaphore_mem>>
      %dma_start3A = arith.constant 0 : i32
      %dma_start3A_17 = tpu.memref_slice %arg10[%add3A_3, %dma_start3A] : memref<10240x128xbf16, #tpu.memory_space<vmem_shared>> -> memref<128x128xbf16, #tpu.memory_space<vmem_shared>>
      %dma_start3A_18 = arith.constant 0 : i32
      %dma_start3A_19 = tpu.memref_slice %arg10[%add3A_3, %dma_start3A_18] : memref<10240x128xbf16, #tpu.memory_space<vmem_shared>> -> memref<128x128xbf16, #tpu.memory_space<vmem_shared>>
      tpu.enqueue_dma source(%arg9 : memref<128x128xbf16, #tpu.memory_space<vmem>>) target(%dma_start3A_19 : memref<128x128xbf16, #tpu.memory_space<vmem_shared>>) target_semaphore(%run_scoped3A : memref<!tpu.dma_semaphore, #tpu.memory_space<semaphore_mem>>)
      %dma_wait3A = arith.constant 0 : i32
      %dma_wait3A_20 = tpu.memref_slice %arg10[%add3A_3, %dma_wait3A] : memref<10240x128xbf16, #tpu.memory_space<vmem_shared>> -> memref<128x128xbf16, #tpu.memory_space<vmem_shared>>
      %dma_wait3A_21 = arith.constant 0 : i32
      %dma_wait3A_22 = tpu.memref_slice %arg10[%add3A_3, %dma_wait3A_21] : memref<10240x128xbf16, #tpu.memory_space<vmem_shared>> -> memref<128x128xbf16, #tpu.memory_space<vmem_shared>>
      tpu.wait_dma2 semaphore(%run_scoped3A : memref<!tpu.dma_semaphore, #tpu.memory_space<semaphore_mem>>) src(%arg9 : memref<128x128xbf16, #tpu.memory_space<vmem>>) dst(%dma_wait3A_22 : memref<128x128xbf16, #tpu.memory_space<vmem_shared>>)
      tpu.yield
    }) : () -> ()
    %add3A_4 = arith.constant 256 : i32
    %add3A_5 = arith.addi %mul3A_0, %add3A_4 : i32
    "tpu.region"() ({
      %run_scoped3A = tpu.sem_alloc : memref<!tpu.dma_semaphore, #tpu.memory_space<semaphore_mem>>
      %dma_start3A = arith.constant 0 : i32
      %dma_start3A_17 = tpu.memref_slice %arg10[%add3A_5, %dma_start3A] : memref<10240x128xbf16, #tpu.memory_space<vmem_shared>> -> memref<128x128xbf16, #tpu.memory_space<vmem_shared>>
      %dma_start3A_18 = arith.constant 0 : i32
      %dma_start3A_19 = tpu.memref_slice %arg10[%add3A_5, %dma_start3A_18] : memref<10240x128xbf16, #tpu.memory_space<vmem_shared>> -> memref<128x128xbf16, #tpu.memory_space<vmem_shared>>
      tpu.enqueue_dma source(%arg9 : memref<128x128xbf16, #tpu.memory_space<vmem>>) target(%dma_start3A_19 : memref<128x128xbf16, #tpu.memory_space<vmem_shared>>) target_semaphore(%run_scoped3A : memref<!tpu.dma_semaphore, #tpu.memory_space<semaphore_mem>>)
      %dma_wait3A = arith.constant 0 : i32
      %dma_wait3A_20 = tpu.memref_slice %arg10[%add3A_5, %dma_wait3A] : memref<10240x128xbf16, #tpu.memory_space<vmem_shared>> -> memref<128x128xbf16, #tpu.memory_space<vmem_shared>>
      %dma_wait3A_21 = arith.constant 0 : i32
      %dma_wait3A_22 = tpu.memref_slice %arg10[%add3A_5, %dma_wait3A_21] : memref<10240x128xbf16, #tpu.memory_space<vmem_shared>> -> memref<128x128xbf16, #tpu.memory_space<vmem_shared>>
      tpu.wait_dma2 semaphore(%run_scoped3A : memref<!tpu.dma_semaphore, #tpu.memory_space<semaphore_mem>>) src(%arg9 : memref<128x128xbf16, #tpu.memory_space<vmem>>) dst(%dma_wait3A_22 : memref<128x128xbf16, #tpu.memory_space<vmem_shared>>)
      tpu.yield
    }) : () -> ()
    %add3A_6 = arith.constant 384 : i32
    %add3A_7 = arith.addi %mul3A_0, %add3A_6 : i32
    "tpu.region"() ({
      %run_scoped3A = tpu.sem_alloc : memref<!tpu.dma_semaphore, #tpu.memory_space<semaphore_mem>>
      %dma_start3A = arith.constant 0 : i32
      %dma_start3A_17 = tpu.memref_slice %arg10[%add3A_7, %dma_start3A] : memref<10240x128xbf16, #tpu.memory_space<vmem_shared>> -> memref<128x128xbf16, #tpu.memory_space<vmem_shared>>
      %dma_start3A_18 = arith.constant 0 : i32
      %dma_start3A_19 = tpu.memref_slice %arg10[%add3A_7, %dma_start3A_18] : memref<10240x128xbf16, #tpu.memory_space<vmem_shared>> -> memref<128x128xbf16, #tpu.memory_space<vmem_shared>>
      tpu.enqueue_dma source(%arg9 : memref<128x128xbf16, #tpu.memory_space<vmem>>) target(%dma_start3A_19 : memref<128x128xbf16, #tpu.memory_space<vmem_shared>>) target_semaphore(%run_scoped3A : memref<!tpu.dma_semaphore, #tpu.memory_space<semaphore_mem>>)
      %dma_wait3A = arith.constant 0 : i32
      %dma_wait3A_20 = tpu.memref_slice %arg10[%add3A_7, %dma_wait3A] : memref<10240x128xbf16, #tpu.memory_space<vmem_shared>> -> memref<128x128xbf16, #tpu.memory_space<vmem_shared>>
      %dma_wait3A_21 = arith.constant 0 : i32
      %dma_wait3A_22 = tpu.memref_slice %arg10[%add3A_7, %dma_wait3A_21] : memref<10240x128xbf16, #tpu.memory_space<vmem_shared>> -> memref<128x128xbf16, #tpu.memory_space<vmem_shared>>
      tpu.wait_dma2 semaphore(%run_scoped3A : memref<!tpu.dma_semaphore, #tpu.memory_space<semaphore_mem>>) src(%arg9 : memref<128x128xbf16, #tpu.memory_space<vmem>>) dst(%dma_wait3A_22 : memref<128x128xbf16, #tpu.memory_space<vmem_shared>>)
      tpu.yield
    }) : () -> ()
    %add3A_8 = arith.constant 512 : i32
    %add3A_9 = arith.addi %mul3A_0, %add3A_8 : i32
    "tpu.region"() ({
      %run_scoped3A = tpu.sem_alloc : memref<!tpu.dma_semaphore, #tpu.memory_space<semaphore_mem>>
      %dma_start3A = arith.constant 0 : i32
      %dma_start3A_17 = tpu.memref_slice %arg10[%add3A_9, %dma_start3A] : memref<10240x128xbf16, #tpu.memory_space<vmem_shared>> -> memref<128x128xbf16, #tpu.memory_space<vmem_shared>>
      %dma_start3A_18 = arith.constant 0 : i32
      %dma_start3A_19 = tpu.memref_slice %arg10[%add3A_9, %dma_start3A_18] : memref<10240x128xbf16, #tpu.memory_space<vmem_shared>> -> memref<128x128xbf16, #tpu.memory_space<vmem_shared>>
      tpu.enqueue_dma source(%arg9 : memref<128x128xbf16, #tpu.memory_space<vmem>>) target(%dma_start3A_19 : memref<128x128xbf16, #tpu.memory_space<vmem_shared>>) target_semaphore(%run_scoped3A : memref<!tpu.dma_semaphore, #tpu.memory_space<semaphore_mem>>)
      %dma_wait3A = arith.constant 0 : i32
      %dma_wait3A_20 = tpu.memref_slice %arg10[%add3A_9, %dma_wait3A] : memref<10240x128xbf16, #tpu.memory_space<vmem_shared>> -> memref<128x128xbf16, #tpu.memory_space<vmem_shared>>
      %dma_wait3A_21 = arith.constant 0 : i32
      %dma_wait3A_22 = tpu.memref_slice %arg10[%add3A_9, %dma_wait3A_21] : memref<10240x128xbf16, #tpu.memory_space<vmem_shared>> -> memref<128x128xbf16, #tpu.memory_space<vmem_shared>>
      tpu.wait_dma2 semaphore(%run_scoped3A : memref<!tpu.dma_semaphore, #tpu.memory_space<semaphore_mem>>) src(%arg9 : memref<128x128xbf16, #tpu.memory_space<vmem>>) dst(%dma_wait3A_22 : memref<128x128xbf16, #tpu.memory_space<vmem_shared>>)
      tpu.yield
    }) : () -> ()
    %barrier3A = arith.constant 0 : index
    tpu.barrier barrier_id(%barrier3A)
    %eq3A = arith.constant 0 : i32
    %eq3A_10 = arith.cmpi eq, %arg0, %eq3A : i32
    %convert_element_type3A = arith.extui %eq3A_10 : i1 to i32
    %cond3A = arith.constant 0 : i32
    %cond3A_11 = arith.cmpi ne, %convert_element_type3A, %cond3A : i32
    scf.if %cond3A_11 {
      %scan3A = arith.constant 0 : i32
      %scan3A_17 = arith.constant 0 : i32
      %scan3A_18 = arith.constant 0 : i32
      %scan3A_19 = arith.constant 157 : i32
      %scan3A_20 = arith.addi %scan3A_18, %scan3A_19 : i32
      %scan3A_21 = arith.constant 1 : i32
      scf.for %scan3A_38 = %scan3A_18 to %scan3A_20 step %scan3A_21  : i32 {
        %dma_start3A = arith.constant 0 : i32
        %dma_start3A_39 = tpu.memref_slice %arg7[%scan3A_38, %dma_start3A] : memref<157x128xi32, #tpu.memory_space<vmem>> -> memref<1x128xi32, #tpu.memory_space<vmem>>
        %dma_start3A_40 = tpu.memref_squeeze %dma_start3A_39 : memref<1x128xi32, #tpu.memory_space<vmem>> -> memref<128xi32, #tpu.memory_space<vmem>>
        %dma_start3A_41 = arith.constant 0 : i32
        %dma_start3A_42 = arith.constant 0 : i32
        %dma_start3A_43 = tpu.memref_slice %arg2[%scan3A_17, %dma_start3A_41, %dma_start3A_42] : memref<2x10240x128xbf16, #tpu.memory_space<hbm>> -> memref<1x10240x128xbf16, #tpu.memory_space<hbm>>
        %dma_start3A_44 = tpu.memref_squeeze %dma_start3A_43 : memref<1x10240x128xbf16, #tpu.memory_space<hbm>> -> memref<10240x128xbf16, #tpu.memory_space<hbm>>
        %dma_start3A_45 = arith.constant 0 : i32
        %dma_start3A_46 = arith.constant 0 : i32
        %dma_start3A_47 = tpu.memref_slice %dma_start3A_44[%dma_start3A_45, %dma_start3A_46] : memref<10240x128xbf16, #tpu.memory_space<hbm>> -> memref<10240x128xbf16, #tpu.memory_space<hbm>>
        tpu.enqueue_indirect_dma source(%dma_start3A_47 : memref<10240x128xbf16, #tpu.memory_space<hbm>>) target(%arg9 : memref<128x128xbf16, #tpu.memory_space<vmem>>) offsets(%dma_start3A_40 : memref<128xi32, #tpu.memory_space<vmem>>) semaphore(%arg11 : memref<!tpu.dma_semaphore, #tpu.memory_space<semaphore_mem>>)
        %dma_wait3A = arith.constant 0 : i32
        %dma_wait3A_48 = tpu.memref_slice %arg7[%scan3A_38, %dma_wait3A] : memref<157x128xi32, #tpu.memory_space<vmem>> -> memref<1x128xi32, #tpu.memory_space<vmem>>
        %dma_wait3A_49 = tpu.memref_squeeze %dma_wait3A_48 : memref<1x128xi32, #tpu.memory_space<vmem>> -> memref<128xi32, #tpu.memory_space<vmem>>
        %dma_wait3A_50 = arith.constant 0 : i32
        %dma_wait3A_51 = arith.constant 0 : i32
        %dma_wait3A_52 = tpu.memref_slice %arg2[%scan3A_17, %dma_wait3A_50, %dma_wait3A_51] : memref<2x10240x128xbf16, #tpu.memory_space<hbm>> -> memref<1x10240x128xbf16, #tpu.memory_space<hbm>>
        %dma_wait3A_53 = tpu.memref_squeeze %dma_wait3A_52 : memref<1x10240x128xbf16, #tpu.memory_space<hbm>> -> memref<10240x128xbf16, #tpu.memory_space<hbm>>
        %dma_wait3A_54 = arith.constant 0 : i32
        %dma_wait3A_55 = arith.constant 0 : i32
        %dma_wait3A_56 = tpu.memref_slice %dma_wait3A_53[%dma_wait3A_54, %dma_wait3A_55] : memref<10240x128xbf16, #tpu.memory_space<hbm>> -> memref<10240x128xbf16, #tpu.memory_space<hbm>>
        tpu.wait_indirect_dma semaphore(%arg11 : memref<!tpu.dma_semaphore, #tpu.memory_space<semaphore_mem>>) src(%dma_wait3A_56 : memref<10240x128xbf16, #tpu.memory_space<hbm>>) dst(%arg9 : memref<128x128xbf16, #tpu.memory_space<vmem>>)
        "tpu.region"() ({
          %run_scoped3A_57 = tpu.sem_alloc : memref<!tpu.dma_semaphore, #tpu.memory_space<semaphore_mem>>
          %dma_start3A_58 = arith.constant 0 : i32
          %dma_start3A_59 = tpu.memref_slice %arg8[%scan3A_38, %dma_start3A_58] : memref<157x128xi32, #tpu.memory_space<vmem>> -> memref<1x128xi32, #tpu.memory_space<vmem>>
          %dma_start3A_60 = tpu.memref_squeeze %dma_start3A_59 : memref<1x128xi32, #tpu.memory_space<vmem>> -> memref<128xi32, #tpu.memory_space<vmem>>
          %dma_start3A_61 = arith.constant 0 : i32
          %dma_start3A_62 = arith.constant 0 : i32
          %dma_start3A_63 = tpu.memref_slice %arg10[%dma_start3A_61, %dma_start3A_62] : memref<10240x128xbf16, #tpu.memory_space<vmem_shared>> -> memref<10240x128xbf16, #tpu.memory_space<vmem_shared>>
          tpu.enqueue_indirect_dma source(%arg9 : memref<128x128xbf16, #tpu.memory_space<vmem>>) target(%dma_start3A_63 : memref<10240x128xbf16, #tpu.memory_space<vmem_shared>>) offsets(%dma_start3A_60 : memref<128xi32, #tpu.memory_space<vmem>>) semaphore(%run_scoped3A_57 : memref<!tpu.dma_semaphore, #tpu.memory_space<semaphore_mem>>) {add = true}
          %dma_wait3A_64 = arith.constant 0 : i32
          %dma_wait3A_65 = tpu.memref_slice %arg8[%scan3A_38, %dma_wait3A_64] : memref<157x128xi32, #tpu.memory_space<vmem>> -> memref<1x128xi32, #tpu.memory_space<vmem>>
          %dma_wait3A_66 = tpu.memref_squeeze %dma_wait3A_65 : memref<1x128xi32, #tpu.memory_space<vmem>> -> memref<128xi32, #tpu.memory_space<vmem>>
          %dma_wait3A_67 = arith.constant 0 : i32
          %dma_wait3A_68 = arith.constant 0 : i32
          %dma_wait3A_69 = tpu.memref_slice %arg10[%dma_wait3A_67, %dma_wait3A_68] : memref<10240x128xbf16, #tpu.memory_space<vmem_shared>> -> memref<10240x128xbf16, #tpu.memory_space<vmem_shared>>
          tpu.wait_indirect_dma semaphore(%run_scoped3A_57 : memref<!tpu.dma_semaphore, #tpu.memory_space<semaphore_mem>>) src(%arg9 : memref<128x128xbf16, #tpu.memory_space<vmem>>) dst(%dma_wait3A_69 : memref<10240x128xbf16, #tpu.memory_space<vmem_shared>>)
          tpu.yield
        }) : () -> ()
      }
      %scan3A_22 = arith.constant 157 : i32
      %barrier3A_23 = arith.constant 0 : index
      tpu.barrier barrier_id(%barrier3A_23)
      %add3A_24 = arith.constant 0 : i32
      %add3A_25 = arith.addi %mul3A_0, %add3A_24 : i32
      %run_scoped3A = arith.constant 0 : i32
      "tpu.region"() ({
        %run_scoped3A_38 = tpu.sem_alloc : memref<!tpu.dma_semaphore, #tpu.memory_space<semaphore_mem>>
        %dma_start3A = arith.constant 0 : i32
        %dma_start3A_39 = arith.constant 0 : i32
        %dma_start3A_40 = tpu.memref_slice %arg6[%run_scoped3A, %dma_start3A, %dma_start3A_39] : memref<2x10240x128xbf16, #tpu.memory_space<hbm>> -> memref<1x10240x128xbf16, #tpu.memory_space<hbm>>
        %dma_start3A_41 = tpu.memref_squeeze %dma_start3A_40 : memref<1x10240x128xbf16, #tpu.memory_space<hbm>> -> memref<10240x128xbf16, #tpu.memory_space<hbm>>
        %dma_start3A_42 = arith.constant 0 : i32
        %dma_start3A_43 = tpu.memref_slice %dma_start3A_41[%add3A_25, %dma_start3A_42] : memref<10240x128xbf16, #tpu.memory_space<hbm>> -> memref<128x128xbf16, #tpu.memory_space<hbm>>
        %dma_start3A_44 = arith.constant 0 : i32
        %dma_start3A_45 = tpu.memref_slice %arg10[%add3A_25, %dma_start3A_44] : memref<10240x128xbf16, #tpu.memory_space<vmem_shared>> -> memref<128x128xbf16, #tpu.memory_space<vmem_shared>>
        tpu.enqueue_dma source(%dma_start3A_45 : memref<128x128xbf16, #tpu.memory_space<vmem_shared>>) target(%dma_start3A_43 : memref<128x128xbf16, #tpu.memory_space<hbm>>) target_semaphore(%run_scoped3A_38 : memref<!tpu.dma_semaphore, #tpu.memory_space<semaphore_mem>>)
        %dma_wait3A = arith.constant 0 : i32
        %dma_wait3A_46 = arith.constant 0 : i32
        %dma_wait3A_47 = tpu.memref_slice %arg6[%run_scoped3A, %dma_wait3A, %dma_wait3A_46] : memref<2x10240x128xbf16, #tpu.memory_space<hbm>> -> memref<1x10240x128xbf16, #tpu.memory_space<hbm>>
        %dma_wait3A_48 = tpu.memref_squeeze %dma_wait3A_47 : memref<1x10240x128xbf16, #tpu.memory_space<hbm>> -> memref<10240x128xbf16, #tpu.memory_space<hbm>>
        %dma_wait3A_49 = arith.constant 0 : i32
        %dma_wait3A_50 = tpu.memref_slice %dma_wait3A_48[%add3A_25, %dma_wait3A_49] : memref<10240x128xbf16, #tpu.memory_space<hbm>> -> memref<128x128xbf16, #tpu.memory_space<hbm>>
        %dma_wait3A_51 = arith.constant 0 : i32
        %dma_wait3A_52 = tpu.memref_slice %arg10[%add3A_25, %dma_wait3A_51] : memref<10240x128xbf16, #tpu.memory_space<vmem_shared>> -> memref<128x128xbf16, #tpu.memory_space<vmem_shared>>
        tpu.wait_dma2 semaphore(%run_scoped3A_38 : memref<!tpu.dma_semaphore, #tpu.memory_space<semaphore_mem>>) src(%dma_wait3A_52 : memref<128x128xbf16, #tpu.memory_space<vmem_shared>>) dst(%dma_wait3A_50 : memref<128x128xbf16, #tpu.memory_space<hbm>>)
        tpu.yield
      }) : () -> ()
      %add3A_26 = arith.constant 128 : i32
      %add3A_27 = arith.addi %mul3A_0, %add3A_26 : i32
      %run_scoped3A_28 = arith.constant 0 : i32
      "tpu.region"() ({
        %run_scoped3A_38 = tpu.sem_alloc : memref<!tpu.dma_semaphore, #tpu.memory_space<semaphore_mem>>
        %dma_start3A = arith.constant 0 : i32
        %dma_start3A_39 = arith.constant 0 : i32
        %dma_start3A_40 = tpu.memref_slice %arg6[%run_scoped3A_28, %dma_start3A, %dma_start3A_39] : memref<2x10240x128xbf16, #tpu.memory_space<hbm>> -> memref<1x10240x128xbf16, #tpu.memory_space<hbm>>
        %dma_start3A_41 = tpu.memref_squeeze %dma_start3A_40 : memref<1x10240x128xbf16, #tpu.memory_space<hbm>> -> memref<10240x128xbf16, #tpu.memory_space<hbm>>
        %dma_start3A_42 = arith.constant 0 : i32
        %dma_start3A_43 = tpu.memref_slice %dma_start3A_41[%add3A_27, %dma_start3A_42] : memref<10240x128xbf16, #tpu.memory_space<hbm>> -> memref<128x128xbf16, #tpu.memory_space<hbm>>
        %dma_start3A_44 = arith.constant 0 : i32
        %dma_start3A_45 = tpu.memref_slice %arg10[%add3A_27, %dma_start3A_44] : memref<10240x128xbf16, #tpu.memory_space<vmem_shared>> -> memref<128x128xbf16, #tpu.memory_space<vmem_shared>>
        tpu.enqueue_dma source(%dma_start3A_45 : memref<128x128xbf16, #tpu.memory_space<vmem_shared>>) target(%dma_start3A_43 : memref<128x128xbf16, #tpu.memory_space<hbm>>) target_semaphore(%run_scoped3A_38 : memref<!tpu.dma_semaphore, #tpu.memory_space<semaphore_mem>>)
        %dma_wait3A = arith.constant 0 : i32
        %dma_wait3A_46 = arith.constant 0 : i32
        %dma_wait3A_47 = tpu.memref_slice %arg6[%run_scoped3A_28, %dma_wait3A, %dma_wait3A_46] : memref<2x10240x128xbf16, #tpu.memory_space<hbm>> -> memref<1x10240x128xbf16, #tpu.memory_space<hbm>>
        %dma_wait3A_48 = tpu.memref_squeeze %dma_wait3A_47 : memref<1x10240x128xbf16, #tpu.memory_space<hbm>> -> memref<10240x128xbf16, #tpu.memory_space<hbm>>
        %dma_wait3A_49 = arith.constant 0 : i32
        %dma_wait3A_50 = tpu.memref_slice %dma_wait3A_48[%add3A_27, %dma_wait3A_49] : memref<10240x128xbf16, #tpu.memory_space<hbm>> -> memref<128x128xbf16, #tpu.memory_space<hbm>>
        %dma_wait3A_51 = arith.constant 0 : i32
        %dma_wait3A_52 = tpu.memref_slice %arg10[%add3A_27, %dma_wait3A_51] : memref<10240x128xbf16, #tpu.memory_space<vmem_shared>> -> memref<128x128xbf16, #tpu.memory_space<vmem_shared>>
        tpu.wait_dma2 semaphore(%run_scoped3A_38 : memref<!tpu.dma_semaphore, #tpu.memory_space<semaphore_mem>>) src(%dma_wait3A_52 : memref<128x128xbf16, #tpu.memory_space<vmem_shared>>) dst(%dma_wait3A_50 : memref<128x128xbf16, #tpu.memory_space<hbm>>)
        tpu.yield
      }) : () -> ()
      %add3A_29 = arith.constant 256 : i32
      %add3A_30 = arith.addi %mul3A_0, %add3A_29 : i32
      %run_scoped3A_31 = arith.constant 0 : i32
      "tpu.region"() ({
        %run_scoped3A_38 = tpu.sem_alloc : memref<!tpu.dma_semaphore, #tpu.memory_space<semaphore_mem>>
        %dma_start3A = arith.constant 0 : i32
        %dma_start3A_39 = arith.constant 0 : i32
        %dma_start3A_40 = tpu.memref_slice %arg6[%run_scoped3A_31, %dma_start3A, %dma_start3A_39] : memref<2x10240x128xbf16, #tpu.memory_space<hbm>> -> memref<1x10240x128xbf16, #tpu.memory_space<hbm>>
        %dma_start3A_41 = tpu.memref_squeeze %dma_start3A_40 : memref<1x10240x128xbf16, #tpu.memory_space<hbm>> -> memref<10240x128xbf16, #tpu.memory_space<hbm>>
        %dma_start3A_42 = arith.constant 0 : i32
        %dma_start3A_43 = tpu.memref_slice %dma_start3A_41[%add3A_30, %dma_start3A_42] : memref<10240x128xbf16, #tpu.memory_space<hbm>> -> memref<128x128xbf16, #tpu.memory_space<hbm>>
        %dma_start3A_44 = arith.constant 0 : i32
        %dma_start3A_45 = tpu.memref_slice %arg10[%add3A_30, %dma_start3A_44] : memref<10240x128xbf16, #tpu.memory_space<vmem_shared>> -> memref<128x128xbf16, #tpu.memory_space<vmem_shared>>
        tpu.enqueue_dma source(%dma_start3A_45 : memref<128x128xbf16, #tpu.memory_space<vmem_shared>>) target(%dma_start3A_43 : memref<128x128xbf16, #tpu.memory_space<hbm>>) target_semaphore(%run_scoped3A_38 : memref<!tpu.dma_semaphore, #tpu.memory_space<semaphore_mem>>)
        %dma_wait3A = arith.constant 0 : i32
        %dma_wait3A_46 = arith.constant 0 : i32
        %dma_wait3A_47 = tpu.memref_slice %arg6[%run_scoped3A_31, %dma_wait3A, %dma_wait3A_46] : memref<2x10240x128xbf16, #tpu.memory_space<hbm>> -> memref<1x10240x128xbf16, #tpu.memory_space<hbm>>
        %dma_wait3A_48 = tpu.memref_squeeze %dma_wait3A_47 : memref<1x10240x128xbf16, #tpu.memory_space<hbm>> -> memref<10240x128xbf16, #tpu.memory_space<hbm>>
        %dma_wait3A_49 = arith.constant 0 : i32
        %dma_wait3A_50 = tpu.memref_slice %dma_wait3A_48[%add3A_30, %dma_wait3A_49] : memref<10240x128xbf16, #tpu.memory_space<hbm>> -> memref<128x128xbf16, #tpu.memory_space<hbm>>
        %dma_wait3A_51 = arith.constant 0 : i32
        %dma_wait3A_52 = tpu.memref_slice %arg10[%add3A_30, %dma_wait3A_51] : memref<10240x128xbf16, #tpu.memory_space<vmem_shared>> -> memref<128x128xbf16, #tpu.memory_space<vmem_shared>>
        tpu.wait_dma2 semaphore(%run_scoped3A_38 : memref<!tpu.dma_semaphore, #tpu.memory_space<semaphore_mem>>) src(%dma_wait3A_52 : memref<128x128xbf16, #tpu.memory_space<vmem_shared>>) dst(%dma_wait3A_50 : memref<128x128xbf16, #tpu.memory_space<hbm>>)
        tpu.yield
      }) : () -> ()
      %add3A_32 = arith.constant 384 : i32
      %add3A_33 = arith.addi %mul3A_0, %add3A_32 : i32
      %run_scoped3A_34 = arith.constant 0 : i32
      "tpu.region"() ({
        %run_scoped3A_38 = tpu.sem_alloc : memref<!tpu.dma_semaphore, #tpu.memory_space<semaphore_mem>>
        %dma_start3A = arith.constant 0 : i32
        %dma_start3A_39 = arith.constant 0 : i32
        %dma_start3A_40 = tpu.memref_slice %arg6[%run_scoped3A_34, %dma_start3A, %dma_start3A_39] : memref<2x10240x128xbf16, #tpu.memory_space<hbm>> -> memref<1x10240x128xbf16, #tpu.memory_space<hbm>>
        %dma_start3A_41 = tpu.memref_squeeze %dma_start3A_40 : memref<1x10240x128xbf16, #tpu.memory_space<hbm>> -> memref<10240x128xbf16, #tpu.memory_space<hbm>>
        %dma_start3A_42 = arith.constant 0 : i32
        %dma_start3A_43 = tpu.memref_slice %dma_start3A_41[%add3A_33, %dma_start3A_42] : memref<10240x128xbf16, #tpu.memory_space<hbm>> -> memref<128x128xbf16, #tpu.memory_space<hbm>>
        %dma_start3A_44 = arith.constant 0 : i32
        %dma_start3A_45 = tpu.memref_slice %arg10[%add3A_33, %dma_start3A_44] : memref<10240x128xbf16, #tpu.memory_space<vmem_shared>> -> memref<128x128xbf16, #tpu.memory_space<vmem_shared>>
        tpu.enqueue_dma source(%dma_start3A_45 : memref<128x128xbf16, #tpu.memory_space<vmem_shared>>) target(%dma_start3A_43 : memref<128x128xbf16, #tpu.memory_space<hbm>>) target_semaphore(%run_scoped3A_38 : memref<!tpu.dma_semaphore, #tpu.memory_space<semaphore_mem>>)
        %dma_wait3A = arith.constant 0 : i32
        %dma_wait3A_46 = arith.constant 0 : i32
        %dma_wait3A_47 = tpu.memref_slice %arg6[%run_scoped3A_34, %dma_wait3A, %dma_wait3A_46] : memref<2x10240x128xbf16, #tpu.memory_space<hbm>> -> memref<1x10240x128xbf16, #tpu.memory_space<hbm>>
        %dma_wait3A_48 = tpu.memref_squeeze %dma_wait3A_47 : memref<1x10240x128xbf16, #tpu.memory_space<hbm>> -> memref<10240x128xbf16, #tpu.memory_space<hbm>>
        %dma_wait3A_49 = arith.constant 0 : i32
        %dma_wait3A_50 = tpu.memref_slice %dma_wait3A_48[%add3A_33, %dma_wait3A_49] : memref<10240x128xbf16, #tpu.memory_space<hbm>> -> memref<128x128xbf16, #tpu.memory_space<hbm>>
        %dma_wait3A_51 = arith.constant 0 : i32
        %dma_wait3A_52 = tpu.memref_slice %arg10[%add3A_33, %dma_wait3A_51] : memref<10240x128xbf16, #tpu.memory_space<vmem_shared>> -> memref<128x128xbf16, #tpu.memory_space<vmem_shared>>
        tpu.wait_dma2 semaphore(%run_scoped3A_38 : memref<!tpu.dma_semaphore, #tpu.memory_space<semaphore_mem>>) src(%dma_wait3A_52 : memref<128x128xbf16, #tpu.memory_space<vmem_shared>>) dst(%dma_wait3A_50 : memref<128x128xbf16, #tpu.memory_space<hbm>>)
        tpu.yield
      }) : () -> ()
      %add3A_35 = arith.constant 512 : i32
      %add3A_36 = arith.addi %mul3A_0, %add3A_35 : i32
      %run_scoped3A_37 = arith.constant 0 : i32
      "tpu.region"() ({
        %run_scoped3A_38 = tpu.sem_alloc : memref<!tpu.dma_semaphore, #tpu.memory_space<semaphore_mem>>
        %dma_start3A = arith.constant 0 : i32
        %dma_start3A_39 = arith.constant 0 : i32
        %dma_start3A_40 = tpu.memref_slice %arg6[%run_scoped3A_37, %dma_start3A, %dma_start3A_39] : memref<2x10240x128xbf16, #tpu.memory_space<hbm>> -> memref<1x10240x128xbf16, #tpu.memory_space<hbm>>
        %dma_start3A_41 = tpu.memref_squeeze %dma_start3A_40 : memref<1x10240x128xbf16, #tpu.memory_space<hbm>> -> memref<10240x128xbf16, #tpu.memory_space<hbm>>
        %dma_start3A_42 = arith.constant 0 : i32
        %dma_start3A_43 = tpu.memref_slice %dma_start3A_41[%add3A_36, %dma_start3A_42] : memref<10240x128xbf16, #tpu.memory_space<hbm>> -> memref<128x128xbf16, #tpu.memory_space<hbm>>
        %dma_start3A_44 = arith.constant 0 : i32
        %dma_start3A_45 = tpu.memref_slice %arg10[%add3A_36, %dma_start3A_44] : memref<10240x128xbf16, #tpu.memory_space<vmem_shared>> -> memref<128x128xbf16, #tpu.memory_space<vmem_shared>>
        tpu.enqueue_dma source(%dma_start3A_45 : memref<128x128xbf16, #tpu.memory_space<vmem_shared>>) target(%dma_start3A_43 : memref<128x128xbf16, #tpu.memory_space<hbm>>) target_semaphore(%run_scoped3A_38 : memref<!tpu.dma_semaphore, #tpu.memory_space<semaphore_mem>>)
        %dma_wait3A = arith.constant 0 : i32
        %dma_wait3A_46 = arith.constant 0 : i32
        %dma_wait3A_47 = tpu.memref_slice %arg6[%run_scoped3A_37, %dma_wait3A, %dma_wait3A_46] : memref<2x10240x128xbf16, #tpu.memory_space<hbm>> -> memref<1x10240x128xbf16, #tpu.memory_space<hbm>>
        %dma_wait3A_48 = tpu.memref_squeeze %dma_wait3A_47 : memref<1x10240x128xbf16, #tpu.memory_space<hbm>> -> memref<10240x128xbf16, #tpu.memory_space<hbm>>
        %dma_wait3A_49 = arith.constant 0 : i32
        %dma_wait3A_50 = tpu.memref_slice %dma_wait3A_48[%add3A_36, %dma_wait3A_49] : memref<10240x128xbf16, #tpu.memory_space<hbm>> -> memref<128x128xbf16, #tpu.memory_space<hbm>>
        %dma_wait3A_51 = arith.constant 0 : i32
        %dma_wait3A_52 = tpu.memref_slice %arg10[%add3A_36, %dma_wait3A_51] : memref<10240x128xbf16, #tpu.memory_space<vmem_shared>> -> memref<128x128xbf16, #tpu.memory_space<vmem_shared>>
        tpu.wait_dma2 semaphore(%run_scoped3A_38 : memref<!tpu.dma_semaphore, #tpu.memory_space<semaphore_mem>>) src(%dma_wait3A_52 : memref<128x128xbf16, #tpu.memory_space<vmem_shared>>) dst(%dma_wait3A_50 : memref<128x128xbf16, #tpu.memory_space<hbm>>)
        tpu.yield
      }) : () -> ()
    } else {
    }
    %eq3A_12 = arith.constant 1 : i32
    %eq3A_13 = arith.cmpi eq, %arg0, %eq3A_12 : i32
    %convert_element_type3A_14 = arith.extui %eq3A_13 : i1 to i32
    %cond3A_15 = arith.constant 0 : i32
    %cond3A_16 = arith.cmpi ne, %convert_element_type3A_14, %cond3A_15 : i32
    scf.if %cond3A_16 {
      %scan3A = arith.constant 0 : i32
      %scan3A_17 = arith.constant 1 : i32
      %scan3A_18 = arith.constant 0 : i32
      %scan3A_19 = arith.constant 157 : i32
      %scan3A_20 = arith.addi %scan3A_18, %scan3A_19 : i32
      %scan3A_21 = arith.constant 1 : i32
      scf.for %scan3A_38 = %scan3A_18 to %scan3A_20 step %scan3A_21  : i32 {
        %dma_start3A = arith.constant 0 : i32
        %dma_start3A_39 = tpu.memref_slice %arg7[%scan3A_38, %dma_start3A] : memref<157x128xi32, #tpu.memory_space<vmem>> -> memref<1x128xi32, #tpu.memory_space<vmem>>
        %dma_start3A_40 = tpu.memref_squeeze %dma_start3A_39 : memref<1x128xi32, #tpu.memory_space<vmem>> -> memref<128xi32, #tpu.memory_space<vmem>>
        %dma_start3A_41 = arith.constant 0 : i32
        %dma_start3A_42 = arith.constant 0 : i32
        %dma_start3A_43 = tpu.memref_slice %arg2[%scan3A_17, %dma_start3A_41, %dma_start3A_42] : memref<2x10240x128xbf16, #tpu.memory_space<hbm>> -> memref<1x10240x128xbf16, #tpu.memory_space<hbm>>
        %dma_start3A_44 = tpu.memref_squeeze %dma_start3A_43 : memref<1x10240x128xbf16, #tpu.memory_space<hbm>> -> memref<10240x128xbf16, #tpu.memory_space<hbm>>
        %dma_start3A_45 = arith.constant 0 : i32
        %dma_start3A_46 = arith.constant 0 : i32
        %dma_start3A_47 = tpu.memref_slice %dma_start3A_44[%dma_start3A_45, %dma_start3A_46] : memref<10240x128xbf16, #tpu.memory_space<hbm>> -> memref<10240x128xbf16, #tpu.memory_space<hbm>>
        tpu.enqueue_indirect_dma source(%dma_start3A_47 : memref<10240x128xbf16, #tpu.memory_space<hbm>>) target(%arg9 : memref<128x128xbf16, #tpu.memory_space<vmem>>) offsets(%dma_start3A_40 : memref<128xi32, #tpu.memory_space<vmem>>) semaphore(%arg11 : memref<!tpu.dma_semaphore, #tpu.memory_space<semaphore_mem>>)
        %dma_wait3A = arith.constant 0 : i32
        %dma_wait3A_48 = tpu.memref_slice %arg7[%scan3A_38, %dma_wait3A] : memref<157x128xi32, #tpu.memory_space<vmem>> -> memref<1x128xi32, #tpu.memory_space<vmem>>
        %dma_wait3A_49 = tpu.memref_squeeze %dma_wait3A_48 : memref<1x128xi32, #tpu.memory_space<vmem>> -> memref<128xi32, #tpu.memory_space<vmem>>
        %dma_wait3A_50 = arith.constant 0 : i32
        %dma_wait3A_51 = arith.constant 0 : i32
        %dma_wait3A_52 = tpu.memref_slice %arg2[%scan3A_17, %dma_wait3A_50, %dma_wait3A_51] : memref<2x10240x128xbf16, #tpu.memory_space<hbm>> -> memref<1x10240x128xbf16, #tpu.memory_space<hbm>>
        %dma_wait3A_53 = tpu.memref_squeeze %dma_wait3A_52 : memref<1x10240x128xbf16, #tpu.memory_space<hbm>> -> memref<10240x128xbf16, #tpu.memory_space<hbm>>
        %dma_wait3A_54 = arith.constant 0 : i32
        %dma_wait3A_55 = arith.constant 0 : i32
        %dma_wait3A_56 = tpu.memref_slice %dma_wait3A_53[%dma_wait3A_54, %dma_wait3A_55] : memref<10240x128xbf16, #tpu.memory_space<hbm>> -> memref<10240x128xbf16, #tpu.memory_space<hbm>>
        tpu.wait_indirect_dma semaphore(%arg11 : memref<!tpu.dma_semaphore, #tpu.memory_space<semaphore_mem>>) src(%dma_wait3A_56 : memref<10240x128xbf16, #tpu.memory_space<hbm>>) dst(%arg9 : memref<128x128xbf16, #tpu.memory_space<vmem>>)
        "tpu.region"() ({
          %run_scoped3A_57 = tpu.sem_alloc : memref<!tpu.dma_semaphore, #tpu.memory_space<semaphore_mem>>
          %dma_start3A_58 = arith.constant 0 : i32
          %dma_start3A_59 = tpu.memref_slice %arg8[%scan3A_38, %dma_start3A_58] : memref<157x128xi32, #tpu.memory_space<vmem>> -> memref<1x128xi32, #tpu.memory_space<vmem>>
          %dma_start3A_60 = tpu.memref_squeeze %dma_start3A_59 : memref<1x128xi32, #tpu.memory_space<vmem>> -> memref<128xi32, #tpu.memory_space<vmem>>
          %dma_start3A_61 = arith.constant 0 : i32
          %dma_start3A_62 = arith.constant 0 : i32
          %dma_start3A_63 = tpu.memref_slice %arg10[%dma_start3A_61, %dma_start3A_62] : memref<10240x128xbf16, #tpu.memory_space<vmem_shared>> -> memref<10240x128xbf16, #tpu.memory_space<vmem_shared>>
          tpu.enqueue_indirect_dma source(%arg9 : memref<128x128xbf16, #tpu.memory_space<vmem>>) target(%dma_start3A_63 : memref<10240x128xbf16, #tpu.memory_space<vmem_shared>>) offsets(%dma_start3A_60 : memref<128xi32, #tpu.memory_space<vmem>>) semaphore(%run_scoped3A_57 : memref<!tpu.dma_semaphore, #tpu.memory_space<semaphore_mem>>) {add = true}
          %dma_wait3A_64 = arith.constant 0 : i32
          %dma_wait3A_65 = tpu.memref_slice %arg8[%scan3A_38, %dma_wait3A_64] : memref<157x128xi32, #tpu.memory_space<vmem>> -> memref<1x128xi32, #tpu.memory_space<vmem>>
          %dma_wait3A_66 = tpu.memref_squeeze %dma_wait3A_65 : memref<1x128xi32, #tpu.memory_space<vmem>> -> memref<128xi32, #tpu.memory_space<vmem>>
          %dma_wait3A_67 = arith.constant 0 : i32
          %dma_wait3A_68 = arith.constant 0 : i32
          %dma_wait3A_69 = tpu.memref_slice %arg10[%dma_wait3A_67, %dma_wait3A_68] : memref<10240x128xbf16, #tpu.memory_space<vmem_shared>> -> memref<10240x128xbf16, #tpu.memory_space<vmem_shared>>
          tpu.wait_indirect_dma semaphore(%run_scoped3A_57 : memref<!tpu.dma_semaphore, #tpu.memory_space<semaphore_mem>>) src(%arg9 : memref<128x128xbf16, #tpu.memory_space<vmem>>) dst(%dma_wait3A_69 : memref<10240x128xbf16, #tpu.memory_space<vmem_shared>>)
          tpu.yield
        }) : () -> ()
      }
      %scan3A_22 = arith.constant 157 : i32
      %barrier3A_23 = arith.constant 0 : index
      tpu.barrier barrier_id(%barrier3A_23)
      %add3A_24 = arith.constant 0 : i32
      %add3A_25 = arith.addi %mul3A_0, %add3A_24 : i32
      %run_scoped3A = arith.constant 1 : i32
      "tpu.region"() ({
        %run_scoped3A_38 = tpu.sem_alloc : memref<!tpu.dma_semaphore, #tpu.memory_space<semaphore_mem>>
        %dma_start3A = arith.constant 0 : i32
        %dma_start3A_39 = arith.constant 0 : i32
        %dma_start3A_40 = tpu.memref_slice %arg6[%run_scoped3A, %dma_start3A, %dma_start3A_39] : memref<2x10240x128xbf16, #tpu.memory_space<hbm>> -> memref<1x10240x128xbf16, #tpu.memory_space<hbm>>
        %dma_start3A_41 = tpu.memref_squeeze %dma_start3A_40 : memref<1x10240x128xbf16, #tpu.memory_space<hbm>> -> memref<10240x128xbf16, #tpu.memory_space<hbm>>
        %dma_start3A_42 = arith.constant 0 : i32
        %dma_start3A_43 = tpu.memref_slice %dma_start3A_41[%add3A_25, %dma_start3A_42] : memref<10240x128xbf16, #tpu.memory_space<hbm>> -> memref<128x128xbf16, #tpu.memory_space<hbm>>
        %dma_start3A_44 = arith.constant 0 : i32
        %dma_start3A_45 = tpu.memref_slice %arg10[%add3A_25, %dma_start3A_44] : memref<10240x128xbf16, #tpu.memory_space<vmem_shared>> -> memref<128x128xbf16, #tpu.memory_space<vmem_shared>>
        tpu.enqueue_dma source(%dma_start3A_45 : memref<128x128xbf16, #tpu.memory_space<vmem_shared>>) target(%dma_start3A_43 : memref<128x128xbf16, #tpu.memory_space<hbm>>) target_semaphore(%run_scoped3A_38 : memref<!tpu.dma_semaphore, #tpu.memory_space<semaphore_mem>>)
        %dma_wait3A = arith.constant 0 : i32
        %dma_wait3A_46 = arith.constant 0 : i32
        %dma_wait3A_47 = tpu.memref_slice %arg6[%run_scoped3A, %dma_wait3A, %dma_wait3A_46] : memref<2x10240x128xbf16, #tpu.memory_space<hbm>> -> memref<1x10240x128xbf16, #tpu.memory_space<hbm>>
        %dma_wait3A_48 = tpu.memref_squeeze %dma_wait3A_47 : memref<1x10240x128xbf16, #tpu.memory_space<hbm>> -> memref<10240x128xbf16, #tpu.memory_space<hbm>>
        %dma_wait3A_49 = arith.constant 0 : i32
        %dma_wait3A_50 = tpu.memref_slice %dma_wait3A_48[%add3A_25, %dma_wait3A_49] : memref<10240x128xbf16, #tpu.memory_space<hbm>> -> memref<128x128xbf16, #tpu.memory_space<hbm>>
        %dma_wait3A_51 = arith.constant 0 : i32
        %dma_wait3A_52 = tpu.memref_slice %arg10[%add3A_25, %dma_wait3A_51] : memref<10240x128xbf16, #tpu.memory_space<vmem_shared>> -> memref<128x128xbf16, #tpu.memory_space<vmem_shared>>
        tpu.wait_dma2 semaphore(%run_scoped3A_38 : memref<!tpu.dma_semaphore, #tpu.memory_space<semaphore_mem>>) src(%dma_wait3A_52 : memref<128x128xbf16, #tpu.memory_space<vmem_shared>>) dst(%dma_wait3A_50 : memref<128x128xbf16, #tpu.memory_space<hbm>>)
        tpu.yield
      }) : () -> ()
      %add3A_26 = arith.constant 128 : i32
      %add3A_27 = arith.addi %mul3A_0, %add3A_26 : i32
      %run_scoped3A_28 = arith.constant 1 : i32
      "tpu.region"() ({
        %run_scoped3A_38 = tpu.sem_alloc : memref<!tpu.dma_semaphore, #tpu.memory_space<semaphore_mem>>
        %dma_start3A = arith.constant 0 : i32
        %dma_start3A_39 = arith.constant 0 : i32
        %dma_start3A_40 = tpu.memref_slice %arg6[%run_scoped3A_28, %dma_start3A, %dma_start3A_39] : memref<2x10240x128xbf16, #tpu.memory_space<hbm>> -> memref<1x10240x128xbf16, #tpu.memory_space<hbm>>
        %dma_start3A_41 = tpu.memref_squeeze %dma_start3A_40 : memref<1x10240x128xbf16, #tpu.memory_space<hbm>> -> memref<10240x128xbf16, #tpu.memory_space<hbm>>
        %dma_start3A_42 = arith.constant 0 : i32
        %dma_start3A_43 = tpu.memref_slice %dma_start3A_41[%add3A_27, %dma_start3A_42] : memref<10240x128xbf16, #tpu.memory_space<hbm>> -> memref<128x128xbf16, #tpu.memory_space<hbm>>
        %dma_start3A_44 = arith.constant 0 : i32
        %dma_start3A_45 = tpu.memref_slice %arg10[%add3A_27, %dma_start3A_44] : memref<10240x128xbf16, #tpu.memory_space<vmem_shared>> -> memref<128x128xbf16, #tpu.memory_space<vmem_shared>>
        tpu.enqueue_dma source(%dma_start3A_45 : memref<128x128xbf16, #tpu.memory_space<vmem_shared>>) target(%dma_start3A_43 : memref<128x128xbf16, #tpu.memory_space<hbm>>) target_semaphore(%run_scoped3A_38 : memref<!tpu.dma_semaphore, #tpu.memory_space<semaphore_mem>>)
        %dma_wait3A = arith.constant 0 : i32
        %dma_wait3A_46 = arith.constant 0 : i32
        %dma_wait3A_47 = tpu.memref_slice %arg6[%run_scoped3A_28, %dma_wait3A, %dma_wait3A_46] : memref<2x10240x128xbf16, #tpu.memory_space<hbm>> -> memref<1x10240x128xbf16, #tpu.memory_space<hbm>>
        %dma_wait3A_48 = tpu.memref_squeeze %dma_wait3A_47 : memref<1x10240x128xbf16, #tpu.memory_space<hbm>> -> memref<10240x128xbf16, #tpu.memory_space<hbm>>
        %dma_wait3A_49 = arith.constant 0 : i32
        %dma_wait3A_50 = tpu.memref_slice %dma_wait3A_48[%add3A_27, %dma_wait3A_49] : memref<10240x128xbf16, #tpu.memory_space<hbm>> -> memref<128x128xbf16, #tpu.memory_space<hbm>>
        %dma_wait3A_51 = arith.constant 0 : i32
        %dma_wait3A_52 = tpu.memref_slice %arg10[%add3A_27, %dma_wait3A_51] : memref<10240x128xbf16, #tpu.memory_space<vmem_shared>> -> memref<128x128xbf16, #tpu.memory_space<vmem_shared>>
        tpu.wait_dma2 semaphore(%run_scoped3A_38 : memref<!tpu.dma_semaphore, #tpu.memory_space<semaphore_mem>>) src(%dma_wait3A_52 : memref<128x128xbf16, #tpu.memory_space<vmem_shared>>) dst(%dma_wait3A_50 : memref<128x128xbf16, #tpu.memory_space<hbm>>)
        tpu.yield
      }) : () -> ()
      %add3A_29 = arith.constant 256 : i32
      %add3A_30 = arith.addi %mul3A_0, %add3A_29 : i32
      %run_scoped3A_31 = arith.constant 1 : i32
      "tpu.region"() ({
        %run_scoped3A_38 = tpu.sem_alloc : memref<!tpu.dma_semaphore, #tpu.memory_space<semaphore_mem>>
        %dma_start3A = arith.constant 0 : i32
        %dma_start3A_39 = arith.constant 0 : i32
        %dma_start3A_40 = tpu.memref_slice %arg6[%run_scoped3A_31, %dma_start3A, %dma_start3A_39] : memref<2x10240x128xbf16, #tpu.memory_space<hbm>> -> memref<1x10240x128xbf16, #tpu.memory_space<hbm>>
        %dma_start3A_41 = tpu.memref_squeeze %dma_start3A_40 : memref<1x10240x128xbf16, #tpu.memory_space<hbm>> -> memref<10240x128xbf16, #tpu.memory_space<hbm>>
        %dma_start3A_42 = arith.constant 0 : i32
        %dma_start3A_43 = tpu.memref_slice %dma_start3A_41[%add3A_30, %dma_start3A_42] : memref<10240x128xbf16, #tpu.memory_space<hbm>> -> memref<128x128xbf16, #tpu.memory_space<hbm>>
        %dma_start3A_44 = arith.constant 0 : i32
        %dma_start3A_45 = tpu.memref_slice %arg10[%add3A_30, %dma_start3A_44] : memref<10240x128xbf16, #tpu.memory_space<vmem_shared>> -> memref<128x128xbf16, #tpu.memory_space<vmem_shared>>
        tpu.enqueue_dma source(%dma_start3A_45 : memref<128x128xbf16, #tpu.memory_space<vmem_shared>>) target(%dma_start3A_43 : memref<128x128xbf16, #tpu.memory_space<hbm>>) target_semaphore(%run_scoped3A_38 : memref<!tpu.dma_semaphore, #tpu.memory_space<semaphore_mem>>)
        %dma_wait3A = arith.constant 0 : i32
        %dma_wait3A_46 = arith.constant 0 : i32
        %dma_wait3A_47 = tpu.memref_slice %arg6[%run_scoped3A_31, %dma_wait3A, %dma_wait3A_46] : memref<2x10240x128xbf16, #tpu.memory_space<hbm>> -> memref<1x10240x128xbf16, #tpu.memory_space<hbm>>
        %dma_wait3A_48 = tpu.memref_squeeze %dma_wait3A_47 : memref<1x10240x128xbf16, #tpu.memory_space<hbm>> -> memref<10240x128xbf16, #tpu.memory_space<hbm>>
        %dma_wait3A_49 = arith.constant 0 : i32
        %dma_wait3A_50 = tpu.memref_slice %dma_wait3A_48[%add3A_30, %dma_wait3A_49] : memref<10240x128xbf16, #tpu.memory_space<hbm>> -> memref<128x128xbf16, #tpu.memory_space<hbm>>
        %dma_wait3A_51 = arith.constant 0 : i32
        %dma_wait3A_52 = tpu.memref_slice %arg10[%add3A_30, %dma_wait3A_51] : memref<10240x128xbf16, #tpu.memory_space<vmem_shared>> -> memref<128x128xbf16, #tpu.memory_space<vmem_shared>>
        tpu.wait_dma2 semaphore(%run_scoped3A_38 : memref<!tpu.dma_semaphore, #tpu.memory_space<semaphore_mem>>) src(%dma_wait3A_52 : memref<128x128xbf16, #tpu.memory_space<vmem_shared>>) dst(%dma_wait3A_50 : memref<128x128xbf16, #tpu.memory_space<hbm>>)
        tpu.yield
      }) : () -> ()
      %add3A_32 = arith.constant 384 : i32
      %add3A_33 = arith.addi %mul3A_0, %add3A_32 : i32
      %run_scoped3A_34 = arith.constant 1 : i32
      "tpu.region"() ({
        %run_scoped3A_38 = tpu.sem_alloc : memref<!tpu.dma_semaphore, #tpu.memory_space<semaphore_mem>>
        %dma_start3A = arith.constant 0 : i32
        %dma_start3A_39 = arith.constant 0 : i32
        %dma_start3A_40 = tpu.memref_slice %arg6[%run_scoped3A_34, %dma_start3A, %dma_start3A_39] : memref<2x10240x128xbf16, #tpu.memory_space<hbm>> -> memref<1x10240x128xbf16, #tpu.memory_space<hbm>>
        %dma_start3A_41 = tpu.memref_squeeze %dma_start3A_40 : memref<1x10240x128xbf16, #tpu.memory_space<hbm>> -> memref<10240x128xbf16, #tpu.memory_space<hbm>>
        %dma_start3A_42 = arith.constant 0 : i32
        %dma_start3A_43 = tpu.memref_slice %dma_start3A_41[%add3A_33, %dma_start3A_42] : memref<10240x128xbf16, #tpu.memory_space<hbm>> -> memref<128x128xbf16, #tpu.memory_space<hbm>>
        %dma_start3A_44 = arith.constant 0 : i32
        %dma_start3A_45 = tpu.memref_slice %arg10[%add3A_33, %dma_start3A_44] : memref<10240x128xbf16, #tpu.memory_space<vmem_shared>> -> memref<128x128xbf16, #tpu.memory_space<vmem_shared>>
        tpu.enqueue_dma source(%dma_start3A_45 : memref<128x128xbf16, #tpu.memory_space<vmem_shared>>) target(%dma_start3A_43 : memref<128x128xbf16, #tpu.memory_space<hbm>>) target_semaphore(%run_scoped3A_38 : memref<!tpu.dma_semaphore, #tpu.memory_space<semaphore_mem>>)
        %dma_wait3A = arith.constant 0 : i32
        %dma_wait3A_46 = arith.constant 0 : i32
        %dma_wait3A_47 = tpu.memref_slice %arg6[%run_scoped3A_34, %dma_wait3A, %dma_wait3A_46] : memref<2x10240x128xbf16, #tpu.memory_space<hbm>> -> memref<1x10240x128xbf16, #tpu.memory_space<hbm>>
        %dma_wait3A_48 = tpu.memref_squeeze %dma_wait3A_47 : memref<1x10240x128xbf16, #tpu.memory_space<hbm>> -> memref<10240x128xbf16, #tpu.memory_space<hbm>>
        %dma_wait3A_49 = arith.constant 0 : i32
        %dma_wait3A_50 = tpu.memref_slice %dma_wait3A_48[%add3A_33, %dma_wait3A_49] : memref<10240x128xbf16, #tpu.memory_space<hbm>> -> memref<128x128xbf16, #tpu.memory_space<hbm>>
        %dma_wait3A_51 = arith.constant 0 : i32
        %dma_wait3A_52 = tpu.memref_slice %arg10[%add3A_33, %dma_wait3A_51] : memref<10240x128xbf16, #tpu.memory_space<vmem_shared>> -> memref<128x128xbf16, #tpu.memory_space<vmem_shared>>
        tpu.wait_dma2 semaphore(%run_scoped3A_38 : memref<!tpu.dma_semaphore, #tpu.memory_space<semaphore_mem>>) src(%dma_wait3A_52 : memref<128x128xbf16, #tpu.memory_space<vmem_shared>>) dst(%dma_wait3A_50 : memref<128x128xbf16, #tpu.memory_space<hbm>>)
        tpu.yield
      }) : () -> ()
      %add3A_35 = arith.constant 512 : i32
      %add3A_36 = arith.addi %mul3A_0, %add3A_35 : i32
      %run_scoped3A_37 = arith.constant 1 : i32
      "tpu.region"() ({
        %run_scoped3A_38 = tpu.sem_alloc : memref<!tpu.dma_semaphore, #tpu.memory_space<semaphore_mem>>
        %dma_start3A = arith.constant 0 : i32
        %dma_start3A_39 = arith.constant 0 : i32
        %dma_start3A_40 = tpu.memref_slice %arg6[%run_scoped3A_37, %dma_start3A, %dma_start3A_39] : memref<2x10240x128xbf16, #tpu.memory_space<hbm>> -> memref<1x10240x128xbf16, #tpu.memory_space<hbm>>
        %dma_start3A_41 = tpu.memref_squeeze %dma_start3A_40 : memref<1x10240x128xbf16, #tpu.memory_space<hbm>> -> memref<10240x128xbf16, #tpu.memory_space<hbm>>
        %dma_start3A_42 = arith.constant 0 : i32
        %dma_start3A_43 = tpu.memref_slice %dma_start3A_41[%add3A_36, %dma_start3A_42] : memref<10240x128xbf16, #tpu.memory_space<hbm>> -> memref<128x128xbf16, #tpu.memory_space<hbm>>
        %dma_start3A_44 = arith.constant 0 : i32
        %dma_start3A_45 = tpu.memref_slice %arg10[%add3A_36, %dma_start3A_44] : memref<10240x128xbf16, #tpu.memory_space<vmem_shared>> -> memref<128x128xbf16, #tpu.memory_space<vmem_shared>>
        tpu.enqueue_dma source(%dma_start3A_45 : memref<128x128xbf16, #tpu.memory_space<vmem_shared>>) target(%dma_start3A_43 : memref<128x128xbf16, #tpu.memory_space<hbm>>) target_semaphore(%run_scoped3A_38 : memref<!tpu.dma_semaphore, #tpu.memory_space<semaphore_mem>>)
        %dma_wait3A = arith.constant 0 : i32
        %dma_wait3A_46 = arith.constant 0 : i32
        %dma_wait3A_47 = tpu.memref_slice %arg6[%run_scoped3A_37, %dma_wait3A, %dma_wait3A_46] : memref<2x10240x128xbf16, #tpu.memory_space<hbm>> -> memref<1x10240x128xbf16, #tpu.memory_space<hbm>>
        %dma_wait3A_48 = tpu.memref_squeeze %dma_wait3A_47 : memref<1x10240x128xbf16, #tpu.memory_space<hbm>> -> memref<10240x128xbf16, #tpu.memory_space<hbm>>
        %dma_wait3A_49 = arith.constant 0 : i32
        %dma_wait3A_50 = tpu.memref_slice %dma_wait3A_48[%add3A_36, %dma_wait3A_49] : memref<10240x128xbf16, #tpu.memory_space<hbm>> -> memref<128x128xbf16, #tpu.memory_space<hbm>>
        %dma_wait3A_51 = arith.constant 0 : i32
        %dma_wait3A_52 = tpu.memref_slice %arg10[%add3A_36, %dma_wait3A_51] : memref<10240x128xbf16, #tpu.memory_space<vmem_shared>> -> memref<128x128xbf16, #tpu.memory_space<vmem_shared>>
        tpu.wait_dma2 semaphore(%run_scoped3A_38 : memref<!tpu.dma_semaphore, #tpu.memory_space<semaphore_mem>>) src(%dma_wait3A_52 : memref<128x128xbf16, #tpu.memory_space<vmem_shared>>) dst(%dma_wait3A_50 : memref<128x128xbf16, #tpu.memory_space<hbm>>)
        tpu.yield
      }) : () -> ()
    } else {
    }
    return
  }
}

#map = affine_map<(d0, d1) -> (0, 0, 0)>
#map1 = affine_map<(d0, d1) -> (0, 0)>
module attributes {stable_mosaic.version = 14 : i64} {
  func.func @aprop(%arg0: i32, %arg1: i32, %arg2: memref<2x10240x128xbf16, #tpu.memory_space<hbm>>, %arg3: memref<16x157x128xi32, #tpu.memory_space<hbm>>, %arg4: memref<16x157x128xi32, #tpu.memory_space<hbm>>, %arg5: memref<128x128xbf16, #tpu.memory_space<hbm>>, %arg6: memref<2x10240x128xbf16, #tpu.memory_space<hbm>>, %arg7: memref<157x128xi32, #tpu.memory_space<vmem>>, %arg8: memref<157x128xi32, #tpu.memory_space<vmem>>, %arg9: memref<128x128xbf16, #tpu.memory_space<vmem>>, %arg10: memref<10240x128xbf16, #tpu.memory_space<vmem_shared>>, %arg11: memref<!tpu.dma_semaphore, #tpu.memory_space<semaphore_mem>>) attributes {dimension_semantics = [#tpu.dimension_semantics<core_parallel>, #tpu.dimension_semantics<subcore_parallel>], iteration_bounds = array<i64: 2, 16>, scalar_prefetch = 0 : i64, scratch_operands = 5 : i64, tpu.core_type = #tpu.core_type<sc_vector_subcore>, window_params = [{transform_indices = #map}, {transform_indices = #map}, {transform_indices = #map}, {transform_indices = #map1}, {transform_indices = #map}]} {
    "tpu.region"() ({
      %run_scoped3A = tpu.sem_alloc : memref<!tpu.dma_semaphore, #tpu.memory_space<semaphore_mem>>
      %dma_start3A = arith.constant 0 : i32
      %dma_start3A_17 = arith.constant 0 : i32
      %dma_start3A_18 = tpu.memref_slice %arg3[%arg1, %dma_start3A, %dma_start3A_17] : memref<16x157x128xi32, #tpu.memory_space<hbm>> -> memref<1x157x128xi32, #tpu.memory_space<hbm>>
      %dma_start3A_19 = tpu.memref_squeeze %dma_start3A_18 : memref<1x157x128xi32, #tpu.memory_space<hbm>> -> memref<157x128xi32, #tpu.memory_space<hbm>>
      %dma_start3A_20 = arith.constant 0 : i32
      %dma_start3A_21 = arith.constant 0 : i32
      %dma_start3A_22 = tpu.memref_slice %arg3[%arg1, %dma_start3A_20, %dma_start3A_21] : memref<16x157x128xi32, #tpu.memory_space<hbm>> -> memref<1x157x128xi32, #tpu.memory_space<hbm>>
      %dma_start3A_23 = tpu.memref_squeeze %dma_start3A_22 : memref<1x157x128xi32, #tpu.memory_space<hbm>> -> memref<157x128xi32, #tpu.memory_space<hbm>>
      tpu.enqueue_dma source(%dma_start3A_23 : memref<157x128xi32, #tpu.memory_space<hbm>>) target(%arg7 : memref<157x128xi32, #tpu.memory_space<vmem>>) target_semaphore(%run_scoped3A : memref<!tpu.dma_semaphore, #tpu.memory_space<semaphore_mem>>)
      %dma_wait3A = arith.constant 0 : i32
      %dma_wait3A_24 = arith.constant 0 : i32
      %dma_wait3A_25 = tpu.memref_slice %arg3[%arg1, %dma_wait3A, %dma_wait3A_24] : memref<16x157x128xi32, #tpu.memory_space<hbm>> -> memref<1x157x128xi32, #tpu.memory_space<hbm>>
      %dma_wait3A_26 = tpu.memref_squeeze %dma_wait3A_25 : memref<1x157x128xi32, #tpu.memory_space<hbm>> -> memref<157x128xi32, #tpu.memory_space<hbm>>
      %dma_wait3A_27 = arith.constant 0 : i32
      %dma_wait3A_28 = arith.constant 0 : i32
      %dma_wait3A_29 = tpu.memref_slice %arg3[%arg1, %dma_wait3A_27, %dma_wait3A_28] : memref<16x157x128xi32, #tpu.memory_space<hbm>> -> memref<1x157x128xi32, #tpu.memory_space<hbm>>
      %dma_wait3A_30 = tpu.memref_squeeze %dma_wait3A_29 : memref<1x157x128xi32, #tpu.memory_space<hbm>> -> memref<157x128xi32, #tpu.memory_space<hbm>>
      tpu.wait_dma2 semaphore(%run_scoped3A : memref<!tpu.dma_semaphore, #tpu.memory_space<semaphore_mem>>) src(%dma_wait3A_30 : memref<157x128xi32, #tpu.memory_space<hbm>>) dst(%arg7 : memref<157x128xi32, #tpu.memory_space<vmem>>)
      tpu.yield
    }) : () -> ()
    "tpu.region"() ({
      %run_scoped3A = tpu.sem_alloc : memref<!tpu.dma_semaphore, #tpu.memory_space<semaphore_mem>>
      %dma_start3A = arith.constant 0 : i32
      %dma_start3A_17 = arith.constant 0 : i32
      %dma_start3A_18 = tpu.memref_slice %arg4[%arg1, %dma_start3A, %dma_start3A_17] : memref<16x157x128xi32, #tpu.memory_space<hbm>> -> memref<1x157x128xi32, #tpu.memory_space<hbm>>
      %dma_start3A_19 = tpu.memref_squeeze %dma_start3A_18 : memref<1x157x128xi32, #tpu.memory_space<hbm>> -> memref<157x128xi32, #tpu.memory_space<hbm>>
      %dma_start3A_20 = arith.constant 0 : i32
      %dma_start3A_21 = arith.constant 0 : i32
      %dma_start3A_22 = tpu.memref_slice %arg4[%arg1, %dma_start3A_20, %dma_start3A_21] : memref<16x157x128xi32, #tpu.memory_space<hbm>> -> memref<1x157x128xi32, #tpu.memory_space<hbm>>
      %dma_start3A_23 = tpu.memref_squeeze %dma_start3A_22 : memref<1x157x128xi32, #tpu.memory_space<hbm>> -> memref<157x128xi32, #tpu.memory_space<hbm>>
      tpu.enqueue_dma source(%dma_start3A_23 : memref<157x128xi32, #tpu.memory_space<hbm>>) target(%arg8 : memref<157x128xi32, #tpu.memory_space<vmem>>) target_semaphore(%run_scoped3A : memref<!tpu.dma_semaphore, #tpu.memory_space<semaphore_mem>>)
      %dma_wait3A = arith.constant 0 : i32
      %dma_wait3A_24 = arith.constant 0 : i32
      %dma_wait3A_25 = tpu.memref_slice %arg4[%arg1, %dma_wait3A, %dma_wait3A_24] : memref<16x157x128xi32, #tpu.memory_space<hbm>> -> memref<1x157x128xi32, #tpu.memory_space<hbm>>
      %dma_wait3A_26 = tpu.memref_squeeze %dma_wait3A_25 : memref<1x157x128xi32, #tpu.memory_space<hbm>> -> memref<157x128xi32, #tpu.memory_space<hbm>>
      %dma_wait3A_27 = arith.constant 0 : i32
      %dma_wait3A_28 = arith.constant 0 : i32
      %dma_wait3A_29 = tpu.memref_slice %arg4[%arg1, %dma_wait3A_27, %dma_wait3A_28] : memref<16x157x128xi32, #tpu.memory_space<hbm>> -> memref<1x157x128xi32, #tpu.memory_space<hbm>>
      %dma_wait3A_30 = tpu.memref_squeeze %dma_wait3A_29 : memref<1x157x128xi32, #tpu.memory_space<hbm>> -> memref<157x128xi32, #tpu.memory_space<hbm>>
      tpu.wait_dma2 semaphore(%run_scoped3A : memref<!tpu.dma_semaphore, #tpu.memory_space<semaphore_mem>>) src(%dma_wait3A_30 : memref<157x128xi32, #tpu.memory_space<hbm>>) dst(%arg8 : memref<157x128xi32, #tpu.memory_space<vmem>>)
      tpu.yield
    }) : () -> ()
    %mul3A = arith.constant 640 : i32
    %mul3A_0 = arith.muli %arg1, %mul3A : i32
    "tpu.region"() ({
      %run_scoped3A = tpu.sem_alloc : memref<!tpu.dma_semaphore, #tpu.memory_space<semaphore_mem>>
      tpu.enqueue_dma source(%arg5 : memref<128x128xbf16, #tpu.memory_space<hbm>>) target(%arg9 : memref<128x128xbf16, #tpu.memory_space<vmem>>) target_semaphore(%run_scoped3A : memref<!tpu.dma_semaphore, #tpu.memory_space<semaphore_mem>>)
      tpu.wait_dma2 semaphore(%run_scoped3A : memref<!tpu.dma_semaphore, #tpu.memory_space<semaphore_mem>>) src(%arg5 : memref<128x128xbf16, #tpu.memory_space<hbm>>) dst(%arg9 : memref<128x128xbf16, #tpu.memory_space<vmem>>)
      tpu.yield
    }) : () -> ()
    %add3A = arith.constant 0 : i32
    %add3A_1 = arith.addi %mul3A_0, %add3A : i32
    "tpu.region"() ({
      %run_scoped3A = tpu.sem_alloc : memref<!tpu.dma_semaphore, #tpu.memory_space<semaphore_mem>>
      %dma_start3A = arith.constant 0 : i32
      %dma_start3A_17 = tpu.memref_slice %arg10[%add3A_1, %dma_start3A] : memref<10240x128xbf16, #tpu.memory_space<vmem_shared>> -> memref<128x128xbf16, #tpu.memory_space<vmem_shared>>
      %dma_start3A_18 = arith.constant 0 : i32
      %dma_start3A_19 = tpu.memref_slice %arg10[%add3A_1, %dma_start3A_18] : memref<10240x128xbf16, #tpu.memory_space<vmem_shared>> -> memref<128x128xbf16, #tpu.memory_space<vmem_shared>>
      tpu.enqueue_dma source(%arg9 : memref<128x128xbf16, #tpu.memory_space<vmem>>) target(%dma_start3A_19 : memref<128x128xbf16, #tpu.memory_space<vmem_shared>>) target_semaphore(%run_scoped3A : memref<!tpu.dma_semaphore, #tpu.memory_space<semaphore_mem>>)
      %dma_wait3A = arith.constant 0 : i32
      %dma_wait3A_20 = tpu.memref_slice %arg10[%add3A_1, %dma_wait3A] : memref<10240x128xbf16, #tpu.memory_space<vmem_shared>> -> memref<128x128xbf16, #tpu.memory_space<vmem_shared>>
      %dma_wait3A_21 = arith.constant 0 : i32
      %dma_wait3A_22 = tpu.memref_slice %arg10[%add3A_1, %dma_wait3A_21] : memref<10240x128xbf16, #tpu.memory_space<vmem_shared>> -> memref<128x128xbf16, #tpu.memory_space<vmem_shared>>
      tpu.wait_dma2 semaphore(%run_scoped3A : memref<!tpu.dma_semaphore, #tpu.memory_space<semaphore_mem>>) src(%arg9 : memref<128x128xbf16, #tpu.memory_space<vmem>>) dst(%dma_wait3A_22 : memref<128x128xbf16, #tpu.memory_space<vmem_shared>>)
      tpu.yield
    }) : () -> ()
    %add3A_2 = arith.constant 128 : i32
    %add3A_3 = arith.addi %mul3A_0, %add3A_2 : i32
    "tpu.region"() ({
      %run_scoped3A = tpu.sem_alloc : memref<!tpu.dma_semaphore, #tpu.memory_space<semaphore_mem>>
      %dma_start3A = arith.constant 0 : i32
      %dma_start3A_17 = tpu.memref_slice %arg10[%add3A_3, %dma_start3A] : memref<10240x128xbf16, #tpu.memory_space<vmem_shared>> -> memref<128x128xbf16, #tpu.memory_space<vmem_shared>>
      %dma_start3A_18 = arith.constant 0 : i32
      %dma_start3A_19 = tpu.memref_slice %arg10[%add3A_3, %dma_start3A_18] : memref<10240x128xbf16, #tpu.memory_space<vmem_shared>> -> memref<128x128xbf16, #tpu.memory_space<vmem_shared>>
      tpu.enqueue_dma source(%arg9 : memref<128x128xbf16, #tpu.memory_space<vmem>>) target(%dma_start3A_19 : memref<128x128xbf16, #tpu.memory_space<vmem_shared>>) target_semaphore(%run_scoped3A : memref<!tpu.dma_semaphore, #tpu.memory_space<semaphore_mem>>)
      %dma_wait3A = arith.constant 0 : i32
      %dma_wait3A_20 = tpu.memref_slice %arg10[%add3A_3, %dma_wait3A] : memref<10240x128xbf16, #tpu.memory_space<vmem_shared>> -> memref<128x128xbf16, #tpu.memory_space<vmem_shared>>
      %dma_wait3A_21 = arith.constant 0 : i32
      %dma_wait3A_22 = tpu.memref_slice %arg10[%add3A_3, %dma_wait3A_21] : memref<10240x128xbf16, #tpu.memory_space<vmem_shared>> -> memref<128x128xbf16, #tpu.memory_space<vmem_shared>>
      tpu.wait_dma2 semaphore(%run_scoped3A : memref<!tpu.dma_semaphore, #tpu.memory_space<semaphore_mem>>) src(%arg9 : memref<128x128xbf16, #tpu.memory_space<vmem>>) dst(%dma_wait3A_22 : memref<128x128xbf16, #tpu.memory_space<vmem_shared>>)
      tpu.yield
    }) : () -> ()
    %add3A_4 = arith.constant 256 : i32
    %add3A_5 = arith.addi %mul3A_0, %add3A_4 : i32
    "tpu.region"() ({
      %run_scoped3A = tpu.sem_alloc : memref<!tpu.dma_semaphore, #tpu.memory_space<semaphore_mem>>
      %dma_start3A = arith.constant 0 : i32
      %dma_start3A_17 = tpu.memref_slice %arg10[%add3A_5, %dma_start3A] : memref<10240x128xbf16, #tpu.memory_space<vmem_shared>> -> memref<128x128xbf16, #tpu.memory_space<vmem_shared>>
      %dma_start3A_18 = arith.constant 0 : i32
      %dma_start3A_19 = tpu.memref_slice %arg10[%add3A_5, %dma_start3A_18] : memref<10240x128xbf16, #tpu.memory_space<vmem_shared>> -> memref<128x128xbf16, #tpu.memory_space<vmem_shared>>
      tpu.enqueue_dma source(%arg9 : memref<128x128xbf16, #tpu.memory_space<vmem>>) target(%dma_start3A_19 : memref<128x128xbf16, #tpu.memory_space<vmem_shared>>) target_semaphore(%run_scoped3A : memref<!tpu.dma_semaphore, #tpu.memory_space<semaphore_mem>>)
      %dma_wait3A = arith.constant 0 : i32
      %dma_wait3A_20 = tpu.memref_slice %arg10[%add3A_5, %dma_wait3A] : memref<10240x128xbf16, #tpu.memory_space<vmem_shared>> -> memref<128x128xbf16, #tpu.memory_space<vmem_shared>>
      %dma_wait3A_21 = arith.constant 0 : i32
      %dma_wait3A_22 = tpu.memref_slice %arg10[%add3A_5, %dma_wait3A_21] : memref<10240x128xbf16, #tpu.memory_space<vmem_shared>> -> memref<128x128xbf16, #tpu.memory_space<vmem_shared>>
      tpu.wait_dma2 semaphore(%run_scoped3A : memref<!tpu.dma_semaphore, #tpu.memory_space<semaphore_mem>>) src(%arg9 : memref<128x128xbf16, #tpu.memory_space<vmem>>) dst(%dma_wait3A_22 : memref<128x128xbf16, #tpu.memory_space<vmem_shared>>)
      tpu.yield
    }) : () -> ()
    %add3A_6 = arith.constant 384 : i32
    %add3A_7 = arith.addi %mul3A_0, %add3A_6 : i32
    "tpu.region"() ({
      %run_scoped3A = tpu.sem_alloc : memref<!tpu.dma_semaphore, #tpu.memory_space<semaphore_mem>>
      %dma_start3A = arith.constant 0 : i32
      %dma_start3A_17 = tpu.memref_slice %arg10[%add3A_7, %dma_start3A] : memref<10240x128xbf16, #tpu.memory_space<vmem_shared>> -> memref<128x128xbf16, #tpu.memory_space<vmem_shared>>
      %dma_start3A_18 = arith.constant 0 : i32
      %dma_start3A_19 = tpu.memref_slice %arg10[%add3A_7, %dma_start3A_18] : memref<10240x128xbf16, #tpu.memory_space<vmem_shared>> -> memref<128x128xbf16, #tpu.memory_space<vmem_shared>>
      tpu.enqueue_dma source(%arg9 : memref<128x128xbf16, #tpu.memory_space<vmem>>) target(%dma_start3A_19 : memref<128x128xbf16, #tpu.memory_space<vmem_shared>>) target_semaphore(%run_scoped3A : memref<!tpu.dma_semaphore, #tpu.memory_space<semaphore_mem>>)
      %dma_wait3A = arith.constant 0 : i32
      %dma_wait3A_20 = tpu.memref_slice %arg10[%add3A_7, %dma_wait3A] : memref<10240x128xbf16, #tpu.memory_space<vmem_shared>> -> memref<128x128xbf16, #tpu.memory_space<vmem_shared>>
      %dma_wait3A_21 = arith.constant 0 : i32
      %dma_wait3A_22 = tpu.memref_slice %arg10[%add3A_7, %dma_wait3A_21] : memref<10240x128xbf16, #tpu.memory_space<vmem_shared>> -> memref<128x128xbf16, #tpu.memory_space<vmem_shared>>
      tpu.wait_dma2 semaphore(%run_scoped3A : memref<!tpu.dma_semaphore, #tpu.memory_space<semaphore_mem>>) src(%arg9 : memref<128x128xbf16, #tpu.memory_space<vmem>>) dst(%dma_wait3A_22 : memref<128x128xbf16, #tpu.memory_space<vmem_shared>>)
      tpu.yield
    }) : () -> ()
    %add3A_8 = arith.constant 512 : i32
    %add3A_9 = arith.addi %mul3A_0, %add3A_8 : i32
    "tpu.region"() ({
      %run_scoped3A = tpu.sem_alloc : memref<!tpu.dma_semaphore, #tpu.memory_space<semaphore_mem>>
      %dma_start3A = arith.constant 0 : i32
      %dma_start3A_17 = tpu.memref_slice %arg10[%add3A_9, %dma_start3A] : memref<10240x128xbf16, #tpu.memory_space<vmem_shared>> -> memref<128x128xbf16, #tpu.memory_space<vmem_shared>>
      %dma_start3A_18 = arith.constant 0 : i32
      %dma_start3A_19 = tpu.memref_slice %arg10[%add3A_9, %dma_start3A_18] : memref<10240x128xbf16, #tpu.memory_space<vmem_shared>> -> memref<128x128xbf16, #tpu.memory_space<vmem_shared>>
      tpu.enqueue_dma source(%arg9 : memref<128x128xbf16, #tpu.memory_space<vmem>>) target(%dma_start3A_19 : memref<128x128xbf16, #tpu.memory_space<vmem_shared>>) target_semaphore(%run_scoped3A : memref<!tpu.dma_semaphore, #tpu.memory_space<semaphore_mem>>)
      %dma_wait3A = arith.constant 0 : i32
      %dma_wait3A_20 = tpu.memref_slice %arg10[%add3A_9, %dma_wait3A] : memref<10240x128xbf16, #tpu.memory_space<vmem_shared>> -> memref<128x128xbf16, #tpu.memory_space<vmem_shared>>
      %dma_wait3A_21 = arith.constant 0 : i32
      %dma_wait3A_22 = tpu.memref_slice %arg10[%add3A_9, %dma_wait3A_21] : memref<10240x128xbf16, #tpu.memory_space<vmem_shared>> -> memref<128x128xbf16, #tpu.memory_space<vmem_shared>>
      tpu.wait_dma2 semaphore(%run_scoped3A : memref<!tpu.dma_semaphore, #tpu.memory_space<semaphore_mem>>) src(%arg9 : memref<128x128xbf16, #tpu.memory_space<vmem>>) dst(%dma_wait3A_22 : memref<128x128xbf16, #tpu.memory_space<vmem_shared>>)
      tpu.yield
    }) : () -> ()
    %barrier3A = arith.constant 0 : index
    tpu.barrier barrier_id(%barrier3A)
    %eq3A = arith.constant 0 : i32
    %eq3A_10 = arith.cmpi eq, %arg0, %eq3A : i32
    %convert_element_type3A = arith.extui %eq3A_10 : i1 to i32
    %cond3A = arith.constant 0 : i32
    %cond3A_11 = arith.cmpi ne, %convert_element_type3A, %cond3A : i32
    scf.if %cond3A_11 {
      %scan3A = arith.constant 0 : i32
      %scan3A_17 = arith.constant 0 : i32
      %scan3A_18 = arith.constant 0 : i32
      %scan3A_19 = arith.constant 157 : i32
      %scan3A_20 = arith.addi %scan3A_18, %scan3A_19 : i32
      %scan3A_21 = arith.constant 1 : i32
      scf.for %scan3A_38 = %scan3A_18 to %scan3A_20 step %scan3A_21  : i32 {
        %dma_start3A = arith.constant 0 : i32
        %dma_start3A_39 = tpu.memref_slice %arg7[%scan3A_38, %dma_start3A] : memref<157x128xi32, #tpu.memory_space<vmem>> -> memref<1x128xi32, #tpu.memory_space<vmem>>
        %dma_start3A_40 = tpu.memref_squeeze %dma_start3A_39 : memref<1x128xi32, #tpu.memory_space<vmem>> -> memref<128xi32, #tpu.memory_space<vmem>>
        %dma_start3A_41 = arith.constant 0 : i32
        %dma_start3A_42 = arith.constant 0 : i32
        %dma_start3A_43 = tpu.memref_slice %arg2[%scan3A_17, %dma_start3A_41, %dma_start3A_42] : memref<2x10240x128xbf16, #tpu.memory_space<hbm>> -> memref<1x10240x128xbf16, #tpu.memory_space<hbm>>
        %dma_start3A_44 = tpu.memref_squeeze %dma_start3A_43 : memref<1x10240x128xbf16, #tpu.memory_space<hbm>> -> memref<10240x128xbf16, #tpu.memory_space<hbm>>
        %dma_start3A_45 = arith.constant 0 : i32
        %dma_start3A_46 = arith.constant 0 : i32
        %dma_start3A_47 = tpu.memref_slice %dma_start3A_44[%dma_start3A_45, %dma_start3A_46] : memref<10240x128xbf16, #tpu.memory_space<hbm>> -> memref<10240x128xbf16, #tpu.memory_space<hbm>>
        tpu.enqueue_indirect_dma source(%dma_start3A_47 : memref<10240x128xbf16, #tpu.memory_space<hbm>>) target(%arg9 : memref<128x128xbf16, #tpu.memory_space<vmem>>) offsets(%dma_start3A_40 : memref<128xi32, #tpu.memory_space<vmem>>) semaphore(%arg11 : memref<!tpu.dma_semaphore, #tpu.memory_space<semaphore_mem>>)
        %dma_wait3A = arith.constant 0 : i32
        %dma_wait3A_48 = tpu.memref_slice %arg7[%scan3A_38, %dma_wait3A] : memref<157x128xi32, #tpu.memory_space<vmem>> -> memref<1x128xi32, #tpu.memory_space<vmem>>
        %dma_wait3A_49 = tpu.memref_squeeze %dma_wait3A_48 : memref<1x128xi32, #tpu.memory_space<vmem>> -> memref<128xi32, #tpu.memory_space<vmem>>
        %dma_wait3A_50 = arith.constant 0 : i32
        %dma_wait3A_51 = arith.constant 0 : i32
        %dma_wait3A_52 = tpu.memref_slice %arg2[%scan3A_17, %dma_wait3A_50, %dma_wait3A_51] : memref<2x10240x128xbf16, #tpu.memory_space<hbm>> -> memref<1x10240x128xbf16, #tpu.memory_space<hbm>>
        %dma_wait3A_53 = tpu.memref_squeeze %dma_wait3A_52 : memref<1x10240x128xbf16, #tpu.memory_space<hbm>> -> memref<10240x128xbf16, #tpu.memory_space<hbm>>
        %dma_wait3A_54 = arith.constant 0 : i32
        %dma_wait3A_55 = arith.constant 0 : i32
        %dma_wait3A_56 = tpu.memref_slice %dma_wait3A_53[%dma_wait3A_54, %dma_wait3A_55] : memref<10240x128xbf16, #tpu.memory_space<hbm>> -> memref<10240x128xbf16, #tpu.memory_space<hbm>>
        tpu.wait_indirect_dma semaphore(%arg11 : memref<!tpu.dma_semaphore, #tpu.memory_space<semaphore_mem>>) src(%dma_wait3A_56 : memref<10240x128xbf16, #tpu.memory_space<hbm>>) dst(%arg9 : memref<128x128xbf16, #tpu.memory_space<vmem>>)
        "tpu.region"() ({
          %run_scoped3A_57 = tpu.sem_alloc : memref<!tpu.dma_semaphore, #tpu.memory_space<semaphore_mem>>
          %dma_start3A_58 = arith.constant 0 : i32
          %dma_start3A_59 = tpu.memref_slice %arg8[%scan3A_38, %dma_start3A_58] : memref<157x128xi32, #tpu.memory_space<vmem>> -> memref<1x128xi32, #tpu.memory_space<vmem>>
          %dma_start3A_60 = tpu.memref_squeeze %dma_start3A_59 : memref<1x128xi32, #tpu.memory_space<vmem>> -> memref<128xi32, #tpu.memory_space<vmem>>
          %dma_start3A_61 = arith.constant 0 : i32
          %dma_start3A_62 = arith.constant 0 : i32
          %dma_start3A_63 = tpu.memref_slice %arg10[%dma_start3A_61, %dma_start3A_62] : memref<10240x128xbf16, #tpu.memory_space<vmem_shared>> -> memref<10240x128xbf16, #tpu.memory_space<vmem_shared>>
          tpu.enqueue_indirect_dma source(%arg9 : memref<128x128xbf16, #tpu.memory_space<vmem>>) target(%dma_start3A_63 : memref<10240x128xbf16, #tpu.memory_space<vmem_shared>>) offsets(%dma_start3A_60 : memref<128xi32, #tpu.memory_space<vmem>>) semaphore(%run_scoped3A_57 : memref<!tpu.dma_semaphore, #tpu.memory_space<semaphore_mem>>) {add = true}
          %dma_wait3A_64 = arith.constant 0 : i32
          %dma_wait3A_65 = tpu.memref_slice %arg8[%scan3A_38, %dma_wait3A_64] : memref<157x128xi32, #tpu.memory_space<vmem>> -> memref<1x128xi32, #tpu.memory_space<vmem>>
          %dma_wait3A_66 = tpu.memref_squeeze %dma_wait3A_65 : memref<1x128xi32, #tpu.memory_space<vmem>> -> memref<128xi32, #tpu.memory_space<vmem>>
          %dma_wait3A_67 = arith.constant 0 : i32
          %dma_wait3A_68 = arith.constant 0 : i32
          %dma_wait3A_69 = tpu.memref_slice %arg10[%dma_wait3A_67, %dma_wait3A_68] : memref<10240x128xbf16, #tpu.memory_space<vmem_shared>> -> memref<10240x128xbf16, #tpu.memory_space<vmem_shared>>
          tpu.wait_indirect_dma semaphore(%run_scoped3A_57 : memref<!tpu.dma_semaphore, #tpu.memory_space<semaphore_mem>>) src(%arg9 : memref<128x128xbf16, #tpu.memory_space<vmem>>) dst(%dma_wait3A_69 : memref<10240x128xbf16, #tpu.memory_space<vmem_shared>>)
          tpu.yield
        }) : () -> ()
      }
      %scan3A_22 = arith.constant 157 : i32
      %barrier3A_23 = arith.constant 0 : index
      tpu.barrier barrier_id(%barrier3A_23)
      %add3A_24 = arith.constant 0 : i32
      %add3A_25 = arith.addi %mul3A_0, %add3A_24 : i32
      %run_scoped3A = arith.constant 0 : i32
      "tpu.region"() ({
        %run_scoped3A_38 = tpu.sem_alloc : memref<!tpu.dma_semaphore, #tpu.memory_space<semaphore_mem>>
        %dma_start3A = arith.constant 0 : i32
        %dma_start3A_39 = arith.constant 0 : i32
        %dma_start3A_40 = tpu.memref_slice %arg6[%run_scoped3A, %dma_start3A, %dma_start3A_39] : memref<2x10240x128xbf16, #tpu.memory_space<hbm>> -> memref<1x10240x128xbf16, #tpu.memory_space<hbm>>
        %dma_start3A_41 = tpu.memref_squeeze %dma_start3A_40 : memref<1x10240x128xbf16, #tpu.memory_space<hbm>> -> memref<10240x128xbf16, #tpu.memory_space<hbm>>
        %dma_start3A_42 = arith.constant 0 : i32
        %dma_start3A_43 = tpu.memref_slice %dma_start3A_41[%add3A_25, %dma_start3A_42] : memref<10240x128xbf16, #tpu.memory_space<hbm>> -> memref<128x128xbf16, #tpu.memory_space<hbm>>
        %dma_start3A_44 = arith.constant 0 : i32
        %dma_start3A_45 = tpu.memref_slice %arg10[%add3A_25, %dma_start3A_44] : memref<10240x128xbf16, #tpu.memory_space<vmem_shared>> -> memref<128x128xbf16, #tpu.memory_space<vmem_shared>>
        tpu.enqueue_dma source(%dma_start3A_45 : memref<128x128xbf16, #tpu.memory_space<vmem_shared>>) target(%dma_start3A_43 : memref<128x128xbf16, #tpu.memory_space<hbm>>) target_semaphore(%run_scoped3A_38 : memref<!tpu.dma_semaphore, #tpu.memory_space<semaphore_mem>>)
        %dma_wait3A = arith.constant 0 : i32
        %dma_wait3A_46 = arith.constant 0 : i32
        %dma_wait3A_47 = tpu.memref_slice %arg6[%run_scoped3A, %dma_wait3A, %dma_wait3A_46] : memref<2x10240x128xbf16, #tpu.memory_space<hbm>> -> memref<1x10240x128xbf16, #tpu.memory_space<hbm>>
        %dma_wait3A_48 = tpu.memref_squeeze %dma_wait3A_47 : memref<1x10240x128xbf16, #tpu.memory_space<hbm>> -> memref<10240x128xbf16, #tpu.memory_space<hbm>>
        %dma_wait3A_49 = arith.constant 0 : i32
        %dma_wait3A_50 = tpu.memref_slice %dma_wait3A_48[%add3A_25, %dma_wait3A_49] : memref<10240x128xbf16, #tpu.memory_space<hbm>> -> memref<128x128xbf16, #tpu.memory_space<hbm>>
        %dma_wait3A_51 = arith.constant 0 : i32
        %dma_wait3A_52 = tpu.memref_slice %arg10[%add3A_25, %dma_wait3A_51] : memref<10240x128xbf16, #tpu.memory_space<vmem_shared>> -> memref<128x128xbf16, #tpu.memory_space<vmem_shared>>
        tpu.wait_dma2 semaphore(%run_scoped3A_38 : memref<!tpu.dma_semaphore, #tpu.memory_space<semaphore_mem>>) src(%dma_wait3A_52 : memref<128x128xbf16, #tpu.memory_space<vmem_shared>>) dst(%dma_wait3A_50 : memref<128x128xbf16, #tpu.memory_space<hbm>>)
        tpu.yield
      }) : () -> ()
      %add3A_26 = arith.constant 128 : i32
      %add3A_27 = arith.addi %mul3A_0, %add3A_26 : i32
      %run_scoped3A_28 = arith.constant 0 : i32
      "tpu.region"() ({
        %run_scoped3A_38 = tpu.sem_alloc : memref<!tpu.dma_semaphore, #tpu.memory_space<semaphore_mem>>
        %dma_start3A = arith.constant 0 : i32
        %dma_start3A_39 = arith.constant 0 : i32
        %dma_start3A_40 = tpu.memref_slice %arg6[%run_scoped3A_28, %dma_start3A, %dma_start3A_39] : memref<2x10240x128xbf16, #tpu.memory_space<hbm>> -> memref<1x10240x128xbf16, #tpu.memory_space<hbm>>
        %dma_start3A_41 = tpu.memref_squeeze %dma_start3A_40 : memref<1x10240x128xbf16, #tpu.memory_space<hbm>> -> memref<10240x128xbf16, #tpu.memory_space<hbm>>
        %dma_start3A_42 = arith.constant 0 : i32
        %dma_start3A_43 = tpu.memref_slice %dma_start3A_41[%add3A_27, %dma_start3A_42] : memref<10240x128xbf16, #tpu.memory_space<hbm>> -> memref<128x128xbf16, #tpu.memory_space<hbm>>
        %dma_start3A_44 = arith.constant 0 : i32
        %dma_start3A_45 = tpu.memref_slice %arg10[%add3A_27, %dma_start3A_44] : memref<10240x128xbf16, #tpu.memory_space<vmem_shared>> -> memref<128x128xbf16, #tpu.memory_space<vmem_shared>>
        tpu.enqueue_dma source(%dma_start3A_45 : memref<128x128xbf16, #tpu.memory_space<vmem_shared>>) target(%dma_start3A_43 : memref<128x128xbf16, #tpu.memory_space<hbm>>) target_semaphore(%run_scoped3A_38 : memref<!tpu.dma_semaphore, #tpu.memory_space<semaphore_mem>>)
        %dma_wait3A = arith.constant 0 : i32
        %dma_wait3A_46 = arith.constant 0 : i32
        %dma_wait3A_47 = tpu.memref_slice %arg6[%run_scoped3A_28, %dma_wait3A, %dma_wait3A_46] : memref<2x10240x128xbf16, #tpu.memory_space<hbm>> -> memref<1x10240x128xbf16, #tpu.memory_space<hbm>>
        %dma_wait3A_48 = tpu.memref_squeeze %dma_wait3A_47 : memref<1x10240x128xbf16, #tpu.memory_space<hbm>> -> memref<10240x128xbf16, #tpu.memory_space<hbm>>
        %dma_wait3A_49 = arith.constant 0 : i32
        %dma_wait3A_50 = tpu.memref_slice %dma_wait3A_48[%add3A_27, %dma_wait3A_49] : memref<10240x128xbf16, #tpu.memory_space<hbm>> -> memref<128x128xbf16, #tpu.memory_space<hbm>>
        %dma_wait3A_51 = arith.constant 0 : i32
        %dma_wait3A_52 = tpu.memref_slice %arg10[%add3A_27, %dma_wait3A_51] : memref<10240x128xbf16, #tpu.memory_space<vmem_shared>> -> memref<128x128xbf16, #tpu.memory_space<vmem_shared>>
        tpu.wait_dma2 semaphore(%run_scoped3A_38 : memref<!tpu.dma_semaphore, #tpu.memory_space<semaphore_mem>>) src(%dma_wait3A_52 : memref<128x128xbf16, #tpu.memory_space<vmem_shared>>) dst(%dma_wait3A_50 : memref<128x128xbf16, #tpu.memory_space<hbm>>)
        tpu.yield
      }) : () -> ()
      %add3A_29 = arith.constant 256 : i32
      %add3A_30 = arith.addi %mul3A_0, %add3A_29 : i32
      %run_scoped3A_31 = arith.constant 0 : i32
      "tpu.region"() ({
        %run_scoped3A_38 = tpu.sem_alloc : memref<!tpu.dma_semaphore, #tpu.memory_space<semaphore_mem>>
        %dma_start3A = arith.constant 0 : i32
        %dma_start3A_39 = arith.constant 0 : i32
        %dma_start3A_40 = tpu.memref_slice %arg6[%run_scoped3A_31, %dma_start3A, %dma_start3A_39] : memref<2x10240x128xbf16, #tpu.memory_space<hbm>> -> memref<1x10240x128xbf16, #tpu.memory_space<hbm>>
        %dma_start3A_41 = tpu.memref_squeeze %dma_start3A_40 : memref<1x10240x128xbf16, #tpu.memory_space<hbm>> -> memref<10240x128xbf16, #tpu.memory_space<hbm>>
        %dma_start3A_42 = arith.constant 0 : i32
        %dma_start3A_43 = tpu.memref_slice %dma_start3A_41[%add3A_30, %dma_start3A_42] : memref<10240x128xbf16, #tpu.memory_space<hbm>> -> memref<128x128xbf16, #tpu.memory_space<hbm>>
        %dma_start3A_44 = arith.constant 0 : i32
        %dma_start3A_45 = tpu.memref_slice %arg10[%add3A_30, %dma_start3A_44] : memref<10240x128xbf16, #tpu.memory_space<vmem_shared>> -> memref<128x128xbf16, #tpu.memory_space<vmem_shared>>
        tpu.enqueue_dma source(%dma_start3A_45 : memref<128x128xbf16, #tpu.memory_space<vmem_shared>>) target(%dma_start3A_43 : memref<128x128xbf16, #tpu.memory_space<hbm>>) target_semaphore(%run_scoped3A_38 : memref<!tpu.dma_semaphore, #tpu.memory_space<semaphore_mem>>)
        %dma_wait3A = arith.constant 0 : i32
        %dma_wait3A_46 = arith.constant 0 : i32
        %dma_wait3A_47 = tpu.memref_slice %arg6[%run_scoped3A_31, %dma_wait3A, %dma_wait3A_46] : memref<2x10240x128xbf16, #tpu.memory_space<hbm>> -> memref<1x10240x128xbf16, #tpu.memory_space<hbm>>
        %dma_wait3A_48 = tpu.memref_squeeze %dma_wait3A_47 : memref<1x10240x128xbf16, #tpu.memory_space<hbm>> -> memref<10240x128xbf16, #tpu.memory_space<hbm>>
        %dma_wait3A_49 = arith.constant 0 : i32
        %dma_wait3A_50 = tpu.memref_slice %dma_wait3A_48[%add3A_30, %dma_wait3A_49] : memref<10240x128xbf16, #tpu.memory_space<hbm>> -> memref<128x128xbf16, #tpu.memory_space<hbm>>
        %dma_wait3A_51 = arith.constant 0 : i32
        %dma_wait3A_52 = tpu.memref_slice %arg10[%add3A_30, %dma_wait3A_51] : memref<10240x128xbf16, #tpu.memory_space<vmem_shared>> -> memref<128x128xbf16, #tpu.memory_space<vmem_shared>>
        tpu.wait_dma2 semaphore(%run_scoped3A_38 : memref<!tpu.dma_semaphore, #tpu.memory_space<semaphore_mem>>) src(%dma_wait3A_52 : memref<128x128xbf16, #tpu.memory_space<vmem_shared>>) dst(%dma_wait3A_50 : memref<128x128xbf16, #tpu.memory_space<hbm>>)
        tpu.yield
      }) : () -> ()
      %add3A_32 = arith.constant 384 : i32
      %add3A_33 = arith.addi %mul3A_0, %add3A_32 : i32
      %run_scoped3A_34 = arith.constant 0 : i32
      "tpu.region"() ({
        %run_scoped3A_38 = tpu.sem_alloc : memref<!tpu.dma_semaphore, #tpu.memory_space<semaphore_mem>>
        %dma_start3A = arith.constant 0 : i32
        %dma_start3A_39 = arith.constant 0 : i32
        %dma_start3A_40 = tpu.memref_slice %arg6[%run_scoped3A_34, %dma_start3A, %dma_start3A_39] : memref<2x10240x128xbf16, #tpu.memory_space<hbm>> -> memref<1x10240x128xbf16, #tpu.memory_space<hbm>>
        %dma_start3A_41 = tpu.memref_squeeze %dma_start3A_40 : memref<1x10240x128xbf16, #tpu.memory_space<hbm>> -> memref<10240x128xbf16, #tpu.memory_space<hbm>>
        %dma_start3A_42 = arith.constant 0 : i32
        %dma_start3A_43 = tpu.memref_slice %dma_start3A_41[%add3A_33, %dma_start3A_42] : memref<10240x128xbf16, #tpu.memory_space<hbm>> -> memref<128x128xbf16, #tpu.memory_space<hbm>>
        %dma_start3A_44 = arith.constant 0 : i32
        %dma_start3A_45 = tpu.memref_slice %arg10[%add3A_33, %dma_start3A_44] : memref<10240x128xbf16, #tpu.memory_space<vmem_shared>> -> memref<128x128xbf16, #tpu.memory_space<vmem_shared>>
        tpu.enqueue_dma source(%dma_start3A_45 : memref<128x128xbf16, #tpu.memory_space<vmem_shared>>) target(%dma_start3A_43 : memref<128x128xbf16, #tpu.memory_space<hbm>>) target_semaphore(%run_scoped3A_38 : memref<!tpu.dma_semaphore, #tpu.memory_space<semaphore_mem>>)
        %dma_wait3A = arith.constant 0 : i32
        %dma_wait3A_46 = arith.constant 0 : i32
        %dma_wait3A_47 = tpu.memref_slice %arg6[%run_scoped3A_34, %dma_wait3A, %dma_wait3A_46] : memref<2x10240x128xbf16, #tpu.memory_space<hbm>> -> memref<1x10240x128xbf16, #tpu.memory_space<hbm>>
        %dma_wait3A_48 = tpu.memref_squeeze %dma_wait3A_47 : memref<1x10240x128xbf16, #tpu.memory_space<hbm>> -> memref<10240x128xbf16, #tpu.memory_space<hbm>>
        %dma_wait3A_49 = arith.constant 0 : i32
        %dma_wait3A_50 = tpu.memref_slice %dma_wait3A_48[%add3A_33, %dma_wait3A_49] : memref<10240x128xbf16, #tpu.memory_space<hbm>> -> memref<128x128xbf16, #tpu.memory_space<hbm>>
        %dma_wait3A_51 = arith.constant 0 : i32
        %dma_wait3A_52 = tpu.memref_slice %arg10[%add3A_33, %dma_wait3A_51] : memref<10240x128xbf16, #tpu.memory_space<vmem_shared>> -> memref<128x128xbf16, #tpu.memory_space<vmem_shared>>
        tpu.wait_dma2 semaphore(%run_scoped3A_38 : memref<!tpu.dma_semaphore, #tpu.memory_space<semaphore_mem>>) src(%dma_wait3A_52 : memref<128x128xbf16, #tpu.memory_space<vmem_shared>>) dst(%dma_wait3A_50 : memref<128x128xbf16, #tpu.memory_space<hbm>>)
        tpu.yield
      }) : () -> ()
      %add3A_35 = arith.constant 512 : i32
      %add3A_36 = arith.addi %mul3A_0, %add3A_35 : i32
      %run_scoped3A_37 = arith.constant 0 : i32
      "tpu.region"() ({
        %run_scoped3A_38 = tpu.sem_alloc : memref<!tpu.dma_semaphore, #tpu.memory_space<semaphore_mem>>
        %dma_start3A = arith.constant 0 : i32
        %dma_start3A_39 = arith.constant 0 : i32
        %dma_start3A_40 = tpu.memref_slice %arg6[%run_scoped3A_37, %dma_start3A, %dma_start3A_39] : memref<2x10240x128xbf16, #tpu.memory_space<hbm>> -> memref<1x10240x128xbf16, #tpu.memory_space<hbm>>
        %dma_start3A_41 = tpu.memref_squeeze %dma_start3A_40 : memref<1x10240x128xbf16, #tpu.memory_space<hbm>> -> memref<10240x128xbf16, #tpu.memory_space<hbm>>
        %dma_start3A_42 = arith.constant 0 : i32
        %dma_start3A_43 = tpu.memref_slice %dma_start3A_41[%add3A_36, %dma_start3A_42] : memref<10240x128xbf16, #tpu.memory_space<hbm>> -> memref<128x128xbf16, #tpu.memory_space<hbm>>
        %dma_start3A_44 = arith.constant 0 : i32
        %dma_start3A_45 = tpu.memref_slice %arg10[%add3A_36, %dma_start3A_44] : memref<10240x128xbf16, #tpu.memory_space<vmem_shared>> -> memref<128x128xbf16, #tpu.memory_space<vmem_shared>>
        tpu.enqueue_dma source(%dma_start3A_45 : memref<128x128xbf16, #tpu.memory_space<vmem_shared>>) target(%dma_start3A_43 : memref<128x128xbf16, #tpu.memory_space<hbm>>) target_semaphore(%run_scoped3A_38 : memref<!tpu.dma_semaphore, #tpu.memory_space<semaphore_mem>>)
        %dma_wait3A = arith.constant 0 : i32
        %dma_wait3A_46 = arith.constant 0 : i32
        %dma_wait3A_47 = tpu.memref_slice %arg6[%run_scoped3A_37, %dma_wait3A, %dma_wait3A_46] : memref<2x10240x128xbf16, #tpu.memory_space<hbm>> -> memref<1x10240x128xbf16, #tpu.memory_space<hbm>>
        %dma_wait3A_48 = tpu.memref_squeeze %dma_wait3A_47 : memref<1x10240x128xbf16, #tpu.memory_space<hbm>> -> memref<10240x128xbf16, #tpu.memory_space<hbm>>
        %dma_wait3A_49 = arith.constant 0 : i32
        %dma_wait3A_50 = tpu.memref_slice %dma_wait3A_48[%add3A_36, %dma_wait3A_49] : memref<10240x128xbf16, #tpu.memory_space<hbm>> -> memref<128x128xbf16, #tpu.memory_space<hbm>>
        %dma_wait3A_51 = arith.constant 0 : i32
        %dma_wait3A_52 = tpu.memref_slice %arg10[%add3A_36, %dma_wait3A_51] : memref<10240x128xbf16, #tpu.memory_space<vmem_shared>> -> memref<128x128xbf16, #tpu.memory_space<vmem_shared>>
        tpu.wait_dma2 semaphore(%run_scoped3A_38 : memref<!tpu.dma_semaphore, #tpu.memory_space<semaphore_mem>>) src(%dma_wait3A_52 : memref<128x128xbf16, #tpu.memory_space<vmem_shared>>) dst(%dma_wait3A_50 : memref<128x128xbf16, #tpu.memory_space<hbm>>)
        tpu.yield
      }) : () -> ()
    } else {
    }
    %eq3A_12 = arith.constant 1 : i32
    %eq3A_13 = arith.cmpi eq, %arg0, %eq3A_12 : i32
    %convert_element_type3A_14 = arith.extui %eq3A_13 : i1 to i32
    %cond3A_15 = arith.constant 0 : i32
    %cond3A_16 = arith.cmpi ne, %convert_element_type3A_14, %cond3A_15 : i32
    scf.if %cond3A_16 {
      %scan3A = arith.constant 0 : i32
      %scan3A_17 = arith.constant 1 : i32
      %scan3A_18 = arith.constant 0 : i32
      %scan3A_19 = arith.constant 157 : i32
      %scan3A_20 = arith.addi %scan3A_18, %scan3A_19 : i32
      %scan3A_21 = arith.constant 1 : i32
      scf.for %scan3A_38 = %scan3A_18 to %scan3A_20 step %scan3A_21  : i32 {
        %dma_start3A = arith.constant 0 : i32
        %dma_start3A_39 = tpu.memref_slice %arg7[%scan3A_38, %dma_start3A] : memref<157x128xi32, #tpu.memory_space<vmem>> -> memref<1x128xi32, #tpu.memory_space<vmem>>
        %dma_start3A_40 = tpu.memref_squeeze %dma_start3A_39 : memref<1x128xi32, #tpu.memory_space<vmem>> -> memref<128xi32, #tpu.memory_space<vmem>>
        %dma_start3A_41 = arith.constant 0 : i32
        %dma_start3A_42 = arith.constant 0 : i32
        %dma_start3A_43 = tpu.memref_slice %arg2[%scan3A_17, %dma_start3A_41, %dma_start3A_42] : memref<2x10240x128xbf16, #tpu.memory_space<hbm>> -> memref<1x10240x128xbf16, #tpu.memory_space<hbm>>
        %dma_start3A_44 = tpu.memref_squeeze %dma_start3A_43 : memref<1x10240x128xbf16, #tpu.memory_space<hbm>> -> memref<10240x128xbf16, #tpu.memory_space<hbm>>
        %dma_start3A_45 = arith.constant 0 : i32
        %dma_start3A_46 = arith.constant 0 : i32
        %dma_start3A_47 = tpu.memref_slice %dma_start3A_44[%dma_start3A_45, %dma_start3A_46] : memref<10240x128xbf16, #tpu.memory_space<hbm>> -> memref<10240x128xbf16, #tpu.memory_space<hbm>>
        tpu.enqueue_indirect_dma source(%dma_start3A_47 : memref<10240x128xbf16, #tpu.memory_space<hbm>>) target(%arg9 : memref<128x128xbf16, #tpu.memory_space<vmem>>) offsets(%dma_start3A_40 : memref<128xi32, #tpu.memory_space<vmem>>) semaphore(%arg11 : memref<!tpu.dma_semaphore, #tpu.memory_space<semaphore_mem>>)
        %dma_wait3A = arith.constant 0 : i32
        %dma_wait3A_48 = tpu.memref_slice %arg7[%scan3A_38, %dma_wait3A] : memref<157x128xi32, #tpu.memory_space<vmem>> -> memref<1x128xi32, #tpu.memory_space<vmem>>
        %dma_wait3A_49 = tpu.memref_squeeze %dma_wait3A_48 : memref<1x128xi32, #tpu.memory_space<vmem>> -> memref<128xi32, #tpu.memory_space<vmem>>
        %dma_wait3A_50 = arith.constant 0 : i32
        %dma_wait3A_51 = arith.constant 0 : i32
        %dma_wait3A_52 = tpu.memref_slice %arg2[%scan3A_17, %dma_wait3A_50, %dma_wait3A_51] : memref<2x10240x128xbf16, #tpu.memory_space<hbm>> -> memref<1x10240x128xbf16, #tpu.memory_space<hbm>>
        %dma_wait3A_53 = tpu.memref_squeeze %dma_wait3A_52 : memref<1x10240x128xbf16, #tpu.memory_space<hbm>> -> memref<10240x128xbf16, #tpu.memory_space<hbm>>
        %dma_wait3A_54 = arith.constant 0 : i32
        %dma_wait3A_55 = arith.constant 0 : i32
        %dma_wait3A_56 = tpu.memref_slice %dma_wait3A_53[%dma_wait3A_54, %dma_wait3A_55] : memref<10240x128xbf16, #tpu.memory_space<hbm>> -> memref<10240x128xbf16, #tpu.memory_space<hbm>>
        tpu.wait_indirect_dma semaphore(%arg11 : memref<!tpu.dma_semaphore, #tpu.memory_space<semaphore_mem>>) src(%dma_wait3A_56 : memref<10240x128xbf16, #tpu.memory_space<hbm>>) dst(%arg9 : memref<128x128xbf16, #tpu.memory_space<vmem>>)
        "tpu.region"() ({
          %run_scoped3A_57 = tpu.sem_alloc : memref<!tpu.dma_semaphore, #tpu.memory_space<semaphore_mem>>
          %dma_start3A_58 = arith.constant 0 : i32
          %dma_start3A_59 = tpu.memref_slice %arg8[%scan3A_38, %dma_start3A_58] : memref<157x128xi32, #tpu.memory_space<vmem>> -> memref<1x128xi32, #tpu.memory_space<vmem>>
          %dma_start3A_60 = tpu.memref_squeeze %dma_start3A_59 : memref<1x128xi32, #tpu.memory_space<vmem>> -> memref<128xi32, #tpu.memory_space<vmem>>
          %dma_start3A_61 = arith.constant 0 : i32
          %dma_start3A_62 = arith.constant 0 : i32
          %dma_start3A_63 = tpu.memref_slice %arg10[%dma_start3A_61, %dma_start3A_62] : memref<10240x128xbf16, #tpu.memory_space<vmem_shared>> -> memref<10240x128xbf16, #tpu.memory_space<vmem_shared>>
          tpu.enqueue_indirect_dma source(%arg9 : memref<128x128xbf16, #tpu.memory_space<vmem>>) target(%dma_start3A_63 : memref<10240x128xbf16, #tpu.memory_space<vmem_shared>>) offsets(%dma_start3A_60 : memref<128xi32, #tpu.memory_space<vmem>>) semaphore(%run_scoped3A_57 : memref<!tpu.dma_semaphore, #tpu.memory_space<semaphore_mem>>) {add = true}
          %dma_wait3A_64 = arith.constant 0 : i32
          %dma_wait3A_65 = tpu.memref_slice %arg8[%scan3A_38, %dma_wait3A_64] : memref<157x128xi32, #tpu.memory_space<vmem>> -> memref<1x128xi32, #tpu.memory_space<vmem>>
          %dma_wait3A_66 = tpu.memref_squeeze %dma_wait3A_65 : memref<1x128xi32, #tpu.memory_space<vmem>> -> memref<128xi32, #tpu.memory_space<vmem>>
          %dma_wait3A_67 = arith.constant 0 : i32
          %dma_wait3A_68 = arith.constant 0 : i32
          %dma_wait3A_69 = tpu.memref_slice %arg10[%dma_wait3A_67, %dma_wait3A_68] : memref<10240x128xbf16, #tpu.memory_space<vmem_shared>> -> memref<10240x128xbf16, #tpu.memory_space<vmem_shared>>
          tpu.wait_indirect_dma semaphore(%run_scoped3A_57 : memref<!tpu.dma_semaphore, #tpu.memory_space<semaphore_mem>>) src(%arg9 : memref<128x128xbf16, #tpu.memory_space<vmem>>) dst(%dma_wait3A_69 : memref<10240x128xbf16, #tpu.memory_space<vmem_shared>>)
          tpu.yield
        }) : () -> ()
      }
      %scan3A_22 = arith.constant 157 : i32
      %barrier3A_23 = arith.constant 0 : index
      tpu.barrier barrier_id(%barrier3A_23)
      %add3A_24 = arith.constant 0 : i32
      %add3A_25 = arith.addi %mul3A_0, %add3A_24 : i32
      %run_scoped3A = arith.constant 1 : i32
      "tpu.region"() ({
        %run_scoped3A_38 = tpu.sem_alloc : memref<!tpu.dma_semaphore, #tpu.memory_space<semaphore_mem>>
        %dma_start3A = arith.constant 0 : i32
        %dma_start3A_39 = arith.constant 0 : i32
        %dma_start3A_40 = tpu.memref_slice %arg6[%run_scoped3A, %dma_start3A, %dma_start3A_39] : memref<2x10240x128xbf16, #tpu.memory_space<hbm>> -> memref<1x10240x128xbf16, #tpu.memory_space<hbm>>
        %dma_start3A_41 = tpu.memref_squeeze %dma_start3A_40 : memref<1x10240x128xbf16, #tpu.memory_space<hbm>> -> memref<10240x128xbf16, #tpu.memory_space<hbm>>
        %dma_start3A_42 = arith.constant 0 : i32
        %dma_start3A_43 = tpu.memref_slice %dma_start3A_41[%add3A_25, %dma_start3A_42] : memref<10240x128xbf16, #tpu.memory_space<hbm>> -> memref<128x128xbf16, #tpu.memory_space<hbm>>
        %dma_start3A_44 = arith.constant 0 : i32
        %dma_start3A_45 = tpu.memref_slice %arg10[%add3A_25, %dma_start3A_44] : memref<10240x128xbf16, #tpu.memory_space<vmem_shared>> -> memref<128x128xbf16, #tpu.memory_space<vmem_shared>>
        tpu.enqueue_dma source(%dma_start3A_45 : memref<128x128xbf16, #tpu.memory_space<vmem_shared>>) target(%dma_start3A_43 : memref<128x128xbf16, #tpu.memory_space<hbm>>) target_semaphore(%run_scoped3A_38 : memref<!tpu.dma_semaphore, #tpu.memory_space<semaphore_mem>>)
        %dma_wait3A = arith.constant 0 : i32
        %dma_wait3A_46 = arith.constant 0 : i32
        %dma_wait3A_47 = tpu.memref_slice %arg6[%run_scoped3A, %dma_wait3A, %dma_wait3A_46] : memref<2x10240x128xbf16, #tpu.memory_space<hbm>> -> memref<1x10240x128xbf16, #tpu.memory_space<hbm>>
        %dma_wait3A_48 = tpu.memref_squeeze %dma_wait3A_47 : memref<1x10240x128xbf16, #tpu.memory_space<hbm>> -> memref<10240x128xbf16, #tpu.memory_space<hbm>>
        %dma_wait3A_49 = arith.constant 0 : i32
        %dma_wait3A_50 = tpu.memref_slice %dma_wait3A_48[%add3A_25, %dma_wait3A_49] : memref<10240x128xbf16, #tpu.memory_space<hbm>> -> memref<128x128xbf16, #tpu.memory_space<hbm>>
        %dma_wait3A_51 = arith.constant 0 : i32
        %dma_wait3A_52 = tpu.memref_slice %arg10[%add3A_25, %dma_wait3A_51] : memref<10240x128xbf16, #tpu.memory_space<vmem_shared>> -> memref<128x128xbf16, #tpu.memory_space<vmem_shared>>
        tpu.wait_dma2 semaphore(%run_scoped3A_38 : memref<!tpu.dma_semaphore, #tpu.memory_space<semaphore_mem>>) src(%dma_wait3A_52 : memref<128x128xbf16, #tpu.memory_space<vmem_shared>>) dst(%dma_wait3A_50 : memref<128x128xbf16, #tpu.memory_space<hbm>>)
        tpu.yield
      }) : () -> ()
      %add3A_26 = arith.constant 128 : i32
      %add3A_27 = arith.addi %mul3A_0, %add3A_26 : i32
      %run_scoped3A_28 = arith.constant 1 : i32
      "tpu.region"() ({
        %run_scoped3A_38 = tpu.sem_alloc : memref<!tpu.dma_semaphore, #tpu.memory_space<semaphore_mem>>
        %dma_start3A = arith.constant 0 : i32
        %dma_start3A_39 = arith.constant 0 : i32
        %dma_start3A_40 = tpu.memref_slice %arg6[%run_scoped3A_28, %dma_start3A, %dma_start3A_39] : memref<2x10240x128xbf16, #tpu.memory_space<hbm>> -> memref<1x10240x128xbf16, #tpu.memory_space<hbm>>
        %dma_start3A_41 = tpu.memref_squeeze %dma_start3A_40 : memref<1x10240x128xbf16, #tpu.memory_space<hbm>> -> memref<10240x128xbf16, #tpu.memory_space<hbm>>
        %dma_start3A_42 = arith.constant 0 : i32
        %dma_start3A_43 = tpu.memref_slice %dma_start3A_41[%add3A_27, %dma_start3A_42] : memref<10240x128xbf16, #tpu.memory_space<hbm>> -> memref<128x128xbf16, #tpu.memory_space<hbm>>
        %dma_start3A_44 = arith.constant 0 : i32
        %dma_start3A_45 = tpu.memref_slice %arg10[%add3A_27, %dma_start3A_44] : memref<10240x128xbf16, #tpu.memory_space<vmem_shared>> -> memref<128x128xbf16, #tpu.memory_space<vmem_shared>>
        tpu.enqueue_dma source(%dma_start3A_45 : memref<128x128xbf16, #tpu.memory_space<vmem_shared>>) target(%dma_start3A_43 : memref<128x128xbf16, #tpu.memory_space<hbm>>) target_semaphore(%run_scoped3A_38 : memref<!tpu.dma_semaphore, #tpu.memory_space<semaphore_mem>>)
        %dma_wait3A = arith.constant 0 : i32
        %dma_wait3A_46 = arith.constant 0 : i32
        %dma_wait3A_47 = tpu.memref_slice %arg6[%run_scoped3A_28, %dma_wait3A, %dma_wait3A_46] : memref<2x10240x128xbf16, #tpu.memory_space<hbm>> -> memref<1x10240x128xbf16, #tpu.memory_space<hbm>>
        %dma_wait3A_48 = tpu.memref_squeeze %dma_wait3A_47 : memref<1x10240x128xbf16, #tpu.memory_space<hbm>> -> memref<10240x128xbf16, #tpu.memory_space<hbm>>
        %dma_wait3A_49 = arith.constant 0 : i32
        %dma_wait3A_50 = tpu.memref_slice %dma_wait3A_48[%add3A_27, %dma_wait3A_49] : memref<10240x128xbf16, #tpu.memory_space<hbm>> -> memref<128x128xbf16, #tpu.memory_space<hbm>>
        %dma_wait3A_51 = arith.constant 0 : i32
        %dma_wait3A_52 = tpu.memref_slice %arg10[%add3A_27, %dma_wait3A_51] : memref<10240x128xbf16, #tpu.memory_space<vmem_shared>> -> memref<128x128xbf16, #tpu.memory_space<vmem_shared>>
        tpu.wait_dma2 semaphore(%run_scoped3A_38 : memref<!tpu.dma_semaphore, #tpu.memory_space<semaphore_mem>>) src(%dma_wait3A_52 : memref<128x128xbf16, #tpu.memory_space<vmem_shared>>) dst(%dma_wait3A_50 : memref<128x128xbf16, #tpu.memory_space<hbm>>)
        tpu.yield
      }) : () -> ()
      %add3A_29 = arith.constant 256 : i32
      %add3A_30 = arith.addi %mul3A_0, %add3A_29 : i32
      %run_scoped3A_31 = arith.constant 1 : i32
      "tpu.region"() ({
        %run_scoped3A_38 = tpu.sem_alloc : memref<!tpu.dma_semaphore, #tpu.memory_space<semaphore_mem>>
        %dma_start3A = arith.constant 0 : i32
        %dma_start3A_39 = arith.constant 0 : i32
        %dma_start3A_40 = tpu.memref_slice %arg6[%run_scoped3A_31, %dma_start3A, %dma_start3A_39] : memref<2x10240x128xbf16, #tpu.memory_space<hbm>> -> memref<1x10240x128xbf16, #tpu.memory_space<hbm>>
        %dma_start3A_41 = tpu.memref_squeeze %dma_start3A_40 : memref<1x10240x128xbf16, #tpu.memory_space<hbm>> -> memref<10240x128xbf16, #tpu.memory_space<hbm>>
        %dma_start3A_42 = arith.constant 0 : i32
        %dma_start3A_43 = tpu.memref_slice %dma_start3A_41[%add3A_30, %dma_start3A_42] : memref<10240x128xbf16, #tpu.memory_space<hbm>> -> memref<128x128xbf16, #tpu.memory_space<hbm>>
        %dma_start3A_44 = arith.constant 0 : i32
        %dma_start3A_45 = tpu.memref_slice %arg10[%add3A_30, %dma_start3A_44] : memref<10240x128xbf16, #tpu.memory_space<vmem_shared>> -> memref<128x128xbf16, #tpu.memory_space<vmem_shared>>
        tpu.enqueue_dma source(%dma_start3A_45 : memref<128x128xbf16, #tpu.memory_space<vmem_shared>>) target(%dma_start3A_43 : memref<128x128xbf16, #tpu.memory_space<hbm>>) target_semaphore(%run_scoped3A_38 : memref<!tpu.dma_semaphore, #tpu.memory_space<semaphore_mem>>)
        %dma_wait3A = arith.constant 0 : i32
        %dma_wait3A_46 = arith.constant 0 : i32
        %dma_wait3A_47 = tpu.memref_slice %arg6[%run_scoped3A_31, %dma_wait3A, %dma_wait3A_46] : memref<2x10240x128xbf16, #tpu.memory_space<hbm>> -> memref<1x10240x128xbf16, #tpu.memory_space<hbm>>
        %dma_wait3A_48 = tpu.memref_squeeze %dma_wait3A_47 : memref<1x10240x128xbf16, #tpu.memory_space<hbm>> -> memref<10240x128xbf16, #tpu.memory_space<hbm>>
        %dma_wait3A_49 = arith.constant 0 : i32
        %dma_wait3A_50 = tpu.memref_slice %dma_wait3A_48[%add3A_30, %dma_wait3A_49] : memref<10240x128xbf16, #tpu.memory_space<hbm>> -> memref<128x128xbf16, #tpu.memory_space<hbm>>
        %dma_wait3A_51 = arith.constant 0 : i32
        %dma_wait3A_52 = tpu.memref_slice %arg10[%add3A_30, %dma_wait3A_51] : memref<10240x128xbf16, #tpu.memory_space<vmem_shared>> -> memref<128x128xbf16, #tpu.memory_space<vmem_shared>>
        tpu.wait_dma2 semaphore(%run_scoped3A_38 : memref<!tpu.dma_semaphore, #tpu.memory_space<semaphore_mem>>) src(%dma_wait3A_52 : memref<128x128xbf16, #tpu.memory_space<vmem_shared>>) dst(%dma_wait3A_50 : memref<128x128xbf16, #tpu.memory_space<hbm>>)
        tpu.yield
      }) : () -> ()
      %add3A_32 = arith.constant 384 : i32
      %add3A_33 = arith.addi %mul3A_0, %add3A_32 : i32
      %run_scoped3A_34 = arith.constant 1 : i32
      "tpu.region"() ({
        %run_scoped3A_38 = tpu.sem_alloc : memref<!tpu.dma_semaphore, #tpu.memory_space<semaphore_mem>>
        %dma_start3A = arith.constant 0 : i32
        %dma_start3A_39 = arith.constant 0 : i32
        %dma_start3A_40 = tpu.memref_slice %arg6[%run_scoped3A_34, %dma_start3A, %dma_start3A_39] : memref<2x10240x128xbf16, #tpu.memory_space<hbm>> -> memref<1x10240x128xbf16, #tpu.memory_space<hbm>>
        %dma_start3A_41 = tpu.memref_squeeze %dma_start3A_40 : memref<1x10240x128xbf16, #tpu.memory_space<hbm>> -> memref<10240x128xbf16, #tpu.memory_space<hbm>>
        %dma_start3A_42 = arith.constant 0 : i32
        %dma_start3A_43 = tpu.memref_slice %dma_start3A_41[%add3A_33, %dma_start3A_42] : memref<10240x128xbf16, #tpu.memory_space<hbm>> -> memref<128x128xbf16, #tpu.memory_space<hbm>>
        %dma_start3A_44 = arith.constant 0 : i32
        %dma_start3A_45 = tpu.memref_slice %arg10[%add3A_33, %dma_start3A_44] : memref<10240x128xbf16, #tpu.memory_space<vmem_shared>> -> memref<128x128xbf16, #tpu.memory_space<vmem_shared>>
        tpu.enqueue_dma source(%dma_start3A_45 : memref<128x128xbf16, #tpu.memory_space<vmem_shared>>) target(%dma_start3A_43 : memref<128x128xbf16, #tpu.memory_space<hbm>>) target_semaphore(%run_scoped3A_38 : memref<!tpu.dma_semaphore, #tpu.memory_space<semaphore_mem>>)
        %dma_wait3A = arith.constant 0 : i32
        %dma_wait3A_46 = arith.constant 0 : i32
        %dma_wait3A_47 = tpu.memref_slice %arg6[%run_scoped3A_34, %dma_wait3A, %dma_wait3A_46] : memref<2x10240x128xbf16, #tpu.memory_space<hbm>> -> memref<1x10240x128xbf16, #tpu.memory_space<hbm>>
        %dma_wait3A_48 = tpu.memref_squeeze %dma_wait3A_47 : memref<1x10240x128xbf16, #tpu.memory_space<hbm>> -> memref<10240x128xbf16, #tpu.memory_space<hbm>>
        %dma_wait3A_49 = arith.constant 0 : i32
        %dma_wait3A_50 = tpu.memref_slice %dma_wait3A_48[%add3A_33, %dma_wait3A_49] : memref<10240x128xbf16, #tpu.memory_space<hbm>> -> memref<128x128xbf16, #tpu.memory_space<hbm>>
        %dma_wait3A_51 = arith.constant 0 : i32
        %dma_wait3A_52 = tpu.memref_slice %arg10[%add3A_33, %dma_wait3A_51] : memref<10240x128xbf16, #tpu.memory_space<vmem_shared>> -> memref<128x128xbf16, #tpu.memory_space<vmem_shared>>
        tpu.wait_dma2 semaphore(%run_scoped3A_38 : memref<!tpu.dma_semaphore, #tpu.memory_space<semaphore_mem>>) src(%dma_wait3A_52 : memref<128x128xbf16, #tpu.memory_space<vmem_shared>>) dst(%dma_wait3A_50 : memref<128x128xbf16, #tpu.memory_space<hbm>>)
        tpu.yield
      }) : () -> ()
      %add3A_35 = arith.constant 512 : i32
      %add3A_36 = arith.addi %mul3A_0, %add3A_35 : i32
      %run_scoped3A_37 = arith.constant 1 : i32
      "tpu.region"() ({
        %run_scoped3A_38 = tpu.sem_alloc : memref<!tpu.dma_semaphore, #tpu.memory_space<semaphore_mem>>
        %dma_start3A = arith.constant 0 : i32
        %dma_start3A_39 = arith.constant 0 : i32
        %dma_start3A_40 = tpu.memref_slice %arg6[%run_scoped3A_37, %dma_start3A, %dma_start3A_39] : memref<2x10240x128xbf16, #tpu.memory_space<hbm>> -> memref<1x10240x128xbf16, #tpu.memory_space<hbm>>
        %dma_start3A_41 = tpu.memref_squeeze %dma_start3A_40 : memref<1x10240x128xbf16, #tpu.memory_space<hbm>> -> memref<10240x128xbf16, #tpu.memory_space<hbm>>
        %dma_start3A_42 = arith.constant 0 : i32
        %dma_start3A_43 = tpu.memref_slice %dma_start3A_41[%add3A_36, %dma_start3A_42] : memref<10240x128xbf16, #tpu.memory_space<hbm>> -> memref<128x128xbf16, #tpu.memory_space<hbm>>
        %dma_start3A_44 = arith.constant 0 : i32
        %dma_start3A_45 = tpu.memref_slice %arg10[%add3A_36, %dma_start3A_44] : memref<10240x128xbf16, #tpu.memory_space<vmem_shared>> -> memref<128x128xbf16, #tpu.memory_space<vmem_shared>>
        tpu.enqueue_dma source(%dma_start3A_45 : memref<128x128xbf16, #tpu.memory_space<vmem_shared>>) target(%dma_start3A_43 : memref<128x128xbf16, #tpu.memory_space<hbm>>) target_semaphore(%run_scoped3A_38 : memref<!tpu.dma_semaphore, #tpu.memory_space<semaphore_mem>>)
        %dma_wait3A = arith.constant 0 : i32
        %dma_wait3A_46 = arith.constant 0 : i32
        %dma_wait3A_47 = tpu.memref_slice %arg6[%run_scoped3A_37, %dma_wait3A, %dma_wait3A_46] : memref<2x10240x128xbf16, #tpu.memory_space<hbm>> -> memref<1x10240x128xbf16, #tpu.memory_space<hbm>>
        %dma_wait3A_48 = tpu.memref_squeeze %dma_wait3A_47 : memref<1x10240x128xbf16, #tpu.memory_space<hbm>> -> memref<10240x128xbf16, #tpu.memory_space<hbm>>
        %dma_wait3A_49 = arith.constant 0 : i32
        %dma_wait3A_50 = tpu.memref_slice %dma_wait3A_48[%add3A_36, %dma_wait3A_49] : memref<10240x128xbf16, #tpu.memory_space<hbm>> -> memref<128x128xbf16, #tpu.memory_space<hbm>>
        %dma_wait3A_51 = arith.constant 0 : i32
        %dma_wait3A_52 = tpu.memref_slice %arg10[%add3A_36, %dma_wait3A_51] : memref<10240x128xbf16, #tpu.memory_space<vmem_shared>> -> memref<128x128xbf16, #tpu.memory_space<vmem_shared>>
        tpu.wait_dma2 semaphore(%run_scoped3A_38 : memref<!tpu.dma_semaphore, #tpu.memory_space<semaphore_mem>>) src(%dma_wait3A_52 : memref<128x128xbf16, #tpu.memory_space<vmem_shared>>) dst(%dma_wait3A_50 : memref<128x128xbf16, #tpu.memory_space<hbm>>)
        tpu.yield
      }) : () -> ()
    } else {
    }
    return
  }
}

module attributes {stable_mosaic.version = 14 : i64} {
  func.func @body(%arg0: i32, %arg1: memref<256x128xf32, #tpu.memory_space<vmem>>, %arg2: memref<256x1xf32, #tpu.memory_space<vmem>>, %arg3: memref<2x256x128xbf16, #tpu.memory_space<vmem>>) attributes {dimension_semantics = [#tpu.dimension_semantics<arbitrary>], iteration_bounds = array<i64: 40>, scalar_prefetch = 0 : i64, scratch_operands = 0 : i64, tpu.core_type = #tpu.core_type<tc>, window_params = [{transform_indices = @transform_0, window_bounds = array<i64: 256, 128>}, {transform_indices = @transform_1, window_bounds = array<i64: 256, 1>}, {transform_indices = @transform_2, window_bounds = array<i64: 2, 256, 128>}]} {
    %get3A = arith.constant 0 : index
    %get3A_0 = arith.constant 0 : index
    %get3A_1 = vector.load %arg1[%get3A, %get3A_0] : memref<256x128xf32, #tpu.memory_space<vmem>>, vector<256x128xf32>
    %get3A_2 = arith.constant 0 : index
    %get3A_3 = arith.constant 0 : index
    %get3A_4 = vector.load %arg2[%get3A_2, %get3A_3] : memref<256x1xf32, #tpu.memory_space<vmem>>, vector<256x1xf32>
    %mul3A = vector.broadcast %get3A_4 : vector<256x1xf32> to vector<256x128xf32>
    %mul3A_5 = arith.mulf %get3A_1, %mul3A : vector<256x128xf32>
    %convert_element_type3A = arith.truncf %mul3A_5 : vector<256x128xf32> to vector<256x128xbf16>
    %swap3A = arith.constant 0 : index
    %swap3A_6 = arith.constant 0 : index
    %swap3A_7 = arith.constant 0 : index
    %swap3A_8 = vector.load %arg3[%swap3A, %swap3A_6, %swap3A_7] : memref<2x256x128xbf16, #tpu.memory_space<vmem>>, vector<1x256x128xbf16>
    %swap3A_9 = vector.shape_cast %swap3A_8 : vector<1x256x128xbf16> to vector<256x128xbf16>
    %swap3A_10 = vector.shape_cast %convert_element_type3A : vector<256x128xbf16> to vector<1x256x128xbf16>
    tpu.vector_store %arg3[%swap3A, %swap3A_6, %swap3A_7], %swap3A_10 {strides = array<i32>} : memref<2x256x128xbf16, #tpu.memory_space<vmem>>, vector<1x256x128xbf16>,
    %swap3A_11 = arith.constant 1 : index
    %swap3A_12 = arith.constant 0 : index
    %swap3A_13 = arith.constant 0 : index
    %swap3A_14 = vector.load %arg3[%swap3A_11, %swap3A_12, %swap3A_13] : memref<2x256x128xbf16, #tpu.memory_space<vmem>>, vector<1x256x128xbf16>
    %swap3A_15 = vector.shape_cast %swap3A_14 : vector<1x256x128xbf16> to vector<256x128xbf16>
    %swap3A_16 = vector.shape_cast %convert_element_type3A : vector<256x128xbf16> to vector<1x256x128xbf16>
    tpu.vector_store %arg3[%swap3A_11, %swap3A_12, %swap3A_13], %swap3A_16 {strides = array<i32>} : memref<2x256x128xbf16, #tpu.memory_space<vmem>>, vector<1x256x128xbf16>,
    return
  }
  func.func @transform_0(%arg0: i32) -> (i32, i32) {
    %c0_i32 = arith.constant 0 : i32
    %c0_i32_0 = arith.constant 0 : i32
    return %arg0, %c0_i32 : i32, i32
  }
  func.func @transform_1(%arg0: i32) -> (i32, i32) {
    %c0_i32 = arith.constant 0 : i32
    %c0_i32_0 = arith.constant 0 : i32
    return %arg0, %c0_i32 : i32, i32
  }
  func.func @transform_2(%arg0: i32) -> (i32, i32, i32) {
    %c0_i32 = arith.constant 0 : i32
    %c0_i32_0 = arith.constant 0 : i32
    %c0_i32_1 = arith.constant 0 : i32
    return %c0_i32, %arg0, %c0_i32_0 : i32, i32, i32
  }
}

module attributes {stable_mosaic.version = 14 : i64} {
  func.func @body(%arg0: i32, %arg1: memref<1x256x128xbf16, #tpu.memory_space<vmem>>, %arg2: memref<256x1xf32, #tpu.memory_space<vmem>>, %arg3: memref<2x256x128xbf16, #tpu.memory_space<vmem>>) attributes {dimension_semantics = [#tpu.dimension_semantics<arbitrary>], iteration_bounds = array<i64: 40>, scalar_prefetch = 0 : i64, scratch_operands = 0 : i64, tpu.core_type = #tpu.core_type<tc>, window_params = [{transform_indices = @transform_0, window_bounds = array<i64: 1, 256, 128>}, {transform_indices = @transform_1, window_bounds = array<i64: 256, 1>}, {transform_indices = @transform_2, window_bounds = array<i64: 2, 256, 128>}]} {
    %get3A = arith.constant 0 : index
    %get3A_0 = arith.constant 0 : index
    %get3A_1 = arith.constant 0 : index
    %get3A_2 = vector.load %arg1[%get3A, %get3A_0, %get3A_1] : memref<1x256x128xbf16, #tpu.memory_space<vmem>>, vector<1x256x128xbf16>
    %get3A_3 = vector.shape_cast %get3A_2 : vector<1x256x128xbf16> to vector<256x128xbf16>
    %convert_element_type3A = arith.extf %get3A_3 : vector<256x128xbf16> to vector<256x128xf32>
    %get3A_4 = arith.constant 0 : index
    %get3A_5 = arith.constant 0 : index
    %get3A_6 = vector.load %arg2[%get3A_4, %get3A_5] : memref<256x1xf32, #tpu.memory_space<vmem>>, vector<256x1xf32>
    %mul3A = vector.broadcast %get3A_6 : vector<256x1xf32> to vector<256x128xf32>
    %mul3A_7 = arith.mulf %convert_element_type3A, %mul3A : vector<256x128xf32>
    %convert_element_type3A_8 = arith.truncf %mul3A_7 : vector<256x128xf32> to vector<256x128xbf16>
    %swap3A = arith.constant 0 : index
    %swap3A_9 = arith.constant 0 : index
    %swap3A_10 = arith.constant 0 : index
    %swap3A_11 = vector.load %arg3[%swap3A, %swap3A_9, %swap3A_10] : memref<2x256x128xbf16, #tpu.memory_space<vmem>>, vector<1x256x128xbf16>
    %swap3A_12 = vector.shape_cast %swap3A_11 : vector<1x256x128xbf16> to vector<256x128xbf16>
    %swap3A_13 = vector.shape_cast %convert_element_type3A_8 : vector<256x128xbf16> to vector<1x256x128xbf16>
    tpu.vector_store %arg3[%swap3A, %swap3A_9, %swap3A_10], %swap3A_13 {strides = array<i32>} : memref<2x256x128xbf16, #tpu.memory_space<vmem>>, vector<1x256x128xbf16>,
    %swap3A_14 = arith.constant 1 : index
    %swap3A_15 = arith.constant 0 : index
    %swap3A_16 = arith.constant 0 : index
    %swap3A_17 = vector.load %arg3[%swap3A_14, %swap3A_15, %swap3A_16] : memref<2x256x128xbf16, #tpu.memory_space<vmem>>, vector<1x256x128xbf16>
    %swap3A_18 = vector.shape_cast %swap3A_17 : vector<1x256x128xbf16> to vector<256x128xbf16>
    %swap3A_19 = vector.shape_cast %convert_element_type3A_8 : vector<256x128xbf16> to vector<1x256x128xbf16>
    tpu.vector_store %arg3[%swap3A_14, %swap3A_15, %swap3A_16], %swap3A_19 {strides = array<i32>} : memref<2x256x128xbf16, #tpu.memory_space<vmem>>, vector<1x256x128xbf16>,
    return
  }
  func.func @transform_0(%arg0: i32) -> (i32, i32, i32) {
    %c0_i32 = arith.constant 0 : i32
    %c0_i32_0 = arith.constant 0 : i32
    %c0_i32_1 = arith.constant 0 : i32
    return %c0_i32, %arg0, %c0_i32_0 : i32, i32, i32
  }
  func.func @transform_1(%arg0: i32) -> (i32, i32) {
    %c0_i32 = arith.constant 0 : i32
    %c0_i32_0 = arith.constant 0 : i32
    return %arg0, %c0_i32 : i32, i32
  }
  func.func @transform_2(%arg0: i32) -> (i32, i32, i32) {
    %c0_i32 = arith.constant 0 : i32
    %c0_i32_0 = arith.constant 0 : i32
    %c0_i32_1 = arith.constant 0 : i32
    return %c0_i32, %arg0, %c0_i32_0 : i32, i32, i32
  }
}

module attributes {stable_mosaic.version = 14 : i64} {
  func.func @body(%arg0: i32, %arg1: memref<256x128xf32, #tpu.memory_space<vmem>>, %arg2: memref<1x256x128xbf16, #tpu.memory_space<vmem>>, %arg3: memref<1x256x128xbf16, #tpu.memory_space<vmem>>, %arg4: memref<256x1xf32, #tpu.memory_space<vmem>>, %arg5: memref<3x128x256xf32, #tpu.memory_space<vmem>>, %arg6: memref<1x256xf32, #tpu.memory_space<vmem>>, %arg7: memref<256x256xf32, #tpu.memory_space<vmem>>, %arg8: memref<2x256x128xbf16, #tpu.memory_space<vmem>>) attributes {dimension_semantics = [#tpu.dimension_semantics<arbitrary>], iteration_bounds = array<i64: 40>, scalar_prefetch = 0 : i64, scratch_operands = 0 : i64, tpu.core_type = #tpu.core_type<tc>, window_params = [{transform_indices = @transform_0, window_bounds = array<i64: 256, 128>}, {transform_indices = @transform_1, window_bounds = array<i64: 1, 256, 128>}, {transform_indices = @transform_2, window_bounds = array<i64: 1, 256, 128>}, {transform_indices = @transform_3, window_bounds = array<i64: 256, 1>}, {pipeline_mode = #tpu.pipeline_mode<synchronous>, transform_indices = @transform_4, window_bounds = array<i64: 3, 128, 256>}, {pipeline_mode = #tpu.pipeline_mode<synchronous>, transform_indices = @transform_5, window_bounds = array<i64: 1, 256>}, {transform_indices = @transform_6, window_bounds = array<i64: 256, 256>}, {transform_indices = @transform_7, window_bounds = array<i64: 2, 256, 128>}]} {
    %get3A = arith.constant 0 : index
    %get3A_0 = arith.constant 0 : index
    %get3A_1 = vector.load %arg4[%get3A, %get3A_0] : memref<256x1xf32, #tpu.memory_space<vmem>>, vector<256x1xf32>
    %get3A_2 = arith.constant 0 : index
    %get3A_3 = arith.constant 0 : index
    %get3A_4 = vector.load %arg1[%get3A_2, %get3A_3] : memref<256x128xf32, #tpu.memory_space<vmem>>, vector<256x128xf32>
    %get3A_5 = arith.constant 0 : index
    %get3A_6 = arith.constant 0 : index
    %get3A_7 = arith.constant 0 : index
    %get3A_8 = vector.load %arg2[%get3A_5, %get3A_6, %get3A_7] : memref<1x256x128xbf16, #tpu.memory_space<vmem>>, vector<1x256x128xbf16>
    %get3A_9 = vector.shape_cast %get3A_8 : vector<1x256x128xbf16> to vector<256x128xbf16>
    %get3A_10 = arith.constant 0 : index
    %get3A_11 = arith.constant 0 : index
    %get3A_12 = arith.constant 0 : index
    %get3A_13 = vector.load %arg3[%get3A_10, %get3A_11, %get3A_12] : memref<1x256x128xbf16, #tpu.memory_space<vmem>>, vector<1x256x128xbf16>
    %get3A_14 = vector.shape_cast %get3A_13 : vector<1x256x128xbf16> to vector<256x128xbf16>
    %convert_element_type3A = arith.extf %get3A_9 : vector<256x128xbf16> to vector<256x128xf32>
    %convert_element_type3A_15 = arith.extf %get3A_14 : vector<256x128xbf16> to vector<256x128xf32>
    %get3A_16 = arith.constant 0 : index
    %get3A_17 = arith.constant 0 : index
    %get3A_18 = arith.constant 0 : index
    %get3A_19 = vector.load %arg5[%get3A_16, %get3A_17, %get3A_18] : memref<3x128x256xf32, #tpu.memory_space<vmem>>, vector<3x128x256xf32>
    %convert_element_type3A_20 = arith.truncf %get3A_19 : vector<3x128x256xf32> to vector<3x128x256xbf16>
    %convert_element_type3A_21 = arith.truncf %get3A_4 : vector<256x128xf32> to vector<256x128xbf16>
    %slice3A = vector.extract_strided_slice %convert_element_type3A_20 {offsets = [0, 0, 0], sizes = [1, 128, 256], strides = [1, 1, 1]} : vector<3x128x256xbf16> to vector<1x128x256xbf16>
    %squeeze3A = vector.shape_cast %slice3A : vector<1x128x256xbf16> to vector<128x256xbf16>
    %dot_general3A = arith.constant dense<0.000000e+00> : vector<256x256xf32>
    %dot_general3A_22 = tpu.matmul %convert_element_type3A_21, %squeeze3A, %dot_general3A {dimension_numbers = #tpu.dot_dimension_numbers<[1], [0], [0], [1], [0, 0, 1, 1], [], []>, transpose_lhs_hint = false} : vector<256x128xbf16>, vector<128x256xbf16>, vector<256x256xf32> -> vector<256x256xf32>
    %mul3A = vector.broadcast %get3A_1 : vector<256x1xf32> to vector<256x128xf32>
    %mul3A_23 = arith.mulf %mul3A, %convert_element_type3A : vector<256x128xf32>
    %convert_element_type3A_24 = arith.truncf %mul3A_23 : vector<256x128xf32> to vector<256x128xbf16>
    %slice3A_25 = vector.extract_strided_slice %convert_element_type3A_20 {offsets = [1, 0, 0], sizes = [1, 128, 256], strides = [1, 1, 1]} : vector<3x128x256xbf16> to vector<1x128x256xbf16>
    %squeeze3A_26 = vector.shape_cast %slice3A_25 : vector<1x128x256xbf16> to vector<128x256xbf16>
    %dot_general3A_27 = arith.constant dense<0.000000e+00> : vector<256x256xf32>
    %dot_general3A_28 = tpu.matmul %convert_element_type3A_24, %squeeze3A_26, %dot_general3A_27 {dimension_numbers = #tpu.dot_dimension_numbers<[1], [0], [0], [1], [0, 0, 1, 1], [], []>, transpose_lhs_hint = false} : vector<256x128xbf16>, vector<128x256xbf16>, vector<256x256xf32> -> vector<256x256xf32>
    %sub3A = arith.subf %dot_general3A_22, %dot_general3A_28 : vector<256x256xf32>
    %mul3A_29 = vector.broadcast %get3A_1 : vector<256x1xf32> to vector<256x128xf32>
    %mul3A_30 = arith.mulf %mul3A_29, %convert_element_type3A_15 : vector<256x128xf32>
    %mul3A_31 = arith.constant 2.000000e+00 : f32
    %mul3A_32 = vector.broadcast %mul3A_31 : f32 to vector<256x128xf32>
    %mul3A_33 = arith.mulf %mul3A_32, %mul3A_30 : vector<256x128xf32>
    %sub3A_34 = arith.subf %mul3A_33, %get3A_4 : vector<256x128xf32>
    %convert_element_type3A_35 = arith.truncf %sub3A_34 : vector<256x128xf32> to vector<256x128xbf16>
    %slice3A_36 = vector.extract_strided_slice %convert_element_type3A_20 {offsets = [2, 0, 0], sizes = [1, 128, 256], strides = [1, 1, 1]} : vector<3x128x256xbf16> to vector<1x128x256xbf16>
    %squeeze3A_37 = vector.shape_cast %slice3A_36 : vector<1x128x256xbf16> to vector<128x256xbf16>
    %dot_general3A_38 = arith.constant dense<0.000000e+00> : vector<256x256xf32>
    %dot_general3A_39 = tpu.matmul %convert_element_type3A_35, %squeeze3A_37, %dot_general3A_38 {dimension_numbers = #tpu.dot_dimension_numbers<[1], [0], [0], [1], [0, 0, 1, 1], [], []>, transpose_lhs_hint = false} : vector<256x128xbf16>, vector<128x256xbf16>, vector<256x256xf32> -> vector<256x256xf32>
    %add3A = arith.addf %sub3A, %dot_general3A_39 : vector<256x256xf32>
    %get3A_40 = arith.constant 0 : index
    %get3A_41 = arith.constant 0 : index
    %get3A_42 = vector.load %arg6[%get3A_40, %get3A_41] : memref<1x256xf32, #tpu.memory_space<vmem>>, vector<1x256xf32>
    %add3A_43 = vector.broadcast %get3A_42 : vector<1x256xf32> to vector<256x256xf32>
    %add3A_44 = arith.addf %add3A, %add3A_43 : vector<256x256xf32>
    %max3A = arith.constant 0.000000e+00 : f32
    %max3A_45 = vector.broadcast %max3A : f32 to vector<256x256xf32>
    %max3A_46 = arith.maximumf %add3A_44, %max3A_45 : vector<256x256xf32>
    %swap3A = arith.constant 0 : index
    %swap3A_47 = arith.constant 0 : index
    %swap3A_48 = vector.load %arg7[%swap3A, %swap3A_47] : memref<256x256xf32, #tpu.memory_space<vmem>>, vector<256x256xf32>
    tpu.vector_store %arg7[%swap3A, %swap3A_47], %max3A_46 {strides = array<i32>} : memref<256x256xf32, #tpu.memory_space<vmem>>, vector<256x256xf32>,
    %mul3A_49 = vector.broadcast %get3A_1 : vector<256x1xf32> to vector<256x256xf32>
    %mul3A_50 = arith.mulf %mul3A_49, %max3A_46 : vector<256x256xf32>
    %convert_element_type3A_51 = arith.truncf %mul3A_50 : vector<256x256xf32> to vector<256x256xbf16>
    %slice3A_52 = vector.extract_strided_slice %convert_element_type3A_51 {offsets = [0, 0], sizes = [256, 128], strides = [1, 1]} : vector<256x256xbf16> to vector<256x128xbf16>
    %swap3A_53 = arith.constant 0 : index
    %swap3A_54 = arith.constant 0 : index
    %swap3A_55 = arith.constant 0 : index
    %swap3A_56 = vector.load %arg8[%swap3A_53, %swap3A_54, %swap3A_55] : memref<2x256x128xbf16, #tpu.memory_space<vmem>>, vector<1x256x128xbf16>
    %swap3A_57 = vector.shape_cast %swap3A_56 : vector<1x256x128xbf16> to vector<256x128xbf16>
    %swap3A_58 = vector.shape_cast %slice3A_52 : vector<256x128xbf16> to vector<1x256x128xbf16>
    tpu.vector_store %arg8[%swap3A_53, %swap3A_54, %swap3A_55], %swap3A_58 {strides = array<i32>} : memref<2x256x128xbf16, #tpu.memory_space<vmem>>, vector<1x256x128xbf16>,
    %slice3A_59 = vector.extract_strided_slice %convert_element_type3A_51 {offsets = [0, 128], sizes = [256, 128], strides = [1, 1]} : vector<256x256xbf16> to vector<256x128xbf16>
    %swap3A_60 = arith.constant 1 : index
    %swap3A_61 = arith.constant 0 : index
    %swap3A_62 = arith.constant 0 : index
    %swap3A_63 = vector.load %arg8[%swap3A_60, %swap3A_61, %swap3A_62] : memref<2x256x128xbf16, #tpu.memory_space<vmem>>, vector<1x256x128xbf16>
    %swap3A_64 = vector.shape_cast %swap3A_63 : vector<1x256x128xbf16> to vector<256x128xbf16>
    %swap3A_65 = vector.shape_cast %slice3A_59 : vector<256x128xbf16> to vector<1x256x128xbf16>
    tpu.vector_store %arg8[%swap3A_60, %swap3A_61, %swap3A_62], %swap3A_65 {strides = array<i32>} : memref<2x256x128xbf16, #tpu.memory_space<vmem>>, vector<1x256x128xbf16>,
    return
  }
  func.func @transform_0(%arg0: i32) -> (i32, i32) {
    %c0_i32 = arith.constant 0 : i32
    %c0_i32_0 = arith.constant 0 : i32
    return %arg0, %c0_i32 : i32, i32
  }
  func.func @transform_1(%arg0: i32) -> (i32, i32, i32) {
    %c0_i32 = arith.constant 0 : i32
    %c0_i32_0 = arith.constant 0 : i32
    %c0_i32_1 = arith.constant 0 : i32
    return %c0_i32, %arg0, %c0_i32_0 : i32, i32, i32
  }
  func.func @transform_2(%arg0: i32) -> (i32, i32, i32) {
    %c0_i32 = arith.constant 0 : i32
    %c0_i32_0 = arith.constant 0 : i32
    %c0_i32_1 = arith.constant 0 : i32
    return %c0_i32, %arg0, %c0_i32_0 : i32, i32, i32
  }
  func.func @transform_3(%arg0: i32) -> (i32, i32) {
    %c0_i32 = arith.constant 0 : i32
    %c0_i32_0 = arith.constant 0 : i32
    return %arg0, %c0_i32 : i32, i32
  }
  func.func @transform_4(%arg0: i32) -> (i32, i32, i32) {
    %c0_i32 = arith.constant 0 : i32
    %c0_i32_0 = arith.constant 0 : i32
    %c0_i32_1 = arith.constant 0 : i32
    %c0_i32_2 = arith.constant 0 : i32
    return %c0_i32, %c0_i32_0, %c0_i32_1 : i32, i32, i32
  }
  func.func @transform_5(%arg0: i32) -> (i32, i32) {
    %c0_i32 = arith.constant 0 : i32
    %c0_i32_0 = arith.constant 0 : i32
    %c0_i32_1 = arith.constant 0 : i32
    return %c0_i32, %c0_i32_0 : i32, i32
  }
  func.func @transform_6(%arg0: i32) -> (i32, i32) {
    %c0_i32 = arith.constant 0 : i32
    %c0_i32_0 = arith.constant 0 : i32
    return %arg0, %c0_i32 : i32, i32
  }
  func.func @transform_7(%arg0: i32) -> (i32, i32, i32) {
    %c0_i32 = arith.constant 0 : i32
    %c0_i32_0 = arith.constant 0 : i32
    %c0_i32_1 = arith.constant 0 : i32
    return %c0_i32, %arg0, %c0_i32_0 : i32, i32, i32
  }
}

module attributes {stable_mosaic.version = 14 : i64} {
  func.func @body(%arg0: i32, %arg1: memref<2x256x128xbf16, #tpu.memory_space<vmem>>, %arg2: memref<256x1xf32, #tpu.memory_space<vmem>>, %arg3: memref<2x256x128xbf16, #tpu.memory_space<vmem>>) attributes {dimension_semantics = [#tpu.dimension_semantics<arbitrary>], iteration_bounds = array<i64: 40>, scalar_prefetch = 0 : i64, scratch_operands = 0 : i64, tpu.core_type = #tpu.core_type<tc>, window_params = [{transform_indices = @transform_0, window_bounds = array<i64: 2, 256, 128>}, {transform_indices = @transform_1, window_bounds = array<i64: 256, 1>}, {transform_indices = @transform_2, window_bounds = array<i64: 2, 256, 128>}]} {
    %get3A = arith.constant 0 : index
    %get3A_0 = arith.constant 0 : index
    %get3A_1 = arith.constant 0 : index
    %get3A_2 = vector.load %arg1[%get3A, %get3A_0, %get3A_1] : memref<2x256x128xbf16, #tpu.memory_space<vmem>>, vector<2x256x128xbf16>
    %convert_element_type3A = arith.extf %get3A_2 : vector<2x256x128xbf16> to vector<2x256x128xf32>
    %get3A_3 = arith.constant 0 : index
    %get3A_4 = arith.constant 0 : index
    %get3A_5 = vector.load %arg2[%get3A_3, %get3A_4] : memref<256x1xf32, #tpu.memory_space<vmem>>, vector<256x1xf32>
    %broadcast_in_dim3A = vector.shape_cast %get3A_5 : vector<256x1xf32> to vector<1x256x1xf32>
    %mul3A = vector.broadcast %broadcast_in_dim3A : vector<1x256x1xf32> to vector<2x256x128xf32>
    %mul3A_6 = arith.mulf %convert_element_type3A, %mul3A : vector<2x256x128xf32>
    %convert_element_type3A_7 = arith.truncf %mul3A_6 : vector<2x256x128xf32> to vector<2x256x128xbf16>
    %swap3A = arith.constant 0 : index
    %swap3A_8 = arith.constant 0 : index
    %swap3A_9 = arith.constant 0 : index
    %swap3A_10 = vector.load %arg3[%swap3A, %swap3A_8, %swap3A_9] : memref<2x256x128xbf16, #tpu.memory_space<vmem>>, vector<2x256x128xbf16>
    tpu.vector_store %arg3[%swap3A, %swap3A_8, %swap3A_9], %convert_element_type3A_7 {strides = array<i32>} : memref<2x256x128xbf16, #tpu.memory_space<vmem>>, vector<2x256x128xbf16>,
    return
  }
  func.func @transform_0(%arg0: i32) -> (i32, i32, i32) {
    %c0_i32 = arith.constant 0 : i32
    %c0_i32_0 = arith.constant 0 : i32
    %c0_i32_1 = arith.constant 0 : i32
    return %c0_i32, %arg0, %c0_i32_0 : i32, i32, i32
  }
  func.func @transform_1(%arg0: i32) -> (i32, i32) {
    %c0_i32 = arith.constant 0 : i32
    %c0_i32_0 = arith.constant 0 : i32
    return %arg0, %c0_i32 : i32, i32
  }
  func.func @transform_2(%arg0: i32) -> (i32, i32, i32) {
    %c0_i32 = arith.constant 0 : i32
    %c0_i32_0 = arith.constant 0 : i32
    %c0_i32_1 = arith.constant 0 : i32
    return %c0_i32, %arg0, %c0_i32_0 : i32, i32, i32
  }
}

module attributes {stable_mosaic.version = 14 : i64} {
  func.func @body(%arg0: i32, %arg1: memref<256x256xf32, #tpu.memory_space<vmem>>, %arg2: memref<2x256x128xbf16, #tpu.memory_space<vmem>>, %arg3: memref<2x256x128xbf16, #tpu.memory_space<vmem>>, %arg4: memref<256x1xf32, #tpu.memory_space<vmem>>, %arg5: memref<3x256x256xf32, #tpu.memory_space<vmem>>, %arg6: memref<1x256xf32, #tpu.memory_space<vmem>>, %arg7: memref<256x256xf32, #tpu.memory_space<vmem>>) attributes {dimension_semantics = [#tpu.dimension_semantics<arbitrary>], iteration_bounds = array<i64: 40>, scalar_prefetch = 0 : i64, scratch_operands = 0 : i64, tpu.core_type = #tpu.core_type<tc>, window_params = [{transform_indices = @transform_0, window_bounds = array<i64: 256, 256>}, {transform_indices = @transform_1, window_bounds = array<i64: 2, 256, 128>}, {transform_indices = @transform_2, window_bounds = array<i64: 2, 256, 128>}, {transform_indices = @transform_3, window_bounds = array<i64: 256, 1>}, {pipeline_mode = #tpu.pipeline_mode<synchronous>, transform_indices = @transform_4, window_bounds = array<i64: 3, 256, 256>}, {pipeline_mode = #tpu.pipeline_mode<synchronous>, transform_indices = @transform_5, window_bounds = array<i64: 1, 256>}, {transform_indices = @transform_6, window_bounds = array<i64: 256, 256>}]} {
    %get3A = arith.constant 0 : index
    %get3A_0 = arith.constant 0 : index
    %get3A_1 = vector.load %arg4[%get3A, %get3A_0] : memref<256x1xf32, #tpu.memory_space<vmem>>, vector<256x1xf32>
    %get3A_2 = arith.constant 0 : index
    %get3A_3 = arith.constant 0 : index
    %get3A_4 = vector.load %arg1[%get3A_2, %get3A_3] : memref<256x256xf32, #tpu.memory_space<vmem>>, vector<256x256xf32>
    %get3A_5 = arith.constant 0 : index
    %get3A_6 = arith.constant 0 : index
    %get3A_7 = arith.constant 0 : index
    %get3A_8 = vector.load %arg2[%get3A_5, %get3A_6, %get3A_7] : memref<2x256x128xbf16, #tpu.memory_space<vmem>>, vector<1x256x128xbf16>
    %get3A_9 = vector.shape_cast %get3A_8 : vector<1x256x128xbf16> to vector<256x128xbf16>
    %get3A_10 = arith.constant 1 : index
    %get3A_11 = arith.constant 0 : index
    %get3A_12 = arith.constant 0 : index
    %get3A_13 = vector.load %arg2[%get3A_10, %get3A_11, %get3A_12] : memref<2x256x128xbf16, #tpu.memory_space<vmem>>, vector<1x256x128xbf16>
    %get3A_14 = vector.shape_cast %get3A_13 : vector<1x256x128xbf16> to vector<256x128xbf16>
    %concatenate3A = tpu.concatenate %get3A_9, %get3A_14 in 1 : vector<256x128xbf16>, vector<256x128xbf16> -> vector<256x256xbf16>
    %get3A_15 = arith.constant 0 : index
    %get3A_16 = arith.constant 0 : index
    %get3A_17 = arith.constant 0 : index
    %get3A_18 = vector.load %arg3[%get3A_15, %get3A_16, %get3A_17] : memref<2x256x128xbf16, #tpu.memory_space<vmem>>, vector<1x256x128xbf16>
    %get3A_19 = vector.shape_cast %get3A_18 : vector<1x256x128xbf16> to vector<256x128xbf16>
    %get3A_20 = arith.constant 1 : index
    %get3A_21 = arith.constant 0 : index
    %get3A_22 = arith.constant 0 : index
    %get3A_23 = vector.load %arg3[%get3A_20, %get3A_21, %get3A_22] : memref<2x256x128xbf16, #tpu.memory_space<vmem>>, vector<1x256x128xbf16>
    %get3A_24 = vector.shape_cast %get3A_23 : vector<1x256x128xbf16> to vector<256x128xbf16>
    %concatenate3A_25 = tpu.concatenate %get3A_19, %get3A_24 in 1 : vector<256x128xbf16>, vector<256x128xbf16> -> vector<256x256xbf16>
    %convert_element_type3A = arith.extf %concatenate3A : vector<256x256xbf16> to vector<256x256xf32>
    %convert_element_type3A_26 = arith.extf %concatenate3A_25 : vector<256x256xbf16> to vector<256x256xf32>
    %get3A_27 = arith.constant 0 : index
    %get3A_28 = arith.constant 0 : index
    %get3A_29 = arith.constant 0 : index
    %get3A_30 = vector.load %arg5[%get3A_27, %get3A_28, %get3A_29] : memref<3x256x256xf32, #tpu.memory_space<vmem>>, vector<3x256x256xf32>
    %convert_element_type3A_31 = arith.truncf %get3A_30 : vector<3x256x256xf32> to vector<3x256x256xbf16>
    %convert_element_type3A_32 = arith.truncf %get3A_4 : vector<256x256xf32> to vector<256x256xbf16>
    %slice3A = vector.extract_strided_slice %convert_element_type3A_31 {offsets = [0, 0, 0], sizes = [1, 256, 256], strides = [1, 1, 1]} : vector<3x256x256xbf16> to vector<1x256x256xbf16>
    %squeeze3A = vector.shape_cast %slice3A : vector<1x256x256xbf16> to vector<256x256xbf16>
    %dot_general3A = arith.constant dense<0.000000e+00> : vector<256x256xf32>
    %dot_general3A_33 = tpu.matmul %convert_element_type3A_32, %squeeze3A, %dot_general3A {dimension_numbers = #tpu.dot_dimension_numbers<[1], [0], [0], [1], [0, 0, 1, 1], [], []>, transpose_lhs_hint = false} : vector<256x256xbf16>, vector<256x256xbf16>, vector<256x256xf32> -> vector<256x256xf32>
    %mul3A = vector.broadcast %get3A_1 : vector<256x1xf32> to vector<256x256xf32>
    %mul3A_34 = arith.mulf %mul3A, %convert_element_type3A : vector<256x256xf32>
    %convert_element_type3A_35 = arith.truncf %mul3A_34 : vector<256x256xf32> to vector<256x256xbf16>
    %slice3A_36 = vector.extract_strided_slice %convert_element_type3A_31 {offsets = [1, 0, 0], sizes = [1, 256, 256], strides = [1, 1, 1]} : vector<3x256x256xbf16> to vector<1x256x256xbf16>
    %squeeze3A_37 = vector.shape_cast %slice3A_36 : vector<1x256x256xbf16> to vector<256x256xbf16>
    %dot_general3A_38 = arith.constant dense<0.000000e+00> : vector<256x256xf32>
    %dot_general3A_39 = tpu.matmul %convert_element_type3A_35, %squeeze3A_37, %dot_general3A_38 {dimension_numbers = #tpu.dot_dimension_numbers<[1], [0], [0], [1], [0, 0, 1, 1], [], []>, transpose_lhs_hint = false} : vector<256x256xbf16>, vector<256x256xbf16>, vector<256x256xf32> -> vector<256x256xf32>
    %sub3A = arith.subf %dot_general3A_33, %dot_general3A_39 : vector<256x256xf32>
    %mul3A_40 = vector.broadcast %get3A_1 : vector<256x1xf32> to vector<256x256xf32>
    %mul3A_41 = arith.mulf %mul3A_40, %convert_element_type3A_26 : vector<256x256xf32>
    %mul3A_42 = arith.constant 2.000000e+00 : f32
    %mul3A_43 = vector.broadcast %mul3A_42 : f32 to vector<256x256xf32>
    %mul3A_44 = arith.mulf %mul3A_43, %mul3A_41 : vector<256x256xf32>
    %sub3A_45 = arith.subf %mul3A_44, %get3A_4 : vector<256x256xf32>
    %convert_element_type3A_46 = arith.truncf %sub3A_45 : vector<256x256xf32> to vector<256x256xbf16>
    %slice3A_47 = vector.extract_strided_slice %convert_element_type3A_31 {offsets = [2, 0, 0], sizes = [1, 256, 256], strides = [1, 1, 1]} : vector<3x256x256xbf16> to vector<1x256x256xbf16>
    %squeeze3A_48 = vector.shape_cast %slice3A_47 : vector<1x256x256xbf16> to vector<256x256xbf16>
    %dot_general3A_49 = arith.constant dense<0.000000e+00> : vector<256x256xf32>
    %dot_general3A_50 = tpu.matmul %convert_element_type3A_46, %squeeze3A_48, %dot_general3A_49 {dimension_numbers = #tpu.dot_dimension_numbers<[1], [0], [0], [1], [0, 0, 1, 1], [], []>, transpose_lhs_hint = false} : vector<256x256xbf16>, vector<256x256xbf16>, vector<256x256xf32> -> vector<256x256xf32>
    %add3A = arith.addf %sub3A, %dot_general3A_50 : vector<256x256xf32>
    %get3A_51 = arith.constant 0 : index
    %get3A_52 = arith.constant 0 : index
    %get3A_53 = vector.load %arg6[%get3A_51, %get3A_52] : memref<1x256xf32, #tpu.memory_space<vmem>>, vector<1x256xf32>
    %add3A_54 = vector.broadcast %get3A_53 : vector<1x256xf32> to vector<256x256xf32>
    %add3A_55 = arith.addf %add3A, %add3A_54 : vector<256x256xf32>
    %max3A = arith.constant 0.000000e+00 : f32
    %max3A_56 = vector.broadcast %max3A : f32 to vector<256x256xf32>
    %max3A_57 = arith.maximumf %add3A_55, %max3A_56 : vector<256x256xf32>
    %swap3A = arith.constant 0 : index
    %swap3A_58 = arith.constant 0 : index
    %swap3A_59 = vector.load %arg7[%swap3A, %swap3A_58] : memref<256x256xf32, #tpu.memory_space<vmem>>, vector<256x256xf32>
    tpu.vector_store %arg7[%swap3A, %swap3A_58], %max3A_57 {strides = array<i32>} : memref<256x256xf32, #tpu.memory_space<vmem>>, vector<256x256xf32>,
    return
  }
  func.func @transform_0(%arg0: i32) -> (i32, i32) {
    %c0_i32 = arith.constant 0 : i32
    %c0_i32_0 = arith.constant 0 : i32
    return %arg0, %c0_i32 : i32, i32
  }
  func.func @transform_1(%arg0: i32) -> (i32, i32, i32) {
    %c0_i32 = arith.constant 0 : i32
    %c0_i32_0 = arith.constant 0 : i32
    %c0_i32_1 = arith.constant 0 : i32
    return %c0_i32, %arg0, %c0_i32_0 : i32, i32, i32
  }
  func.func @transform_2(%arg0: i32) -> (i32, i32, i32) {
    %c0_i32 = arith.constant 0 : i32
    %c0_i32_0 = arith.constant 0 : i32
    %c0_i32_1 = arith.constant 0 : i32
    return %c0_i32, %arg0, %c0_i32_0 : i32, i32, i32
  }
  func.func @transform_3(%arg0: i32) -> (i32, i32) {
    %c0_i32 = arith.constant 0 : i32
    %c0_i32_0 = arith.constant 0 : i32
    return %arg0, %c0_i32 : i32, i32
  }
  func.func @transform_4(%arg0: i32) -> (i32, i32, i32) {
    %c0_i32 = arith.constant 0 : i32
    %c0_i32_0 = arith.constant 0 : i32
    %c0_i32_1 = arith.constant 0 : i32
    %c0_i32_2 = arith.constant 0 : i32
    return %c0_i32, %c0_i32_0, %c0_i32_1 : i32, i32, i32
  }
  func.func @transform_5(%arg0: i32) -> (i32, i32) {
    %c0_i32 = arith.constant 0 : i32
    %c0_i32_0 = arith.constant 0 : i32
    %c0_i32_1 = arith.constant 0 : i32
    return %c0_i32, %c0_i32_0 : i32, i32
  }
  func.func @transform_6(%arg0: i32) -> (i32, i32) {
    %c0_i32 = arith.constant 0 : i32
    %c0_i32_0 = arith.constant 0 : i32
    return %arg0, %c0_i32 : i32, i32
  }
}

</mosaic_0001>

<sc_bundles>
// kernel: kernel.12.cloned.1.call-start
scs
__scs_entry_jumppad:
0x0: {  	(pc) =	sbr.rel $0x88, $3  }
0x1: {  	(tag) =	ssettag $0x0;
	lr =	simm.s32 $0x1  }
0x2: {  	[smem:$0x3F9B] =	sst lr;
	_ =	strace $0xD0000000  }
0x3: {  	_ = 	snop  }
0x4: {  	_ = 	snop  }
0x5: {  	_ = 	snop  }
0x6: {  	_ = 	snop  }
0x7: {  	_ = 	snop  }
__scs_overlays_trampoline_lowered:
0x8: {  	[smem:$0x3FAA] =	sst s0  }
0x9: {  	[smem:$0x3FAB] =	sst s1  }
0xa: {  	[smem:$0x3FAC] =	sst s2  }
0xb: {  	[smem:$0x3FAD] =	sst s3  }
0xc: {  	[smem:$0x3FAE] =	sst s4  }
0xd: {  	[smem:$0x3FAF] =	sst s5  }
0xe: {  	[smem:$0x3FB0] =	sst s6  }
0xf: {  	[smem:$0x3FB1] =	sst s7  }
0x10: {  	[smem:$0x3FB2] =	sst s8  }
0x11: {  	[smem:$0x3FB3] =	sst s9;
	s0 =	simm.s32 @!p0 $0x0  }
0x12: {  	s1 =	sld [smem:$0x3F99];
	s0 =	simm.s32 @p0 $0x1  }
0x13: {  	[smem:$0x3FB4] =	sst s0;
	s0 =	simm.s32 @!p1 $0x0  }
0x14: {  	s2 =	sld [smem:$0x3F98];
	s0 =	simm.s32 @p1 $0x1  }
0x15: {  	[smem:$0x3FB5] =	sst s0;
	s0 =	simm.s32 @!p2 $0x0  }
0x16: {  	s3 =	sld [smem:$0x3FDB];
	s0 =	simm.s32 @p2 $0x1  }
0x17: {  	s4 =	simm.s32 $0x1BF5;
	[smem:$0x3FB7] =	sst s0  }
0x18: {  	s0 =	sld [smem:$0x3F9A];
	_ =	swait.ge [sflag:s4], $0x0  }
0x19: {  	s7 =	sld [smem:$0x3F9B]  }
0x1a: {  	s8 =	sadd.s32 $0xFFFFE003, lr  }
0x1b: {  	s9 =	sadd.s32 $0xFFFFFEF7, lr;
	s5 =	simm.s32 $0xFFFFFFFF;
	p2 =	slt.u32 s8, $0xFFFFF086  }
0x1c: {  	p1 =	slt.u32 s9, $0xF7A;
	s5 =	simm.s32 @!p2 $0x0  }
0x1d: {  	s5 =	simm.s32 @p1 $0x1;
	p0 =	seq.s32 s7, s2  }
0x1e: {  	s7 =	smul.u32 @!p0 $0xF7A, s2;
	p2 =	seq.s32 @!p0 s5, $0x0  }
0x1f: {  	s9 =	smul.u32 $0xF7A, s1;
	s8 =	simm.s32 @!p0 $0x1BF5;
	p2 =	por !p2, p0  }
0x20: {  	[sflag:s8] =	ssyncset.s32 @!p0 $0xFFFFF086;
	s6 =	sadd.s32 @!p0 s3, s7;
	s7 =	simm.s32 @!p0 $0x108  }
0x21: {  	s3 =	sadd.s32 s3, s9;
	s6 =	sadd.s32 @!p0 $0x88, s6;
	s7 =	simm.s32 @p2 $0x1082  }
0x22: {  	[simem:s7], [sflag:s8] =	dma.local @!p0 [hbm:s6], $0xF7A  }
0x23: {  	s9 =	sor.u32 $0xD0000000, s2;
	s6 =	simm.s32 $0x108;
	_ =	swait.ge @!p0 [sflag:s8], $0x0  }
0x24: {  	s3 =	sadd.s32 $0x88, s3;
	s6 =	simm.s32 @!p1 $0x1082;
	[sflag:s4] =	ssyncset.s32 $0xFFFFF086  }
0x25: {  	[simem:s6], [sflag:s4] =	dma.local [hbm:s3], $0xF7A  }
0x26: {  	[smem:$0x3F9B] =	sst s1;
	(tag) =	ssettag s2;
	_ =	strace s9  }
0x27: {  	s1 =	sld [smem:$0x3FAB]  }
0x28: {  	s2 =	sld [smem:$0x3FAC]  }
0x29: {  	s4 =	sld [smem:$0x3FAE]  }
0x2a: {  	p0 =	seq.s32 s5, $0x0;
	s5 =	sld [smem:$0x3FAF]  }
0x2b: {  	s6 =	sld [smem:$0x3FB0]  }
0x2c: {  	s7 =	sld [smem:$0x3FB1]  }
0x2d: {  	s3 =	simm.s32 $0x108;
	s8 =	sld [smem:$0x3FB2]  }
0x2e: {  	s3 =	simm.s32 @!p0 $0x1082;
	s9 =	sld [smem:$0x3FB3]  }
0x2f: {  	lr =	sadd.s32 s0, s3;
	s0 =	sld [smem:$0x3FAA]  }
0x30: {  	s3 =	sld [smem:$0x3FAD]  }
0x31: {  	[smem:$0x3FB6] =	sst s10  }
0x32: {  	s10 =	sld [smem:$0x3FB4];
	_ =	sdelay $0x3  }
0x33: {  	p0 =	seq.s32 s10, $0x1;
	s10 =	sld [smem:$0x3FB6];
	_ =	sdelay $0x3  }
0x34: {  	[smem:$0x3FB6] =	sst s10  }
0x35: {  	s10 =	sld [smem:$0x3FB5];
	_ =	sdelay $0x3  }
0x36: {  	p1 =	seq.s32 s10, $0x1;
	s10 =	sld [smem:$0x3FB6];
	_ =	sdelay $0x3  }
0x37: {  	[smem:$0x3FB6] =	sst s10  }
0x38: {  	s10 =	sld [smem:$0x3FB7]  }
0x39: {  	_ = 	snop;
	(pc) =	sbr.ind lr, $3  }
0x3a: {  	_ = 	snop  }
0x3b: {  	_ = 	snop  }
0x3c: {  	p2 =	seq.s32 s10, $0x1;
	s10 =	sld [smem:$0x3FB6]  }
0x3d: {  	_ =	shalt  }
0x3e: {  	_ =	shalt  }
0x3f: {  	_ =	shalt  }
0x40: {  	_ =	shalt  }
0x41: {  	_ =	shalt  }
0x42: {  	_ =	shalt  }
0x43: {  	_ =	shalt  }
0x44: {  	_ =	shalt  }
0x45: {  	_ =	shalt  }
0x46: {  	_ =	shalt  }
0x47: {  	_ =	shalt  }
0x48: {  	_ =	shalt  }
0x49: {  	_ =	shalt  }
0x4a: {  	_ =	shalt  }
0x4b: {  	_ =	shalt  }
0x4c: {  	_ =	shalt  }
0x4d: {  	_ =	shalt  }
0x4e: {  	_ =	shalt  }
0x4f: {  	_ =	shalt  }
0x50: {  	_ =	shalt  }
0x51: {  	_ =	shalt  }
0x52: {  	_ =	shalt  }
0x53: {  	_ =	shalt  }
0x54: {  	_ =	shalt  }
0x55: {  	_ =	shalt  }
0x56: {  	_ =	shalt  }
0x57: {  	_ =	shalt  }
0x58: {  	_ =	shalt  }
0x59: {  	_ =	shalt  }
0x5a: {  	_ =	shalt  }
0x5b: {  	_ =	shalt  }
0x5c: {  	_ =	shalt  }
0x5d: {  	_ =	shalt  }
0x5e: {  	_ =	shalt  }
0x5f: {  	_ =	shalt  }
0x60: {  	_ =	shalt  }
0x61: {  	_ =	shalt  }
0x62: {  	_ =	shalt  }
0x63: {  	_ =	shalt  }
0x64: {  	_ =	shalt  }
0x65: {  	_ =	shalt  }
0x66: {  	_ =	shalt  }
0x67: {  	_ =	shalt  }
0x68: {  	_ =	shalt  }
0x69: {  	_ =	shalt  }
0x6a: {  	_ =	shalt  }
0x6b: {  	_ =	shalt  }
0x6c: {  	_ =	shalt  }
0x6d: {  	_ =	shalt  }
0x6e: {  	_ =	shalt  }
0x6f: {  	_ =	shalt  }
0x70: {  	_ =	shalt  }
0x71: {  	_ =	shalt  }
0x72: {  	_ =	shalt  }
0x73: {  	_ =	shalt  }
0x74: {  	_ =	shalt  }
0x75: {  	_ =	shalt  }
0x76: {  	_ =	shalt  }
0x77: {  	_ =	shalt  }
0x78: {  	_ =	shalt  }
0x79: {  	_ =	shalt  }
0x7a: {  	_ =	shalt  }
0x7b: {  	_ =	shalt  }
0x7c: {  	_ =	shalt  }
0x7d: {  	_ =	shalt  }
0x7e: {  	_ =	shalt  }
0x7f: {  	_ =	shalt  }
0x80: {  	_ =	shalt  }
0x81: {  	_ =	shalt  }
0x82: {  	_ =	shalt  }
0x83: {  	_ =	shalt  }
0x84: {  	_ =	shalt  }
0x85: {  	_ =	shalt  }
0x86: {  	_ =	shalt  }
0x87: {  	_ =	shalt  }
.Lfunc_end0:
.L_simem_size_0:
called_computation_lowered:
.L_overlay_start_0:
0x88: {  	s2 =	sld [smem:$0x3FD9]  }
0x89: {  	s3 =	sld [smem:$0x3FFE];
	_ =	sdelay $0x1  }
0x8a: {  	s1 =	srdreg.scid  }
0x8b: {  	s0 =	sand.u32 $0x1, s1  }
0x8c: {  	s17 =	sshll.u32 s0, $0xA;
	s2 =	sadd.s32 s3, s2  }
0x8d: {  	s2 =	sadd.s32 s2, s17  }
0x8e: {  	[smem:$0x3FC2] =	sst s2  }
0x8f: {  	_ = 	snop  }
0x90: {  	s2 =	sld [smem:$0x3FD0];
	(tm) =	ssettm $0x1  }
0x91: {  	s18 =	sld [smem:$0x3FFB];
	_ =	sdelay $0x3  }
0x92: {  	_ =	strace s18  }
0x93: {  	s3 =	sld [smem:$0x3FFC];
	_ =	sdelay $0x3  }
0x94: {  	_ =	strace s3  }
0x95: {  	s3 =	sld [smem:$0x3FFD];
	_ =	sdelay $0x3  }
0x96: {  	_ =	strace s3  }
0x97: {  	_ =	strace $0x8FFFFFFF  }
0x98: {  	s19 =	sld [smem:$0x3FDB];
	_ =	sdelay $0x1  }
0x99: {  	s4 =	simm.s32 $_scs_section_size  }
0x9a: {  	s5 =	simm.s32 $_size__tile_overlayer_lowered;
	s6 =	simm.s32 $_tile_overlayer_lowered  }
0x9b: {  	s22 =	simm.s32 $0x1BFF;
	s21 =	sshll.u32 s6, $0x1;
	s3 =	sadd.s32 s4, s19  }
0x9c: {  	s7 =	simm.s32 $0x0;
	s20 =	sshll.u32 s5, $0x1;
	s5 =	sadd.s32 s21, s3  }
0x9d: {  	[timem:s7], [sflag:s22] =	dma.local [hbm:s5], s20  }
0x9e: {  	_ =	swait.ge [sflag:s22], s20  }
0x9f: {  	s4 =	ssub.s32 $0x0, s20;
	[sflag:s22] =	ssyncset.done $0x0  }
0xa0: {  	[sflag:s22] =	ssyncadd.s32 s4;
	_ =	sdelay $0x1  }
0xa1: {  	s23 =	simm.s32 $0x1B8B  }
0xa2: {  	_ =	swait.ge [sflag:s23], $0x1  }
0xa3: {  	[sflag:s23] =	ssyncset.done $0x0  }
0xa4: {  	s25 =	simm.s32 $0x1B8E;
	s24 =	sld [smem:$0x3FFE];
	[sflag:s23] =	ssyncadd.s32 $0xFFFFFFFF  }
0xa5: {  	s26 =	simm.s32 $execute0_lowered;
	[smem:$0x3FD2] =	sst s25  }
0xa6: {  	s5 =	sshll.u32 s26, $0x1;
	_ =	strace $0x80000046;
	[dreg:$0x1] =	wrdreg $0xFFFFFFFF  }
0xa7: {  	s28 =	simm.s32 $_size_execute0_lowered;
	s3 =	sadd.s32 s3, s5;
	[dreg:$0x0] =	wrdreg $0x0  }
0xa8: {  	s5 =	sshll.u32 s28, $0x1;
	[dreg:$0x2] =	wrdreg s3  }
0xa9: {  	[dreg:$0x3] =	wrdreg s5  }
0xaa: {  	[dreg:$0x4] =	wrdreg $0xC0  }
0xab: {  	_ =	task [dreg:s7], $0x5FFFF  }
0xac: {  	[dreg:$0x1] =	wrdreg $0xFFFFFFFF  }
0xad: {  	[dreg:$0x0] =	wrdreg $0x60  }
0xae: {  	[dreg:$0x2] =	wrdreg s2  }
0xaf: {  	[dreg:$0x3] =	wrdreg s24  }
0xb0: {  	[dreg:$0x4] =	wrdreg $0x67900  }
0xb1: {  	[dreg:$0x5] =	wrdreg $0x9  }
0xb2: {  	_ =	task.clear_ibuf [dreg:s7], $0x6FFFF;
	_ =	strace $0x90000046  }
0xb3: {  	s29 =	simm.s32 $0x9;
	_ =	strace $0x80000048  }
0xb4: {  	_ =	swait.ge [sflag:s29], $0x1  }
0xb5: {  	[sflag:s29] =	ssyncadd.s32 $0xFFFFFFFF  }
0xb6: {  	_ =	strace $0x90000048  }
0xb7: {  	_ =	sfence  }
0xb8: {  	s30 =	sld [smem:$0x0];
	_ =	sdelay $0x2  }
0xb9: {  	s31 =	sshll.u32 s1, $0xD;
	s1 =	sshrl.u32 s1, $0x2  }
0xba: {  	s3 =	sand.u32 $0x4000, s31;
	s1 =	sadd.s32 s1, s30  }
0xbb: {  	s0 =	sor.u32 s3, s0;
	s1 =	sshll.u32 s1, $0x11  }
0xbc: {  	s0 =	sor.u32 s1, s0  }
0xbd: {  	s0 =	sadd.s32 $0x8F2B, s0  }
0xbe: {  	[sflag:s0] =	ssyncadd.remote.s32 $0x1  }
0xbf: {  	_ =	sfence.sel $0xFFFF  }
0xc0: {  	[dreg:$0x0] =	wrdreg $0xFFFFFFFF;
	(pc) =	sbr.abs _section_cstart, $3  }
0xc1: {  	[dreg:$0x1] =	wrdreg $0xFFFFFFFF  }
0xc2: {  	_ =	task.clear_ibuf [dreg:s7], $0x2FFFF;
	_ =	strace $0x9FFFFFFF  }
0xc3: {  	(tm) =	ssettm $0x7FFFFFFF  }
tec
execute0_lowered:
.L_overlay_start_1:
0x0: {  	(tag) =	ssettag $0x1  }
0x1: {  	s6 =	rddreg [dreg:$0x0]  }
0x2: {  	s8 =	rddreg [dreg:$0x1]  }
0x3: {  	s1 =	rddreg [dreg:$0x2];
	s2 =	srdreg.scid  }
0x4: {  	s0 =	rddreg [dreg:$0x3];
	s3 =	simm.s32 $0x0;
	s7 =	sand.u32 $0x1, s2  }
0x5: {  	[smem:$0x7FF] =	sst s3;
	s2 =	stileid.u32;
	s4 =	sadd.s32 $0x3200, s8  }
0x6: {  	s15 =	sadd.s32 $0x4400, s8;
	s5 =	sshll.u32 s7, $0x4;
	_ =	strace $0x80000047  }
0x7: {  	s14 =	sshll.u32 s2, $0x7;
	s9 =	ssub.s32 $0x2, s7;
	s30 =	sshll.u32 s2, $0xA  }
0x8: {  	p0 =	seq.s32 s7, $0x1;
	s31 =	sshll.u32 s2, $0x6;
	s5 =	sor.u32 s2, s5  }
0x9: {  	s11 =	sadd.s32 s14, s8;
	s12 =	sshrl.u32 s9, $0x1;
	s13 =	sadd.s32 s30, s1  }
0xa: {  	s15 =	sadd.s32 @p0 s14, s15;
	s14 =	simm.s32 $0x80;
	s10 =	smul.u32 $0x4E2, s5  }
0xb: {  	s5 =	sadd.s32 $0x3400, s8;
	s9 =	ssub.s32 s9, s12;
	s7 =	sadd.s32 $0x3C00, s11  }
0xc: {  	s11 =	simm.s32 $0x2710;
	s12 =	sor.u32 $0x1C01, s31;
	s13 =	sshrl.u32 s13, $0x3  }
0xd: {  	s8 =	smax.u32 s9, $0x1;
	s9 =	simm.s32 $0x1;
	s7 =	smov.u32 @p0 s15  }
0xe: {  	v0 =	vimm.f32 $1.000000000e+00;
	s15 =	simm.s32 $0x0;
	s6 =	sadd.s32 s6, s10;
	s10 =	simm.s32 $0x6710  }
.LBB2_1:
0xf: {  	[tilespmem:s3], [sflag:$0x1] =	stream.linear.gather [hbm4b:s6+s3], $0x2710, $0x38;
	[tilespmem:$0x6B90] =	vst v63  }
0x10: {  	_ =	swait.ge [sflag:s9], $0x2710  }
0x11: {  	[sflag:s9] =	ssyncset.done $0x0  }
0x12: {  	[sflag:s9] =	ssyncadd.s32 $0xFFFFD8F0  }
0x13: {  	[tilespmem:s10], [sflag:$0x1] =	stream.linear.gather [hbm4b:s4+s3], $0x80, $0x38;
	[tilespmem:$0x6B90] =	vst v63  }
0x14: {  	_ =	swait.ge [sflag:s9], $0x80  }
0x15: {  	[sflag:s9] =	ssyncset.done $0x0  }
0x16: {  	[sflag:s9] =	ssyncadd.s32 $0xFFFFFF80  }
0x17: {  	[tilespmem:s11], [sflag:$0x1] =	stream.linear.gather [hbm4b:s5+s3], $0x4000, $0x38;
	[tilespmem:$0x6B90] =	vst v63  }
0x18: {  	_ =	swait.ge [sflag:s9], $0x4000  }
0x19: {  	[sflag:s9] =	ssyncset.done $0x0  }
0x1a: {  	[sflag:s9] =	ssyncadd.s32 $0xFFFFC000  }
0x1b: {  	[spmem:s13], [sflag:s12] =	dma.local [hbm:s5], $0x80  }
0x1c: {  	_ =	swait.ge [sflag:s9], $0x80  }
0x1d: {  	[sflag:s9] =	ssyncset.done $0x0  }
0x1e: {  	s17 =	simm.s32 $0x0;
	s16 =	simm.s32 $0x40;
	[sflag:s9] =	ssyncadd.s32 $0xFFFFFF80  }
.LBB2_2:
0x1f: {  	p0 =	sne.s32 s16, $0x9C00;
	v1 =	vld [tilespmem:s17+$0x0];
	_ =	sdelay $0x3  }
.Ltmp0:
0x20: {  	(pc) =	sbr.rel @p0 .LBB2_2-.Ltmp0, $2  }
0x21: {  	_ =	sdelay $0x2  }
0x22: {  	s17 =	sshra.s32 s16, $0x2;
	s16 =	sadd.s32 $0x40, s16;
	[tilespmem:v1+s11+$0x0] =	vst.idx.add.f32.msk $0xffff, v0  }
0x23: {  	v1 =	vld [tilespmem:s17+$0x0];
	_ =	sdelay $0x7  }
0x24: {  	[tilespmem:v1+s11+$0x0] =	vst.idx.add.f32.msk $0xffff, v0  }
0x25: {  	[bflag:$0x0] =	sbarrier.arrive $0xFFFF  }
0x26: {  	[spmem:s1] =	stream.indirect.scatter.add.f32 [tilespmem:s11], [sflag:$0x1], $0x80, s10, s14, $0xb8;
	[tilespmem:$0x6B90] =	vst v63  }
0x27: {  	_ =	swait.ge [sflag:s9], $0x4000  }
0x28: {  	s15 =	sadd.s32 $0x1, s15;
	[sflag:s9] =	ssyncset.done $0x0  }
0x29: {  	p0 =	sne.s32 s15, s8;
	[sflag:s9] =	ssyncadd.s32 $0xFFFFC000  }
.Ltmp1:
0x2a: {  	[bflag:$0x0] =	sbarrier.arrive $0xFFFF;
	(pc) =	sbr.rel @p0 .LBB2_1-.Ltmp1, $4  }
0x2b: {  	[hbm:s7], [sflag:s12] =	dma.local [spmem:s13], $0x80  }
0x2c: {  	_ =	swait.ge [sflag:s9], $0x80  }
0x2d: {  	[sflag:s9] =	ssyncset.done $0x0  }
0x2e: {  	[sflag:s9] =	ssyncadd.s32 $0xFFFFFF80  }
0x2f: {  	_ =	sfence.sel $0x180000  }
0x30: {  	[bflag:$0x0] =	sbarrier.arrive $0xFFFF  }
0x31: {  	p0 =	sne.s32 s2, $0x0;
	_ =	strace $0x90000047  }
0x32: {  	s0 =	sadd.s32 @!p0 $0x100000, s0;
	[bflag:$0x2] =	sbarrier.arrive $0xFFFF  }
0x33: {  	[sflag:s0] =	ssyncadd.tile.s32 @!p0 $0x1;
	_ =	shalt  }
.Lfunc_end2:
_tile_overlayer_lowered:
.L_overlay_start_2:
0x34: {  	(tag) =	ssettag $0x2  }
0x35: {  	s0 =	rddreg [dreg:$0x0];
	s2 =	stileid.u32  }
0x36: {  	s1 =	rddreg [dreg:$0x1];
	p0 =	sne.s32 s2, $0x0  }
0x37: {  	s3 =	rddreg [dreg:$0x2];
	[bflag:$0x3] =	sbarrier.arrive $0xFFFF;
	s2 =	simm.s32 @!p0 $0x1C01  }
0x38: {  	[timem:s3], [sflag:s2] =	dma.local @!p0 [hbm:s0], s1  }
0x39: {  	s0 =	simm.s32 @!p0 $0x1  }
0x3a: {  	_ =	swait.ge @!p0 [sflag:s0], s1  }
0x3b: {  	s1 =	ssub.s32 @!p0 $0x0, s1;
	[sflag:s0] =	ssyncset.done @!p0 $0x0  }
0x3c: {  	[sflag:s0] =	ssyncadd.s32 @!p0 s1  }
0x3d: {  	[bflag:$0x3] =	sbarrier.arrive $0xFFFF  }
0x3e: {  	_ =	shalt  }

// kernel: kernel.15.cloned.1.call-start
scs
__scs_entry_jumppad:
0x0: {  	(pc) =	sbr.rel $0x88, $3  }
0x1: {  	(tag) =	ssettag $0x0;
	lr =	simm.s32 $0x1  }
0x2: {  	[smem:$0x3F9B] =	sst lr;
	_ =	strace $0xD0000000  }
0x3: {  	_ = 	snop  }
0x4: {  	_ = 	snop  }
0x5: {  	_ = 	snop  }
0x6: {  	_ = 	snop  }
0x7: {  	_ = 	snop  }
__scs_overlays_trampoline_lowered:
0x8: {  	[smem:$0x3FAA] =	sst s0  }
0x9: {  	[smem:$0x3FAB] =	sst s1  }
0xa: {  	[smem:$0x3FAC] =	sst s2  }
0xb: {  	[smem:$0x3FAD] =	sst s3  }
0xc: {  	[smem:$0x3FAE] =	sst s4  }
0xd: {  	[smem:$0x3FAF] =	sst s5  }
0xe: {  	[smem:$0x3FB0] =	sst s6  }
0xf: {  	[smem:$0x3FB1] =	sst s7  }
0x10: {  	[smem:$0x3FB2] =	sst s8  }
0x11: {  	[smem:$0x3FB3] =	sst s9;
	s0 =	simm.s32 @!p0 $0x0  }
0x12: {  	s1 =	sld [smem:$0x3F99];
	s0 =	simm.s32 @p0 $0x1  }
0x13: {  	[smem:$0x3FB4] =	sst s0;
	s0 =	simm.s32 @!p1 $0x0  }
0x14: {  	s2 =	sld [smem:$0x3F98];
	s0 =	simm.s32 @p1 $0x1  }
0x15: {  	[smem:$0x3FB5] =	sst s0;
	s0 =	simm.s32 @!p2 $0x0  }
0x16: {  	s3 =	sld [smem:$0x3FDB];
	s0 =	simm.s32 @p2 $0x1  }
0x17: {  	s4 =	simm.s32 $0x1BF5;
	[smem:$0x3FB7] =	sst s0  }
0x18: {  	s0 =	sld [smem:$0x3F9A];
	_ =	swait.ge [sflag:s4], $0x0  }
0x19: {  	s7 =	sld [smem:$0x3F9B]  }
0x1a: {  	s8 =	sadd.s32 $0xFFFFE003, lr  }
0x1b: {  	s9 =	sadd.s32 $0xFFFFFEF7, lr;
	s5 =	simm.s32 $0xFFFFFFFF;
	p2 =	slt.u32 s8, $0xFFFFF086  }
0x1c: {  	p1 =	slt.u32 s9, $0xF7A;
	s5 =	simm.s32 @!p2 $0x0  }
0x1d: {  	s5 =	simm.s32 @p1 $0x1;
	p0 =	seq.s32 s7, s2  }
0x1e: {  	s7 =	smul.u32 @!p0 $0xF7A, s2;
	p2 =	seq.s32 @!p0 s5, $0x0  }
0x1f: {  	s9 =	smul.u32 $0xF7A, s1;
	s8 =	simm.s32 @!p0 $0x1BF5;
	p2 =	por !p2, p0  }
0x20: {  	[sflag:s8] =	ssyncset.s32 @!p0 $0xFFFFF086;
	s6 =	sadd.s32 @!p0 s3, s7;
	s7 =	simm.s32 @!p0 $0x108  }
0x21: {  	s3 =	sadd.s32 s3, s9;
	s6 =	sadd.s32 @!p0 $0x88, s6;
	s7 =	simm.s32 @p2 $0x1082  }
0x22: {  	[simem:s7], [sflag:s8] =	dma.local @!p0 [hbm:s6], $0xF7A  }
0x23: {  	s9 =	sor.u32 $0xD0000000, s2;
	s6 =	simm.s32 $0x108;
	_ =	swait.ge @!p0 [sflag:s8], $0x0  }
0x24: {  	s3 =	sadd.s32 $0x88, s3;
	s6 =	simm.s32 @!p1 $0x1082;
	[sflag:s4] =	ssyncset.s32 $0xFFFFF086  }
0x25: {  	[simem:s6], [sflag:s4] =	dma.local [hbm:s3], $0xF7A  }
0x26: {  	[smem:$0x3F9B] =	sst s1;
	(tag) =	ssettag s2;
	_ =	strace s9  }
0x27: {  	s1 =	sld [smem:$0x3FAB]  }
0x28: {  	s2 =	sld [smem:$0x3FAC]  }
0x29: {  	s4 =	sld [smem:$0x3FAE]  }
0x2a: {  	p0 =	seq.s32 s5, $0x0;
	s5 =	sld [smem:$0x3FAF]  }
0x2b: {  	s6 =	sld [smem:$0x3FB0]  }
0x2c: {  	s7 =	sld [smem:$0x3FB1]  }
0x2d: {  	s3 =	simm.s32 $0x108;
	s8 =	sld [smem:$0x3FB2]  }
0x2e: {  	s3 =	simm.s32 @!p0 $0x1082;
	s9 =	sld [smem:$0x3FB3]  }
0x2f: {  	lr =	sadd.s32 s0, s3;
	s0 =	sld [smem:$0x3FAA]  }
0x30: {  	s3 =	sld [smem:$0x3FAD]  }
0x31: {  	[smem:$0x3FB6] =	sst s10  }
0x32: {  	s10 =	sld [smem:$0x3FB4];
	_ =	sdelay $0x3  }
0x33: {  	p0 =	seq.s32 s10, $0x1;
	s10 =	sld [smem:$0x3FB6];
	_ =	sdelay $0x3  }
0x34: {  	[smem:$0x3FB6] =	sst s10  }
0x35: {  	s10 =	sld [smem:$0x3FB5];
	_ =	sdelay $0x3  }
0x36: {  	p1 =	seq.s32 s10, $0x1;
	s10 =	sld [smem:$0x3FB6];
	_ =	sdelay $0x3  }
0x37: {  	[smem:$0x3FB6] =	sst s10  }
0x38: {  	s10 =	sld [smem:$0x3FB7]  }
0x39: {  	_ = 	snop;
	(pc) =	sbr.ind lr, $3  }
0x3a: {  	_ = 	snop  }
0x3b: {  	_ = 	snop  }
0x3c: {  	p2 =	seq.s32 s10, $0x1;
	s10 =	sld [smem:$0x3FB6]  }
0x3d: {  	_ =	shalt  }
0x3e: {  	_ =	shalt  }
0x3f: {  	_ =	shalt  }
0x40: {  	_ =	shalt  }
0x41: {  	_ =	shalt  }
0x42: {  	_ =	shalt  }
0x43: {  	_ =	shalt  }
0x44: {  	_ =	shalt  }
0x45: {  	_ =	shalt  }
0x46: {  	_ =	shalt  }
0x47: {  	_ =	shalt  }
0x48: {  	_ =	shalt  }
0x49: {  	_ =	shalt  }
0x4a: {  	_ =	shalt  }
0x4b: {  	_ =	shalt  }
0x4c: {  	_ =	shalt  }
0x4d: {  	_ =	shalt  }
0x4e: {  	_ =	shalt  }
0x4f: {  	_ =	shalt  }
0x50: {  	_ =	shalt  }
0x51: {  	_ =	shalt  }
0x52: {  	_ =	shalt  }
0x53: {  	_ =	shalt  }
0x54: {  	_ =	shalt  }
0x55: {  	_ =	shalt  }
0x56: {  	_ =	shalt  }
0x57: {  	_ =	shalt  }
0x58: {  	_ =	shalt  }
0x59: {  	_ =	shalt  }
0x5a: {  	_ =	shalt  }
0x5b: {  	_ =	shalt  }
0x5c: {  	_ =	shalt  }
0x5d: {  	_ =	shalt  }
0x5e: {  	_ =	shalt  }
0x5f: {  	_ =	shalt  }
0x60: {  	_ =	shalt  }
0x61: {  	_ =	shalt  }
0x62: {  	_ =	shalt  }
0x63: {  	_ =	shalt  }
0x64: {  	_ =	shalt  }
0x65: {  	_ =	shalt  }
0x66: {  	_ =	shalt  }
0x67: {  	_ =	shalt  }
0x68: {  	_ =	shalt  }
0x69: {  	_ =	shalt  }
0x6a: {  	_ =	shalt  }
0x6b: {  	_ =	shalt  }
0x6c: {  	_ =	shalt  }
0x6d: {  	_ =	shalt  }
0x6e: {  	_ =	shalt  }
0x6f: {  	_ =	shalt  }
0x70: {  	_ =	shalt  }
0x71: {  	_ =	shalt  }
0x72: {  	_ =	shalt  }
0x73: {  	_ =	shalt  }
0x74: {  	_ =	shalt  }
0x75: {  	_ =	shalt  }
0x76: {  	_ =	shalt  }
0x77: {  	_ =	shalt  }
0x78: {  	_ =	shalt  }
0x79: {  	_ =	shalt  }
0x7a: {  	_ =	shalt  }
0x7b: {  	_ =	shalt  }
0x7c: {  	_ =	shalt  }
0x7d: {  	_ =	shalt  }
0x7e: {  	_ =	shalt  }
0x7f: {  	_ =	shalt  }
0x80: {  	_ =	shalt  }
0x81: {  	_ =	shalt  }
0x82: {  	_ =	shalt  }
0x83: {  	_ =	shalt  }
0x84: {  	_ =	shalt  }
0x85: {  	_ =	shalt  }
0x86: {  	_ =	shalt  }
0x87: {  	_ =	shalt  }
.Lfunc_end0:
.L_simem_size_0:
called_computation.1_lowered:
.L_overlay_start_0:
0x88: {  	s2 =	sld [smem:$0x3FD9]  }
0x89: {  	s3 =	sld [smem:$0x3FFE];
	_ =	sdelay $0x1  }
0x8a: {  	s1 =	srdreg.scid  }
0x8b: {  	s0 =	sand.u32 $0x1, s1  }
0x8c: {  	s17 =	sshll.u32 s0, $0xA;
	s2 =	sadd.s32 s3, s2  }
0x8d: {  	s2 =	sadd.s32 s2, s17  }
0x8e: {  	[smem:$0x3FC2] =	sst s2  }
0x8f: {  	_ = 	snop  }
0x90: {  	s2 =	sld [smem:$0x3FD0];
	(tm) =	ssettm $0x1  }
0x91: {  	s18 =	sld [smem:$0x3FFB];
	_ =	sdelay $0x3  }
0x92: {  	_ =	strace s18  }
0x93: {  	s3 =	sld [smem:$0x3FFC];
	_ =	sdelay $0x3  }
0x94: {  	_ =	strace s3  }
0x95: {  	s3 =	sld [smem:$0x3FFD];
	_ =	sdelay $0x3  }
0x96: {  	_ =	strace s3  }
0x97: {  	_ =	strace $0x8FFFFFFF  }
0x98: {  	s19 =	sld [smem:$0x3FDB];
	_ =	sdelay $0x1  }
0x99: {  	s4 =	simm.s32 $_scs_section_size  }
0x9a: {  	s5 =	simm.s32 $_size__tile_overlayer_lowered;
	s6 =	simm.s32 $_tile_overlayer_lowered  }
0x9b: {  	s22 =	simm.s32 $0x1BFF;
	s21 =	sshll.u32 s6, $0x1;
	s3 =	sadd.s32 s4, s19  }
0x9c: {  	s7 =	simm.s32 $0x0;
	s20 =	sshll.u32 s5, $0x1;
	s5 =	sadd.s32 s21, s3  }
0x9d: {  	[timem:s7], [sflag:s22] =	dma.local [hbm:s5], s20  }
0x9e: {  	_ =	swait.ge [sflag:s22], s20  }
0x9f: {  	s4 =	ssub.s32 $0x0, s20;
	[sflag:s22] =	ssyncset.done $0x0  }
0xa0: {  	[sflag:s22] =	ssyncadd.s32 s4;
	_ =	sdelay $0x1  }
0xa1: {  	s23 =	simm.s32 $0x1B8B  }
0xa2: {  	_ =	swait.ge [sflag:s23], $0x1  }
0xa3: {  	[sflag:s23] =	ssyncset.done $0x0  }
0xa4: {  	s25 =	simm.s32 $0x1B8E;
	s24 =	sld [smem:$0x3FFE];
	[sflag:s23] =	ssyncadd.s32 $0xFFFFFFFF  }
0xa5: {  	s26 =	simm.s32 $execute0_lowered;
	[smem:$0x3FD2] =	sst s25  }
0xa6: {  	s5 =	sshll.u32 s26, $0x1;
	_ =	strace $0x80000049;
	[dreg:$0x1] =	wrdreg $0xFFFFFFFF  }
0xa7: {  	s28 =	simm.s32 $_size_execute0_lowered;
	s3 =	sadd.s32 s3, s5;
	[dreg:$0x0] =	wrdreg $0x0  }
0xa8: {  	s5 =	sshll.u32 s28, $0x1;
	[dreg:$0x2] =	wrdreg s3  }
0xa9: {  	[dreg:$0x3] =	wrdreg s5  }
0xaa: {  	[dreg:$0x4] =	wrdreg $0xC0  }
0xab: {  	_ =	task [dreg:s7], $0x5FFFF  }
0xac: {  	[dreg:$0x1] =	wrdreg $0xFFFFFFFF  }
0xad: {  	[dreg:$0x0] =	wrdreg $0x60  }
0xae: {  	[dreg:$0x2] =	wrdreg s2  }
0xaf: {  	[dreg:$0x3] =	wrdreg s24  }
0xb0: {  	[dreg:$0x4] =	wrdreg $0xBD000  }
0xb1: {  	[dreg:$0x5] =	wrdreg $0x9  }
0xb2: {  	_ =	task.clear_ibuf [dreg:s7], $0x6FFFF;
	_ =	strace $0x90000049  }
0xb3: {  	s29 =	simm.s32 $0x9;
	_ =	strace $0x8000004B  }
0xb4: {  	_ =	swait.ge [sflag:s29], $0x1  }
0xb5: {  	[sflag:s29] =	ssyncadd.s32 $0xFFFFFFFF  }
0xb6: {  	_ =	strace $0x9000004B  }
0xb7: {  	_ =	sfence  }
0xb8: {  	s30 =	sld [smem:$0x0];
	_ =	sdelay $0x2  }
0xb9: {  	s31 =	sshll.u32 s1, $0xD;
	s1 =	sshrl.u32 s1, $0x2  }
0xba: {  	s3 =	sand.u32 $0x4000, s31;
	s1 =	sadd.s32 s1, s30  }
0xbb: {  	s0 =	sor.u32 s3, s0;
	s1 =	sshll.u32 s1, $0x11  }
0xbc: {  	s0 =	sor.u32 s1, s0  }
0xbd: {  	s0 =	sadd.s32 $0x8F2B, s0  }
0xbe: {  	[sflag:s0] =	ssyncadd.remote.s32 $0x1  }
0xbf: {  	_ =	sfence.sel $0xFFFF  }
0xc0: {  	[dreg:$0x0] =	wrdreg $0xFFFFFFFF;
	(pc) =	sbr.abs _section_cstart, $3  }
0xc1: {  	[dreg:$0x1] =	wrdreg $0xFFFFFFFF  }
0xc2: {  	_ =	task.clear_ibuf [dreg:s7], $0x2FFFF;
	_ =	strace $0x9FFFFFFF  }
0xc3: {  	(tm) =	ssettm $0x7FFFFFFF  }
tec
execute0_lowered:
.L_overlay_start_1:
0x0: {  	(tag) =	ssettag $0x1  }
0x1: {  	s1 =	rddreg [dreg:$0x0]  }
0x2: {  	s0 =	rddreg [dreg:$0x1]  }
0x3: {  	s3 =	rddreg [dreg:$0x2]  }
0x4: {  	s4 =	simm.s32 $0x0;
	s9 =	stileid.u32;
	s2 =	srdreg.scid  }
0x5: {  	s28 =	simm.s32 $0x4E80;
	s29 =	simm.s32 $0x9D00;
	s30 =	simm.s32 $0x80  }
0x6: {  	s31 =	simm.s32 $0x1;
	[smem:$0x7FF] =	sst s4;
	s5 =	smul.u32 $0x9D0, s9  }
0x7: {  	s2 =	sand.u32 $0x1, s2;
	s13 =	smul.u32 $0x14000, s9;
	s15 =	sadd.s32 $0x68C00, s0  }
0x8: {  	_ =	strace $0x8000004A;
	s6 =	ssub.s32 $0x2, s2;
	p0 =	seq.s32 s2, $0x1  }
0x9: {  	s7 =	sadd.s32 s5, s0;
	s8 =	sshrl.u32 s6, $0x1;
	s5 =	sadd.s32 $0x4C00, s0  }
0xa: {  	s21 =	sshrl.u32 s13, $0x1;
	s14 =	sadd.s32 $0x4000, s13;
	s17 =	sadd.s32 $0x8000, s13  }
0xb: {  	s18 =	sadd.s32 $0xC000, s13;
	s19 =	sadd.s32 $0x10000, s13;
	s13 =	sshrl.u32 s13, $0x4  }
0xc: {  	s25 =	ssub.s32 s6, s8;
	s6 =	sadd.s32 $0x5000, s7;
	s7 =	sadd.s32 $0xEE00, s7  }
0xd: {  	s8 =	sadd.s32 s21, s3;
	s22 =	sshrl.u32 s14, $0x1;
	s10 =	sshrl.u32 s17, $0x1  }
0xe: {  	s11 =	sshrl.u32 s18, $0x1;
	s12 =	sshrl.u32 s19, $0x1;
	s14 =	sshrl.u32 s14, $0x4  }
0xf: {  	s23 =	sadd.s32 s15, s13;
	s17 =	sshrl.u32 s17, $0x4;
	s18 =	sshrl.u32 s18, $0x4  }
0x10: {  	s19 =	sshrl.u32 s19, $0x4;
	s9 =	sadd.s32 s22, s3;
	s10 =	sadd.s32 s10, s3  }
.Ltmp0:
0x11: {  	s11 =	sadd.s32 s11, s3;
	s12 =	sadd.s32 s12, s3;
	(pc) =	sbr.rel .LBB2_1-.Ltmp0, $4  }
0x12: {  	[dreg:$0x4] =	wrdreg s23;
	s24 =	sadd.s32 s15, s14;
	s26 =	sadd.s32 s15, s17  }
0x13: {  	s21 =	sadd.s32 s15, s18;
	s22 =	sadd.s32 s15, s19;
	[dreg:$0x5] =	wrdreg s24  }
0x14: {  	s23 =	sadd.s32 $0x14000, s1;
	s25 =	smax.u32 s25, $0x1;
	[dreg:$0x6] =	wrdreg s26  }
0x15: {  	s24 =	sadd.s32 $0x7CC00, s0;
	s26 =	simm.s32 $0x2;
	s0 =	simm.s32 $0x0  }
.LBB2_7:
0x16: {  	s2 =	sshra.s32 s2, $0x2;
	[sflag:s26] =	ssyncadd.s32 $0xFFFFE000  }
0x17: {  	[tilespmem:s29], [sflag:$0x1] =	stream.indirect.gather [hbm4b:s23+s30], $0x40, s2, s30, $0xb8;
	[tilespmem:$0x15D00] =	vst v63  }
0x18: {  	_ =	swait.ge [sflag:s31], $0x2000  }
0x19: {  	[sflag:s31] =	ssyncset.done $0x0  }
0x1a: {  	s2 =	sadd.s32 $0x4E80, s2;
	[sflag:s31] =	ssyncadd.s32 $0xFFFFE000  }
0x1b: {  	[spmem:s3] =	stream.indirect.scatter.add.bf16 [tilespmem:s29], [sflag:$0x2], $0x40, s2, s30, $0xb8;
	[tilespmem:$0x15D00] =	vst v63  }
0x1c: {  	_ =	swait.ge [sflag:s26], $0x2000  }
0x1d: {  	s15 =	stileid.u32;
	[sflag:s26] =	ssyncset.done $0x0  }
0x1e: {  	s16 =	sshrl.u32 s8, $0x3;
	s2 =	sshll.u32 s15, $0x6;
	[sflag:s26] =	ssyncadd.s32 $0xFFFFE000  }
0x1f: {  	s15 =	sadd.s32 s13, s24;
	s2 =	sor.u32 $0x1C02, s2;
	[bflag:$0x0] =	sbarrier.arrive $0xFFFF  }
0x20: {  	[hbm:s15], [sflag:s2] =	dma.local [spmem:s16], $0x400  }
0x21: {  	_ =	swait.ge [sflag:s26], $0x400  }
0x22: {  	[sflag:s26] =	ssyncset.done $0x0  }
0x23: {  	s20 =	sshrl.u32 s9, $0x3;
	s16 =	sadd.s32 s14, s24;
	[sflag:s26] =	ssyncadd.s32 $0xFFFFFC00  }
0x24: {  	[hbm:s16], [sflag:s2] =	dma.local [spmem:s20], $0x400  }
0x25: {  	_ =	swait.ge [sflag:s26], $0x400  }
0x26: {  	[sflag:s26] =	ssyncset.done $0x0  }
0x27: {  	s16 =	sadd.s32 s17, s24;
	s20 =	sshrl.u32 s10, $0x3;
	[sflag:s26] =	ssyncadd.s32 $0xFFFFFC00  }
0x28: {  	[hbm:s16], [sflag:s2] =	dma.local [spmem:s20], $0x400  }
0x29: {  	_ =	swait.ge [sflag:s26], $0x400  }
0x2a: {  	[sflag:s26] =	ssyncset.done $0x0  }
0x2b: {  	s16 =	sadd.s32 s18, s24;
	s20 =	sshrl.u32 s11, $0x3;
	[sflag:s26] =	ssyncadd.s32 $0xFFFFFC00  }
0x2c: {  	[hbm:s16], [sflag:s2] =	dma.local [spmem:s20], $0x400  }
0x2d: {  	_ =	swait.ge [sflag:s26], $0x400  }
0x2e: {  	[sflag:s26] =	ssyncset.done $0x0  }
0x2f: {  	s15 =	sadd.s32 s19, s24;
	[sflag:s26] =	ssyncadd.s32 $0xFFFFFC00  }
.LBB2_8:
0x30: {  	s0 =	sadd.s32 $0x1, s0  }
0x31: {  	p1 =	sne.s32 s0, s25  }
.Ltmp1:
0x32: {  	s16 =	sshrl.u32 s12, $0x3;
	(pc) =	sbr.rel @!p1 .LBB2_9-.Ltmp1, $4  }
0x33: {  	[hbm:s15], [sflag:s2] =	dma.local [spmem:s16], $0x400  }
0x34: {  	_ =	swait.ge [sflag:s26], $0x400  }
0x35: {  	[sflag:s26] =	ssyncset.done $0x0  }
0x36: {  	[sflag:s26] =	ssyncadd.s32 $0xFFFFFC00  }
.LBB2_1:
0x37: {  	[tilespmem:s4], [sflag:$0x2] =	stream.linear.gather [hbm4b:s6+s4], $0x4E80, $0x38;
	[tilespmem:$0x15D00] =	vst v63  }
0x38: {  	_ =	swait.ge [sflag:s26], $0x4E80  }
0x39: {  	[sflag:s26] =	ssyncset.done $0x0  }
0x3a: {  	[sflag:s26] =	ssyncadd.s32 $0xFFFFB180  }
0x3b: {  	[tilespmem:s28], [sflag:$0x2] =	stream.linear.gather [hbm4b:s7+s4], $0x4E80, $0x38;
	[tilespmem:$0x15D00] =	vst v63  }
0x3c: {  	_ =	swait.ge [sflag:s26], $0x4E80  }
0x3d: {  	[sflag:s26] =	ssyncset.done $0x0  }
0x3e: {  	[sflag:s26] =	ssyncadd.s32 $0xFFFFB180  }
0x3f: {  	[tilespmem:s29], [sflag:$0x2] =	stream.linear.gather [hbm4b:s5+s4], $0x2000, $0x38;
	[tilespmem:$0x15D00] =	vst v63  }
0x40: {  	_ =	swait.ge [sflag:s26], $0x2000  }
0x41: {  	[sflag:s26] =	ssyncset.done $0x0  }
0x42: {  	[sflag:s26] =	ssyncadd.s32 $0xFFFFE000  }
0x43: {  	[spmem:s8] =	stream.linear.scatter [tilespmem:s29], [sflag:$0x2], $0x2000, $0x38;
	[tilespmem:$0x15D00] =	vst v63  }
0x44: {  	_ =	swait.ge [sflag:s26], $0x2000  }
0x45: {  	[sflag:s26] =	ssyncset.done $0x0  }
0x46: {  	[sflag:s26] =	ssyncadd.s32 $0xFFFFE000  }
0x47: {  	[spmem:s9] =	stream.linear.scatter [tilespmem:s29], [sflag:$0x2], $0x2000, $0x38;
	[tilespmem:$0x15D00] =	vst v63  }
0x48: {  	_ =	swait.ge [sflag:s26], $0x2000  }
0x49: {  	[sflag:s26] =	ssyncset.done $0x0  }
0x4a: {  	[sflag:s26] =	ssyncadd.s32 $0xFFFFE000  }
0x4b: {  	[spmem:s10] =	stream.linear.scatter [tilespmem:s29], [sflag:$0x2], $0x2000, $0x38;
	[tilespmem:$0x15D00] =	vst v63  }
0x4c: {  	_ =	swait.ge [sflag:s26], $0x2000  }
0x4d: {  	[sflag:s26] =	ssyncset.done $0x0  }
0x4e: {  	[sflag:s26] =	ssyncadd.s32 $0xFFFFE000  }
0x4f: {  	[spmem:s11] =	stream.linear.scatter [tilespmem:s29], [sflag:$0x2], $0x2000, $0x38;
	[tilespmem:$0x15D00] =	vst v63  }
0x50: {  	_ =	swait.ge [sflag:s26], $0x2000  }
0x51: {  	[sflag:s26] =	ssyncset.done $0x0  }
0x52: {  	[sflag:s26] =	ssyncadd.s32 $0xFFFFE000  }
0x53: {  	[spmem:s12] =	stream.linear.scatter [tilespmem:s29], [sflag:$0x2], $0x2000, $0x38;
	[tilespmem:$0x15D00] =	vst v63  }
.Ltmp2:
0x54: {  	_ =	swait.ge [sflag:s26], $0x2000;
	(pc) =	sbr.rel @!p0 .LBB2_2-.Ltmp2, $4  }
0x55: {  	[sflag:s26] =	ssyncset.done $0x0  }
0x56: {  	[sflag:s26] =	ssyncadd.s32 $0xFFFFE000  }
0x57: {  	[bflag:$0x0] =	sbarrier.arrive $0xFFFF  }
0x58: {  	s2 =	simm.s32 $0x0  }
0x59: {  	[tilespmem:s29], [sflag:$0x1] =	stream.indirect.gather [hbm4b:s23+s30], $0x40, s2, s30, $0xb8;
	[tilespmem:$0x15D00] =	vst v63  }
0x5a: {  	_ =	swait.ge [sflag:s31], $0x2000  }
0x5b: {  	[sflag:s31] =	ssyncset.done $0x0  }
0x5c: {  	s20 =	simm.s32 $0x4E80;
	[sflag:s31] =	ssyncadd.s32 $0xFFFFE000  }
0x5d: {  	[spmem:s3] =	stream.indirect.scatter.add.bf16 [tilespmem:s29], [sflag:$0x2], $0x40, s20, s30, $0xb8;
	[tilespmem:$0x15D00] =	vst v63  }
0x5e: {  	_ =	swait.ge [sflag:s26], $0x2000  }
0x5f: {  	s2 =	simm.s32 $0x200;
	s15 =	simm.s32 $0x400;
	[sflag:s26] =	ssyncset.done $0x0  }
.LBB2_6:
0x60: {  	s16 =	sshra.s32 s2, $0x2  }
0x61: {  	[sflag:s26] =	ssyncadd.s32 $0xFFFFE000;
	s2 =	smov.u32 s15;
	s20 =	sadd.s32 $0x200, s15  }
0x62: {  	[tilespmem:s29], [sflag:$0x1] =	stream.indirect.gather [hbm4b:s23+s30], $0x40, s16, s30, $0xb8;
	[tilespmem:$0x15D00] =	vst v63  }
0x63: {  	p1 =	sne.s32 s15, $0x13800;
	_ =	swait.ge [sflag:s31], $0x2000  }
.Ltmp3:
0x64: {  	[sflag:s31] =	ssyncset.done $0x0;
	(pc) =	sbr.rel @p1 .LBB2_6-.Ltmp3, $4  }
0x65: {  	s15 =	sadd.s32 $0x4E80, s16;
	[sflag:s31] =	ssyncadd.s32 $0xFFFFE000  }
0x66: {  	[spmem:s3] =	stream.indirect.scatter.add.bf16 [tilespmem:s29], [sflag:$0x2], $0x40, s15, s30, $0xb8;
	[tilespmem:$0x15D00] =	vst v63  }
0x67: {  	_ =	swait.ge [sflag:s26], $0x2000  }
0x68: {  	s15 =	smov.u32 s20;
	[sflag:s26] =	ssyncset.done $0x0  }
.Ltmp4:
0x69: {  	_ = 	snop;
	(pc) =	sbr.rel .LBB2_7-.Ltmp4, $1  }
0x6a: {  	_ =	sdelay $0x3  }
.LBB2_2:
0x6b: {  	[tilespmem:s29], [sflag:$0x1] =	stream.indirect.gather [hbm4b:s1+s30], $0x40, s2, s30, $0xb8;
	[tilespmem:$0x15D00] =	vst v63  }
0x6c: {  	_ =	swait.ge [sflag:s31], $0x2000  }
0x6d: {  	[sflag:s31] =	ssyncset.done $0x0  }
0x6e: {  	s20 =	simm.s32 $0x4E80;
	[sflag:s31] =	ssyncadd.s32 $0xFFFFE000  }
0x6f: {  	[spmem:s3] =	stream.indirect.scatter.add.bf16 [tilespmem:s29], [sflag:$0x2], $0x40, s20, s30, $0xb8;
	[tilespmem:$0x15D00] =	vst v63  }
0x70: {  	_ =	swait.ge [sflag:s26], $0x2000  }
0x71: {  	s2 =	simm.s32 $0x200;
	s15 =	simm.s32 $0x400;
	[sflag:s26] =	ssyncset.done $0x0  }
.LBB2_3:
0x72: {  	s16 =	sshra.s32 s2, $0x2  }
0x73: {  	[sflag:s26] =	ssyncadd.s32 $0xFFFFE000;
	s2 =	smov.u32 s15;
	s20 =	sadd.s32 $0x200, s15  }
0x74: {  	[tilespmem:s29], [sflag:$0x1] =	stream.indirect.gather [hbm4b:s1+s30], $0x40, s16, s30, $0xb8;
	[tilespmem:$0x15D00] =	vst v63  }
0x75: {  	p1 =	sne.s32 s15, $0x13800;
	_ =	swait.ge [sflag:s31], $0x2000  }
.Ltmp5:
0x76: {  	[sflag:s31] =	ssyncset.done $0x0;
	(pc) =	sbr.rel @p1 .LBB2_3-.Ltmp5, $4  }
0x77: {  	s15 =	sadd.s32 $0x4E80, s16;
	[sflag:s31] =	ssyncadd.s32 $0xFFFFE000  }
0x78: {  	[spmem:s3] =	stream.indirect.scatter.add.bf16 [tilespmem:s29], [sflag:$0x2], $0x40, s15, s30, $0xb8;
	[tilespmem:$0x15D00] =	vst v63  }
0x79: {  	_ =	swait.ge [sflag:s26], $0x2000  }
0x7a: {  	s15 =	smov.u32 s20;
	[sflag:s26] =	ssyncset.done $0x0  }
0x7b: {  	s2 =	sshra.s32 s2, $0x2;
	[sflag:s26] =	ssyncadd.s32 $0xFFFFE000  }
0x7c: {  	[tilespmem:s29], [sflag:$0x1] =	stream.indirect.gather [hbm4b:s1+s30], $0x40, s2, s30, $0xb8;
	[tilespmem:$0x15D00] =	vst v63  }
0x7d: {  	_ =	swait.ge [sflag:s31], $0x2000  }
0x7e: {  	[sflag:s31] =	ssyncset.done $0x0  }
0x7f: {  	s2 =	sadd.s32 $0x4E80, s2;
	[sflag:s31] =	ssyncadd.s32 $0xFFFFE000  }
0x80: {  	[spmem:s3] =	stream.indirect.scatter.add.bf16 [tilespmem:s29], [sflag:$0x2], $0x40, s2, s30, $0xb8;
	[tilespmem:$0x15D00] =	vst v63  }
0x81: {  	_ =	swait.ge [sflag:s26], $0x2000  }
0x82: {  	[sflag:s26] =	ssyncset.done $0x0  }
0x83: {  	s15 =	stileid.u32;
	[sflag:s26] =	ssyncadd.s32 $0xFFFFE000  }
0x84: {  	s2 =	sshll.u32 s15, $0x6;
	[bflag:$0x0] =	sbarrier.arrive $0xFFFF  }
0x85: {  	s15 =	sshrl.u32 s8, $0x3;
	s2 =	sor.u32 $0x1C02, s2;
	s16 =	rddreg [dreg:$0x4]  }
0x86: {  	[hbm:s16], [sflag:s2] =	dma.local [spmem:s15], $0x400  }
0x87: {  	_ =	swait.ge [sflag:s26], $0x400  }
0x88: {  	[sflag:s26] =	ssyncset.done $0x0  }
0x89: {  	s16 =	sshrl.u32 s9, $0x3;
	s20 =	rddreg [dreg:$0x5];
	[sflag:s26] =	ssyncadd.s32 $0xFFFFFC00  }
0x8a: {  	[hbm:s20], [sflag:s2] =	dma.local [spmem:s16], $0x400  }
0x8b: {  	_ =	swait.ge [sflag:s26], $0x400  }
0x8c: {  	[sflag:s26] =	ssyncset.done $0x0  }
0x8d: {  	s16 =	sshrl.u32 s10, $0x3;
	s20 =	rddreg [dreg:$0x6];
	[sflag:s26] =	ssyncadd.s32 $0xFFFFFC00  }
0x8e: {  	[hbm:s20], [sflag:s2] =	dma.local [spmem:s16], $0x400  }
0x8f: {  	_ =	swait.ge [sflag:s26], $0x400  }
0x90: {  	[sflag:s26] =	ssyncset.done $0x0  }
.Ltmp6:
0x91: {  	s20 =	sshrl.u32 s11, $0x3;
	[sflag:s26] =	ssyncadd.s32 $0xFFFFFC00;
	(pc) =	sbr.rel .LBB2_8-.Ltmp6, $4  }
0x92: {  	[hbm:s21], [sflag:s2] =	dma.local [spmem:s20], $0x400  }
0x93: {  	_ =	swait.ge [sflag:s26], $0x400  }
0x94: {  	[sflag:s26] =	ssyncset.done $0x0  }
0x95: {  	s15 =	smov.u32 s22;
	[sflag:s26] =	ssyncadd.s32 $0xFFFFFC00  }
.LBB2_9:
0x96: {  	_ =	sfence.sel $0x180000  }
0x97: {  	[bflag:$0x0] =	sbarrier.arrive $0xFFFF  }
0x98: {  	_ =	strace $0x9000004A  }
0x99: {  	s0 =	stileid.u32;
	[bflag:$0x2] =	sbarrier.arrive $0xFFFF  }
0x9a: {  	p0 =	sne.s32 s0, $0x0;
	s0 =	rddreg [dreg:$0x3]  }
0x9b: {  	s0 =	sadd.s32 @!p0 $0x100000, s0  }
0x9c: {  	[sflag:s0] =	ssyncadd.tile.s32 @!p0 $0x1;
	_ =	shalt  }
.Lfunc_end2:
_tile_overlayer_lowered:
.L_overlay_start_2:
0x9d: {  	(tag) =	ssettag $0x2  }
0x9e: {  	s0 =	rddreg [dreg:$0x0];
	s2 =	stileid.u32  }
0x9f: {  	s1 =	rddreg [dreg:$0x1];
	p0 =	sne.s32 s2, $0x0  }
0xa0: {  	s3 =	rddreg [dreg:$0x2];
	[bflag:$0x3] =	sbarrier.arrive $0xFFFF;
	s2 =	simm.s32 @!p0 $0x1C02  }
0xa1: {  	[timem:s3], [sflag:s2] =	dma.local @!p0 [hbm:s0], s1  }
0xa2: {  	s0 =	simm.s32 @!p0 $0x2  }
0xa3: {  	_ =	swait.ge @!p0 [sflag:s0], s1  }
0xa4: {  	s1 =	ssub.s32 @!p0 $0x0, s1;
	[sflag:s0] =	ssyncset.done @!p0 $0x0  }
0xa5: {  	[sflag:s0] =	ssyncadd.s32 @!p0 s1  }
0xa6: {  	[bflag:$0x3] =	sbarrier.arrive $0xFFFF  }
0xa7: {  	_ =	shalt  }

// kernel: kernel.18.cloned.1.call-start
scs
__scs_entry_jumppad:
0x0: {  	(pc) =	sbr.rel $0x88, $3  }
0x1: {  	(tag) =	ssettag $0x0;
	lr =	simm.s32 $0x1  }
0x2: {  	[smem:$0x3F9B] =	sst lr;
	_ =	strace $0xD0000000  }
0x3: {  	_ = 	snop  }
0x4: {  	_ = 	snop  }
0x5: {  	_ = 	snop  }
0x6: {  	_ = 	snop  }
0x7: {  	_ = 	snop  }
__scs_overlays_trampoline_lowered:
0x8: {  	[smem:$0x3FAA] =	sst s0  }
0x9: {  	[smem:$0x3FAB] =	sst s1  }
0xa: {  	[smem:$0x3FAC] =	sst s2  }
0xb: {  	[smem:$0x3FAD] =	sst s3  }
0xc: {  	[smem:$0x3FAE] =	sst s4  }
0xd: {  	[smem:$0x3FAF] =	sst s5  }
0xe: {  	[smem:$0x3FB0] =	sst s6  }
0xf: {  	[smem:$0x3FB1] =	sst s7  }
0x10: {  	[smem:$0x3FB2] =	sst s8  }
0x11: {  	[smem:$0x3FB3] =	sst s9;
	s0 =	simm.s32 @!p0 $0x0  }
0x12: {  	s1 =	sld [smem:$0x3F99];
	s0 =	simm.s32 @p0 $0x1  }
0x13: {  	[smem:$0x3FB4] =	sst s0;
	s0 =	simm.s32 @!p1 $0x0  }
0x14: {  	s2 =	sld [smem:$0x3F98];
	s0 =	simm.s32 @p1 $0x1  }
0x15: {  	[smem:$0x3FB5] =	sst s0;
	s0 =	simm.s32 @!p2 $0x0  }
0x16: {  	s3 =	sld [smem:$0x3FDB];
	s0 =	simm.s32 @p2 $0x1  }
0x17: {  	s4 =	simm.s32 $0x1BF5;
	[smem:$0x3FB7] =	sst s0  }
0x18: {  	s0 =	sld [smem:$0x3F9A];
	_ =	swait.ge [sflag:s4], $0x0  }
0x19: {  	s7 =	sld [smem:$0x3F9B]  }
0x1a: {  	s8 =	sadd.s32 $0xFFFFE003, lr  }
0x1b: {  	s9 =	sadd.s32 $0xFFFFFEF7, lr;
	s5 =	simm.s32 $0xFFFFFFFF;
	p2 =	slt.u32 s8, $0xFFFFF086  }
0x1c: {  	p1 =	slt.u32 s9, $0xF7A;
	s5 =	simm.s32 @!p2 $0x0  }
0x1d: {  	s5 =	simm.s32 @p1 $0x1;
	p0 =	seq.s32 s7, s2  }
0x1e: {  	s7 =	smul.u32 @!p0 $0xF7A, s2;
	p2 =	seq.s32 @!p0 s5, $0x0  }
0x1f: {  	s9 =	smul.u32 $0xF7A, s1;
	s8 =	simm.s32 @!p0 $0x1BF5;
	p2 =	por !p2, p0  }
0x20: {  	[sflag:s8] =	ssyncset.s32 @!p0 $0xFFFFF086;
	s6 =	sadd.s32 @!p0 s3, s7;
	s7 =	simm.s32 @!p0 $0x108  }
0x21: {  	s3 =	sadd.s32 s3, s9;
	s6 =	sadd.s32 @!p0 $0x88, s6;
	s7 =	simm.s32 @p2 $0x1082  }
0x22: {  	[simem:s7], [sflag:s8] =	dma.local @!p0 [hbm:s6], $0xF7A  }
0x23: {  	s9 =	sor.u32 $0xD0000000, s2;
	s6 =	simm.s32 $0x108;
	_ =	swait.ge @!p0 [sflag:s8], $0x0  }
0x24: {  	s3 =	sadd.s32 $0x88, s3;
	s6 =	simm.s32 @!p1 $0x1082;
	[sflag:s4] =	ssyncset.s32 $0xFFFFF086  }
0x25: {  	[simem:s6], [sflag:s4] =	dma.local [hbm:s3], $0xF7A  }
0x26: {  	[smem:$0x3F9B] =	sst s1;
	(tag) =	ssettag s2;
	_ =	strace s9  }
0x27: {  	s1 =	sld [smem:$0x3FAB]  }
0x28: {  	s2 =	sld [smem:$0x3FAC]  }
0x29: {  	s4 =	sld [smem:$0x3FAE]  }
0x2a: {  	p0 =	seq.s32 s5, $0x0;
	s5 =	sld [smem:$0x3FAF]  }
0x2b: {  	s6 =	sld [smem:$0x3FB0]  }
0x2c: {  	s7 =	sld [smem:$0x3FB1]  }
0x2d: {  	s3 =	simm.s32 $0x108;
	s8 =	sld [smem:$0x3FB2]  }
0x2e: {  	s3 =	simm.s32 @!p0 $0x1082;
	s9 =	sld [smem:$0x3FB3]  }
0x2f: {  	lr =	sadd.s32 s0, s3;
	s0 =	sld [smem:$0x3FAA]  }
0x30: {  	s3 =	sld [smem:$0x3FAD]  }
0x31: {  	[smem:$0x3FB6] =	sst s10  }
0x32: {  	s10 =	sld [smem:$0x3FB4];
	_ =	sdelay $0x3  }
0x33: {  	p0 =	seq.s32 s10, $0x1;
	s10 =	sld [smem:$0x3FB6];
	_ =	sdelay $0x3  }
0x34: {  	[smem:$0x3FB6] =	sst s10  }
0x35: {  	s10 =	sld [smem:$0x3FB5];
	_ =	sdelay $0x3  }
0x36: {  	p1 =	seq.s32 s10, $0x1;
	s10 =	sld [smem:$0x3FB6];
	_ =	sdelay $0x3  }
0x37: {  	[smem:$0x3FB6] =	sst s10  }
0x38: {  	s10 =	sld [smem:$0x3FB7]  }
0x39: {  	_ = 	snop;
	(pc) =	sbr.ind lr, $3  }
0x3a: {  	_ = 	snop  }
0x3b: {  	_ = 	snop  }
0x3c: {  	p2 =	seq.s32 s10, $0x1;
	s10 =	sld [smem:$0x3FB6]  }
0x3d: {  	_ =	shalt  }
0x3e: {  	_ =	shalt  }
0x3f: {  	_ =	shalt  }
0x40: {  	_ =	shalt  }
0x41: {  	_ =	shalt  }
0x42: {  	_ =	shalt  }
0x43: {  	_ =	shalt  }
0x44: {  	_ =	shalt  }
0x45: {  	_ =	shalt  }
0x46: {  	_ =	shalt  }
0x47: {  	_ =	shalt  }
0x48: {  	_ =	shalt  }
0x49: {  	_ =	shalt  }
0x4a: {  	_ =	shalt  }
0x4b: {  	_ =	shalt  }
0x4c: {  	_ =	shalt  }
0x4d: {  	_ =	shalt  }
0x4e: {  	_ =	shalt  }
0x4f: {  	_ =	shalt  }
0x50: {  	_ =	shalt  }
0x51: {  	_ =	shalt  }
0x52: {  	_ =	shalt  }
0x53: {  	_ =	shalt  }
0x54: {  	_ =	shalt  }
0x55: {  	_ =	shalt  }
0x56: {  	_ =	shalt  }
0x57: {  	_ =	shalt  }
0x58: {  	_ =	shalt  }
0x59: {  	_ =	shalt  }
0x5a: {  	_ =	shalt  }
0x5b: {  	_ =	shalt  }
0x5c: {  	_ =	shalt  }
0x5d: {  	_ =	shalt  }
0x5e: {  	_ =	shalt  }
0x5f: {  	_ =	shalt  }
0x60: {  	_ =	shalt  }
0x61: {  	_ =	shalt  }
0x62: {  	_ =	shalt  }
0x63: {  	_ =	shalt  }
0x64: {  	_ =	shalt  }
0x65: {  	_ =	shalt  }
0x66: {  	_ =	shalt  }
0x67: {  	_ =	shalt  }
0x68: {  	_ =	shalt  }
0x69: {  	_ =	shalt  }
0x6a: {  	_ =	shalt  }
0x6b: {  	_ =	shalt  }
0x6c: {  	_ =	shalt  }
0x6d: {  	_ =	shalt  }
0x6e: {  	_ =	shalt  }
0x6f: {  	_ =	shalt  }
0x70: {  	_ =	shalt  }
0x71: {  	_ =	shalt  }
0x72: {  	_ =	shalt  }
0x73: {  	_ =	shalt  }
0x74: {  	_ =	shalt  }
0x75: {  	_ =	shalt  }
0x76: {  	_ =	shalt  }
0x77: {  	_ =	shalt  }
0x78: {  	_ =	shalt  }
0x79: {  	_ =	shalt  }
0x7a: {  	_ =	shalt  }
0x7b: {  	_ =	shalt  }
0x7c: {  	_ =	shalt  }
0x7d: {  	_ =	shalt  }
0x7e: {  	_ =	shalt  }
0x7f: {  	_ =	shalt  }
0x80: {  	_ =	shalt  }
0x81: {  	_ =	shalt  }
0x82: {  	_ =	shalt  }
0x83: {  	_ =	shalt  }
0x84: {  	_ =	shalt  }
0x85: {  	_ =	shalt  }
0x86: {  	_ =	shalt  }
0x87: {  	_ =	shalt  }
.Lfunc_end0:
.L_simem_size_0:
called_computation.2_lowered:
.L_overlay_start_0:
0x88: {  	s2 =	sld [smem:$0x3FD9]  }
0x89: {  	s3 =	sld [smem:$0x3FFE];
	_ =	sdelay $0x1  }
0x8a: {  	s1 =	srdreg.scid  }
0x8b: {  	s0 =	sand.u32 $0x1, s1  }
0x8c: {  	s17 =	sshll.u32 s0, $0xA;
	s2 =	sadd.s32 s3, s2  }
0x8d: {  	s2 =	sadd.s32 s2, s17  }
0x8e: {  	[smem:$0x3FC2] =	sst s2  }
0x8f: {  	_ = 	snop  }
0x90: {  	s2 =	sld [smem:$0x3FD0];
	(tm) =	ssettm $0x1  }
0x91: {  	s18 =	sld [smem:$0x3FFB];
	_ =	sdelay $0x3  }
0x92: {  	_ =	strace s18  }
0x93: {  	s3 =	sld [smem:$0x3FFC];
	_ =	sdelay $0x3  }
0x94: {  	_ =	strace s3  }
0x95: {  	s3 =	sld [smem:$0x3FFD];
	_ =	sdelay $0x3  }
0x96: {  	_ =	strace s3  }
0x97: {  	_ =	strace $0x8FFFFFFF  }
0x98: {  	s19 =	sld [smem:$0x3FDB];
	_ =	sdelay $0x1  }
0x99: {  	s4 =	simm.s32 $_scs_section_size  }
0x9a: {  	s5 =	simm.s32 $_size__tile_overlayer_lowered;
	s6 =	simm.s32 $_tile_overlayer_lowered  }
0x9b: {  	s22 =	simm.s32 $0x1BFF;
	s21 =	sshll.u32 s6, $0x1;
	s3 =	sadd.s32 s4, s19  }
0x9c: {  	s7 =	simm.s32 $0x0;
	s20 =	sshll.u32 s5, $0x1;
	s5 =	sadd.s32 s21, s3  }
0x9d: {  	[timem:s7], [sflag:s22] =	dma.local [hbm:s5], s20  }
0x9e: {  	_ =	swait.ge [sflag:s22], s20  }
0x9f: {  	s4 =	ssub.s32 $0x0, s20;
	[sflag:s22] =	ssyncset.done $0x0  }
0xa0: {  	[sflag:s22] =	ssyncadd.s32 s4;
	_ =	sdelay $0x1  }
0xa1: {  	s23 =	simm.s32 $0x1B8B  }
0xa2: {  	_ =	swait.ge [sflag:s23], $0x1  }
0xa3: {  	[sflag:s23] =	ssyncset.done $0x0  }
0xa4: {  	s25 =	simm.s32 $0x1B8E;
	s24 =	sld [smem:$0x3FFE];
	[sflag:s23] =	ssyncadd.s32 $0xFFFFFFFF  }
0xa5: {  	s26 =	simm.s32 $execute0_lowered;
	[smem:$0x3FD2] =	sst s25  }
0xa6: {  	s5 =	sshll.u32 s26, $0x1;
	_ =	strace $0x8000004C;
	[dreg:$0x1] =	wrdreg $0xFFFFFFFF  }
0xa7: {  	s28 =	simm.s32 $_size_execute0_lowered;
	s3 =	sadd.s32 s3, s5;
	[dreg:$0x0] =	wrdreg $0x0  }
0xa8: {  	s5 =	sshll.u32 s28, $0x1;
	[dreg:$0x2] =	wrdreg s3  }
0xa9: {  	[dreg:$0x3] =	wrdreg s5  }
0xaa: {  	[dreg:$0x4] =	wrdreg $0xC0  }
0xab: {  	_ =	task [dreg:s7], $0x5FFFF  }
0xac: {  	[dreg:$0x1] =	wrdreg $0xFFFFFFFF  }
0xad: {  	[dreg:$0x0] =	wrdreg $0x60  }
0xae: {  	[dreg:$0x2] =	wrdreg s2  }
0xaf: {  	[dreg:$0x3] =	wrdreg s24  }
0xb0: {  	[dreg:$0x4] =	wrdreg $0xBD000  }
0xb1: {  	[dreg:$0x5] =	wrdreg $0x9  }
0xb2: {  	_ =	task.clear_ibuf [dreg:s7], $0x6FFFF;
	_ =	strace $0x9000004C  }
0xb3: {  	s29 =	simm.s32 $0x9;
	_ =	strace $0x8000004E  }
0xb4: {  	_ =	swait.ge [sflag:s29], $0x1  }
0xb5: {  	[sflag:s29] =	ssyncadd.s32 $0xFFFFFFFF  }
0xb6: {  	_ =	strace $0x9000004E  }
0xb7: {  	_ =	sfence  }
0xb8: {  	s30 =	sld [smem:$0x0];
	_ =	sdelay $0x2  }
0xb9: {  	s31 =	sshll.u32 s1, $0xD;
	s1 =	sshrl.u32 s1, $0x2  }
0xba: {  	s3 =	sand.u32 $0x4000, s31;
	s1 =	sadd.s32 s1, s30  }
0xbb: {  	s0 =	sor.u32 s3, s0;
	s1 =	sshll.u32 s1, $0x11  }
0xbc: {  	s0 =	sor.u32 s1, s0  }
0xbd: {  	s0 =	sadd.s32 $0x8F2B, s0  }
0xbe: {  	[sflag:s0] =	ssyncadd.remote.s32 $0x1  }
0xbf: {  	_ =	sfence.sel $0xFFFF  }
0xc0: {  	[dreg:$0x0] =	wrdreg $0xFFFFFFFF;
	(pc) =	sbr.abs _section_cstart, $3  }
0xc1: {  	[dreg:$0x1] =	wrdreg $0xFFFFFFFF  }
0xc2: {  	_ =	task.clear_ibuf [dreg:s7], $0x2FFFF;
	_ =	strace $0x9FFFFFFF  }
0xc3: {  	(tm) =	ssettm $0x7FFFFFFF  }
tec
execute0_lowered:
.L_overlay_start_1:
0x0: {  	(tag) =	ssettag $0x1  }
0x1: {  	s1 =	rddreg [dreg:$0x0]  }
0x2: {  	s0 =	rddreg [dreg:$0x1]  }
0x3: {  	s3 =	rddreg [dreg:$0x2]  }
0x4: {  	s4 =	simm.s32 $0x0;
	s9 =	stileid.u32;
	s2 =	srdreg.scid  }
0x5: {  	s28 =	simm.s32 $0x4E80;
	s29 =	simm.s32 $0x9D00;
	s30 =	simm.s32 $0x80  }
0x6: {  	s31 =	simm.s32 $0x1;
	[smem:$0x7FF] =	sst s4;
	s5 =	smul.u32 $0x9D0, s9  }
0x7: {  	s2 =	sand.u32 $0x1, s2;
	s13 =	smul.u32 $0x14000, s9;
	s15 =	sadd.s32 $0x68C00, s0  }
0x8: {  	_ =	strace $0x8000004D;
	s6 =	ssub.s32 $0x2, s2;
	p0 =	seq.s32 s2, $0x1  }
0x9: {  	s7 =	sadd.s32 s5, s0;
	s8 =	sshrl.u32 s6, $0x1;
	s5 =	sadd.s32 $0x4C00, s0  }
0xa: {  	s21 =	sshrl.u32 s13, $0x1;
	s14 =	sadd.s32 $0x4000, s13;
	s17 =	sadd.s32 $0x8000, s13  }
0xb: {  	s18 =	sadd.s32 $0xC000, s13;
	s19 =	sadd.s32 $0x10000, s13;
	s13 =	sshrl.u32 s13, $0x4  }
0xc: {  	s25 =	ssub.s32 s6, s8;
	s6 =	sadd.s32 $0x5000, s7;
	s7 =	sadd.s32 $0xEE00, s7  }
0xd: {  	s8 =	sadd.s32 s21, s3;
	s22 =	sshrl.u32 s14, $0x1;
	s10 =	sshrl.u32 s17, $0x1  }
0xe: {  	s11 =	sshrl.u32 s18, $0x1;
	s12 =	sshrl.u32 s19, $0x1;
	s14 =	sshrl.u32 s14, $0x4  }
0xf: {  	s23 =	sadd.s32 s15, s13;
	s17 =	sshrl.u32 s17, $0x4;
	s18 =	sshrl.u32 s18, $0x4  }
0x10: {  	s19 =	sshrl.u32 s19, $0x4;
	s9 =	sadd.s32 s22, s3;
	s10 =	sadd.s32 s10, s3  }
.Ltmp0:
0x11: {  	s11 =	sadd.s32 s11, s3;
	s12 =	sadd.s32 s12, s3;
	(pc) =	sbr.rel .LBB2_1-.Ltmp0, $4  }
0x12: {  	[dreg:$0x4] =	wrdreg s23;
	s24 =	sadd.s32 s15, s14;
	s26 =	sadd.s32 s15, s17  }
0x13: {  	s21 =	sadd.s32 s15, s18;
	s22 =	sadd.s32 s15, s19;
	[dreg:$0x5] =	wrdreg s24  }
0x14: {  	s23 =	sadd.s32 $0x14000, s1;
	s25 =	smax.u32 s25, $0x1;
	[dreg:$0x6] =	wrdreg s26  }
0x15: {  	s24 =	sadd.s32 $0x7CC00, s0;
	s26 =	simm.s32 $0x2;
	s0 =	simm.s32 $0x0  }
.LBB2_7:
0x16: {  	s2 =	sshra.s32 s2, $0x2;
	[sflag:s26] =	ssyncadd.s32 $0xFFFFE000  }
0x17: {  	[tilespmem:s29], [sflag:$0x1] =	stream.indirect.gather [hbm4b:s23+s30], $0x40, s2, s30, $0xb8;
	[tilespmem:$0x15D00] =	vst v63  }
0x18: {  	_ =	swait.ge [sflag:s31], $0x2000  }
0x19: {  	[sflag:s31] =	ssyncset.done $0x0  }
0x1a: {  	s2 =	sadd.s32 $0x4E80, s2;
	[sflag:s31] =	ssyncadd.s32 $0xFFFFE000  }
0x1b: {  	[spmem:s3] =	stream.indirect.scatter.add.bf16 [tilespmem:s29], [sflag:$0x2], $0x40, s2, s30, $0xb8;
	[tilespmem:$0x15D00] =	vst v63  }
0x1c: {  	_ =	swait.ge [sflag:s26], $0x2000  }
0x1d: {  	s15 =	stileid.u32;
	[sflag:s26] =	ssyncset.done $0x0  }
0x1e: {  	s16 =	sshrl.u32 s8, $0x3;
	s2 =	sshll.u32 s15, $0x6;
	[sflag:s26] =	ssyncadd.s32 $0xFFFFE000  }
0x1f: {  	s15 =	sadd.s32 s13, s24;
	s2 =	sor.u32 $0x1C02, s2;
	[bflag:$0x0] =	sbarrier.arrive $0xFFFF  }
0x20: {  	[hbm:s15], [sflag:s2] =	dma.local [spmem:s16], $0x400  }
0x21: {  	_ =	swait.ge [sflag:s26], $0x400  }
0x22: {  	[sflag:s26] =	ssyncset.done $0x0  }
0x23: {  	s20 =	sshrl.u32 s9, $0x3;
	s16 =	sadd.s32 s14, s24;
	[sflag:s26] =	ssyncadd.s32 $0xFFFFFC00  }
0x24: {  	[hbm:s16], [sflag:s2] =	dma.local [spmem:s20], $0x400  }
0x25: {  	_ =	swait.ge [sflag:s26], $0x400  }
0x26: {  	[sflag:s26] =	ssyncset.done $0x0  }
0x27: {  	s16 =	sadd.s32 s17, s24;
	s20 =	sshrl.u32 s10, $0x3;
	[sflag:s26] =	ssyncadd.s32 $0xFFFFFC00  }
0x28: {  	[hbm:s16], [sflag:s2] =	dma.local [spmem:s20], $0x400  }
0x29: {  	_ =	swait.ge [sflag:s26], $0x400  }
0x2a: {  	[sflag:s26] =	ssyncset.done $0x0  }
0x2b: {  	s16 =	sadd.s32 s18, s24;
	s20 =	sshrl.u32 s11, $0x3;
	[sflag:s26] =	ssyncadd.s32 $0xFFFFFC00  }
0x2c: {  	[hbm:s16], [sflag:s2] =	dma.local [spmem:s20], $0x400  }
0x2d: {  	_ =	swait.ge [sflag:s26], $0x400  }
0x2e: {  	[sflag:s26] =	ssyncset.done $0x0  }
0x2f: {  	s15 =	sadd.s32 s19, s24;
	[sflag:s26] =	ssyncadd.s32 $0xFFFFFC00  }
.LBB2_8:
0x30: {  	s0 =	sadd.s32 $0x1, s0  }
0x31: {  	p1 =	sne.s32 s0, s25  }
.Ltmp1:
0x32: {  	s16 =	sshrl.u32 s12, $0x3;
	(pc) =	sbr.rel @!p1 .LBB2_9-.Ltmp1, $4  }
0x33: {  	[hbm:s15], [sflag:s2] =	dma.local [spmem:s16], $0x400  }
0x34: {  	_ =	swait.ge [sflag:s26], $0x400  }
0x35: {  	[sflag:s26] =	ssyncset.done $0x0  }
0x36: {  	[sflag:s26] =	ssyncadd.s32 $0xFFFFFC00  }
.LBB2_1:
0x37: {  	[tilespmem:s4], [sflag:$0x2] =	stream.linear.gather [hbm4b:s6+s4], $0x4E80, $0x38;
	[tilespmem:$0x15D00] =	vst v63  }
0x38: {  	_ =	swait.ge [sflag:s26], $0x4E80  }
0x39: {  	[sflag:s26] =	ssyncset.done $0x0  }
0x3a: {  	[sflag:s26] =	ssyncadd.s32 $0xFFFFB180  }
0x3b: {  	[tilespmem:s28], [sflag:$0x2] =	stream.linear.gather [hbm4b:s7+s4], $0x4E80, $0x38;
	[tilespmem:$0x15D00] =	vst v63  }
0x3c: {  	_ =	swait.ge [sflag:s26], $0x4E80  }
0x3d: {  	[sflag:s26] =	ssyncset.done $0x0  }
0x3e: {  	[sflag:s26] =	ssyncadd.s32 $0xFFFFB180  }
0x3f: {  	[tilespmem:s29], [sflag:$0x2] =	stream.linear.gather [hbm4b:s5+s4], $0x2000, $0x38;
	[tilespmem:$0x15D00] =	vst v63  }
0x40: {  	_ =	swait.ge [sflag:s26], $0x2000  }
0x41: {  	[sflag:s26] =	ssyncset.done $0x0  }
0x42: {  	[sflag:s26] =	ssyncadd.s32 $0xFFFFE000  }
0x43: {  	[spmem:s8] =	stream.linear.scatter [tilespmem:s29], [sflag:$0x2], $0x2000, $0x38;
	[tilespmem:$0x15D00] =	vst v63  }
0x44: {  	_ =	swait.ge [sflag:s26], $0x2000  }
0x45: {  	[sflag:s26] =	ssyncset.done $0x0  }
0x46: {  	[sflag:s26] =	ssyncadd.s32 $0xFFFFE000  }
0x47: {  	[spmem:s9] =	stream.linear.scatter [tilespmem:s29], [sflag:$0x2], $0x2000, $0x38;
	[tilespmem:$0x15D00] =	vst v63  }
0x48: {  	_ =	swait.ge [sflag:s26], $0x2000  }
0x49: {  	[sflag:s26] =	ssyncset.done $0x0  }
0x4a: {  	[sflag:s26] =	ssyncadd.s32 $0xFFFFE000  }
0x4b: {  	[spmem:s10] =	stream.linear.scatter [tilespmem:s29], [sflag:$0x2], $0x2000, $0x38;
	[tilespmem:$0x15D00] =	vst v63  }
0x4c: {  	_ =	swait.ge [sflag:s26], $0x2000  }
0x4d: {  	[sflag:s26] =	ssyncset.done $0x0  }
0x4e: {  	[sflag:s26] =	ssyncadd.s32 $0xFFFFE000  }
0x4f: {  	[spmem:s11] =	stream.linear.scatter [tilespmem:s29], [sflag:$0x2], $0x2000, $0x38;
	[tilespmem:$0x15D00] =	vst v63  }
0x50: {  	_ =	swait.ge [sflag:s26], $0x2000  }
0x51: {  	[sflag:s26] =	ssyncset.done $0x0  }
0x52: {  	[sflag:s26] =	ssyncadd.s32 $0xFFFFE000  }
0x53: {  	[spmem:s12] =	stream.linear.scatter [tilespmem:s29], [sflag:$0x2], $0x2000, $0x38;
	[tilespmem:$0x15D00] =	vst v63  }
.Ltmp2:
0x54: {  	_ =	swait.ge [sflag:s26], $0x2000;
	(pc) =	sbr.rel @!p0 .LBB2_2-.Ltmp2, $4  }
0x55: {  	[sflag:s26] =	ssyncset.done $0x0  }
0x56: {  	[sflag:s26] =	ssyncadd.s32 $0xFFFFE000  }
0x57: {  	[bflag:$0x0] =	sbarrier.arrive $0xFFFF  }
0x58: {  	s2 =	simm.s32 $0x0  }
0x59: {  	[tilespmem:s29], [sflag:$0x1] =	stream.indirect.gather [hbm4b:s23+s30], $0x40, s2, s30, $0xb8;
	[tilespmem:$0x15D00] =	vst v63  }
0x5a: {  	_ =	swait.ge [sflag:s31], $0x2000  }
0x5b: {  	[sflag:s31] =	ssyncset.done $0x0  }
0x5c: {  	s20 =	simm.s32 $0x4E80;
	[sflag:s31] =	ssyncadd.s32 $0xFFFFE000  }
0x5d: {  	[spmem:s3] =	stream.indirect.scatter.add.bf16 [tilespmem:s29], [sflag:$0x2], $0x40, s20, s30, $0xb8;
	[tilespmem:$0x15D00] =	vst v63  }
0x5e: {  	_ =	swait.ge [sflag:s26], $0x2000  }
0x5f: {  	s2 =	simm.s32 $0x200;
	s15 =	simm.s32 $0x400;
	[sflag:s26] =	ssyncset.done $0x0  }
.LBB2_6:
0x60: {  	s16 =	sshra.s32 s2, $0x2  }
0x61: {  	[sflag:s26] =	ssyncadd.s32 $0xFFFFE000;
	s2 =	smov.u32 s15;
	s20 =	sadd.s32 $0x200, s15  }
0x62: {  	[tilespmem:s29], [sflag:$0x1] =	stream.indirect.gather [hbm4b:s23+s30], $0x40, s16, s30, $0xb8;
	[tilespmem:$0x15D00] =	vst v63  }
0x63: {  	p1 =	sne.s32 s15, $0x13800;
	_ =	swait.ge [sflag:s31], $0x2000  }
.Ltmp3:
0x64: {  	[sflag:s31] =	ssyncset.done $0x0;
	(pc) =	sbr.rel @p1 .LBB2_6-.Ltmp3, $4  }
0x65: {  	s15 =	sadd.s32 $0x4E80, s16;
	[sflag:s31] =	ssyncadd.s32 $0xFFFFE000  }
0x66: {  	[spmem:s3] =	stream.indirect.scatter.add.bf16 [tilespmem:s29], [sflag:$0x2], $0x40, s15, s30, $0xb8;
	[tilespmem:$0x15D00] =	vst v63  }
0x67: {  	_ =	swait.ge [sflag:s26], $0x2000  }
0x68: {  	s15 =	smov.u32 s20;
	[sflag:s26] =	ssyncset.done $0x0  }
.Ltmp4:
0x69: {  	_ = 	snop;
	(pc) =	sbr.rel .LBB2_7-.Ltmp4, $1  }
0x6a: {  	_ =	sdelay $0x3  }
.LBB2_2:
0x6b: {  	[tilespmem:s29], [sflag:$0x1] =	stream.indirect.gather [hbm4b:s1+s30], $0x40, s2, s30, $0xb8;
	[tilespmem:$0x15D00] =	vst v63  }
0x6c: {  	_ =	swait.ge [sflag:s31], $0x2000  }
0x6d: {  	[sflag:s31] =	ssyncset.done $0x0  }
0x6e: {  	s20 =	simm.s32 $0x4E80;
	[sflag:s31] =	ssyncadd.s32 $0xFFFFE000  }
0x6f: {  	[spmem:s3] =	stream.indirect.scatter.add.bf16 [tilespmem:s29], [sflag:$0x2], $0x40, s20, s30, $0xb8;
	[tilespmem:$0x15D00] =	vst v63  }
0x70: {  	_ =	swait.ge [sflag:s26], $0x2000  }
0x71: {  	s2 =	simm.s32 $0x200;
	s15 =	simm.s32 $0x400;
	[sflag:s26] =	ssyncset.done $0x0  }
.LBB2_3:
0x72: {  	s16 =	sshra.s32 s2, $0x2  }
0x73: {  	[sflag:s26] =	ssyncadd.s32 $0xFFFFE000;
	s2 =	smov.u32 s15;
	s20 =	sadd.s32 $0x200, s15  }
0x74: {  	[tilespmem:s29], [sflag:$0x1] =	stream.indirect.gather [hbm4b:s1+s30], $0x40, s16, s30, $0xb8;
	[tilespmem:$0x15D00] =	vst v63  }
0x75: {  	p1 =	sne.s32 s15, $0x13800;
	_ =	swait.ge [sflag:s31], $0x2000  }
.Ltmp5:
0x76: {  	[sflag:s31] =	ssyncset.done $0x0;
	(pc) =	sbr.rel @p1 .LBB2_3-.Ltmp5, $4  }
0x77: {  	s15 =	sadd.s32 $0x4E80, s16;
	[sflag:s31] =	ssyncadd.s32 $0xFFFFE000  }
0x78: {  	[spmem:s3] =	stream.indirect.scatter.add.bf16 [tilespmem:s29], [sflag:$0x2], $0x40, s15, s30, $0xb8;
	[tilespmem:$0x15D00] =	vst v63  }
0x79: {  	_ =	swait.ge [sflag:s26], $0x2000  }
0x7a: {  	s15 =	smov.u32 s20;
	[sflag:s26] =	ssyncset.done $0x0  }
0x7b: {  	s2 =	sshra.s32 s2, $0x2;
	[sflag:s26] =	ssyncadd.s32 $0xFFFFE000  }
0x7c: {  	[tilespmem:s29], [sflag:$0x1] =	stream.indirect.gather [hbm4b:s1+s30], $0x40, s2, s30, $0xb8;
	[tilespmem:$0x15D00] =	vst v63  }
0x7d: {  	_ =	swait.ge [sflag:s31], $0x2000  }
0x7e: {  	[sflag:s31] =	ssyncset.done $0x0  }
0x7f: {  	s2 =	sadd.s32 $0x4E80, s2;
	[sflag:s31] =	ssyncadd.s32 $0xFFFFE000  }
0x80: {  	[spmem:s3] =	stream.indirect.scatter.add.bf16 [tilespmem:s29], [sflag:$0x2], $0x40, s2, s30, $0xb8;
	[tilespmem:$0x15D00] =	vst v63  }
0x81: {  	_ =	swait.ge [sflag:s26], $0x2000  }
0x82: {  	[sflag:s26] =	ssyncset.done $0x0  }
0x83: {  	s15 =	stileid.u32;
	[sflag:s26] =	ssyncadd.s32 $0xFFFFE000  }
0x84: {  	s2 =	sshll.u32 s15, $0x6;
	[bflag:$0x0] =	sbarrier.arrive $0xFFFF  }
0x85: {  	s15 =	sshrl.u32 s8, $0x3;
	s2 =	sor.u32 $0x1C02, s2;
	s16 =	rddreg [dreg:$0x4]  }
0x86: {  	[hbm:s16], [sflag:s2] =	dma.local [spmem:s15], $0x400  }
0x87: {  	_ =	swait.ge [sflag:s26], $0x400  }
0x88: {  	[sflag:s26] =	ssyncset.done $0x0  }
0x89: {  	s16 =	sshrl.u32 s9, $0x3;
	s20 =	rddreg [dreg:$0x5];
	[sflag:s26] =	ssyncadd.s32 $0xFFFFFC00  }
0x8a: {  	[hbm:s20], [sflag:s2] =	dma.local [spmem:s16], $0x400  }
0x8b: {  	_ =	swait.ge [sflag:s26], $0x400  }
0x8c: {  	[sflag:s26] =	ssyncset.done $0x0  }
0x8d: {  	s16 =	sshrl.u32 s10, $0x3;
	s20 =	rddreg [dreg:$0x6];
	[sflag:s26] =	ssyncadd.s32 $0xFFFFFC00  }
0x8e: {  	[hbm:s20], [sflag:s2] =	dma.local [spmem:s16], $0x400  }
0x8f: {  	_ =	swait.ge [sflag:s26], $0x400  }
0x90: {  	[sflag:s26] =	ssyncset.done $0x0  }
.Ltmp6:
0x91: {  	s20 =	sshrl.u32 s11, $0x3;
	[sflag:s26] =	ssyncadd.s32 $0xFFFFFC00;
	(pc) =	sbr.rel .LBB2_8-.Ltmp6, $4  }
0x92: {  	[hbm:s21], [sflag:s2] =	dma.local [spmem:s20], $0x400  }
0x93: {  	_ =	swait.ge [sflag:s26], $0x400  }
0x94: {  	[sflag:s26] =	ssyncset.done $0x0  }
0x95: {  	s15 =	smov.u32 s22;
	[sflag:s26] =	ssyncadd.s32 $0xFFFFFC00  }
.LBB2_9:
0x96: {  	_ =	sfence.sel $0x180000  }
0x97: {  	[bflag:$0x0] =	sbarrier.arrive $0xFFFF  }
0x98: {  	_ =	strace $0x9000004D  }
0x99: {  	s0 =	stileid.u32;
	[bflag:$0x2] =	sbarrier.arrive $0xFFFF  }
0x9a: {  	p0 =	sne.s32 s0, $0x0;
	s0 =	rddreg [dreg:$0x3]  }
0x9b: {  	s0 =	sadd.s32 @!p0 $0x100000, s0  }
0x9c: {  	[sflag:s0] =	ssyncadd.tile.s32 @!p0 $0x1;
	_ =	shalt  }
.Lfunc_end2:
_tile_overlayer_lowered:
.L_overlay_start_2:
0x9d: {  	(tag) =	ssettag $0x2  }
0x9e: {  	s0 =	rddreg [dreg:$0x0];
	s2 =	stileid.u32  }
0x9f: {  	s1 =	rddreg [dreg:$0x1];
	p0 =	sne.s32 s2, $0x0  }
0xa0: {  	s3 =	rddreg [dreg:$0x2];
	[bflag:$0x3] =	sbarrier.arrive $0xFFFF;
	s2 =	simm.s32 @!p0 $0x1C02  }
0xa1: {  	[timem:s3], [sflag:s2] =	dma.local @!p0 [hbm:s0], s1  }
0xa2: {  	s0 =	simm.s32 @!p0 $0x2  }
0xa3: {  	_ =	swait.ge @!p0 [sflag:s0], s1  }
0xa4: {  	s1 =	ssub.s32 @!p0 $0x0, s1;
	[sflag:s0] =	ssyncset.done @!p0 $0x0  }
0xa5: {  	[sflag:s0] =	ssyncadd.s32 @!p0 s1  }
0xa6: {  	[bflag:$0x3] =	sbarrier.arrive $0xFFFF  }
0xa7: {  	_ =	shalt  }

// kernel: kernel.21.cloned.1.call-start
scs
__scs_entry_jumppad:
0x0: {  	(pc) =	sbr.rel $0x88, $3  }
0x1: {  	(tag) =	ssettag $0x0;
	lr =	simm.s32 $0x1  }
0x2: {  	[smem:$0x3F9B] =	sst lr;
	_ =	strace $0xD0000000  }
0x3: {  	_ = 	snop  }
0x4: {  	_ = 	snop  }
0x5: {  	_ = 	snop  }
0x6: {  	_ = 	snop  }
0x7: {  	_ = 	snop  }
__scs_overlays_trampoline_lowered:
0x8: {  	[smem:$0x3FAA] =	sst s0  }
0x9: {  	[smem:$0x3FAB] =	sst s1  }
0xa: {  	[smem:$0x3FAC] =	sst s2  }
0xb: {  	[smem:$0x3FAD] =	sst s3  }
0xc: {  	[smem:$0x3FAE] =	sst s4  }
0xd: {  	[smem:$0x3FAF] =	sst s5  }
0xe: {  	[smem:$0x3FB0] =	sst s6  }
0xf: {  	[smem:$0x3FB1] =	sst s7  }
0x10: {  	[smem:$0x3FB2] =	sst s8  }
0x11: {  	[smem:$0x3FB3] =	sst s9;
	s0 =	simm.s32 @!p0 $0x0  }
0x12: {  	s1 =	sld [smem:$0x3F99];
	s0 =	simm.s32 @p0 $0x1  }
0x13: {  	[smem:$0x3FB4] =	sst s0;
	s0 =	simm.s32 @!p1 $0x0  }
0x14: {  	s2 =	sld [smem:$0x3F98];
	s0 =	simm.s32 @p1 $0x1  }
0x15: {  	[smem:$0x3FB5] =	sst s0;
	s0 =	simm.s32 @!p2 $0x0  }
0x16: {  	s3 =	sld [smem:$0x3FDB];
	s0 =	simm.s32 @p2 $0x1  }
0x17: {  	s4 =	simm.s32 $0x1BF5;
	[smem:$0x3FB7] =	sst s0  }
0x18: {  	s0 =	sld [smem:$0x3F9A];
	_ =	swait.ge [sflag:s4], $0x0  }
0x19: {  	s7 =	sld [smem:$0x3F9B]  }
0x1a: {  	s8 =	sadd.s32 $0xFFFFE003, lr  }
0x1b: {  	s9 =	sadd.s32 $0xFFFFFEF7, lr;
	s5 =	simm.s32 $0xFFFFFFFF;
	p2 =	slt.u32 s8, $0xFFFFF086  }
0x1c: {  	p1 =	slt.u32 s9, $0xF7A;
	s5 =	simm.s32 @!p2 $0x0  }
0x1d: {  	s5 =	simm.s32 @p1 $0x1;
	p0 =	seq.s32 s7, s2  }
0x1e: {  	s7 =	smul.u32 @!p0 $0xF7A, s2;
	p2 =	seq.s32 @!p0 s5, $0x0  }
0x1f: {  	s9 =	smul.u32 $0xF7A, s1;
	s8 =	simm.s32 @!p0 $0x1BF5;
	p2 =	por !p2, p0  }
0x20: {  	[sflag:s8] =	ssyncset.s32 @!p0 $0xFFFFF086;
	s6 =	sadd.s32 @!p0 s3, s7;
	s7 =	simm.s32 @!p0 $0x108  }
0x21: {  	s3 =	sadd.s32 s3, s9;
	s6 =	sadd.s32 @!p0 $0x88, s6;
	s7 =	simm.s32 @p2 $0x1082  }
0x22: {  	[simem:s7], [sflag:s8] =	dma.local @!p0 [hbm:s6], $0xF7A  }
0x23: {  	s9 =	sor.u32 $0xD0000000, s2;
	s6 =	simm.s32 $0x108;
	_ =	swait.ge @!p0 [sflag:s8], $0x0  }
0x24: {  	s3 =	sadd.s32 $0x88, s3;
	s6 =	simm.s32 @!p1 $0x1082;
	[sflag:s4] =	ssyncset.s32 $0xFFFFF086  }
0x25: {  	[simem:s6], [sflag:s4] =	dma.local [hbm:s3], $0xF7A  }
0x26: {  	[smem:$0x3F9B] =	sst s1;
	(tag) =	ssettag s2;
	_ =	strace s9  }
0x27: {  	s1 =	sld [smem:$0x3FAB]  }
0x28: {  	s2 =	sld [smem:$0x3FAC]  }
0x29: {  	s4 =	sld [smem:$0x3FAE]  }
0x2a: {  	p0 =	seq.s32 s5, $0x0;
	s5 =	sld [smem:$0x3FAF]  }
0x2b: {  	s6 =	sld [smem:$0x3FB0]  }
0x2c: {  	s7 =	sld [smem:$0x3FB1]  }
0x2d: {  	s3 =	simm.s32 $0x108;
	s8 =	sld [smem:$0x3FB2]  }
0x2e: {  	s3 =	simm.s32 @!p0 $0x1082;
	s9 =	sld [smem:$0x3FB3]  }
0x2f: {  	lr =	sadd.s32 s0, s3;
	s0 =	sld [smem:$0x3FAA]  }
0x30: {  	s3 =	sld [smem:$0x3FAD]  }
0x31: {  	[smem:$0x3FB6] =	sst s10  }
0x32: {  	s10 =	sld [smem:$0x3FB4];
	_ =	sdelay $0x3  }
0x33: {  	p0 =	seq.s32 s10, $0x1;
	s10 =	sld [smem:$0x3FB6];
	_ =	sdelay $0x3  }
0x34: {  	[smem:$0x3FB6] =	sst s10  }
0x35: {  	s10 =	sld [smem:$0x3FB5];
	_ =	sdelay $0x3  }
0x36: {  	p1 =	seq.s32 s10, $0x1;
	s10 =	sld [smem:$0x3FB6];
	_ =	sdelay $0x3  }
0x37: {  	[smem:$0x3FB6] =	sst s10  }
0x38: {  	s10 =	sld [smem:$0x3FB7]  }
0x39: {  	_ = 	snop;
	(pc) =	sbr.ind lr, $3  }
0x3a: {  	_ = 	snop  }
0x3b: {  	_ = 	snop  }
0x3c: {  	p2 =	seq.s32 s10, $0x1;
	s10 =	sld [smem:$0x3FB6]  }
0x3d: {  	_ =	shalt  }
0x3e: {  	_ =	shalt  }
0x3f: {  	_ =	shalt  }
0x40: {  	_ =	shalt  }
0x41: {  	_ =	shalt  }
0x42: {  	_ =	shalt  }
0x43: {  	_ =	shalt  }
0x44: {  	_ =	shalt  }
0x45: {  	_ =	shalt  }
0x46: {  	_ =	shalt  }
0x47: {  	_ =	shalt  }
0x48: {  	_ =	shalt  }
0x49: {  	_ =	shalt  }
0x4a: {  	_ =	shalt  }
0x4b: {  	_ =	shalt  }
0x4c: {  	_ =	shalt  }
0x4d: {  	_ =	shalt  }
0x4e: {  	_ =	shalt  }
0x4f: {  	_ =	shalt  }
0x50: {  	_ =	shalt  }
0x51: {  	_ =	shalt  }
0x52: {  	_ =	shalt  }
0x53: {  	_ =	shalt  }
0x54: {  	_ =	shalt  }
0x55: {  	_ =	shalt  }
0x56: {  	_ =	shalt  }
0x57: {  	_ =	shalt  }
0x58: {  	_ =	shalt  }
0x59: {  	_ =	shalt  }
0x5a: {  	_ =	shalt  }
0x5b: {  	_ =	shalt  }
0x5c: {  	_ =	shalt  }
0x5d: {  	_ =	shalt  }
0x5e: {  	_ =	shalt  }
0x5f: {  	_ =	shalt  }
0x60: {  	_ =	shalt  }
0x61: {  	_ =	shalt  }
0x62: {  	_ =	shalt  }
0x63: {  	_ =	shalt  }
0x64: {  	_ =	shalt  }
0x65: {  	_ =	shalt  }
0x66: {  	_ =	shalt  }
0x67: {  	_ =	shalt  }
0x68: {  	_ =	shalt  }
0x69: {  	_ =	shalt  }
0x6a: {  	_ =	shalt  }
0x6b: {  	_ =	shalt  }
0x6c: {  	_ =	shalt  }
0x6d: {  	_ =	shalt  }
0x6e: {  	_ =	shalt  }
0x6f: {  	_ =	shalt  }
0x70: {  	_ =	shalt  }
0x71: {  	_ =	shalt  }
0x72: {  	_ =	shalt  }
0x73: {  	_ =	shalt  }
0x74: {  	_ =	shalt  }
0x75: {  	_ =	shalt  }
0x76: {  	_ =	shalt  }
0x77: {  	_ =	shalt  }
0x78: {  	_ =	shalt  }
0x79: {  	_ =	shalt  }
0x7a: {  	_ =	shalt  }
0x7b: {  	_ =	shalt  }
0x7c: {  	_ =	shalt  }
0x7d: {  	_ =	shalt  }
0x7e: {  	_ =	shalt  }
0x7f: {  	_ =	shalt  }
0x80: {  	_ =	shalt  }
0x81: {  	_ =	shalt  }
0x82: {  	_ =	shalt  }
0x83: {  	_ =	shalt  }
0x84: {  	_ =	shalt  }
0x85: {  	_ =	shalt  }
0x86: {  	_ =	shalt  }
0x87: {  	_ =	shalt  }
.Lfunc_end0:
.L_simem_size_0:
called_computation.3_lowered:
.L_overlay_start_0:
0x88: {  	s2 =	sld [smem:$0x3FD9]  }
0x89: {  	s3 =	sld [smem:$0x3FFE];
	_ =	sdelay $0x1  }
0x8a: {  	s1 =	srdreg.scid  }
0x8b: {  	s0 =	sand.u32 $0x1, s1  }
0x8c: {  	s17 =	sshll.u32 s0, $0xA;
	s2 =	sadd.s32 s3, s2  }
0x8d: {  	s2 =	sadd.s32 s2, s17  }
0x8e: {  	[smem:$0x3FC2] =	sst s2  }
0x8f: {  	_ = 	snop  }
0x90: {  	s2 =	sld [smem:$0x3FD0];
	(tm) =	ssettm $0x1  }
0x91: {  	s18 =	sld [smem:$0x3FFB];
	_ =	sdelay $0x3  }
0x92: {  	_ =	strace s18  }
0x93: {  	s3 =	sld [smem:$0x3FFC];
	_ =	sdelay $0x3  }
0x94: {  	_ =	strace s3  }
0x95: {  	s3 =	sld [smem:$0x3FFD];
	_ =	sdelay $0x3  }
0x96: {  	_ =	strace s3  }
0x97: {  	_ =	strace $0x8FFFFFFF  }
0x98: {  	s19 =	sld [smem:$0x3FDB];
	_ =	sdelay $0x1  }
0x99: {  	s4 =	simm.s32 $_scs_section_size  }
0x9a: {  	s5 =	simm.s32 $_size__tile_overlayer_lowered;
	s6 =	simm.s32 $_tile_overlayer_lowered  }
0x9b: {  	s22 =	simm.s32 $0x1BFF;
	s21 =	sshll.u32 s6, $0x1;
	s3 =	sadd.s32 s4, s19  }
0x9c: {  	s7 =	simm.s32 $0x0;
	s20 =	sshll.u32 s5, $0x1;
	s5 =	sadd.s32 s21, s3  }
0x9d: {  	[timem:s7], [sflag:s22] =	dma.local [hbm:s5], s20  }
0x9e: {  	_ =	swait.ge [sflag:s22], s20  }
0x9f: {  	s4 =	ssub.s32 $0x0, s20;
	[sflag:s22] =	ssyncset.done $0x0  }
0xa0: {  	[sflag:s22] =	ssyncadd.s32 s4;
	_ =	sdelay $0x1  }
0xa1: {  	s23 =	simm.s32 $0x1B8B  }
0xa2: {  	_ =	swait.ge [sflag:s23], $0x1  }
0xa3: {  	[sflag:s23] =	ssyncset.done $0x0  }
0xa4: {  	s25 =	simm.s32 $0x1B8E;
	s24 =	sld [smem:$0x3FFE];
	[sflag:s23] =	ssyncadd.s32 $0xFFFFFFFF  }
0xa5: {  	s26 =	simm.s32 $execute0_lowered;
	[smem:$0x3FD2] =	sst s25  }
0xa6: {  	s5 =	sshll.u32 s26, $0x1;
	_ =	strace $0x8000004F;
	[dreg:$0x1] =	wrdreg $0xFFFFFFFF  }
0xa7: {  	s28 =	simm.s32 $_size_execute0_lowered;
	s3 =	sadd.s32 s3, s5;
	[dreg:$0x0] =	wrdreg $0x0  }
0xa8: {  	s5 =	sshll.u32 s28, $0x1;
	[dreg:$0x2] =	wrdreg s3  }
0xa9: {  	[dreg:$0x3] =	wrdreg s5  }
0xaa: {  	[dreg:$0x4] =	wrdreg $0xC0  }
0xab: {  	_ =	task [dreg:s7], $0x5FFFF  }
0xac: {  	[dreg:$0x1] =	wrdreg $0xFFFFFFFF  }
0xad: {  	[dreg:$0x0] =	wrdreg $0x60  }
0xae: {  	[dreg:$0x2] =	wrdreg s2  }
0xaf: {  	[dreg:$0x3] =	wrdreg s24  }
0xb0: {  	[dreg:$0x4] =	wrdreg $0xBD000  }
0xb1: {  	[dreg:$0x5] =	wrdreg $0x9  }
0xb2: {  	_ =	task.clear_ibuf [dreg:s7], $0x6FFFF;
	_ =	strace $0x9000004F  }
0xb3: {  	s29 =	simm.s32 $0x9;
	_ =	strace $0x80000051  }
0xb4: {  	_ =	swait.ge [sflag:s29], $0x1  }
0xb5: {  	[sflag:s29] =	ssyncadd.s32 $0xFFFFFFFF  }
0xb6: {  	_ =	strace $0x90000051  }
0xb7: {  	_ =	sfence  }
0xb8: {  	s30 =	sld [smem:$0x0];
	_ =	sdelay $0x2  }
0xb9: {  	s31 =	sshll.u32 s1, $0xD;
	s1 =	sshrl.u32 s1, $0x2  }
0xba: {  	s3 =	sand.u32 $0x4000, s31;
	s1 =	sadd.s32 s1, s30  }
0xbb: {  	s0 =	sor.u32 s3, s0;
	s1 =	sshll.u32 s1, $0x11  }
0xbc: {  	s0 =	sor.u32 s1, s0  }
0xbd: {  	s0 =	sadd.s32 $0x8F2B, s0  }
0xbe: {  	[sflag:s0] =	ssyncadd.remote.s32 $0x1  }
0xbf: {  	_ =	sfence.sel $0xFFFF  }
0xc0: {  	[dreg:$0x0] =	wrdreg $0xFFFFFFFF;
	(pc) =	sbr.abs _section_cstart, $3  }
0xc1: {  	[dreg:$0x1] =	wrdreg $0xFFFFFFFF  }
0xc2: {  	_ =	task.clear_ibuf [dreg:s7], $0x2FFFF;
	_ =	strace $0x9FFFFFFF  }
0xc3: {  	(tm) =	ssettm $0x7FFFFFFF  }
tec
execute0_lowered:
.L_overlay_start_1:
0x0: {  	(tag) =	ssettag $0x1  }
0x1: {  	s1 =	rddreg [dreg:$0x0]  }
0x2: {  	s0 =	rddreg [dreg:$0x1]  }
0x3: {  	s3 =	rddreg [dreg:$0x2]  }
0x4: {  	s4 =	simm.s32 $0x0;
	s9 =	stileid.u32;
	s2 =	srdreg.scid  }
0x5: {  	s28 =	simm.s32 $0x4E80;
	s29 =	simm.s32 $0x9D00;
	s30 =	simm.s32 $0x80  }
0x6: {  	s31 =	simm.s32 $0x1;
	[smem:$0x7FF] =	sst s4;
	s5 =	smul.u32 $0x9D0, s9  }
0x7: {  	s2 =	sand.u32 $0x1, s2;
	s13 =	smul.u32 $0x14000, s9;
	s15 =	sadd.s32 $0xB8C00, s0  }
0x8: {  	_ =	strace $0x80000050;
	s6 =	ssub.s32 $0x2, s2;
	p0 =	seq.s32 s2, $0x1  }
0x9: {  	s7 =	sadd.s32 s5, s0;
	s8 =	sshrl.u32 s6, $0x1;
	s5 =	sadd.s32 $0x4C00, s0  }
0xa: {  	s21 =	sshrl.u32 s13, $0x1;
	s14 =	sadd.s32 $0x4000, s13;
	s17 =	sadd.s32 $0x8000, s13  }
0xb: {  	s18 =	sadd.s32 $0xC000, s13;
	s19 =	sadd.s32 $0x10000, s13;
	s13 =	sshrl.u32 s13, $0x4  }
0xc: {  	s25 =	ssub.s32 s6, s8;
	s6 =	sadd.s32 $0x5000, s7;
	s7 =	sadd.s32 $0xEE00, s7  }
0xd: {  	s8 =	sadd.s32 s21, s3;
	s22 =	sshrl.u32 s14, $0x1;
	s10 =	sshrl.u32 s17, $0x1  }
0xe: {  	s11 =	sshrl.u32 s18, $0x1;
	s12 =	sshrl.u32 s19, $0x1;
	s14 =	sshrl.u32 s14, $0x4  }
0xf: {  	s23 =	sadd.s32 s15, s13;
	s17 =	sshrl.u32 s17, $0x4;
	s18 =	sshrl.u32 s18, $0x4  }
0x10: {  	s19 =	sshrl.u32 s19, $0x4;
	s9 =	sadd.s32 s22, s3;
	s10 =	sadd.s32 s10, s3  }
.Ltmp0:
0x11: {  	s11 =	sadd.s32 s11, s3;
	s12 =	sadd.s32 s12, s3;
	(pc) =	sbr.rel .LBB2_1-.Ltmp0, $4  }
0x12: {  	[dreg:$0x4] =	wrdreg s23;
	s24 =	sadd.s32 s15, s14;
	s26 =	sadd.s32 s15, s17  }
0x13: {  	s21 =	sadd.s32 s15, s18;
	s22 =	sadd.s32 s15, s19;
	[dreg:$0x5] =	wrdreg s24  }
0x14: {  	s23 =	sadd.s32 $0x14000, s1;
	s25 =	smax.u32 s25, $0x1;
	[dreg:$0x6] =	wrdreg s26  }
0x15: {  	s24 =	sadd.s32 $0xCCC00, s0;
	s26 =	simm.s32 $0x2;
	s0 =	simm.s32 $0x0  }
.LBB2_7:
0x16: {  	s2 =	sshra.s32 s2, $0x2;
	[sflag:s26] =	ssyncadd.s32 $0xFFFFE000  }
0x17: {  	[tilespmem:s29], [sflag:$0x1] =	stream.indirect.gather [hbm4b:s23+s30], $0x40, s2, s30, $0xb8;
	[tilespmem:$0x15D00] =	vst v63  }
0x18: {  	_ =	swait.ge [sflag:s31], $0x2000  }
0x19: {  	[sflag:s31] =	ssyncset.done $0x0  }
0x1a: {  	s2 =	sadd.s32 $0x4E80, s2;
	[sflag:s31] =	ssyncadd.s32 $0xFFFFE000  }
0x1b: {  	[spmem:s3] =	stream.indirect.scatter.add.bf16 [tilespmem:s29], [sflag:$0x2], $0x40, s2, s30, $0xb8;
	[tilespmem:$0x15D00] =	vst v63  }
0x1c: {  	_ =	swait.ge [sflag:s26], $0x2000  }
0x1d: {  	s15 =	stileid.u32;
	[sflag:s26] =	ssyncset.done $0x0  }
0x1e: {  	s16 =	sshrl.u32 s8, $0x3;
	s2 =	sshll.u32 s15, $0x6;
	[sflag:s26] =	ssyncadd.s32 $0xFFFFE000  }
0x1f: {  	s15 =	sadd.s32 s13, s24;
	s2 =	sor.u32 $0x1C02, s2;
	[bflag:$0x0] =	sbarrier.arrive $0xFFFF  }
0x20: {  	[hbm:s15], [sflag:s2] =	dma.local [spmem:s16], $0x400  }
0x21: {  	_ =	swait.ge [sflag:s26], $0x400  }
0x22: {  	[sflag:s26] =	ssyncset.done $0x0  }
0x23: {  	s20 =	sshrl.u32 s9, $0x3;
	s16 =	sadd.s32 s14, s24;
	[sflag:s26] =	ssyncadd.s32 $0xFFFFFC00  }
0x24: {  	[hbm:s16], [sflag:s2] =	dma.local [spmem:s20], $0x400  }
0x25: {  	_ =	swait.ge [sflag:s26], $0x400  }
0x26: {  	[sflag:s26] =	ssyncset.done $0x0  }
0x27: {  	s16 =	sadd.s32 s17, s24;
	s20 =	sshrl.u32 s10, $0x3;
	[sflag:s26] =	ssyncadd.s32 $0xFFFFFC00  }
0x28: {  	[hbm:s16], [sflag:s2] =	dma.local [spmem:s20], $0x400  }
0x29: {  	_ =	swait.ge [sflag:s26], $0x400  }
0x2a: {  	[sflag:s26] =	ssyncset.done $0x0  }
0x2b: {  	s16 =	sadd.s32 s18, s24;
	s20 =	sshrl.u32 s11, $0x3;
	[sflag:s26] =	ssyncadd.s32 $0xFFFFFC00  }
0x2c: {  	[hbm:s16], [sflag:s2] =	dma.local [spmem:s20], $0x400  }
0x2d: {  	_ =	swait.ge [sflag:s26], $0x400  }
0x2e: {  	[sflag:s26] =	ssyncset.done $0x0  }
0x2f: {  	s15 =	sadd.s32 s19, s24;
	[sflag:s26] =	ssyncadd.s32 $0xFFFFFC00  }
.LBB2_8:
0x30: {  	s0 =	sadd.s32 $0x1, s0  }
0x31: {  	p1 =	sne.s32 s0, s25  }
.Ltmp1:
0x32: {  	s16 =	sshrl.u32 s12, $0x3;
	(pc) =	sbr.rel @!p1 .LBB2_9-.Ltmp1, $4  }
0x33: {  	[hbm:s15], [sflag:s2] =	dma.local [spmem:s16], $0x400  }
0x34: {  	_ =	swait.ge [sflag:s26], $0x400  }
0x35: {  	[sflag:s26] =	ssyncset.done $0x0  }
0x36: {  	[sflag:s26] =	ssyncadd.s32 $0xFFFFFC00  }
.LBB2_1:
0x37: {  	[tilespmem:s4], [sflag:$0x2] =	stream.linear.gather [hbm4b:s6+s4], $0x4E80, $0x38;
	[tilespmem:$0x15D00] =	vst v63  }
0x38: {  	_ =	swait.ge [sflag:s26], $0x4E80  }
0x39: {  	[sflag:s26] =	ssyncset.done $0x0  }
0x3a: {  	[sflag:s26] =	ssyncadd.s32 $0xFFFFB180  }
0x3b: {  	[tilespmem:s28], [sflag:$0x2] =	stream.linear.gather [hbm4b:s7+s4], $0x4E80, $0x38;
	[tilespmem:$0x15D00] =	vst v63  }
0x3c: {  	_ =	swait.ge [sflag:s26], $0x4E80  }
0x3d: {  	[sflag:s26] =	ssyncset.done $0x0  }
0x3e: {  	[sflag:s26] =	ssyncadd.s32 $0xFFFFB180  }
0x3f: {  	[tilespmem:s29], [sflag:$0x2] =	stream.linear.gather [hbm4b:s5+s4], $0x2000, $0x38;
	[tilespmem:$0x15D00] =	vst v63  }
0x40: {  	_ =	swait.ge [sflag:s26], $0x2000  }
0x41: {  	[sflag:s26] =	ssyncset.done $0x0  }
0x42: {  	[sflag:s26] =	ssyncadd.s32 $0xFFFFE000  }
0x43: {  	[spmem:s8] =	stream.linear.scatter [tilespmem:s29], [sflag:$0x2], $0x2000, $0x38;
	[tilespmem:$0x15D00] =	vst v63  }
0x44: {  	_ =	swait.ge [sflag:s26], $0x2000  }
0x45: {  	[sflag:s26] =	ssyncset.done $0x0  }
0x46: {  	[sflag:s26] =	ssyncadd.s32 $0xFFFFE000  }
0x47: {  	[spmem:s9] =	stream.linear.scatter [tilespmem:s29], [sflag:$0x2], $0x2000, $0x38;
	[tilespmem:$0x15D00] =	vst v63  }
0x48: {  	_ =	swait.ge [sflag:s26], $0x2000  }
0x49: {  	[sflag:s26] =	ssyncset.done $0x0  }
0x4a: {  	[sflag:s26] =	ssyncadd.s32 $0xFFFFE000  }
0x4b: {  	[spmem:s10] =	stream.linear.scatter [tilespmem:s29], [sflag:$0x2], $0x2000, $0x38;
	[tilespmem:$0x15D00] =	vst v63  }
0x4c: {  	_ =	swait.ge [sflag:s26], $0x2000  }
0x4d: {  	[sflag:s26] =	ssyncset.done $0x0  }
0x4e: {  	[sflag:s26] =	ssyncadd.s32 $0xFFFFE000  }
0x4f: {  	[spmem:s11] =	stream.linear.scatter [tilespmem:s29], [sflag:$0x2], $0x2000, $0x38;
	[tilespmem:$0x15D00] =	vst v63  }
0x50: {  	_ =	swait.ge [sflag:s26], $0x2000  }
0x51: {  	[sflag:s26] =	ssyncset.done $0x0  }
0x52: {  	[sflag:s26] =	ssyncadd.s32 $0xFFFFE000  }
0x53: {  	[spmem:s12] =	stream.linear.scatter [tilespmem:s29], [sflag:$0x2], $0x2000, $0x38;
	[tilespmem:$0x15D00] =	vst v63  }
.Ltmp2:
0x54: {  	_ =	swait.ge [sflag:s26], $0x2000;
	(pc) =	sbr.rel @!p0 .LBB2_2-.Ltmp2, $4  }
0x55: {  	[sflag:s26] =	ssyncset.done $0x0  }
0x56: {  	[sflag:s26] =	ssyncadd.s32 $0xFFFFE000  }
0x57: {  	[bflag:$0x0] =	sbarrier.arrive $0xFFFF  }
0x58: {  	s2 =	simm.s32 $0x0  }
0x59: {  	[tilespmem:s29], [sflag:$0x1] =	stream.indirect.gather [hbm4b:s23+s30], $0x40, s2, s30, $0xb8;
	[tilespmem:$0x15D00] =	vst v63  }
0x5a: {  	_ =	swait.ge [sflag:s31], $0x2000  }
0x5b: {  	[sflag:s31] =	ssyncset.done $0x0  }
0x5c: {  	s20 =	simm.s32 $0x4E80;
	[sflag:s31] =	ssyncadd.s32 $0xFFFFE000  }
0x5d: {  	[spmem:s3] =	stream.indirect.scatter.add.bf16 [tilespmem:s29], [sflag:$0x2], $0x40, s20, s30, $0xb8;
	[tilespmem:$0x15D00] =	vst v63  }
0x5e: {  	_ =	swait.ge [sflag:s26], $0x2000  }
0x5f: {  	s2 =	simm.s32 $0x200;
	s15 =	simm.s32 $0x400;
	[sflag:s26] =	ssyncset.done $0x0  }
.LBB2_6:
0x60: {  	s16 =	sshra.s32 s2, $0x2  }
0x61: {  	[sflag:s26] =	ssyncadd.s32 $0xFFFFE000;
	s2 =	smov.u32 s15;
	s20 =	sadd.s32 $0x200, s15  }
0x62: {  	[tilespmem:s29], [sflag:$0x1] =	stream.indirect.gather [hbm4b:s23+s30], $0x40, s16, s30, $0xb8;
	[tilespmem:$0x15D00] =	vst v63  }
0x63: {  	p1 =	sne.s32 s15, $0x13800;
	_ =	swait.ge [sflag:s31], $0x2000  }
.Ltmp3:
0x64: {  	[sflag:s31] =	ssyncset.done $0x0;
	(pc) =	sbr.rel @p1 .LBB2_6-.Ltmp3, $4  }
0x65: {  	s15 =	sadd.s32 $0x4E80, s16;
	[sflag:s31] =	ssyncadd.s32 $0xFFFFE000  }
0x66: {  	[spmem:s3] =	stream.indirect.scatter.add.bf16 [tilespmem:s29], [sflag:$0x2], $0x40, s15, s30, $0xb8;
	[tilespmem:$0x15D00] =	vst v63  }
0x67: {  	_ =	swait.ge [sflag:s26], $0x2000  }
0x68: {  	s15 =	smov.u32 s20;
	[sflag:s26] =	ssyncset.done $0x0  }
.Ltmp4:
0x69: {  	_ = 	snop;
	(pc) =	sbr.rel .LBB2_7-.Ltmp4, $1  }
0x6a: {  	_ =	sdelay $0x3  }
.LBB2_2:
0x6b: {  	[tilespmem:s29], [sflag:$0x1] =	stream.indirect.gather [hbm4b:s1+s30], $0x40, s2, s30, $0xb8;
	[tilespmem:$0x15D00] =	vst v63  }
0x6c: {  	_ =	swait.ge [sflag:s31], $0x2000  }
0x6d: {  	[sflag:s31] =	ssyncset.done $0x0  }
0x6e: {  	s20 =	simm.s32 $0x4E80;
	[sflag:s31] =	ssyncadd.s32 $0xFFFFE000  }
0x6f: {  	[spmem:s3] =	stream.indirect.scatter.add.bf16 [tilespmem:s29], [sflag:$0x2], $0x40, s20, s30, $0xb8;
	[tilespmem:$0x15D00] =	vst v63  }
0x70: {  	_ =	swait.ge [sflag:s26], $0x2000  }
0x71: {  	s2 =	simm.s32 $0x200;
	s15 =	simm.s32 $0x400;
	[sflag:s26] =	ssyncset.done $0x0  }
.LBB2_3:
0x72: {  	s16 =	sshra.s32 s2, $0x2  }
0x73: {  	[sflag:s26] =	ssyncadd.s32 $0xFFFFE000;
	s2 =	smov.u32 s15;
	s20 =	sadd.s32 $0x200, s15  }
0x74: {  	[tilespmem:s29], [sflag:$0x1] =	stream.indirect.gather [hbm4b:s1+s30], $0x40, s16, s30, $0xb8;
	[tilespmem:$0x15D00] =	vst v63  }
0x75: {  	p1 =	sne.s32 s15, $0x13800;
	_ =	swait.ge [sflag:s31], $0x2000  }
.Ltmp5:
0x76: {  	[sflag:s31] =	ssyncset.done $0x0;
	(pc) =	sbr.rel @p1 .LBB2_3-.Ltmp5, $4  }
0x77: {  	s15 =	sadd.s32 $0x4E80, s16;
	[sflag:s31] =	ssyncadd.s32 $0xFFFFE000  }
0x78: {  	[spmem:s3] =	stream.indirect.scatter.add.bf16 [tilespmem:s29], [sflag:$0x2], $0x40, s15, s30, $0xb8;
	[tilespmem:$0x15D00] =	vst v63  }
0x79: {  	_ =	swait.ge [sflag:s26], $0x2000  }
0x7a: {  	s15 =	smov.u32 s20;
	[sflag:s26] =	ssyncset.done $0x0  }
0x7b: {  	s2 =	sshra.s32 s2, $0x2;
	[sflag:s26] =	ssyncadd.s32 $0xFFFFE000  }
0x7c: {  	[tilespmem:s29], [sflag:$0x1] =	stream.indirect.gather [hbm4b:s1+s30], $0x40, s2, s30, $0xb8;
	[tilespmem:$0x15D00] =	vst v63  }
0x7d: {  	_ =	swait.ge [sflag:s31], $0x2000  }
0x7e: {  	[sflag:s31] =	ssyncset.done $0x0  }
0x7f: {  	s2 =	sadd.s32 $0x4E80, s2;
	[sflag:s31] =	ssyncadd.s32 $0xFFFFE000  }
0x80: {  	[spmem:s3] =	stream.indirect.scatter.add.bf16 [tilespmem:s29], [sflag:$0x2], $0x40, s2, s30, $0xb8;
	[tilespmem:$0x15D00] =	vst v63  }
0x81: {  	_ =	swait.ge [sflag:s26], $0x2000  }
0x82: {  	[sflag:s26] =	ssyncset.done $0x0  }
0x83: {  	s15 =	stileid.u32;
	[sflag:s26] =	ssyncadd.s32 $0xFFFFE000  }
0x84: {  	s2 =	sshll.u32 s15, $0x6;
	[bflag:$0x0] =	sbarrier.arrive $0xFFFF  }
0x85: {  	s15 =	sshrl.u32 s8, $0x3;
	s2 =	sor.u32 $0x1C02, s2;
	s16 =	rddreg [dreg:$0x4]  }
0x86: {  	[hbm:s16], [sflag:s2] =	dma.local [spmem:s15], $0x400  }
0x87: {  	_ =	swait.ge [sflag:s26], $0x400  }
0x88: {  	[sflag:s26] =	ssyncset.done $0x0  }
0x89: {  	s16 =	sshrl.u32 s9, $0x3;
	s20 =	rddreg [dreg:$0x5];
	[sflag:s26] =	ssyncadd.s32 $0xFFFFFC00  }
0x8a: {  	[hbm:s20], [sflag:s2] =	dma.local [spmem:s16], $0x400  }
0x8b: {  	_ =	swait.ge [sflag:s26], $0x400  }
0x8c: {  	[sflag:s26] =	ssyncset.done $0x0  }
0x8d: {  	s16 =	sshrl.u32 s10, $0x3;
	s20 =	rddreg [dreg:$0x6];
	[sflag:s26] =	ssyncadd.s32 $0xFFFFFC00  }
0x8e: {  	[hbm:s20], [sflag:s2] =	dma.local [spmem:s16], $0x400  }
0x8f: {  	_ =	swait.ge [sflag:s26], $0x400  }
0x90: {  	[sflag:s26] =	ssyncset.done $0x0  }
.Ltmp6:
0x91: {  	s20 =	sshrl.u32 s11, $0x3;
	[sflag:s26] =	ssyncadd.s32 $0xFFFFFC00;
	(pc) =	sbr.rel .LBB2_8-.Ltmp6, $4  }
0x92: {  	[hbm:s21], [sflag:s2] =	dma.local [spmem:s20], $0x400  }
0x93: {  	_ =	swait.ge [sflag:s26], $0x400  }
0x94: {  	[sflag:s26] =	ssyncset.done $0x0  }
0x95: {  	s15 =	smov.u32 s22;
	[sflag:s26] =	ssyncadd.s32 $0xFFFFFC00  }
.LBB2_9:
0x96: {  	_ =	sfence.sel $0x180000  }
0x97: {  	[bflag:$0x0] =	sbarrier.arrive $0xFFFF  }
0x98: {  	_ =	strace $0x90000050  }
0x99: {  	s0 =	stileid.u32;
	[bflag:$0x2] =	sbarrier.arrive $0xFFFF  }
0x9a: {  	p0 =	sne.s32 s0, $0x0;
	s0 =	rddreg [dreg:$0x3]  }
0x9b: {  	s0 =	sadd.s32 @!p0 $0x100000, s0  }
0x9c: {  	[sflag:s0] =	ssyncadd.tile.s32 @!p0 $0x1;
	_ =	shalt  }
.Lfunc_end2:
_tile_overlayer_lowered:
.L_overlay_start_2:
0x9d: {  	(tag) =	ssettag $0x2  }
0x9e: {  	s0 =	rddreg [dreg:$0x0];
	s2 =	stileid.u32  }
0x9f: {  	s1 =	rddreg [dreg:$0x1];
	p0 =	sne.s32 s2, $0x0  }
0xa0: {  	s3 =	rddreg [dreg:$0x2];
	[bflag:$0x3] =	sbarrier.arrive $0xFFFF;
	s2 =	simm.s32 @!p0 $0x1C02  }
0xa1: {  	[timem:s3], [sflag:s2] =	dma.local @!p0 [hbm:s0], s1  }
0xa2: {  	s0 =	simm.s32 @!p0 $0x2  }
0xa3: {  	_ =	swait.ge @!p0 [sflag:s0], s1  }
0xa4: {  	s1 =	ssub.s32 @!p0 $0x0, s1;
	[sflag:s0] =	ssyncset.done @!p0 $0x0  }
0xa5: {  	[sflag:s0] =	ssyncadd.s32 @!p0 s1  }
0xa6: {  	[bflag:$0x3] =	sbarrier.arrive $0xFFFF  }
0xa7: {  	_ =	shalt  }

// kernel: kernel.24.cloned.1.call-start
scs
__scs_entry_jumppad:
0x0: {  	(pc) =	sbr.rel $0x88, $3  }
0x1: {  	(tag) =	ssettag $0x0;
	lr =	simm.s32 $0x1  }
0x2: {  	[smem:$0x3F9B] =	sst lr;
	_ =	strace $0xD0000000  }
0x3: {  	_ = 	snop  }
0x4: {  	_ = 	snop  }
0x5: {  	_ = 	snop  }
0x6: {  	_ = 	snop  }
0x7: {  	_ = 	snop  }
__scs_overlays_trampoline_lowered:
0x8: {  	[smem:$0x3FAA] =	sst s0  }
0x9: {  	[smem:$0x3FAB] =	sst s1  }
0xa: {  	[smem:$0x3FAC] =	sst s2  }
0xb: {  	[smem:$0x3FAD] =	sst s3  }
0xc: {  	[smem:$0x3FAE] =	sst s4  }
0xd: {  	[smem:$0x3FAF] =	sst s5  }
0xe: {  	[smem:$0x3FB0] =	sst s6  }
0xf: {  	[smem:$0x3FB1] =	sst s7  }
0x10: {  	[smem:$0x3FB2] =	sst s8  }
0x11: {  	[smem:$0x3FB3] =	sst s9;
	s0 =	simm.s32 @!p0 $0x0  }
0x12: {  	s1 =	sld [smem:$0x3F99];
	s0 =	simm.s32 @p0 $0x1  }
0x13: {  	[smem:$0x3FB4] =	sst s0;
	s0 =	simm.s32 @!p1 $0x0  }
0x14: {  	s2 =	sld [smem:$0x3F98];
	s0 =	simm.s32 @p1 $0x1  }
0x15: {  	[smem:$0x3FB5] =	sst s0;
	s0 =	simm.s32 @!p2 $0x0  }
0x16: {  	s3 =	sld [smem:$0x3FDB];
	s0 =	simm.s32 @p2 $0x1  }
0x17: {  	s4 =	simm.s32 $0x1BF5;
	[smem:$0x3FB7] =	sst s0  }
0x18: {  	s0 =	sld [smem:$0x3F9A];
	_ =	swait.ge [sflag:s4], $0x0  }
0x19: {  	s7 =	sld [smem:$0x3F9B]  }
0x1a: {  	s8 =	sadd.s32 $0xFFFFE003, lr  }
0x1b: {  	s9 =	sadd.s32 $0xFFFFFEF7, lr;
	s5 =	simm.s32 $0xFFFFFFFF;
	p2 =	slt.u32 s8, $0xFFFFF086  }
0x1c: {  	p1 =	slt.u32 s9, $0xF7A;
	s5 =	simm.s32 @!p2 $0x0  }
0x1d: {  	s5 =	simm.s32 @p1 $0x1;
	p0 =	seq.s32 s7, s2  }
0x1e: {  	s7 =	smul.u32 @!p0 $0xF7A, s2;
	p2 =	seq.s32 @!p0 s5, $0x0  }
0x1f: {  	s9 =	smul.u32 $0xF7A, s1;
	s8 =	simm.s32 @!p0 $0x1BF5;
	p2 =	por !p2, p0  }
0x20: {  	[sflag:s8] =	ssyncset.s32 @!p0 $0xFFFFF086;
	s6 =	sadd.s32 @!p0 s3, s7;
	s7 =	simm.s32 @!p0 $0x108  }
0x21: {  	s3 =	sadd.s32 s3, s9;
	s6 =	sadd.s32 @!p0 $0x88, s6;
	s7 =	simm.s32 @p2 $0x1082  }
0x22: {  	[simem:s7], [sflag:s8] =	dma.local @!p0 [hbm:s6], $0xF7A  }
0x23: {  	s9 =	sor.u32 $0xD0000000, s2;
	s6 =	simm.s32 $0x108;
	_ =	swait.ge @!p0 [sflag:s8], $0x0  }
0x24: {  	s3 =	sadd.s32 $0x88, s3;
	s6 =	simm.s32 @!p1 $0x1082;
	[sflag:s4] =	ssyncset.s32 $0xFFFFF086  }
0x25: {  	[simem:s6], [sflag:s4] =	dma.local [hbm:s3], $0xF7A  }
0x26: {  	[smem:$0x3F9B] =	sst s1;
	(tag) =	ssettag s2;
	_ =	strace s9  }
0x27: {  	s1 =	sld [smem:$0x3FAB]  }
0x28: {  	s2 =	sld [smem:$0x3FAC]  }
0x29: {  	s4 =	sld [smem:$0x3FAE]  }
0x2a: {  	p0 =	seq.s32 s5, $0x0;
	s5 =	sld [smem:$0x3FAF]  }
0x2b: {  	s6 =	sld [smem:$0x3FB0]  }
0x2c: {  	s7 =	sld [smem:$0x3FB1]  }
0x2d: {  	s3 =	simm.s32 $0x108;
	s8 =	sld [smem:$0x3FB2]  }
0x2e: {  	s3 =	simm.s32 @!p0 $0x1082;
	s9 =	sld [smem:$0x3FB3]  }
0x2f: {  	lr =	sadd.s32 s0, s3;
	s0 =	sld [smem:$0x3FAA]  }
0x30: {  	s3 =	sld [smem:$0x3FAD]  }
0x31: {  	[smem:$0x3FB6] =	sst s10  }
0x32: {  	s10 =	sld [smem:$0x3FB4];
	_ =	sdelay $0x3  }
0x33: {  	p0 =	seq.s32 s10, $0x1;
	s10 =	sld [smem:$0x3FB6];
	_ =	sdelay $0x3  }
0x34: {  	[smem:$0x3FB6] =	sst s10  }
0x35: {  	s10 =	sld [smem:$0x3FB5];
	_ =	sdelay $0x3  }
0x36: {  	p1 =	seq.s32 s10, $0x1;
	s10 =	sld [smem:$0x3FB6];
	_ =	sdelay $0x3  }
0x37: {  	[smem:$0x3FB6] =	sst s10  }
0x38: {  	s10 =	sld [smem:$0x3FB7]  }
0x39: {  	_ = 	snop;
	(pc) =	sbr.ind lr, $3  }
0x3a: {  	_ = 	snop  }
0x3b: {  	_ = 	snop  }
0x3c: {  	p2 =	seq.s32 s10, $0x1;
	s10 =	sld [smem:$0x3FB6]  }
0x3d: {  	_ =	shalt  }
0x3e: {  	_ =	shalt  }
0x3f: {  	_ =	shalt  }
0x40: {  	_ =	shalt  }
0x41: {  	_ =	shalt  }
0x42: {  	_ =	shalt  }
0x43: {  	_ =	shalt  }
0x44: {  	_ =	shalt  }
0x45: {  	_ =	shalt  }
0x46: {  	_ =	shalt  }
0x47: {  	_ =	shalt  }
0x48: {  	_ =	shalt  }
0x49: {  	_ =	shalt  }
0x4a: {  	_ =	shalt  }
0x4b: {  	_ =	shalt  }
0x4c: {  	_ =	shalt  }
0x4d: {  	_ =	shalt  }
0x4e: {  	_ =	shalt  }
0x4f: {  	_ =	shalt  }
0x50: {  	_ =	shalt  }
0x51: {  	_ =	shalt  }
0x52: {  	_ =	shalt  }
0x53: {  	_ =	shalt  }
0x54: {  	_ =	shalt  }
0x55: {  	_ =	shalt  }
0x56: {  	_ =	shalt  }
0x57: {  	_ =	shalt  }
0x58: {  	_ =	shalt  }
0x59: {  	_ =	shalt  }
0x5a: {  	_ =	shalt  }
0x5b: {  	_ =	shalt  }
0x5c: {  	_ =	shalt  }
0x5d: {  	_ =	shalt  }
0x5e: {  	_ =	shalt  }
0x5f: {  	_ =	shalt  }
0x60: {  	_ =	shalt  }
0x61: {  	_ =	shalt  }
0x62: {  	_ =	shalt  }
0x63: {  	_ =	shalt  }
0x64: {  	_ =	shalt  }
0x65: {  	_ =	shalt  }
0x66: {  	_ =	shalt  }
0x67: {  	_ =	shalt  }
0x68: {  	_ =	shalt  }
0x69: {  	_ =	shalt  }
0x6a: {  	_ =	shalt  }
0x6b: {  	_ =	shalt  }
0x6c: {  	_ =	shalt  }
0x6d: {  	_ =	shalt  }
0x6e: {  	_ =	shalt  }
0x6f: {  	_ =	shalt  }
0x70: {  	_ =	shalt  }
0x71: {  	_ =	shalt  }
0x72: {  	_ =	shalt  }
0x73: {  	_ =	shalt  }
0x74: {  	_ =	shalt  }
0x75: {  	_ =	shalt  }
0x76: {  	_ =	shalt  }
0x77: {  	_ =	shalt  }
0x78: {  	_ =	shalt  }
0x79: {  	_ =	shalt  }
0x7a: {  	_ =	shalt  }
0x7b: {  	_ =	shalt  }
0x7c: {  	_ =	shalt  }
0x7d: {  	_ =	shalt  }
0x7e: {  	_ =	shalt  }
0x7f: {  	_ =	shalt  }
0x80: {  	_ =	shalt  }
0x81: {  	_ =	shalt  }
0x82: {  	_ =	shalt  }
0x83: {  	_ =	shalt  }
0x84: {  	_ =	shalt  }
0x85: {  	_ =	shalt  }
0x86: {  	_ =	shalt  }
0x87: {  	_ =	shalt  }
.Lfunc_end0:
.L_simem_size_0:
called_computation.4_lowered:
.L_overlay_start_0:
0x88: {  	s2 =	sld [smem:$0x3FD9]  }
0x89: {  	s3 =	sld [smem:$0x3FFE];
	_ =	sdelay $0x1  }
0x8a: {  	s1 =	srdreg.scid  }
0x8b: {  	s0 =	sand.u32 $0x1, s1  }
0x8c: {  	s17 =	sshll.u32 s0, $0xA;
	s2 =	sadd.s32 s3, s2  }
0x8d: {  	s2 =	sadd.s32 s2, s17  }
0x8e: {  	[smem:$0x3FC2] =	sst s2  }
0x8f: {  	_ = 	snop  }
0x90: {  	s2 =	sld [smem:$0x3FD0];
	(tm) =	ssettm $0x1  }
0x91: {  	s18 =	sld [smem:$0x3FFB];
	_ =	sdelay $0x3  }
0x92: {  	_ =	strace s18  }
0x93: {  	s3 =	sld [smem:$0x3FFC];
	_ =	sdelay $0x3  }
0x94: {  	_ =	strace s3  }
0x95: {  	s3 =	sld [smem:$0x3FFD];
	_ =	sdelay $0x3  }
0x96: {  	_ =	strace s3  }
0x97: {  	_ =	strace $0x8FFFFFFF  }
0x98: {  	s19 =	sld [smem:$0x3FDB];
	_ =	sdelay $0x1  }
0x99: {  	s4 =	simm.s32 $_scs_section_size  }
0x9a: {  	s5 =	simm.s32 $_size__tile_overlayer_lowered;
	s6 =	simm.s32 $_tile_overlayer_lowered  }
0x9b: {  	s22 =	simm.s32 $0x1BFF;
	s21 =	sshll.u32 s6, $0x1;
	s3 =	sadd.s32 s4, s19  }
0x9c: {  	s7 =	simm.s32 $0x0;
	s20 =	sshll.u32 s5, $0x1;
	s5 =	sadd.s32 s21, s3  }
0x9d: {  	[timem:s7], [sflag:s22] =	dma.local [hbm:s5], s20  }
0x9e: {  	_ =	swait.ge [sflag:s22], s20  }
0x9f: {  	s4 =	ssub.s32 $0x0, s20;
	[sflag:s22] =	ssyncset.done $0x0  }
0xa0: {  	[sflag:s22] =	ssyncadd.s32 s4;
	_ =	sdelay $0x1  }
0xa1: {  	s23 =	simm.s32 $0x1B8B  }
0xa2: {  	_ =	swait.ge [sflag:s23], $0x1  }
0xa3: {  	[sflag:s23] =	ssyncset.done $0x0  }
0xa4: {  	s25 =	simm.s32 $0x1B8E;
	s24 =	sld [smem:$0x3FFE];
	[sflag:s23] =	ssyncadd.s32 $0xFFFFFFFF  }
0xa5: {  	s26 =	simm.s32 $execute0_lowered;
	[smem:$0x3FD2] =	sst s25  }
0xa6: {  	s5 =	sshll.u32 s26, $0x1;
	_ =	strace $0x80000052;
	[dreg:$0x1] =	wrdreg $0xFFFFFFFF  }
0xa7: {  	s28 =	simm.s32 $_size_execute0_lowered;
	s3 =	sadd.s32 s3, s5;
	[dreg:$0x0] =	wrdreg $0x0  }
0xa8: {  	s5 =	sshll.u32 s28, $0x1;
	[dreg:$0x2] =	wrdreg s3  }
0xa9: {  	[dreg:$0x3] =	wrdreg s5  }
0xaa: {  	[dreg:$0x4] =	wrdreg $0xC0  }
0xab: {  	_ =	task [dreg:s7], $0x5FFFF  }
0xac: {  	[dreg:$0x1] =	wrdreg $0xFFFFFFFF  }
0xad: {  	[dreg:$0x0] =	wrdreg $0x60  }
0xae: {  	[dreg:$0x2] =	wrdreg s2  }
0xaf: {  	[dreg:$0x3] =	wrdreg s24  }
0xb0: {  	[dreg:$0x4] =	wrdreg $0xBD000  }
0xb1: {  	[dreg:$0x5] =	wrdreg $0x9  }
0xb2: {  	_ =	task.clear_ibuf [dreg:s7], $0x6FFFF;
	_ =	strace $0x90000052  }
0xb3: {  	s29 =	simm.s32 $0x9;
	_ =	strace $0x80000054  }
0xb4: {  	_ =	swait.ge [sflag:s29], $0x1  }
0xb5: {  	[sflag:s29] =	ssyncadd.s32 $0xFFFFFFFF  }
0xb6: {  	_ =	strace $0x90000054  }
0xb7: {  	_ =	sfence  }
0xb8: {  	s30 =	sld [smem:$0x0];
	_ =	sdelay $0x2  }
0xb9: {  	s31 =	sshll.u32 s1, $0xD;
	s1 =	sshrl.u32 s1, $0x2  }
0xba: {  	s3 =	sand.u32 $0x4000, s31;
	s1 =	sadd.s32 s1, s30  }
0xbb: {  	s0 =	sor.u32 s3, s0;
	s1 =	sshll.u32 s1, $0x11  }
0xbc: {  	s0 =	sor.u32 s1, s0  }
0xbd: {  	s0 =	sadd.s32 $0x8F2B, s0  }
0xbe: {  	[sflag:s0] =	ssyncadd.remote.s32 $0x1  }
0xbf: {  	_ =	sfence.sel $0xFFFF  }
0xc0: {  	[dreg:$0x0] =	wrdreg $0xFFFFFFFF;
	(pc) =	sbr.abs _section_cstart, $3  }
0xc1: {  	[dreg:$0x1] =	wrdreg $0xFFFFFFFF  }
0xc2: {  	_ =	task.clear_ibuf [dreg:s7], $0x2FFFF;
	_ =	strace $0x9FFFFFFF  }
0xc3: {  	(tm) =	ssettm $0x7FFFFFFF  }
tec
execute0_lowered:
.L_overlay_start_1:
0x0: {  	(tag) =	ssettag $0x1  }
0x1: {  	s1 =	rddreg [dreg:$0x0]  }
0x2: {  	s0 =	rddreg [dreg:$0x1]  }
0x3: {  	s3 =	rddreg [dreg:$0x2]  }
0x4: {  	s4 =	simm.s32 $0x0;
	s9 =	stileid.u32;
	s2 =	srdreg.scid  }
0x5: {  	s28 =	simm.s32 $0x4E80;
	s29 =	simm.s32 $0x9D00;
	s30 =	simm.s32 $0x80  }
0x6: {  	s31 =	simm.s32 $0x1;
	[smem:$0x7FF] =	sst s4;
	s5 =	smul.u32 $0x9D0, s9  }
0x7: {  	s2 =	sand.u32 $0x1, s2;
	s13 =	smul.u32 $0x14000, s9;
	s15 =	sadd.s32 $0x40C00, s0  }
0x8: {  	_ =	strace $0x80000053;
	s6 =	ssub.s32 $0x2, s2;
	p0 =	seq.s32 s2, $0x1  }
0x9: {  	s7 =	sadd.s32 s5, s0;
	s8 =	sshrl.u32 s6, $0x1;
	s5 =	sadd.s32 $0x4C00, s0  }
0xa: {  	s21 =	sshrl.u32 s13, $0x1;
	s14 =	sadd.s32 $0x4000, s13;
	s17 =	sadd.s32 $0x8000, s13  }
0xb: {  	s18 =	sadd.s32 $0xC000, s13;
	s19 =	sadd.s32 $0x10000, s13;
	s13 =	sshrl.u32 s13, $0x4  }
0xc: {  	s25 =	ssub.s32 s6, s8;
	s6 =	sadd.s32 $0x5000, s7;
	s7 =	sadd.s32 $0xEE00, s7  }
0xd: {  	s8 =	sadd.s32 s21, s3;
	s22 =	sshrl.u32 s14, $0x1;
	s10 =	sshrl.u32 s17, $0x1  }
0xe: {  	s11 =	sshrl.u32 s18, $0x1;
	s12 =	sshrl.u32 s19, $0x1;
	s14 =	sshrl.u32 s14, $0x4  }
0xf: {  	s23 =	sadd.s32 s15, s13;
	s17 =	sshrl.u32 s17, $0x4;
	s18 =	sshrl.u32 s18, $0x4  }
0x10: {  	s19 =	sshrl.u32 s19, $0x4;
	s9 =	sadd.s32 s22, s3;
	s10 =	sadd.s32 s10, s3  }
.Ltmp0:
0x11: {  	s11 =	sadd.s32 s11, s3;
	s12 =	sadd.s32 s12, s3;
	(pc) =	sbr.rel .LBB2_1-.Ltmp0, $4  }
0x12: {  	[dreg:$0x4] =	wrdreg s23;
	s24 =	sadd.s32 s15, s14;
	s26 =	sadd.s32 s15, s17  }
0x13: {  	s21 =	sadd.s32 s15, s18;
	s22 =	sadd.s32 s15, s19;
	[dreg:$0x5] =	wrdreg s24  }
0x14: {  	s23 =	sadd.s32 $0x14000, s1;
	s25 =	smax.u32 s25, $0x1;
	[dreg:$0x6] =	wrdreg s26  }
0x15: {  	s24 =	sadd.s32 $0x54C00, s0;
	s26 =	simm.s32 $0x2;
	s0 =	simm.s32 $0x0  }
.LBB2_7:
0x16: {  	s2 =	sshra.s32 s2, $0x2;
	[sflag:s26] =	ssyncadd.s32 $0xFFFFE000  }
0x17: {  	[tilespmem:s29], [sflag:$0x1] =	stream.indirect.gather [hbm4b:s23+s30], $0x40, s2, s30, $0xb8;
	[tilespmem:$0x15D00] =	vst v63  }
0x18: {  	_ =	swait.ge [sflag:s31], $0x2000  }
0x19: {  	[sflag:s31] =	ssyncset.done $0x0  }
0x1a: {  	s2 =	sadd.s32 $0x4E80, s2;
	[sflag:s31] =	ssyncadd.s32 $0xFFFFE000  }
0x1b: {  	[spmem:s3] =	stream.indirect.scatter.add.bf16 [tilespmem:s29], [sflag:$0x2], $0x40, s2, s30, $0xb8;
	[tilespmem:$0x15D00] =	vst v63  }
0x1c: {  	_ =	swait.ge [sflag:s26], $0x2000  }
0x1d: {  	s15 =	stileid.u32;
	[sflag:s26] =	ssyncset.done $0x0  }
0x1e: {  	s16 =	sshrl.u32 s8, $0x3;
	s2 =	sshll.u32 s15, $0x6;
	[sflag:s26] =	ssyncadd.s32 $0xFFFFE000  }
0x1f: {  	s15 =	sadd.s32 s13, s24;
	s2 =	sor.u32 $0x1C02, s2;
	[bflag:$0x0] =	sbarrier.arrive $0xFFFF  }
0x20: {  	[hbm:s15], [sflag:s2] =	dma.local [spmem:s16], $0x400  }
0x21: {  	_ =	swait.ge [sflag:s26], $0x400  }
0x22: {  	[sflag:s26] =	ssyncset.done $0x0  }
0x23: {  	s20 =	sshrl.u32 s9, $0x3;
	s16 =	sadd.s32 s14, s24;
	[sflag:s26] =	ssyncadd.s32 $0xFFFFFC00  }
0x24: {  	[hbm:s16], [sflag:s2] =	dma.local [spmem:s20], $0x400  }
0x25: {  	_ =	swait.ge [sflag:s26], $0x400  }
0x26: {  	[sflag:s26] =	ssyncset.done $0x0  }
0x27: {  	s16 =	sadd.s32 s17, s24;
	s20 =	sshrl.u32 s10, $0x3;
	[sflag:s26] =	ssyncadd.s32 $0xFFFFFC00  }
0x28: {  	[hbm:s16], [sflag:s2] =	dma.local [spmem:s20], $0x400  }
0x29: {  	_ =	swait.ge [sflag:s26], $0x400  }
0x2a: {  	[sflag:s26] =	ssyncset.done $0x0  }
0x2b: {  	s16 =	sadd.s32 s18, s24;
	s20 =	sshrl.u32 s11, $0x3;
	[sflag:s26] =	ssyncadd.s32 $0xFFFFFC00  }
0x2c: {  	[hbm:s16], [sflag:s2] =	dma.local [spmem:s20], $0x400  }
0x2d: {  	_ =	swait.ge [sflag:s26], $0x400  }
0x2e: {  	[sflag:s26] =	ssyncset.done $0x0  }
0x2f: {  	s15 =	sadd.s32 s19, s24;
	[sflag:s26] =	ssyncadd.s32 $0xFFFFFC00  }
.LBB2_8:
0x30: {  	s0 =	sadd.s32 $0x1, s0  }
0x31: {  	p1 =	sne.s32 s0, s25  }
.Ltmp1:
0x32: {  	s16 =	sshrl.u32 s12, $0x3;
	(pc) =	sbr.rel @!p1 .LBB2_9-.Ltmp1, $4  }
0x33: {  	[hbm:s15], [sflag:s2] =	dma.local [spmem:s16], $0x400  }
0x34: {  	_ =	swait.ge [sflag:s26], $0x400  }
0x35: {  	[sflag:s26] =	ssyncset.done $0x0  }
0x36: {  	[sflag:s26] =	ssyncadd.s32 $0xFFFFFC00  }
.LBB2_1:
0x37: {  	[tilespmem:s4], [sflag:$0x2] =	stream.linear.gather [hbm4b:s6+s4], $0x4E80, $0x38;
	[tilespmem:$0x15D00] =	vst v63  }
0x38: {  	_ =	swait.ge [sflag:s26], $0x4E80  }
0x39: {  	[sflag:s26] =	ssyncset.done $0x0  }
0x3a: {  	[sflag:s26] =	ssyncadd.s32 $0xFFFFB180  }
0x3b: {  	[tilespmem:s28], [sflag:$0x2] =	stream.linear.gather [hbm4b:s7+s4], $0x4E80, $0x38;
	[tilespmem:$0x15D00] =	vst v63  }
0x3c: {  	_ =	swait.ge [sflag:s26], $0x4E80  }
0x3d: {  	[sflag:s26] =	ssyncset.done $0x0  }
0x3e: {  	[sflag:s26] =	ssyncadd.s32 $0xFFFFB180  }
0x3f: {  	[tilespmem:s29], [sflag:$0x2] =	stream.linear.gather [hbm4b:s5+s4], $0x2000, $0x38;
	[tilespmem:$0x15D00] =	vst v63  }
0x40: {  	_ =	swait.ge [sflag:s26], $0x2000  }
0x41: {  	[sflag:s26] =	ssyncset.done $0x0  }
0x42: {  	[sflag:s26] =	ssyncadd.s32 $0xFFFFE000  }
0x43: {  	[spmem:s8] =	stream.linear.scatter [tilespmem:s29], [sflag:$0x2], $0x2000, $0x38;
	[tilespmem:$0x15D00] =	vst v63  }
0x44: {  	_ =	swait.ge [sflag:s26], $0x2000  }
0x45: {  	[sflag:s26] =	ssyncset.done $0x0  }
0x46: {  	[sflag:s26] =	ssyncadd.s32 $0xFFFFE000  }
0x47: {  	[spmem:s9] =	stream.linear.scatter [tilespmem:s29], [sflag:$0x2], $0x2000, $0x38;
	[tilespmem:$0x15D00] =	vst v63  }
0x48: {  	_ =	swait.ge [sflag:s26], $0x2000  }
0x49: {  	[sflag:s26] =	ssyncset.done $0x0  }
0x4a: {  	[sflag:s26] =	ssyncadd.s32 $0xFFFFE000  }
0x4b: {  	[spmem:s10] =	stream.linear.scatter [tilespmem:s29], [sflag:$0x2], $0x2000, $0x38;
	[tilespmem:$0x15D00] =	vst v63  }
0x4c: {  	_ =	swait.ge [sflag:s26], $0x2000  }
0x4d: {  	[sflag:s26] =	ssyncset.done $0x0  }
0x4e: {  	[sflag:s26] =	ssyncadd.s32 $0xFFFFE000  }
0x4f: {  	[spmem:s11] =	stream.linear.scatter [tilespmem:s29], [sflag:$0x2], $0x2000, $0x38;
	[tilespmem:$0x15D00] =	vst v63  }
0x50: {  	_ =	swait.ge [sflag:s26], $0x2000  }
0x51: {  	[sflag:s26] =	ssyncset.done $0x0  }
0x52: {  	[sflag:s26] =	ssyncadd.s32 $0xFFFFE000  }
0x53: {  	[spmem:s12] =	stream.linear.scatter [tilespmem:s29], [sflag:$0x2], $0x2000, $0x38;
	[tilespmem:$0x15D00] =	vst v63  }
.Ltmp2:
0x54: {  	_ =	swait.ge [sflag:s26], $0x2000;
	(pc) =	sbr.rel @!p0 .LBB2_2-.Ltmp2, $4  }
0x55: {  	[sflag:s26] =	ssyncset.done $0x0  }
0x56: {  	[sflag:s26] =	ssyncadd.s32 $0xFFFFE000  }
0x57: {  	[bflag:$0x0] =	sbarrier.arrive $0xFFFF  }
0x58: {  	s2 =	simm.s32 $0x0  }
0x59: {  	[tilespmem:s29], [sflag:$0x1] =	stream.indirect.gather [hbm4b:s23+s30], $0x40, s2, s30, $0xb8;
	[tilespmem:$0x15D00] =	vst v63  }
0x5a: {  	_ =	swait.ge [sflag:s31], $0x2000  }
0x5b: {  	[sflag:s31] =	ssyncset.done $0x0  }
0x5c: {  	s20 =	simm.s32 $0x4E80;
	[sflag:s31] =	ssyncadd.s32 $0xFFFFE000  }
0x5d: {  	[spmem:s3] =	stream.indirect.scatter.add.bf16 [tilespmem:s29], [sflag:$0x2], $0x40, s20, s30, $0xb8;
	[tilespmem:$0x15D00] =	vst v63  }
0x5e: {  	_ =	swait.ge [sflag:s26], $0x2000  }
0x5f: {  	s2 =	simm.s32 $0x200;
	s15 =	simm.s32 $0x400;
	[sflag:s26] =	ssyncset.done $0x0  }
.LBB2_6:
0x60: {  	s16 =	sshra.s32 s2, $0x2  }
0x61: {  	[sflag:s26] =	ssyncadd.s32 $0xFFFFE000;
	s2 =	smov.u32 s15;
	s20 =	sadd.s32 $0x200, s15  }
0x62: {  	[tilespmem:s29], [sflag:$0x1] =	stream.indirect.gather [hbm4b:s23+s30], $0x40, s16, s30, $0xb8;
	[tilespmem:$0x15D00] =	vst v63  }
0x63: {  	p1 =	sne.s32 s15, $0x13800;
	_ =	swait.ge [sflag:s31], $0x2000  }
.Ltmp3:
0x64: {  	[sflag:s31] =	ssyncset.done $0x0;
	(pc) =	sbr.rel @p1 .LBB2_6-.Ltmp3, $4  }
0x65: {  	s15 =	sadd.s32 $0x4E80, s16;
	[sflag:s31] =	ssyncadd.s32 $0xFFFFE000  }
0x66: {  	[spmem:s3] =	stream.indirect.scatter.add.bf16 [tilespmem:s29], [sflag:$0x2], $0x40, s15, s30, $0xb8;
	[tilespmem:$0x15D00] =	vst v63  }
0x67: {  	_ =	swait.ge [sflag:s26], $0x2000  }
0x68: {  	s15 =	smov.u32 s20;
	[sflag:s26] =	ssyncset.done $0x0  }
.Ltmp4:
0x69: {  	_ = 	snop;
	(pc) =	sbr.rel .LBB2_7-.Ltmp4, $1  }
0x6a: {  	_ =	sdelay $0x3  }
.LBB2_2:
0x6b: {  	[tilespmem:s29], [sflag:$0x1] =	stream.indirect.gather [hbm4b:s1+s30], $0x40, s2, s30, $0xb8;
	[tilespmem:$0x15D00] =	vst v63  }
0x6c: {  	_ =	swait.ge [sflag:s31], $0x2000  }
0x6d: {  	[sflag:s31] =	ssyncset.done $0x0  }
0x6e: {  	s20 =	simm.s32 $0x4E80;
	[sflag:s31] =	ssyncadd.s32 $0xFFFFE000  }
0x6f: {  	[spmem:s3] =	stream.indirect.scatter.add.bf16 [tilespmem:s29], [sflag:$0x2], $0x40, s20, s30, $0xb8;
	[tilespmem:$0x15D00] =	vst v63  }
0x70: {  	_ =	swait.ge [sflag:s26], $0x2000  }
0x71: {  	s2 =	simm.s32 $0x200;
	s15 =	simm.s32 $0x400;
	[sflag:s26] =	ssyncset.done $0x0  }
.LBB2_3:
0x72: {  	s16 =	sshra.s32 s2, $0x2  }
0x73: {  	[sflag:s26] =	ssyncadd.s32 $0xFFFFE000;
	s2 =	smov.u32 s15;
	s20 =	sadd.s32 $0x200, s15  }
0x74: {  	[tilespmem:s29], [sflag:$0x1] =	stream.indirect.gather [hbm4b:s1+s30], $0x40, s16, s30, $0xb8;
	[tilespmem:$0x15D00] =	vst v63  }
0x75: {  	p1 =	sne.s32 s15, $0x13800;
	_ =	swait.ge [sflag:s31], $0x2000  }
.Ltmp5:
0x76: {  	[sflag:s31] =	ssyncset.done $0x0;
	(pc) =	sbr.rel @p1 .LBB2_3-.Ltmp5, $4  }
0x77: {  	s15 =	sadd.s32 $0x4E80, s16;
	[sflag:s31] =	ssyncadd.s32 $0xFFFFE000  }
0x78: {  	[spmem:s3] =	stream.indirect.scatter.add.bf16 [tilespmem:s29], [sflag:$0x2], $0x40, s15, s30, $0xb8;
	[tilespmem:$0x15D00] =	vst v63  }
0x79: {  	_ =	swait.ge [sflag:s26], $0x2000  }
0x7a: {  	s15 =	smov.u32 s20;
	[sflag:s26] =	ssyncset.done $0x0  }
0x7b: {  	s2 =	sshra.s32 s2, $0x2;
	[sflag:s26] =	ssyncadd.s32 $0xFFFFE000  }
0x7c: {  	[tilespmem:s29], [sflag:$0x1] =	stream.indirect.gather [hbm4b:s1+s30], $0x40, s2, s30, $0xb8;
	[tilespmem:$0x15D00] =	vst v63  }
0x7d: {  	_ =	swait.ge [sflag:s31], $0x2000  }
0x7e: {  	[sflag:s31] =	ssyncset.done $0x0  }
0x7f: {  	s2 =	sadd.s32 $0x4E80, s2;
	[sflag:s31] =	ssyncadd.s32 $0xFFFFE000  }
0x80: {  	[spmem:s3] =	stream.indirect.scatter.add.bf16 [tilespmem:s29], [sflag:$0x2], $0x40, s2, s30, $0xb8;
	[tilespmem:$0x15D00] =	vst v63  }
0x81: {  	_ =	swait.ge [sflag:s26], $0x2000  }
0x82: {  	[sflag:s26] =	ssyncset.done $0x0  }
0x83: {  	s15 =	stileid.u32;
	[sflag:s26] =	ssyncadd.s32 $0xFFFFE000  }
0x84: {  	s2 =	sshll.u32 s15, $0x6;
	[bflag:$0x0] =	sbarrier.arrive $0xFFFF  }
0x85: {  	s15 =	sshrl.u32 s8, $0x3;
	s2 =	sor.u32 $0x1C02, s2;
	s16 =	rddreg [dreg:$0x4]  }
0x86: {  	[hbm:s16], [sflag:s2] =	dma.local [spmem:s15], $0x400  }
0x87: {  	_ =	swait.ge [sflag:s26], $0x400  }
0x88: {  	[sflag:s26] =	ssyncset.done $0x0  }
0x89: {  	s16 =	sshrl.u32 s9, $0x3;
	s20 =	rddreg [dreg:$0x5];
	[sflag:s26] =	ssyncadd.s32 $0xFFFFFC00  }
0x8a: {  	[hbm:s20], [sflag:s2] =	dma.local [spmem:s16], $0x400  }
0x8b: {  	_ =	swait.ge [sflag:s26], $0x400  }
0x8c: {  	[sflag:s26] =	ssyncset.done $0x0  }
0x8d: {  	s16 =	sshrl.u32 s10, $0x3;
	s20 =	rddreg [dreg:$0x6];
	[sflag:s26] =	ssyncadd.s32 $0xFFFFFC00  }
0x8e: {  	[hbm:s20], [sflag:s2] =	dma.local [spmem:s16], $0x400  }
0x8f: {  	_ =	swait.ge [sflag:s26], $0x400  }
0x90: {  	[sflag:s26] =	ssyncset.done $0x0  }
.Ltmp6:
0x91: {  	s20 =	sshrl.u32 s11, $0x3;
	[sflag:s26] =	ssyncadd.s32 $0xFFFFFC00;
	(pc) =	sbr.rel .LBB2_8-.Ltmp6, $4  }
0x92: {  	[hbm:s21], [sflag:s2] =	dma.local [spmem:s20], $0x400  }
0x93: {  	_ =	swait.ge [sflag:s26], $0x400  }
0x94: {  	[sflag:s26] =	ssyncset.done $0x0  }
0x95: {  	s15 =	smov.u32 s22;
	[sflag:s26] =	ssyncadd.s32 $0xFFFFFC00  }
.LBB2_9:
0x96: {  	_ =	sfence.sel $0x180000  }
0x97: {  	[bflag:$0x0] =	sbarrier.arrive $0xFFFF  }
0x98: {  	_ =	strace $0x90000053  }
0x99: {  	s0 =	stileid.u32;
	[bflag:$0x2] =	sbarrier.arrive $0xFFFF  }
0x9a: {  	p0 =	sne.s32 s0, $0x0;
	s0 =	rddreg [dreg:$0x3]  }
0x9b: {  	s0 =	sadd.s32 @!p0 $0x100000, s0  }
0x9c: {  	[sflag:s0] =	ssyncadd.tile.s32 @!p0 $0x1;
	_ =	shalt  }
.Lfunc_end2:
_tile_overlayer_lowered:
.L_overlay_start_2:
0x9d: {  	(tag) =	ssettag $0x2  }
0x9e: {  	s0 =	rddreg [dreg:$0x0];
	s2 =	stileid.u32  }
0x9f: {  	s1 =	rddreg [dreg:$0x1];
	p0 =	sne.s32 s2, $0x0  }
0xa0: {  	s3 =	rddreg [dreg:$0x2];
	[bflag:$0x3] =	sbarrier.arrive $0xFFFF;
	s2 =	simm.s32 @!p0 $0x1C02  }
0xa1: {  	[timem:s3], [sflag:s2] =	dma.local @!p0 [hbm:s0], s1  }
0xa2: {  	s0 =	simm.s32 @!p0 $0x2  }
0xa3: {  	_ =	swait.ge @!p0 [sflag:s0], s1  }
0xa4: {  	s1 =	ssub.s32 @!p0 $0x0, s1;
	[sflag:s0] =	ssyncset.done @!p0 $0x0  }
0xa5: {  	[sflag:s0] =	ssyncadd.s32 @!p0 s1  }
0xa6: {  	[bflag:$0x3] =	sbarrier.arrive $0xFFFF  }
0xa7: {  	_ =	shalt  }

</sc_bundles>
